<compile_context>
chip_gen: v7x
topology: tpu7x:2x2x1
jax: 0.10.2.dev20260603
libtpu: 0.0.44.dev20260713+nightly
codegen_flags: <defaults>
</compile_context>

<pallas_src>
import functools

import jax
import jax.numpy as jnp
from jax import lax
from jax.experimental import pallas as pl
from jax.experimental.pallas import tpu as pltpu
from jax.experimental.pallas import tpu_sc as plsc

NC = 2
NS = 16
L = 16
NCHK = 32


def _make_sc_kernel(B, NNZ, Du, Dv):
    RPW = B // NS
    SLAB = RPW * NNZ
    CHUNKS = RPW // L
    CR = RPW // NCHK
    CLEN = CR * NNZ
    GC = CR // L
    D = max(Du, Dv)
    TSU = (Du // NS) & ~7
    TLU = Du - NS * TSU
    TSV = (Dv // NS) & ~7
    TLV = Dv - NS * TSV
    mesh = plsc.VectorSubcoreMesh(core_axis_name="c", subcore_axis_name="s")

    @functools.partial(
        pl.kernel,
        mesh=mesh,
        compiler_params=pltpu.CompilerParams(
            needs_layout_passes=False, use_tc_tiling_on_sc=False),
        out_type=[jax.ShapeDtypeStruct((B,), jnp.float32)] * 4,
        scratch_types=[
            pltpu.VMEM_SHARED((D,), jnp.float32),
            pltpu.VMEM((SLAB,), jnp.int32),
            [pltpu.VMEM((CLEN,), jnp.float32)] * 8,
            pltpu.VMEM((RPW,), jnp.float32),
            pltpu.SemaphoreType.DMA,
            pltpu.SemaphoreType.DMA,
            pltpu.SemaphoreType.DMA,
            [pltpu.SemaphoreType.DMA] * 8,
        ],
    )
    def body(u_hbm, v_hbm, wu_hbm, wv_hbm,
             p_hbm, un_hbm, q_hbm, vn_hbm,
             tab, idx_v, vals, acc,
             sem_idx, sem_tab, sem_tail, gsems):
        cid = lax.axis_index("c")
        sid = lax.axis_index("s")
        obase = sid * RPW
        lane_nnz = lax.iota(jnp.int32, L) * NNZ

        def gather(idx_ref, goff, b):
            return pltpu.make_async_copy(
                tab.at[idx_ref.at[pl.ds(goff * CLEN, CLEN)]],
                vals[b], gsems[b])

        def count_chunk(idx_ref, c, _):
            flat = c * (L * NNZ) + lane_nnz
            cacc = jnp.zeros((L,), jnp.float32)
            for j in range(NNZ):
                iv = plsc.load_gather(idx_ref, [flat + j])
                cacc = cacc + jnp.where(iv != 0, 1.0, 0.0).astype(jnp.float32)
            acc[pl.ds(c * L, L)] = cacc
            return _

        def sum_chunk(val_ref, g, i, _):
            flat = i * (L * NNZ) + lane_nnz
            sacc = jnp.zeros((L,), jnp.float32)
            for j in range(NNZ):
                sacc = sacc + plsc.load_gather(val_ref, [flat + j])
            acc[pl.ds(g * CR + i * L, L)] = sacc
            return _

        def run(idx_hbm, w_hbm, TS, TL, cnt_hbm, sum_hbm):
            ts = pltpu.async_copy(w_hbm.at[pl.ds(sid * TS, TS)],
                                  tab.at[pl.ds(sid * TS, TS)], sem_tab)
            tl = pltpu.make_async_copy(w_hbm.at[pl.ds(NS * TS, TL)],
                                       tab.at[pl.ds(NS * TS, TL)], sem_tail)

            @pl.when(sid == 0)
            def _():
                tl.start()

            cp = pltpu.async_copy(idx_hbm.at[sid], idx_v, sem_idx)
            cp.wait()

            lax.fori_loop(0, CHUNKS, functools.partial(count_chunk, idx_v), 0)
            pltpu.sync_copy(acc, cnt_hbm.at[pl.ds(obase, RPW)])

            ts.wait()

            @pl.when(sid == 0)
            def _():
                tl.wait()

            plsc.subcore_barrier()

            for b in range(8):
                gather(idx_v, b, b).start()

            def step(g, b):
                gather(idx_v, g, b).wait()
                lax.fori_loop(
                    0, GC, functools.partial(sum_chunk, vals[b], g), 0)

                @pl.when(g + 8 < NCHK)
                def _():
                    gather(idx_v, g + 8, b).start()

            def octet(i, _):
                for par in range(8):
                    step(8 * i + par, par)
                return _

            lax.fori_loop(0, NCHK // 8, octet, 0)
            pltpu.sync_copy(acc, sum_hbm.at[pl.ds(obase, RPW)])

        @pl.when(cid == 0)
        def _():
            run(u_hbm, wu_hbm, TSU, TLU, un_hbm, p_hbm)

        @pl.when(cid == 1)
        def _():
            run(v_hbm, wv_hbm, TSV, TLV, vn_hbm, q_hbm)

    return body


def kernel(U, V, W_u, W_v):
    B, NNZ = U.shape
    Du = W_u.shape[0]
    Dv = W_v.shape[0]
    u_rows = U.astype(jnp.int32).reshape(NS, (B // NS) * NNZ)
    v_rows = V.astype(jnp.int32).reshape(NS, (B // NS) * NNZ)
    wu = W_u.reshape(-1)
    wv = W_v.reshape(-1)
    p, un, q, vn = _make_sc_kernel(B, NNZ, Du, Dv)(u_rows, v_rows, wu, wv)
    return p.reshape(B, 1), un, q.reshape(B, 1), vn

# --- scband reference (transcript-rebuilt; emitter-appended) ---
"""Pipeline reference for scband-linear-42511586296117 (READ-ONLY COPY).

The authoritative reference and input builder live on the scoring server;
editing this copy changes nothing except your own understanding.
"""

import jax, jax.numpy as jnp
import numpy as np

Du = 1000000
Dv = 1000000
B = 16384
NNZ = 26


def setup_inputs(seed: int = 0) -> dict:
    key = jax.random.key(seed)
    k1, k2, k3, k4 = jax.random.split(key, 4)
    U = jax.random.randint(k1, (B, NNZ), 0, Du)
    V = jax.random.randint(k2, (B, NNZ), 0, Dv)
    # Embedding tables of dim 1 (linear term). Row 0 is a padding row
    # (reset_parameters only xavier-inits weight[1:, :]); keep it zero.
    W_u = jax.random.normal(k3, (Du, 1), dtype=jnp.float32) * 0.01
    W_u = W_u.at[0].set(0.0)
    W_v = jax.random.normal(k4, (Dv, 1), dtype=jnp.float32) * 0.01
    W_v = W_v.at[0].set(0.0)
    return {"U": U, "V": V, "W_u": W_u, "W_v": W_v}


def _l2_norm_sq(idx):
    # Sparse binary features encoded as index lists with 0 = padding:
    # squared L2 norm of the implied one-hot sum = count of non-padding indices.
    return jnp.sum((idx != 0).astype(jnp.float32), axis=1)


def reference(U, V, W_u, W_v):
    # SparseFeaturesEmbedding: embedding-bag sum over nnz -> (B, 1)
    P = jnp.take(W_u, U, axis=0).sum(axis=1)            # (B, 1)
    Unorm_sq = _l2_norm_sq(U)                           # (B,)  isl2norm=True
    Q = jnp.take(W_v, V, axis=0).sum(axis=1)            # (B, 1)
    Vnorm_sq = _l2_norm_sq(V)                           # (B,)
    return (P, Unorm_sq, Q, Vnorm_sq)

if __name__ == "__main__":
    import jax
    _d = setup_inputs()
    print(jax.jit(kernel)(*tuple(_d.values())))

</pallas_src>

<mosaic_0001>
#map = affine_map<(d0, d1) -> (0, 0)>
#map1 = affine_map<(d0, d1) -> (0)>
module attributes {stable_mosaic.version = 14 : i64} {
  func.func @body(%arg0: i32, %arg1: i32, %arg2: memref<16x26624xi32, #tpu.memory_space<hbm>>, %arg3: memref<16x26624xi32, #tpu.memory_space<hbm>>, %arg4: memref<1000000xf32, #tpu.memory_space<hbm>>, %arg5: memref<1000000xf32, #tpu.memory_space<hbm>>, %arg6: memref<16384xf32, #tpu.memory_space<hbm>>, %arg7: memref<16384xf32, #tpu.memory_space<hbm>>, %arg8: memref<16384xf32, #tpu.memory_space<hbm>>, %arg9: memref<16384xf32, #tpu.memory_space<hbm>>, %arg10: memref<1000000xf32, #tpu.memory_space<vmem_shared>>, %arg11: memref<26624xi32, #tpu.memory_space<vmem>>, %arg12: memref<832xf32, #tpu.memory_space<vmem>>, %arg13: memref<832xf32, #tpu.memory_space<vmem>>, %arg14: memref<832xf32, #tpu.memory_space<vmem>>, %arg15: memref<832xf32, #tpu.memory_space<vmem>>, %arg16: memref<832xf32, #tpu.memory_space<vmem>>, %arg17: memref<832xf32, #tpu.memory_space<vmem>>, %arg18: memref<832xf32, #tpu.memory_space<vmem>>, %arg19: memref<832xf32, #tpu.memory_space<vmem>>, %arg20: memref<1024xf32, #tpu.memory_space<vmem>>, %arg21: memref<!tpu.dma_semaphore, #tpu.memory_space<semaphore_mem>>, %arg22: memref<!tpu.dma_semaphore, #tpu.memory_space<semaphore_mem>>, %arg23: memref<!tpu.dma_semaphore, #tpu.memory_space<semaphore_mem>>, %arg24: memref<!tpu.dma_semaphore, #tpu.memory_space<semaphore_mem>>, %arg25: memref<!tpu.dma_semaphore, #tpu.memory_space<semaphore_mem>>, %arg26: memref<!tpu.dma_semaphore, #tpu.memory_space<semaphore_mem>>, %arg27: memref<!tpu.dma_semaphore, #tpu.memory_space<semaphore_mem>>, %arg28: memref<!tpu.dma_semaphore, #tpu.memory_space<semaphore_mem>>, %arg29: memref<!tpu.dma_semaphore, #tpu.memory_space<semaphore_mem>>, %arg30: memref<!tpu.dma_semaphore, #tpu.memory_space<semaphore_mem>>, %arg31: memref<!tpu.dma_semaphore, #tpu.memory_space<semaphore_mem>>) attributes {dimension_semantics = [#tpu.dimension_semantics<core_parallel>, #tpu.dimension_semantics<subcore_parallel>], iteration_bounds = array<i64: 2, 16>, scalar_prefetch = 0 : i64, scratch_operands = 22 : i64, tpu.core_type = #tpu.core_type<sc_vector_subcore>, window_params = [{transform_indices = #map}, {transform_indices = #map}, {transform_indices = #map1}, {transform_indices = #map1}, {transform_indices = #map1}, {transform_indices = #map1}, {transform_indices = #map1}, {transform_indices = #map1}]} {
    %mul3A = arith.constant 1024 : i32
    %mul3A_0 = arith.muli %arg1, %mul3A : i32
    %iota3A = tpu.iota {dimensions = array<i32: 0>} : vector<16xi32>
    %mul3A_1 = arith.constant 26 : i32
    %mul3A_2 = vector.broadcast %mul3A_1 : i32 to vector<16xi32>
    %mul3A_3 = arith.muli %iota3A, %mul3A_2 : vector<16xi32>
    %eq3A = arith.constant 0 : i32
    %eq3A_4 = arith.cmpi eq, %arg0, %eq3A : i32
    %convert_element_type3A = arith.extui %eq3A_4 : i1 to i32
    %cond3A = arith.constant 0 : i32
    %cond3A_5 = arith.cmpi ne, %convert_element_type3A, %cond3A : i32
    scf.if %cond3A_5 {
      %mul3A_11 = arith.constant 62496 : i32
      %mul3A_12 = arith.muli %arg1, %mul3A_11 : i32
      %mul3A_13 = arith.constant 62496 : i32
      %mul3A_14 = arith.muli %arg1, %mul3A_13 : i32
      %dma_start3A = tpu.memref_slice %arg10[%mul3A_14] : memref<1000000xf32, #tpu.memory_space<vmem_shared>> -> memref<62496xf32, #tpu.memory_space<vmem_shared>>
      %dma_start3A_15 = tpu.memref_slice %arg4[%mul3A_12] : memref<1000000xf32, #tpu.memory_space<hbm>> -> memref<62496xf32, #tpu.memory_space<hbm>>
      tpu.enqueue_dma source(%dma_start3A_15 : memref<62496xf32, #tpu.memory_space<hbm>>) target(%dma_start3A : memref<62496xf32, #tpu.memory_space<vmem_shared>>) target_semaphore(%arg22 : memref<!tpu.dma_semaphore, #tpu.memory_space<semaphore_mem>>)
      %eq3A_16 = arith.constant 0 : i32
      %eq3A_17 = arith.cmpi eq, %arg1, %eq3A_16 : i32
      %convert_element_type3A_18 = arith.extui %eq3A_17 : i1 to i32
      %cond3A_19 = arith.constant 0 : i32
      %cond3A_20 = arith.cmpi ne, %convert_element_type3A_18, %cond3A_19 : i32
      scf.if %cond3A_20 {
        %dma_start3A_82 = arith.constant 999936 : i32
        %dma_start3A_83 = tpu.memref_slice %arg10[%dma_start3A_82] : memref<1000000xf32, #tpu.memory_space<vmem_shared>> -> memref<64xf32, #tpu.memory_space<vmem_shared>>
        %dma_start3A_84 = arith.constant 999936 : i32
        %dma_start3A_85 = tpu.memref_slice %arg4[%dma_start3A_84] : memref<1000000xf32, #tpu.memory_space<hbm>> -> memref<64xf32, #tpu.memory_space<hbm>>
        tpu.enqueue_dma source(%dma_start3A_85 : memref<64xf32, #tpu.memory_space<hbm>>) target(%dma_start3A_83 : memref<64xf32, #tpu.memory_space<vmem_shared>>) target_semaphore(%arg23 : memref<!tpu.dma_semaphore, #tpu.memory_space<semaphore_mem>>)
      } else {
      }
      %dma_start3A_21 = arith.constant 0 : i32
      %dma_start3A_22 = tpu.memref_slice %arg2[%arg1, %dma_start3A_21] : memref<16x26624xi32, #tpu.memory_space<hbm>> -> memref<1x26624xi32, #tpu.memory_space<hbm>>
      %dma_start3A_23 = tpu.memref_squeeze %dma_start3A_22 : memref<1x26624xi32, #tpu.memory_space<hbm>> -> memref<26624xi32, #tpu.memory_space<hbm>>
      %dma_start3A_24 = arith.constant 0 : i32
      %dma_start3A_25 = tpu.memref_slice %arg2[%arg1, %dma_start3A_24] : memref<16x26624xi32, #tpu.memory_space<hbm>> -> memref<1x26624xi32, #tpu.memory_space<hbm>>
      %dma_start3A_26 = tpu.memref_squeeze %dma_start3A_25 : memref<1x26624xi32, #tpu.memory_space<hbm>> -> memref<26624xi32, #tpu.memory_space<hbm>>
      tpu.enqueue_dma source(%dma_start3A_26 : memref<26624xi32, #tpu.memory_space<hbm>>) target(%arg11 : memref<26624xi32, #tpu.memory_space<vmem>>) target_semaphore(%arg21 : memref<!tpu.dma_semaphore, #tpu.memory_space<semaphore_mem>>)
      %dma_wait3A = arith.constant 0 : i32
      %dma_wait3A_27 = tpu.memref_slice %arg2[%arg1, %dma_wait3A] : memref<16x26624xi32, #tpu.memory_space<hbm>> -> memref<1x26624xi32, #tpu.memory_space<hbm>>
      %dma_wait3A_28 = tpu.memref_squeeze %dma_wait3A_27 : memref<1x26624xi32, #tpu.memory_space<hbm>> -> memref<26624xi32, #tpu.memory_space<hbm>>
      %dma_wait3A_29 = arith.constant 0 : i32
      %dma_wait3A_30 = tpu.memref_slice %arg2[%arg1, %dma_wait3A_29] : memref<16x26624xi32, #tpu.memory_space<hbm>> -> memref<1x26624xi32, #tpu.memory_space<hbm>>
      %dma_wait3A_31 = tpu.memref_squeeze %dma_wait3A_30 : memref<1x26624xi32, #tpu.memory_space<hbm>> -> memref<26624xi32, #tpu.memory_space<hbm>>
      tpu.wait_dma2 semaphore(%arg21 : memref<!tpu.dma_semaphore, #tpu.memory_space<semaphore_mem>>) src(%dma_wait3A_31 : memref<26624xi32, #tpu.memory_space<hbm>>) dst(%arg11 : memref<26624xi32, #tpu.memory_space<vmem>>)
      %scan3A = arith.constant 0 : i32
      %scan3A_32 = arith.constant 0 : i32
      %scan3A_33 = arith.constant 64 : i32
      %scan3A_34 = arith.addi %scan3A_32, %scan3A_33 : i32
      %scan3A_35 = arith.constant 1 : i32
      scf.for %scan3A_82 = %scan3A_32 to %scan3A_34 step %scan3A_35  : i32 {
        %mul3A_83 = arith.constant 416 : i32
        %mul3A_84 = arith.muli %scan3A_82, %mul3A_83 : i32
        %add3A = vector.broadcast %mul3A_84 : i32 to vector<16xi32>
        %add3A_85 = arith.addi %add3A, %mul3A_3 : vector<16xi32>
        %broadcast_in_dim3A = arith.constant 0.000000e+00 : f32
        %broadcast_in_dim3A_86 = vector.broadcast %broadcast_in_dim3A : f32 to vector<16xf32>
        %add3A_87 = arith.constant 0 : i32
        %add3A_88 = vector.broadcast %add3A_87 : i32 to vector<16xi32>
        %add3A_89 = arith.addi %add3A_85, %add3A_88 : vector<16xi32>
        %gather3A = tpu.vector_load_idx %arg11[%add3A_89] : memref<26624xi32, #tpu.memory_space<vmem>>[vector<16xi32>], vector<16xi32>,
        %ne3A = arith.constant 0 : i32
        %ne3A_90 = vector.broadcast %ne3A : i32 to vector<16xi32>
        %ne3A_91 = arith.cmpi ne, %gather3A, %ne3A_90 : vector<16xi32>
        %jit3A = arith.constant 1.000000e+00 : f32
        %jit3A_92 = arith.constant 0.000000e+00 : f32
        %broadcast_in_dim3A_93 = vector.broadcast %jit3A : f32 to vector<16xf32>
        %broadcast_in_dim3A_94 = vector.broadcast %jit3A_92 : f32 to vector<16xf32>
        %select_n3A = arith.select %ne3A_91, %broadcast_in_dim3A_93, %broadcast_in_dim3A_94 : vector<16xi1>, vector<16xf32>
        %add3A_95 = arith.addf %broadcast_in_dim3A_86, %select_n3A : vector<16xf32>
        %add3A_96 = arith.constant 1 : i32
        %add3A_97 = vector.broadcast %add3A_96 : i32 to vector<16xi32>
        %add3A_98 = arith.addi %add3A_85, %add3A_97 : vector<16xi32>
        %gather3A_99 = tpu.vector_load_idx %arg11[%add3A_98] : memref<26624xi32, #tpu.memory_space<vmem>>[vector<16xi32>], vector<16xi32>,
        %ne3A_100 = arith.constant 0 : i32
        %ne3A_101 = vector.broadcast %ne3A_100 : i32 to vector<16xi32>
        %ne3A_102 = arith.cmpi ne, %gather3A_99, %ne3A_101 : vector<16xi32>
        %jit3A_103 = arith.constant 1.000000e+00 : f32
        %jit3A_104 = arith.constant 0.000000e+00 : f32
        %broadcast_in_dim3A_105 = vector.broadcast %jit3A_103 : f32 to vector<16xf32>
        %broadcast_in_dim3A_106 = vector.broadcast %jit3A_104 : f32 to vector<16xf32>
        %select_n3A_107 = arith.select %ne3A_102, %broadcast_in_dim3A_105, %broadcast_in_dim3A_106 : vector<16xi1>, vector<16xf32>
        %add3A_108 = arith.addf %add3A_95, %select_n3A_107 : vector<16xf32>
        %add3A_109 = arith.constant 2 : i32
        %add3A_110 = vector.broadcast %add3A_109 : i32 to vector<16xi32>
        %add3A_111 = arith.addi %add3A_85, %add3A_110 : vector<16xi32>
        %gather3A_112 = tpu.vector_load_idx %arg11[%add3A_111] : memref<26624xi32, #tpu.memory_space<vmem>>[vector<16xi32>], vector<16xi32>,
        %ne3A_113 = arith.constant 0 : i32
        %ne3A_114 = vector.broadcast %ne3A_113 : i32 to vector<16xi32>
        %ne3A_115 = arith.cmpi ne, %gather3A_112, %ne3A_114 : vector<16xi32>
        %jit3A_116 = arith.constant 1.000000e+00 : f32
        %jit3A_117 = arith.constant 0.000000e+00 : f32
        %broadcast_in_dim3A_118 = vector.broadcast %jit3A_116 : f32 to vector<16xf32>
        %broadcast_in_dim3A_119 = vector.broadcast %jit3A_117 : f32 to vector<16xf32>
        %select_n3A_120 = arith.select %ne3A_115, %broadcast_in_dim3A_118, %broadcast_in_dim3A_119 : vector<16xi1>, vector<16xf32>
        %add3A_121 = arith.addf %add3A_108, %select_n3A_120 : vector<16xf32>
        %add3A_122 = arith.constant 3 : i32
        %add3A_123 = vector.broadcast %add3A_122 : i32 to vector<16xi32>
        %add3A_124 = arith.addi %add3A_85, %add3A_123 : vector<16xi32>
        %gather3A_125 = tpu.vector_load_idx %arg11[%add3A_124] : memref<26624xi32, #tpu.memory_space<vmem>>[vector<16xi32>], vector<16xi32>,
        %ne3A_126 = arith.constant 0 : i32
        %ne3A_127 = vector.broadcast %ne3A_126 : i32 to vector<16xi32>
        %ne3A_128 = arith.cmpi ne, %gather3A_125, %ne3A_127 : vector<16xi32>
        %jit3A_129 = arith.constant 1.000000e+00 : f32
        %jit3A_130 = arith.constant 0.000000e+00 : f32
        %broadcast_in_dim3A_131 = vector.broadcast %jit3A_129 : f32 to vector<16xf32>
        %broadcast_in_dim3A_132 = vector.broadcast %jit3A_130 : f32 to vector<16xf32>
        %select_n3A_133 = arith.select %ne3A_128, %broadcast_in_dim3A_131, %broadcast_in_dim3A_132 : vector<16xi1>, vector<16xf32>
        %add3A_134 = arith.addf %add3A_121, %select_n3A_133 : vector<16xf32>
        %add3A_135 = arith.constant 4 : i32
        %add3A_136 = vector.broadcast %add3A_135 : i32 to vector<16xi32>
        %add3A_137 = arith.addi %add3A_85, %add3A_136 : vector<16xi32>
        %gather3A_138 = tpu.vector_load_idx %arg11[%add3A_137] : memref<26624xi32, #tpu.memory_space<vmem>>[vector<16xi32>], vector<16xi32>,
        %ne3A_139 = arith.constant 0 : i32
        %ne3A_140 = vector.broadcast %ne3A_139 : i32 to vector<16xi32>
        %ne3A_141 = arith.cmpi ne, %gather3A_138, %ne3A_140 : vector<16xi32>
        %jit3A_142 = arith.constant 1.000000e+00 : f32
        %jit3A_143 = arith.constant 0.000000e+00 : f32
        %broadcast_in_dim3A_144 = vector.broadcast %jit3A_142 : f32 to vector<16xf32>
        %broadcast_in_dim3A_145 = vector.broadcast %jit3A_143 : f32 to vector<16xf32>
        %select_n3A_146 = arith.select %ne3A_141, %broadcast_in_dim3A_144, %broadcast_in_dim3A_145 : vector<16xi1>, vector<16xf32>
        %add3A_147 = arith.addf %add3A_134, %select_n3A_146 : vector<16xf32>
        %add3A_148 = arith.constant 5 : i32
        %add3A_149 = vector.broadcast %add3A_148 : i32 to vector<16xi32>
        %add3A_150 = arith.addi %add3A_85, %add3A_149 : vector<16xi32>
        %gather3A_151 = tpu.vector_load_idx %arg11[%add3A_150] : memref<26624xi32, #tpu.memory_space<vmem>>[vector<16xi32>], vector<16xi32>,
        %ne3A_152 = arith.constant 0 : i32
        %ne3A_153 = vector.broadcast %ne3A_152 : i32 to vector<16xi32>
        %ne3A_154 = arith.cmpi ne, %gather3A_151, %ne3A_153 : vector<16xi32>
        %jit3A_155 = arith.constant 1.000000e+00 : f32
        %jit3A_156 = arith.constant 0.000000e+00 : f32
        %broadcast_in_dim3A_157 = vector.broadcast %jit3A_155 : f32 to vector<16xf32>
        %broadcast_in_dim3A_158 = vector.broadcast %jit3A_156 : f32 to vector<16xf32>
        %select_n3A_159 = arith.select %ne3A_154, %broadcast_in_dim3A_157, %broadcast_in_dim3A_158 : vector<16xi1>, vector<16xf32>
        %add3A_160 = arith.addf %add3A_147, %select_n3A_159 : vector<16xf32>
        %add3A_161 = arith.constant 6 : i32
        %add3A_162 = vector.broadcast %add3A_161 : i32 to vector<16xi32>
        %add3A_163 = arith.addi %add3A_85, %add3A_162 : vector<16xi32>
        %gather3A_164 = tpu.vector_load_idx %arg11[%add3A_163] : memref<26624xi32, #tpu.memory_space<vmem>>[vector<16xi32>], vector<16xi32>,
        %ne3A_165 = arith.constant 0 : i32
        %ne3A_166 = vector.broadcast %ne3A_165 : i32 to vector<16xi32>
        %ne3A_167 = arith.cmpi ne, %gather3A_164, %ne3A_166 : vector<16xi32>
        %jit3A_168 = arith.constant 1.000000e+00 : f32
        %jit3A_169 = arith.constant 0.000000e+00 : f32
        %broadcast_in_dim3A_170 = vector.broadcast %jit3A_168 : f32 to vector<16xf32>
        %broadcast_in_dim3A_171 = vector.broadcast %jit3A_169 : f32 to vector<16xf32>
        %select_n3A_172 = arith.select %ne3A_167, %broadcast_in_dim3A_170, %broadcast_in_dim3A_171 : vector<16xi1>, vector<16xf32>
        %add3A_173 = arith.addf %add3A_160, %select_n3A_172 : vector<16xf32>
        %add3A_174 = arith.constant 7 : i32
        %add3A_175 = vector.broadcast %add3A_174 : i32 to vector<16xi32>
        %add3A_176 = arith.addi %add3A_85, %add3A_175 : vector<16xi32>
        %gather3A_177 = tpu.vector_load_idx %arg11[%add3A_176] : memref<26624xi32, #tpu.memory_space<vmem>>[vector<16xi32>], vector<16xi32>,
        %ne3A_178 = arith.constant 0 : i32
        %ne3A_179 = vector.broadcast %ne3A_178 : i32 to vector<16xi32>
        %ne3A_180 = arith.cmpi ne, %gather3A_177, %ne3A_179 : vector<16xi32>
        %jit3A_181 = arith.constant 1.000000e+00 : f32
        %jit3A_182 = arith.constant 0.000000e+00 : f32
        %broadcast_in_dim3A_183 = vector.broadcast %jit3A_181 : f32 to vector<16xf32>
        %broadcast_in_dim3A_184 = vector.broadcast %jit3A_182 : f32 to vector<16xf32>
        %select_n3A_185 = arith.select %ne3A_180, %broadcast_in_dim3A_183, %broadcast_in_dim3A_184 : vector<16xi1>, vector<16xf32>
        %add3A_186 = arith.addf %add3A_173, %select_n3A_185 : vector<16xf32>
        %add3A_187 = arith.constant 8 : i32
        %add3A_188 = vector.broadcast %add3A_187 : i32 to vector<16xi32>
        %add3A_189 = arith.addi %add3A_85, %add3A_188 : vector<16xi32>
        %gather3A_190 = tpu.vector_load_idx %arg11[%add3A_189] : memref<26624xi32, #tpu.memory_space<vmem>>[vector<16xi32>], vector<16xi32>,
        %ne3A_191 = arith.constant 0 : i32
        %ne3A_192 = vector.broadcast %ne3A_191 : i32 to vector<16xi32>
        %ne3A_193 = arith.cmpi ne, %gather3A_190, %ne3A_192 : vector<16xi32>
        %jit3A_194 = arith.constant 1.000000e+00 : f32
        %jit3A_195 = arith.constant 0.000000e+00 : f32
        %broadcast_in_dim3A_196 = vector.broadcast %jit3A_194 : f32 to vector<16xf32>
        %broadcast_in_dim3A_197 = vector.broadcast %jit3A_195 : f32 to vector<16xf32>
        %select_n3A_198 = arith.select %ne3A_193, %broadcast_in_dim3A_196, %broadcast_in_dim3A_197 : vector<16xi1>, vector<16xf32>
        %add3A_199 = arith.addf %add3A_186, %select_n3A_198 : vector<16xf32>
        %add3A_200 = arith.constant 9 : i32
        %add3A_201 = vector.broadcast %add3A_200 : i32 to vector<16xi32>
        %add3A_202 = arith.addi %add3A_85, %add3A_201 : vector<16xi32>
        %gather3A_203 = tpu.vector_load_idx %arg11[%add3A_202] : memref<26624xi32, #tpu.memory_space<vmem>>[vector<16xi32>], vector<16xi32>,
        %ne3A_204 = arith.constant 0 : i32
        %ne3A_205 = vector.broadcast %ne3A_204 : i32 to vector<16xi32>
        %ne3A_206 = arith.cmpi ne, %gather3A_203, %ne3A_205 : vector<16xi32>
        %jit3A_207 = arith.constant 1.000000e+00 : f32
        %jit3A_208 = arith.constant 0.000000e+00 : f32
        %broadcast_in_dim3A_209 = vector.broadcast %jit3A_207 : f32 to vector<16xf32>
        %broadcast_in_dim3A_210 = vector.broadcast %jit3A_208 : f32 to vector<16xf32>
        %select_n3A_211 = arith.select %ne3A_206, %broadcast_in_dim3A_209, %broadcast_in_dim3A_210 : vector<16xi1>, vector<16xf32>
        %add3A_212 = arith.addf %add3A_199, %select_n3A_211 : vector<16xf32>
        %add3A_213 = arith.constant 10 : i32
        %add3A_214 = vector.broadcast %add3A_213 : i32 to vector<16xi32>
        %add3A_215 = arith.addi %add3A_85, %add3A_214 : vector<16xi32>
        %gather3A_216 = tpu.vector_load_idx %arg11[%add3A_215] : memref<26624xi32, #tpu.memory_space<vmem>>[vector<16xi32>], vector<16xi32>,
        %ne3A_217 = arith.constant 0 : i32
        %ne3A_218 = vector.broadcast %ne3A_217 : i32 to vector<16xi32>
        %ne3A_219 = arith.cmpi ne, %gather3A_216, %ne3A_218 : vector<16xi32>
        %jit3A_220 = arith.constant 1.000000e+00 : f32
        %jit3A_221 = arith.constant 0.000000e+00 : f32
        %broadcast_in_dim3A_222 = vector.broadcast %jit3A_220 : f32 to vector<16xf32>
        %broadcast_in_dim3A_223 = vector.broadcast %jit3A_221 : f32 to vector<16xf32>
        %select_n3A_224 = arith.select %ne3A_219, %broadcast_in_dim3A_222, %broadcast_in_dim3A_223 : vector<16xi1>, vector<16xf32>
        %add3A_225 = arith.addf %add3A_212, %select_n3A_224 : vector<16xf32>
        %add3A_226 = arith.constant 11 : i32
        %add3A_227 = vector.broadcast %add3A_226 : i32 to vector<16xi32>
        %add3A_228 = arith.addi %add3A_85, %add3A_227 : vector<16xi32>
        %gather3A_229 = tpu.vector_load_idx %arg11[%add3A_228] : memref<26624xi32, #tpu.memory_space<vmem>>[vector<16xi32>], vector<16xi32>,
        %ne3A_230 = arith.constant 0 : i32
        %ne3A_231 = vector.broadcast %ne3A_230 : i32 to vector<16xi32>
        %ne3A_232 = arith.cmpi ne, %gather3A_229, %ne3A_231 : vector<16xi32>
        %jit3A_233 = arith.constant 1.000000e+00 : f32
        %jit3A_234 = arith.constant 0.000000e+00 : f32
        %broadcast_in_dim3A_235 = vector.broadcast %jit3A_233 : f32 to vector<16xf32>
        %broadcast_in_dim3A_236 = vector.broadcast %jit3A_234 : f32 to vector<16xf32>
        %select_n3A_237 = arith.select %ne3A_232, %broadcast_in_dim3A_235, %broadcast_in_dim3A_236 : vector<16xi1>, vector<16xf32>
        %add3A_238 = arith.addf %add3A_225, %select_n3A_237 : vector<16xf32>
        %add3A_239 = arith.constant 12 : i32
        %add3A_240 = vector.broadcast %add3A_239 : i32 to vector<16xi32>
        %add3A_241 = arith.addi %add3A_85, %add3A_240 : vector<16xi32>
        %gather3A_242 = tpu.vector_load_idx %arg11[%add3A_241] : memref<26624xi32, #tpu.memory_space<vmem>>[vector<16xi32>], vector<16xi32>,
        %ne3A_243 = arith.constant 0 : i32
        %ne3A_244 = vector.broadcast %ne3A_243 : i32 to vector<16xi32>
        %ne3A_245 = arith.cmpi ne, %gather3A_242, %ne3A_244 : vector<16xi32>
        %jit3A_246 = arith.constant 1.000000e+00 : f32
        %jit3A_247 = arith.constant 0.000000e+00 : f32
        %broadcast_in_dim3A_248 = vector.broadcast %jit3A_246 : f32 to vector<16xf32>
        %broadcast_in_dim3A_249 = vector.broadcast %jit3A_247 : f32 to vector<16xf32>
        %select_n3A_250 = arith.select %ne3A_245, %broadcast_in_dim3A_248, %broadcast_in_dim3A_249 : vector<16xi1>, vector<16xf32>
        %add3A_251 = arith.addf %add3A_238, %select_n3A_250 : vector<16xf32>
        %add3A_252 = arith.constant 13 : i32
        %add3A_253 = vector.broadcast %add3A_252 : i32 to vector<16xi32>
        %add3A_254 = arith.addi %add3A_85, %add3A_253 : vector<16xi32>
        %gather3A_255 = tpu.vector_load_idx %arg11[%add3A_254] : memref<26624xi32, #tpu.memory_space<vmem>>[vector<16xi32>], vector<16xi32>,
        %ne3A_256 = arith.constant 0 : i32
        %ne3A_257 = vector.broadcast %ne3A_256 : i32 to vector<16xi32>
        %ne3A_258 = arith.cmpi ne, %gather3A_255, %ne3A_257 : vector<16xi32>
        %jit3A_259 = arith.constant 1.000000e+00 : f32
        %jit3A_260 = arith.constant 0.000000e+00 : f32
        %broadcast_in_dim3A_261 = vector.broadcast %jit3A_259 : f32 to vector<16xf32>
        %broadcast_in_dim3A_262 = vector.broadcast %jit3A_260 : f32 to vector<16xf32>
        %select_n3A_263 = arith.select %ne3A_258, %broadcast_in_dim3A_261, %broadcast_in_dim3A_262 : vector<16xi1>, vector<16xf32>
        %add3A_264 = arith.addf %add3A_251, %select_n3A_263 : vector<16xf32>
        %add3A_265 = arith.constant 14 : i32
        %add3A_266 = vector.broadcast %add3A_265 : i32 to vector<16xi32>
        %add3A_267 = arith.addi %add3A_85, %add3A_266 : vector<16xi32>
        %gather3A_268 = tpu.vector_load_idx %arg11[%add3A_267] : memref<26624xi32, #tpu.memory_space<vmem>>[vector<16xi32>], vector<16xi32>,
        %ne3A_269 = arith.constant 0 : i32
        %ne3A_270 = vector.broadcast %ne3A_269 : i32 to vector<16xi32>
        %ne3A_271 = arith.cmpi ne, %gather3A_268, %ne3A_270 : vector<16xi32>
        %jit3A_272 = arith.constant 1.000000e+00 : f32
        %jit3A_273 = arith.constant 0.000000e+00 : f32
        %broadcast_in_dim3A_274 = vector.broadcast %jit3A_272 : f32 to vector<16xf32>
        %broadcast_in_dim3A_275 = vector.broadcast %jit3A_273 : f32 to vector<16xf32>
        %select_n3A_276 = arith.select %ne3A_271, %broadcast_in_dim3A_274, %broadcast_in_dim3A_275 : vector<16xi1>, vector<16xf32>
        %add3A_277 = arith.addf %add3A_264, %select_n3A_276 : vector<16xf32>
        %add3A_278 = arith.constant 15 : i32
        %add3A_279 = vector.broadcast %add3A_278 : i32 to vector<16xi32>
        %add3A_280 = arith.addi %add3A_85, %add3A_279 : vector<16xi32>
        %gather3A_281 = tpu.vector_load_idx %arg11[%add3A_280] : memref<26624xi32, #tpu.memory_space<vmem>>[vector<16xi32>], vector<16xi32>,
        %ne3A_282 = arith.constant 0 : i32
        %ne3A_283 = vector.broadcast %ne3A_282 : i32 to vector<16xi32>
        %ne3A_284 = arith.cmpi ne, %gather3A_281, %ne3A_283 : vector<16xi32>
        %jit3A_285 = arith.constant 1.000000e+00 : f32
        %jit3A_286 = arith.constant 0.000000e+00 : f32
        %broadcast_in_dim3A_287 = vector.broadcast %jit3A_285 : f32 to vector<16xf32>
        %broadcast_in_dim3A_288 = vector.broadcast %jit3A_286 : f32 to vector<16xf32>
        %select_n3A_289 = arith.select %ne3A_284, %broadcast_in_dim3A_287, %broadcast_in_dim3A_288 : vector<16xi1>, vector<16xf32>
        %add3A_290 = arith.addf %add3A_277, %select_n3A_289 : vector<16xf32>
        %add3A_291 = arith.constant 16 : i32
        %add3A_292 = vector.broadcast %add3A_291 : i32 to vector<16xi32>
        %add3A_293 = arith.addi %add3A_85, %add3A_292 : vector<16xi32>
        %gather3A_294 = tpu.vector_load_idx %arg11[%add3A_293] : memref<26624xi32, #tpu.memory_space<vmem>>[vector<16xi32>], vector<16xi32>,
        %ne3A_295 = arith.constant 0 : i32
        %ne3A_296 = vector.broadcast %ne3A_295 : i32 to vector<16xi32>
        %ne3A_297 = arith.cmpi ne, %gather3A_294, %ne3A_296 : vector<16xi32>
        %jit3A_298 = arith.constant 1.000000e+00 : f32
        %jit3A_299 = arith.constant 0.000000e+00 : f32
        %broadcast_in_dim3A_300 = vector.broadcast %jit3A_298 : f32 to vector<16xf32>
        %broadcast_in_dim3A_301 = vector.broadcast %jit3A_299 : f32 to vector<16xf32>
        %select_n3A_302 = arith.select %ne3A_297, %broadcast_in_dim3A_300, %broadcast_in_dim3A_301 : vector<16xi1>, vector<16xf32>
        %add3A_303 = arith.addf %add3A_290, %select_n3A_302 : vector<16xf32>
        %add3A_304 = arith.constant 17 : i32
        %add3A_305 = vector.broadcast %add3A_304 : i32 to vector<16xi32>
        %add3A_306 = arith.addi %add3A_85, %add3A_305 : vector<16xi32>
        %gather3A_307 = tpu.vector_load_idx %arg11[%add3A_306] : memref<26624xi32, #tpu.memory_space<vmem>>[vector<16xi32>], vector<16xi32>,
        %ne3A_308 = arith.constant 0 : i32
        %ne3A_309 = vector.broadcast %ne3A_308 : i32 to vector<16xi32>
        %ne3A_310 = arith.cmpi ne, %gather3A_307, %ne3A_309 : vector<16xi32>
        %jit3A_311 = arith.constant 1.000000e+00 : f32
        %jit3A_312 = arith.constant 0.000000e+00 : f32
        %broadcast_in_dim3A_313 = vector.broadcast %jit3A_311 : f32 to vector<16xf32>
        %broadcast_in_dim3A_314 = vector.broadcast %jit3A_312 : f32 to vector<16xf32>
        %select_n3A_315 = arith.select %ne3A_310, %broadcast_in_dim3A_313, %broadcast_in_dim3A_314 : vector<16xi1>, vector<16xf32>
        %add3A_316 = arith.addf %add3A_303, %select_n3A_315 : vector<16xf32>
        %add3A_317 = arith.constant 18 : i32
        %add3A_318 = vector.broadcast %add3A_317 : i32 to vector<16xi32>
        %add3A_319 = arith.addi %add3A_85, %add3A_318 : vector<16xi32>
        %gather3A_320 = tpu.vector_load_idx %arg11[%add3A_319] : memref<26624xi32, #tpu.memory_space<vmem>>[vector<16xi32>], vector<16xi32>,
        %ne3A_321 = arith.constant 0 : i32
        %ne3A_322 = vector.broadcast %ne3A_321 : i32 to vector<16xi32>
        %ne3A_323 = arith.cmpi ne, %gather3A_320, %ne3A_322 : vector<16xi32>
        %jit3A_324 = arith.constant 1.000000e+00 : f32
        %jit3A_325 = arith.constant 0.000000e+00 : f32
        %broadcast_in_dim3A_326 = vector.broadcast %jit3A_324 : f32 to vector<16xf32>
        %broadcast_in_dim3A_327 = vector.broadcast %jit3A_325 : f32 to vector<16xf32>
        %select_n3A_328 = arith.select %ne3A_323, %broadcast_in_dim3A_326, %broadcast_in_dim3A_327 : vector<16xi1>, vector<16xf32>
        %add3A_329 = arith.addf %add3A_316, %select_n3A_328 : vector<16xf32>
        %add3A_330 = arith.constant 19 : i32
        %add3A_331 = vector.broadcast %add3A_330 : i32 to vector<16xi32>
        %add3A_332 = arith.addi %add3A_85, %add3A_331 : vector<16xi32>
        %gather3A_333 = tpu.vector_load_idx %arg11[%add3A_332] : memref<26624xi32, #tpu.memory_space<vmem>>[vector<16xi32>], vector<16xi32>,
        %ne3A_334 = arith.constant 0 : i32
        %ne3A_335 = vector.broadcast %ne3A_334 : i32 to vector<16xi32>
        %ne3A_336 = arith.cmpi ne, %gather3A_333, %ne3A_335 : vector<16xi32>
        %jit3A_337 = arith.constant 1.000000e+00 : f32
        %jit3A_338 = arith.constant 0.000000e+00 : f32
        %broadcast_in_dim3A_339 = vector.broadcast %jit3A_337 : f32 to vector<16xf32>
        %broadcast_in_dim3A_340 = vector.broadcast %jit3A_338 : f32 to vector<16xf32>
        %select_n3A_341 = arith.select %ne3A_336, %broadcast_in_dim3A_339, %broadcast_in_dim3A_340 : vector<16xi1>, vector<16xf32>
        %add3A_342 = arith.addf %add3A_329, %select_n3A_341 : vector<16xf32>
        %add3A_343 = arith.constant 20 : i32
        %add3A_344 = vector.broadcast %add3A_343 : i32 to vector<16xi32>
        %add3A_345 = arith.addi %add3A_85, %add3A_344 : vector<16xi32>
        %gather3A_346 = tpu.vector_load_idx %arg11[%add3A_345] : memref<26624xi32, #tpu.memory_space<vmem>>[vector<16xi32>], vector<16xi32>,
        %ne3A_347 = arith.constant 0 : i32
        %ne3A_348 = vector.broadcast %ne3A_347 : i32 to vector<16xi32>
        %ne3A_349 = arith.cmpi ne, %gather3A_346, %ne3A_348 : vector<16xi32>
        %jit3A_350 = arith.constant 1.000000e+00 : f32
        %jit3A_351 = arith.constant 0.000000e+00 : f32
        %broadcast_in_dim3A_352 = vector.broadcast %jit3A_350 : f32 to vector<16xf32>
        %broadcast_in_dim3A_353 = vector.broadcast %jit3A_351 : f32 to vector<16xf32>
        %select_n3A_354 = arith.select %ne3A_349, %broadcast_in_dim3A_352, %broadcast_in_dim3A_353 : vector<16xi1>, vector<16xf32>
        %add3A_355 = arith.addf %add3A_342, %select_n3A_354 : vector<16xf32>
        %add3A_356 = arith.constant 21 : i32
        %add3A_357 = vector.broadcast %add3A_356 : i32 to vector<16xi32>
        %add3A_358 = arith.addi %add3A_85, %add3A_357 : vector<16xi32>
        %gather3A_359 = tpu.vector_load_idx %arg11[%add3A_358] : memref<26624xi32, #tpu.memory_space<vmem>>[vector<16xi32>], vector<16xi32>,
        %ne3A_360 = arith.constant 0 : i32
        %ne3A_361 = vector.broadcast %ne3A_360 : i32 to vector<16xi32>
        %ne3A_362 = arith.cmpi ne, %gather3A_359, %ne3A_361 : vector<16xi32>
        %jit3A_363 = arith.constant 1.000000e+00 : f32
        %jit3A_364 = arith.constant 0.000000e+00 : f32
        %broadcast_in_dim3A_365 = vector.broadcast %jit3A_363 : f32 to vector<16xf32>
        %broadcast_in_dim3A_366 = vector.broadcast %jit3A_364 : f32 to vector<16xf32>
        %select_n3A_367 = arith.select %ne3A_362, %broadcast_in_dim3A_365, %broadcast_in_dim3A_366 : vector<16xi1>, vector<16xf32>
        %add3A_368 = arith.addf %add3A_355, %select_n3A_367 : vector<16xf32>
        %add3A_369 = arith.constant 22 : i32
        %add3A_370 = vector.broadcast %add3A_369 : i32 to vector<16xi32>
        %add3A_371 = arith.addi %add3A_85, %add3A_370 : vector<16xi32>
        %gather3A_372 = tpu.vector_load_idx %arg11[%add3A_371] : memref<26624xi32, #tpu.memory_space<vmem>>[vector<16xi32>], vector<16xi32>,
        %ne3A_373 = arith.constant 0 : i32
        %ne3A_374 = vector.broadcast %ne3A_373 : i32 to vector<16xi32>
        %ne3A_375 = arith.cmpi ne, %gather3A_372, %ne3A_374 : vector<16xi32>
        %jit3A_376 = arith.constant 1.000000e+00 : f32
        %jit3A_377 = arith.constant 0.000000e+00 : f32
        %broadcast_in_dim3A_378 = vector.broadcast %jit3A_376 : f32 to vector<16xf32>
        %broadcast_in_dim3A_379 = vector.broadcast %jit3A_377 : f32 to vector<16xf32>
        %select_n3A_380 = arith.select %ne3A_375, %broadcast_in_dim3A_378, %broadcast_in_dim3A_379 : vector<16xi1>, vector<16xf32>
        %add3A_381 = arith.addf %add3A_368, %select_n3A_380 : vector<16xf32>
        %add3A_382 = arith.constant 23 : i32
        %add3A_383 = vector.broadcast %add3A_382 : i32 to vector<16xi32>
        %add3A_384 = arith.addi %add3A_85, %add3A_383 : vector<16xi32>
        %gather3A_385 = tpu.vector_load_idx %arg11[%add3A_384] : memref<26624xi32, #tpu.memory_space<vmem>>[vector<16xi32>], vector<16xi32>,
        %ne3A_386 = arith.constant 0 : i32
        %ne3A_387 = vector.broadcast %ne3A_386 : i32 to vector<16xi32>
        %ne3A_388 = arith.cmpi ne, %gather3A_385, %ne3A_387 : vector<16xi32>
        %jit3A_389 = arith.constant 1.000000e+00 : f32
        %jit3A_390 = arith.constant 0.000000e+00 : f32
        %broadcast_in_dim3A_391 = vector.broadcast %jit3A_389 : f32 to vector<16xf32>
        %broadcast_in_dim3A_392 = vector.broadcast %jit3A_390 : f32 to vector<16xf32>
        %select_n3A_393 = arith.select %ne3A_388, %broadcast_in_dim3A_391, %broadcast_in_dim3A_392 : vector<16xi1>, vector<16xf32>
        %add3A_394 = arith.addf %add3A_381, %select_n3A_393 : vector<16xf32>
        %add3A_395 = arith.constant 24 : i32
        %add3A_396 = vector.broadcast %add3A_395 : i32 to vector<16xi32>
        %add3A_397 = arith.addi %add3A_85, %add3A_396 : vector<16xi32>
        %gather3A_398 = tpu.vector_load_idx %arg11[%add3A_397] : memref<26624xi32, #tpu.memory_space<vmem>>[vector<16xi32>], vector<16xi32>,
        %ne3A_399 = arith.constant 0 : i32
        %ne3A_400 = vector.broadcast %ne3A_399 : i32 to vector<16xi32>
        %ne3A_401 = arith.cmpi ne, %gather3A_398, %ne3A_400 : vector<16xi32>
        %jit3A_402 = arith.constant 1.000000e+00 : f32
        %jit3A_403 = arith.constant 0.000000e+00 : f32
        %broadcast_in_dim3A_404 = vector.broadcast %jit3A_402 : f32 to vector<16xf32>
        %broadcast_in_dim3A_405 = vector.broadcast %jit3A_403 : f32 to vector<16xf32>
        %select_n3A_406 = arith.select %ne3A_401, %broadcast_in_dim3A_404, %broadcast_in_dim3A_405 : vector<16xi1>, vector<16xf32>
        %add3A_407 = arith.addf %add3A_394, %select_n3A_406 : vector<16xf32>
        %add3A_408 = arith.constant 25 : i32
        %add3A_409 = vector.broadcast %add3A_408 : i32 to vector<16xi32>
        %add3A_410 = arith.addi %add3A_85, %add3A_409 : vector<16xi32>
        %gather3A_411 = tpu.vector_load_idx %arg11[%add3A_410] : memref<26624xi32, #tpu.memory_space<vmem>>[vector<16xi32>], vector<16xi32>,
        %ne3A_412 = arith.constant 0 : i32
        %ne3A_413 = vector.broadcast %ne3A_412 : i32 to vector<16xi32>
        %ne3A_414 = arith.cmpi ne, %gather3A_411, %ne3A_413 : vector<16xi32>
        %jit3A_415 = arith.constant 1.000000e+00 : f32
        %jit3A_416 = arith.constant 0.000000e+00 : f32
        %broadcast_in_dim3A_417 = vector.broadcast %jit3A_415 : f32 to vector<16xf32>
        %broadcast_in_dim3A_418 = vector.broadcast %jit3A_416 : f32 to vector<16xf32>
        %select_n3A_419 = arith.select %ne3A_414, %broadcast_in_dim3A_417, %broadcast_in_dim3A_418 : vector<16xi1>, vector<16xf32>
        %add3A_420 = arith.addf %add3A_407, %select_n3A_419 : vector<16xf32>
        %mul3A_421 = arith.constant 16 : i32
        %mul3A_422 = arith.muli %scan3A_82, %mul3A_421 : i32
        %swap3A = arith.index_cast %mul3A_422 : i32 to index
        %swap3A_423 = tpu.vector_load %arg20[%swap3A] {strides = array<i32>} : memref<1024xf32, #tpu.memory_space<vmem>>, vector<16xf32>,
        tpu.vector_store %arg20[%swap3A], %add3A_420 {strides = array<i32>} : memref<1024xf32, #tpu.memory_space<vmem>>, vector<16xf32>,
      }
      %scan3A_36 = arith.constant 64 : i32
      "tpu.region"() ({
        %run_scoped3A = tpu.sem_alloc : memref<!tpu.dma_semaphore, #tpu.memory_space<semaphore_mem>>
        %dma_start3A_82 = tpu.memref_slice %arg7[%mul3A_0] : memref<16384xf32, #tpu.memory_space<hbm>> -> memref<1024xf32, #tpu.memory_space<hbm>>
        %dma_start3A_83 = tpu.memref_slice %arg7[%mul3A_0] : memref<16384xf32, #tpu.memory_space<hbm>> -> memref<1024xf32, #tpu.memory_space<hbm>>
        tpu.enqueue_dma source(%arg20 : memref<1024xf32, #tpu.memory_space<vmem>>) target(%dma_start3A_83 : memref<1024xf32, #tpu.memory_space<hbm>>) target_semaphore(%run_scoped3A : memref<!tpu.dma_semaphore, #tpu.memory_space<semaphore_mem>>)
        %dma_wait3A_84 = tpu.memref_slice %arg7[%mul3A_0] : memref<16384xf32, #tpu.memory_space<hbm>> -> memref<1024xf32, #tpu.memory_space<hbm>>
        %dma_wait3A_85 = tpu.memref_slice %arg7[%mul3A_0] : memref<16384xf32, #tpu.memory_space<hbm>> -> memref<1024xf32, #tpu.memory_space<hbm>>
        tpu.wait_dma2 semaphore(%run_scoped3A : memref<!tpu.dma_semaphore, #tpu.memory_space<semaphore_mem>>) src(%arg20 : memref<1024xf32, #tpu.memory_space<vmem>>) dst(%dma_wait3A_85 : memref<1024xf32, #tpu.memory_space<hbm>>)
        tpu.yield
      }) : () -> ()
      %dma_wait3A_37 = tpu.memref_slice %arg10[%mul3A_14] : memref<1000000xf32, #tpu.memory_space<vmem_shared>> -> memref<62496xf32, #tpu.memory_space<vmem_shared>>
      %dma_wait3A_38 = tpu.memref_slice %arg4[%mul3A_12] : memref<1000000xf32, #tpu.memory_space<hbm>> -> memref<62496xf32, #tpu.memory_space<hbm>>
      tpu.wait_dma2 semaphore(%arg22 : memref<!tpu.dma_semaphore, #tpu.memory_space<semaphore_mem>>) src(%dma_wait3A_38 : memref<62496xf32, #tpu.memory_space<hbm>>) dst(%dma_wait3A_37 : memref<62496xf32, #tpu.memory_space<vmem_shared>>)
      %eq3A_39 = arith.constant 0 : i32
      %eq3A_40 = arith.cmpi eq, %arg1, %eq3A_39 : i32
      %convert_element_type3A_41 = arith.extui %eq3A_40 : i1 to i32
      %cond3A_42 = arith.constant 0 : i32
      %cond3A_43 = arith.cmpi ne, %convert_element_type3A_41, %cond3A_42 : i32
      scf.if %cond3A_43 {
        %dma_wait3A_82 = arith.constant 999936 : i32
        %dma_wait3A_83 = tpu.memref_slice %arg10[%dma_wait3A_82] : memref<1000000xf32, #tpu.memory_space<vmem_shared>> -> memref<64xf32, #tpu.memory_space<vmem_shared>>
        %dma_wait3A_84 = arith.constant 999936 : i32
        %dma_wait3A_85 = tpu.memref_slice %arg4[%dma_wait3A_84] : memref<1000000xf32, #tpu.memory_space<hbm>> -> memref<64xf32, #tpu.memory_space<hbm>>
        tpu.wait_dma2 semaphore(%arg23 : memref<!tpu.dma_semaphore, #tpu.memory_space<semaphore_mem>>) src(%dma_wait3A_85 : memref<64xf32, #tpu.memory_space<hbm>>) dst(%dma_wait3A_83 : memref<64xf32, #tpu.memory_space<vmem_shared>>)
      } else {
      }
      %barrier3A = arith.constant 0 : index
      tpu.barrier barrier_id(%barrier3A)
      %dma_start3A_44 = arith.constant 0 : i32
      %dma_start3A_45 = tpu.memref_slice %arg11[%dma_start3A_44] : memref<26624xi32, #tpu.memory_space<vmem>> -> memref<832xi32, #tpu.memory_space<vmem>>
      %dma_start3A_46 = arith.constant 0 : i32
      %dma_start3A_47 = tpu.memref_slice %arg10[%dma_start3A_46] : memref<1000000xf32, #tpu.memory_space<vmem_shared>> -> memref<1000000xf32, #tpu.memory_space<vmem_shared>>
      tpu.enqueue_indirect_dma source(%dma_start3A_47 : memref<1000000xf32, #tpu.memory_space<vmem_shared>>) target(%arg12 : memref<832xf32, #tpu.memory_space<vmem>>) offsets(%dma_start3A_45 : memref<832xi32, #tpu.memory_space<vmem>>) semaphore(%arg24 : memref<!tpu.dma_semaphore, #tpu.memory_space<semaphore_mem>>)
      %dma_start3A_48 = arith.constant 832 : i32
      %dma_start3A_49 = tpu.memref_slice %arg11[%dma_start3A_48] : memref<26624xi32, #tpu.memory_space<vmem>> -> memref<832xi32, #tpu.memory_space<vmem>>
      %dma_start3A_50 = arith.constant 0 : i32
      %dma_start3A_51 = tpu.memref_slice %arg10[%dma_start3A_50] : memref<1000000xf32, #tpu.memory_space<vmem_shared>> -> memref<1000000xf32, #tpu.memory_space<vmem_shared>>
      tpu.enqueue_indirect_dma source(%dma_start3A_51 : memref<1000000xf32, #tpu.memory_space<vmem_shared>>) target(%arg13 : memref<832xf32, #tpu.memory_space<vmem>>) offsets(%dma_start3A_49 : memref<832xi32, #tpu.memory_space<vmem>>) semaphore(%arg25 : memref<!tpu.dma_semaphore, #tpu.memory_space<semaphore_mem>>)
      %dma_start3A_52 = arith.constant 1664 : i32
      %dma_start3A_53 = tpu.memref_slice %arg11[%dma_start3A_52] : memref<26624xi32, #tpu.memory_space<vmem>> -> memref<832xi32, #tpu.memory_space<vmem>>
      %dma_start3A_54 = arith.constant 0 : i32
      %dma_start3A_55 = tpu.memref_slice %arg10[%dma_start3A_54] : memref<1000000xf32, #tpu.memory_space<vmem_shared>> -> memref<1000000xf32, #tpu.memory_space<vmem_shared>>
      tpu.enqueue_indirect_dma source(%dma_start3A_55 : memref<1000000xf32, #tpu.memory_space<vmem_shared>>) target(%arg14 : memref<832xf32, #tpu.memory_space<vmem>>) offsets(%dma_start3A_53 : memref<832xi32, #tpu.memory_space<vmem>>) semaphore(%arg26 : memref<!tpu.dma_semaphore, #tpu.memory_space<semaphore_mem>>)
      %dma_start3A_56 = arith.constant 2496 : i32
      %dma_start3A_57 = tpu.memref_slice %arg11[%dma_start3A_56] : memref<26624xi32, #tpu.memory_space<vmem>> -> memref<832xi32, #tpu.memory_space<vmem>>
      %dma_start3A_58 = arith.constant 0 : i32
      %dma_start3A_59 = tpu.memref_slice %arg10[%dma_start3A_58] : memref<1000000xf32, #tpu.memory_space<vmem_shared>> -> memref<1000000xf32, #tpu.memory_space<vmem_shared>>
      tpu.enqueue_indirect_dma source(%dma_start3A_59 : memref<1000000xf32, #tpu.memory_space<vmem_shared>>) target(%arg15 : memref<832xf32, #tpu.memory_space<vmem>>) offsets(%dma_start3A_57 : memref<832xi32, #tpu.memory_space<vmem>>) semaphore(%arg27 : memref<!tpu.dma_semaphore, #tpu.memory_space<semaphore_mem>>)
      %dma_start3A_60 = arith.constant 3328 : i32
      %dma_start3A_61 = tpu.memref_slice %arg11[%dma_start3A_60] : memref<26624xi32, #tpu.memory_space<vmem>> -> memref<832xi32, #tpu.memory_space<vmem>>
      %dma_start3A_62 = arith.constant 0 : i32
      %dma_start3A_63 = tpu.memref_slice %arg10[%dma_start3A_62] : memref<1000000xf32, #tpu.memory_space<vmem_shared>> -> memref<1000000xf32, #tpu.memory_space<vmem_shared>>
      tpu.enqueue_indirect_dma source(%dma_start3A_63 : memref<1000000xf32, #tpu.memory_space<vmem_shared>>) target(%arg16 : memref<832xf32, #tpu.memory_space<vmem>>) offsets(%dma_start3A_61 : memref<832xi32, #tpu.memory_space<vmem>>) semaphore(%arg28 : memref<!tpu.dma_semaphore, #tpu.memory_space<semaphore_mem>>)
      %dma_start3A_64 = arith.constant 4160 : i32
      %dma_start3A_65 = tpu.memref_slice %arg11[%dma_start3A_64] : memref<26624xi32, #tpu.memory_space<vmem>> -> memref<832xi32, #tpu.memory_space<vmem>>
      %dma_start3A_66 = arith.constant 0 : i32
      %dma_start3A_67 = tpu.memref_slice %arg10[%dma_start3A_66] : memref<1000000xf32, #tpu.memory_space<vmem_shared>> -> memref<1000000xf32, #tpu.memory_space<vmem_shared>>
      tpu.enqueue_indirect_dma source(%dma_start3A_67 : memref<1000000xf32, #tpu.memory_space<vmem_shared>>) target(%arg17 : memref<832xf32, #tpu.memory_space<vmem>>) offsets(%dma_start3A_65 : memref<832xi32, #tpu.memory_space<vmem>>) semaphore(%arg29 : memref<!tpu.dma_semaphore, #tpu.memory_space<semaphore_mem>>)
      %dma_start3A_68 = arith.constant 4992 : i32
      %dma_start3A_69 = tpu.memref_slice %arg11[%dma_start3A_68] : memref<26624xi32, #tpu.memory_space<vmem>> -> memref<832xi32, #tpu.memory_space<vmem>>
      %dma_start3A_70 = arith.constant 0 : i32
      %dma_start3A_71 = tpu.memref_slice %arg10[%dma_start3A_70] : memref<1000000xf32, #tpu.memory_space<vmem_shared>> -> memref<1000000xf32, #tpu.memory_space<vmem_shared>>
      tpu.enqueue_indirect_dma source(%dma_start3A_71 : memref<1000000xf32, #tpu.memory_space<vmem_shared>>) target(%arg18 : memref<832xf32, #tpu.memory_space<vmem>>) offsets(%dma_start3A_69 : memref<832xi32, #tpu.memory_space<vmem>>) semaphore(%arg30 : memref<!tpu.dma_semaphore, #tpu.memory_space<semaphore_mem>>)
      %dma_start3A_72 = arith.constant 5824 : i32
      %dma_start3A_73 = tpu.memref_slice %arg11[%dma_start3A_72] : memref<26624xi32, #tpu.memory_space<vmem>> -> memref<832xi32, #tpu.memory_space<vmem>>
      %dma_start3A_74 = arith.constant 0 : i32
      %dma_start3A_75 = tpu.memref_slice %arg10[%dma_start3A_74] : memref<1000000xf32, #tpu.memory_space<vmem_shared>> -> memref<1000000xf32, #tpu.memory_space<vmem_shared>>
      tpu.enqueue_indirect_dma source(%dma_start3A_75 : memref<1000000xf32, #tpu.memory_space<vmem_shared>>) target(%arg19 : memref<832xf32, #tpu.memory_space<vmem>>) offsets(%dma_start3A_73 : memref<832xi32, #tpu.memory_space<vmem>>) semaphore(%arg31 : memref<!tpu.dma_semaphore, #tpu.memory_space<semaphore_mem>>)
      %scan3A_76 = arith.constant 0 : i32
      %scan3A_77 = arith.constant 0 : i32
      %scan3A_78 = arith.constant 4 : i32
      %scan3A_79 = arith.addi %scan3A_77, %scan3A_78 : i32
      %scan3A_80 = arith.constant 1 : i32
      scf.for %scan3A_82 = %scan3A_77 to %scan3A_79 step %scan3A_80  : i32 {
        %mul3A_83 = arith.constant 8 : i32
        %mul3A_84 = arith.muli %mul3A_83, %scan3A_82 : i32
        %add3A = arith.constant 0 : i32
        %add3A_85 = arith.addi %mul3A_84, %add3A : i32
        %mul3A_86 = arith.constant 832 : i32
        %mul3A_87 = arith.muli %add3A_85, %mul3A_86 : i32
        %dma_wait3A_88 = tpu.memref_slice %arg11[%mul3A_87] : memref<26624xi32, #tpu.memory_space<vmem>> -> memref<832xi32, #tpu.memory_space<vmem>>
        %dma_wait3A_89 = arith.constant 0 : i32
        %dma_wait3A_90 = tpu.memref_slice %arg10[%dma_wait3A_89] : memref<1000000xf32, #tpu.memory_space<vmem_shared>> -> memref<1000000xf32, #tpu.memory_space<vmem_shared>>
        tpu.wait_indirect_dma semaphore(%arg24 : memref<!tpu.dma_semaphore, #tpu.memory_space<semaphore_mem>>) src(%dma_wait3A_90 : memref<1000000xf32, #tpu.memory_space<vmem_shared>>) dst(%arg12 : memref<832xf32, #tpu.memory_space<vmem>>)
        %scan3A_91 = arith.constant 0 : i32
        %scan3A_92 = arith.constant 0 : i32
        %scan3A_93 = arith.constant 2 : i32
        %scan3A_94 = arith.addi %scan3A_92, %scan3A_93 : i32
        %scan3A_95 = arith.constant 1 : i32
        scf.for %scan3A_257 = %scan3A_92 to %scan3A_94 step %scan3A_95  : i32 {
          %mul3A_258 = arith.constant 416 : i32
          %mul3A_259 = arith.muli %scan3A_257, %mul3A_258 : i32
          %add3A_260 = vector.broadcast %mul3A_259 : i32 to vector<16xi32>
          %add3A_261 = arith.addi %add3A_260, %mul3A_3 : vector<16xi32>
          %broadcast_in_dim3A = arith.constant 0.000000e+00 : f32
          %broadcast_in_dim3A_262 = vector.broadcast %broadcast_in_dim3A : f32 to vector<16xf32>
          %add3A_263 = arith.constant 0 : i32
          %add3A_264 = vector.broadcast %add3A_263 : i32 to vector<16xi32>
          %add3A_265 = arith.addi %add3A_261, %add3A_264 : vector<16xi32>
          %gather3A = tpu.vector_load_idx %arg12[%add3A_265] : memref<832xf32, #tpu.memory_space<vmem>>[vector<16xi32>], vector<16xf32>,
          %add3A_266 = arith.addf %broadcast_in_dim3A_262, %gather3A : vector<16xf32>
          %add3A_267 = arith.constant 1 : i32
          %add3A_268 = vector.broadcast %add3A_267 : i32 to vector<16xi32>
          %add3A_269 = arith.addi %add3A_261, %add3A_268 : vector<16xi32>
          %gather3A_270 = tpu.vector_load_idx %arg12[%add3A_269] : memref<832xf32, #tpu.memory_space<vmem>>[vector<16xi32>], vector<16xf32>,
          %add3A_271 = arith.addf %add3A_266, %gather3A_270 : vector<16xf32>
          %add3A_272 = arith.constant 2 : i32
          %add3A_273 = vector.broadcast %add3A_272 : i32 to vector<16xi32>
          %add3A_274 = arith.addi %add3A_261, %add3A_273 : vector<16xi32>
          %gather3A_275 = tpu.vector_load_idx %arg12[%add3A_274] : memref<832xf32, #tpu.memory_space<vmem>>[vector<16xi32>], vector<16xf32>,
          %add3A_276 = arith.addf %add3A_271, %gather3A_275 : vector<16xf32>
          %add3A_277 = arith.constant 3 : i32
          %add3A_278 = vector.broadcast %add3A_277 : i32 to vector<16xi32>
          %add3A_279 = arith.addi %add3A_261, %add3A_278 : vector<16xi32>
          %gather3A_280 = tpu.vector_load_idx %arg12[%add3A_279] : memref<832xf32, #tpu.memory_space<vmem>>[vector<16xi32>], vector<16xf32>,
          %add3A_281 = arith.addf %add3A_276, %gather3A_280 : vector<16xf32>
          %add3A_282 = arith.constant 4 : i32
          %add3A_283 = vector.broadcast %add3A_282 : i32 to vector<16xi32>
          %add3A_284 = arith.addi %add3A_261, %add3A_283 : vector<16xi32>
          %gather3A_285 = tpu.vector_load_idx %arg12[%add3A_284] : memref<832xf32, #tpu.memory_space<vmem>>[vector<16xi32>], vector<16xf32>,
          %add3A_286 = arith.addf %add3A_281, %gather3A_285 : vector<16xf32>
          %add3A_287 = arith.constant 5 : i32
          %add3A_288 = vector.broadcast %add3A_287 : i32 to vector<16xi32>
          %add3A_289 = arith.addi %add3A_261, %add3A_288 : vector<16xi32>
          %gather3A_290 = tpu.vector_load_idx %arg12[%add3A_289] : memref<832xf32, #tpu.memory_space<vmem>>[vector<16xi32>], vector<16xf32>,
          %add3A_291 = arith.addf %add3A_286, %gather3A_290 : vector<16xf32>
          %add3A_292 = arith.constant 6 : i32
          %add3A_293 = vector.broadcast %add3A_292 : i32 to vector<16xi32>
          %add3A_294 = arith.addi %add3A_261, %add3A_293 : vector<16xi32>
          %gather3A_295 = tpu.vector_load_idx %arg12[%add3A_294] : memref<832xf32, #tpu.memory_space<vmem>>[vector<16xi32>], vector<16xf32>,
          %add3A_296 = arith.addf %add3A_291, %gather3A_295 : vector<16xf32>
          %add3A_297 = arith.constant 7 : i32
          %add3A_298 = vector.broadcast %add3A_297 : i32 to vector<16xi32>
          %add3A_299 = arith.addi %add3A_261, %add3A_298 : vector<16xi32>
          %gather3A_300 = tpu.vector_load_idx %arg12[%add3A_299] : memref<832xf32, #tpu.memory_space<vmem>>[vector<16xi32>], vector<16xf32>,
          %add3A_301 = arith.addf %add3A_296, %gather3A_300 : vector<16xf32>
          %add3A_302 = arith.constant 8 : i32
          %add3A_303 = vector.broadcast %add3A_302 : i32 to vector<16xi32>
          %add3A_304 = arith.addi %add3A_261, %add3A_303 : vector<16xi32>
          %gather3A_305 = tpu.vector_load_idx %arg12[%add3A_304] : memref<832xf32, #tpu.memory_space<vmem>>[vector<16xi32>], vector<16xf32>,
          %add3A_306 = arith.addf %add3A_301, %gather3A_305 : vector<16xf32>
          %add3A_307 = arith.constant 9 : i32
          %add3A_308 = vector.broadcast %add3A_307 : i32 to vector<16xi32>
          %add3A_309 = arith.addi %add3A_261, %add3A_308 : vector<16xi32>
          %gather3A_310 = tpu.vector_load_idx %arg12[%add3A_309] : memref<832xf32, #tpu.memory_space<vmem>>[vector<16xi32>], vector<16xf32>,
          %add3A_311 = arith.addf %add3A_306, %gather3A_310 : vector<16xf32>
          %add3A_312 = arith.constant 10 : i32
          %add3A_313 = vector.broadcast %add3A_312 : i32 to vector<16xi32>
          %add3A_314 = arith.addi %add3A_261, %add3A_313 : vector<16xi32>
          %gather3A_315 = tpu.vector_load_idx %arg12[%add3A_314] : memref<832xf32, #tpu.memory_space<vmem>>[vector<16xi32>], vector<16xf32>,
          %add3A_316 = arith.addf %add3A_311, %gather3A_315 : vector<16xf32>
          %add3A_317 = arith.constant 11 : i32
          %add3A_318 = vector.broadcast %add3A_317 : i32 to vector<16xi32>
          %add3A_319 = arith.addi %add3A_261, %add3A_318 : vector<16xi32>
          %gather3A_320 = tpu.vector_load_idx %arg12[%add3A_319] : memref<832xf32, #tpu.memory_space<vmem>>[vector<16xi32>], vector<16xf32>,
          %add3A_321 = arith.addf %add3A_316, %gather3A_320 : vector<16xf32>
          %add3A_322 = arith.constant 12 : i32
          %add3A_323 = vector.broadcast %add3A_322 : i32 to vector<16xi32>
          %add3A_324 = arith.addi %add3A_261, %add3A_323 : vector<16xi32>
          %gather3A_325 = tpu.vector_load_idx %arg12[%add3A_324] : memref<832xf32, #tpu.memory_space<vmem>>[vector<16xi32>], vector<16xf32>,
          %add3A_326 = arith.addf %add3A_321, %gather3A_325 : vector<16xf32>
          %add3A_327 = arith.constant 13 : i32
          %add3A_328 = vector.broadcast %add3A_327 : i32 to vector<16xi32>
          %add3A_329 = arith.addi %add3A_261, %add3A_328 : vector<16xi32>
          %gather3A_330 = tpu.vector_load_idx %arg12[%add3A_329] : memref<832xf32, #tpu.memory_space<vmem>>[vector<16xi32>], vector<16xf32>,
          %add3A_331 = arith.addf %add3A_326, %gather3A_330 : vector<16xf32>
          %add3A_332 = arith.constant 14 : i32
          %add3A_333 = vector.broadcast %add3A_332 : i32 to vector<16xi32>
          %add3A_334 = arith.addi %add3A_261, %add3A_333 : vector<16xi32>
          %gather3A_335 = tpu.vector_load_idx %arg12[%add3A_334] : memref<832xf32, #tpu.memory_space<vmem>>[vector<16xi32>], vector<16xf32>,
          %add3A_336 = arith.addf %add3A_331, %gather3A_335 : vector<16xf32>
          %add3A_337 = arith.constant 15 : i32
          %add3A_338 = vector.broadcast %add3A_337 : i32 to vector<16xi32>
          %add3A_339 = arith.addi %add3A_261, %add3A_338 : vector<16xi32>
          %gather3A_340 = tpu.vector_load_idx %arg12[%add3A_339] : memref<832xf32, #tpu.memory_space<vmem>>[vector<16xi32>], vector<16xf32>,
          %add3A_341 = arith.addf %add3A_336, %gather3A_340 : vector<16xf32>
          %add3A_342 = arith.constant 16 : i32
          %add3A_343 = vector.broadcast %add3A_342 : i32 to vector<16xi32>
          %add3A_344 = arith.addi %add3A_261, %add3A_343 : vector<16xi32>
          %gather3A_345 = tpu.vector_load_idx %arg12[%add3A_344] : memref<832xf32, #tpu.memory_space<vmem>>[vector<16xi32>], vector<16xf32>,
          %add3A_346 = arith.addf %add3A_341, %gather3A_345 : vector<16xf32>
          %add3A_347 = arith.constant 17 : i32
          %add3A_348 = vector.broadcast %add3A_347 : i32 to vector<16xi32>
          %add3A_349 = arith.addi %add3A_261, %add3A_348 : vector<16xi32>
          %gather3A_350 = tpu.vector_load_idx %arg12[%add3A_349] : memref<832xf32, #tpu.memory_space<vmem>>[vector<16xi32>], vector<16xf32>,
          %add3A_351 = arith.addf %add3A_346, %gather3A_350 : vector<16xf32>
          %add3A_352 = arith.constant 18 : i32
          %add3A_353 = vector.broadcast %add3A_352 : i32 to vector<16xi32>
          %add3A_354 = arith.addi %add3A_261, %add3A_353 : vector<16xi32>
          %gather3A_355 = tpu.vector_load_idx %arg12[%add3A_354] : memref<832xf32, #tpu.memory_space<vmem>>[vector<16xi32>], vector<16xf32>,
          %add3A_356 = arith.addf %add3A_351, %gather3A_355 : vector<16xf32>
          %add3A_357 = arith.constant 19 : i32
          %add3A_358 = vector.broadcast %add3A_357 : i32 to vector<16xi32>
          %add3A_359 = arith.addi %add3A_261, %add3A_358 : vector<16xi32>
          %gather3A_360 = tpu.vector_load_idx %arg12[%add3A_359] : memref<832xf32, #tpu.memory_space<vmem>>[vector<16xi32>], vector<16xf32>,
          %add3A_361 = arith.addf %add3A_356, %gather3A_360 : vector<16xf32>
          %add3A_362 = arith.constant 20 : i32
          %add3A_363 = vector.broadcast %add3A_362 : i32 to vector<16xi32>
          %add3A_364 = arith.addi %add3A_261, %add3A_363 : vector<16xi32>
          %gather3A_365 = tpu.vector_load_idx %arg12[%add3A_364] : memref<832xf32, #tpu.memory_space<vmem>>[vector<16xi32>], vector<16xf32>,
          %add3A_366 = arith.addf %add3A_361, %gather3A_365 : vector<16xf32>
          %add3A_367 = arith.constant 21 : i32
          %add3A_368 = vector.broadcast %add3A_367 : i32 to vector<16xi32>
          %add3A_369 = arith.addi %add3A_261, %add3A_368 : vector<16xi32>
          %gather3A_370 = tpu.vector_load_idx %arg12[%add3A_369] : memref<832xf32, #tpu.memory_space<vmem>>[vector<16xi32>], vector<16xf32>,
          %add3A_371 = arith.addf %add3A_366, %gather3A_370 : vector<16xf32>
          %add3A_372 = arith.constant 22 : i32
          %add3A_373 = vector.broadcast %add3A_372 : i32 to vector<16xi32>
          %add3A_374 = arith.addi %add3A_261, %add3A_373 : vector<16xi32>
          %gather3A_375 = tpu.vector_load_idx %arg12[%add3A_374] : memref<832xf32, #tpu.memory_space<vmem>>[vector<16xi32>], vector<16xf32>,
          %add3A_376 = arith.addf %add3A_371, %gather3A_375 : vector<16xf32>
          %add3A_377 = arith.constant 23 : i32
          %add3A_378 = vector.broadcast %add3A_377 : i32 to vector<16xi32>
          %add3A_379 = arith.addi %add3A_261, %add3A_378 : vector<16xi32>
          %gather3A_380 = tpu.vector_load_idx %arg12[%add3A_379] : memref<832xf32, #tpu.memory_space<vmem>>[vector<16xi32>], vector<16xf32>,
          %add3A_381 = arith.addf %add3A_376, %gather3A_380 : vector<16xf32>
          %add3A_382 = arith.constant 24 : i32
          %add3A_383 = vector.broadcast %add3A_382 : i32 to vector<16xi32>
          %add3A_384 = arith.addi %add3A_261, %add3A_383 : vector<16xi32>
          %gather3A_385 = tpu.vector_load_idx %arg12[%add3A_384] : memref<832xf32, #tpu.memory_space<vmem>>[vector<16xi32>], vector<16xf32>,
          %add3A_386 = arith.addf %add3A_381, %gather3A_385 : vector<16xf32>
          %add3A_387 = arith.constant 25 : i32
          %add3A_388 = vector.broadcast %add3A_387 : i32 to vector<16xi32>
          %add3A_389 = arith.addi %add3A_261, %add3A_388 : vector<16xi32>
          %gather3A_390 = tpu.vector_load_idx %arg12[%add3A_389] : memref<832xf32, #tpu.memory_space<vmem>>[vector<16xi32>], vector<16xf32>,
          %add3A_391 = arith.addf %add3A_386, %gather3A_390 : vector<16xf32>
          %mul3A_392 = arith.constant 32 : i32
          %mul3A_393 = arith.muli %add3A_85, %mul3A_392 : i32
          %mul3A_394 = arith.constant 16 : i32
          %mul3A_395 = arith.muli %scan3A_257, %mul3A_394 : i32
          %add3A_396 = arith.addi %mul3A_393, %mul3A_395 : i32
          %swap3A = arith.index_cast %add3A_396 : i32 to index
          %swap3A_397 = tpu.vector_load %arg20[%swap3A] {strides = array<i32>} : memref<1024xf32, #tpu.memory_space<vmem>>, vector<16xf32>,
          tpu.vector_store %arg20[%swap3A], %add3A_391 {strides = array<i32>} : memref<1024xf32, #tpu.memory_space<vmem>>, vector<16xf32>,
        }
        %scan3A_96 = arith.constant 2 : i32
        %add3A_97 = arith.constant 8 : i32
        %add3A_98 = arith.addi %add3A_85, %add3A_97 : i32
        %lt3A = arith.constant 32 : i32
        %lt3A_99 = arith.cmpi slt, %add3A_98, %lt3A : i32
        %convert_element_type3A_100 = arith.extui %lt3A_99 : i1 to i32
        %cond3A_101 = arith.constant 0 : i32
        %cond3A_102 = arith.cmpi ne, %convert_element_type3A_100, %cond3A_101 : i32
        scf.if %cond3A_102 {
          %add3A_257 = arith.constant 8 : i32
          %add3A_258 = arith.addi %add3A_85, %add3A_257 : i32
          %mul3A_259 = arith.constant 832 : i32
          %mul3A_260 = arith.muli %add3A_258, %mul3A_259 : i32
          %dma_start3A_261 = tpu.memref_slice %arg11[%mul3A_260] : memref<26624xi32, #tpu.memory_space<vmem>> -> memref<832xi32, #tpu.memory_space<vmem>>
          %dma_start3A_262 = arith.constant 0 : i32
          %dma_start3A_263 = tpu.memref_slice %arg10[%dma_start3A_262] : memref<1000000xf32, #tpu.memory_space<vmem_shared>> -> memref<1000000xf32, #tpu.memory_space<vmem_shared>>
          tpu.enqueue_indirect_dma source(%dma_start3A_263 : memref<1000000xf32, #tpu.memory_space<vmem_shared>>) target(%arg12 : memref<832xf32, #tpu.memory_space<vmem>>) offsets(%dma_start3A_261 : memref<832xi32, #tpu.memory_space<vmem>>) semaphore(%arg24 : memref<!tpu.dma_semaphore, #tpu.memory_space<semaphore_mem>>)
        } else {
        }
        %mul3A_103 = arith.constant 8 : i32
        %mul3A_104 = arith.muli %mul3A_103, %scan3A_82 : i32
        %add3A_105 = arith.constant 1 : i32
        %add3A_106 = arith.addi %mul3A_104, %add3A_105 : i32
        %mul3A_107 = arith.constant 832 : i32
        %mul3A_108 = arith.muli %add3A_106, %mul3A_107 : i32
        %dma_wait3A_109 = tpu.memref_slice %arg11[%mul3A_108] : memref<26624xi32, #tpu.memory_space<vmem>> -> memref<832xi32, #tpu.memory_space<vmem>>
        %dma_wait3A_110 = arith.constant 0 : i32
        %dma_wait3A_111 = tpu.memref_slice %arg10[%dma_wait3A_110] : memref<1000000xf32, #tpu.memory_space<vmem_shared>> -> memref<1000000xf32, #tpu.memory_space<vmem_shared>>
        tpu.wait_indirect_dma semaphore(%arg25 : memref<!tpu.dma_semaphore, #tpu.memory_space<semaphore_mem>>) src(%dma_wait3A_111 : memref<1000000xf32, #tpu.memory_space<vmem_shared>>) dst(%arg13 : memref<832xf32, #tpu.memory_space<vmem>>)
        %scan3A_112 = arith.constant 0 : i32
        %scan3A_113 = arith.constant 0 : i32
        %scan3A_114 = arith.constant 2 : i32
        %scan3A_115 = arith.addi %scan3A_113, %scan3A_114 : i32
        %scan3A_116 = arith.constant 1 : i32
        scf.for %scan3A_257 = %scan3A_113 to %scan3A_115 step %scan3A_116  : i32 {
          %mul3A_258 = arith.constant 416 : i32
          %mul3A_259 = arith.muli %scan3A_257, %mul3A_258 : i32
          %add3A_260 = vector.broadcast %mul3A_259 : i32 to vector<16xi32>
          %add3A_261 = arith.addi %add3A_260, %mul3A_3 : vector<16xi32>
          %broadcast_in_dim3A = arith.constant 0.000000e+00 : f32
          %broadcast_in_dim3A_262 = vector.broadcast %broadcast_in_dim3A : f32 to vector<16xf32>
          %add3A_263 = arith.constant 0 : i32
          %add3A_264 = vector.broadcast %add3A_263 : i32 to vector<16xi32>
          %add3A_265 = arith.addi %add3A_261, %add3A_264 : vector<16xi32>
          %gather3A = tpu.vector_load_idx %arg13[%add3A_265] : memref<832xf32, #tpu.memory_space<vmem>>[vector<16xi32>], vector<16xf32>,
          %add3A_266 = arith.addf %broadcast_in_dim3A_262, %gather3A : vector<16xf32>
          %add3A_267 = arith.constant 1 : i32
          %add3A_268 = vector.broadcast %add3A_267 : i32 to vector<16xi32>
          %add3A_269 = arith.addi %add3A_261, %add3A_268 : vector<16xi32>
          %gather3A_270 = tpu.vector_load_idx %arg13[%add3A_269] : memref<832xf32, #tpu.memory_space<vmem>>[vector<16xi32>], vector<16xf32>,
          %add3A_271 = arith.addf %add3A_266, %gather3A_270 : vector<16xf32>
          %add3A_272 = arith.constant 2 : i32
          %add3A_273 = vector.broadcast %add3A_272 : i32 to vector<16xi32>
          %add3A_274 = arith.addi %add3A_261, %add3A_273 : vector<16xi32>
          %gather3A_275 = tpu.vector_load_idx %arg13[%add3A_274] : memref<832xf32, #tpu.memory_space<vmem>>[vector<16xi32>], vector<16xf32>,
          %add3A_276 = arith.addf %add3A_271, %gather3A_275 : vector<16xf32>
          %add3A_277 = arith.constant 3 : i32
          %add3A_278 = vector.broadcast %add3A_277 : i32 to vector<16xi32>
          %add3A_279 = arith.addi %add3A_261, %add3A_278 : vector<16xi32>
          %gather3A_280 = tpu.vector_load_idx %arg13[%add3A_279] : memref<832xf32, #tpu.memory_space<vmem>>[vector<16xi32>], vector<16xf32>,
          %add3A_281 = arith.addf %add3A_276, %gather3A_280 : vector<16xf32>
          %add3A_282 = arith.constant 4 : i32
          %add3A_283 = vector.broadcast %add3A_282 : i32 to vector<16xi32>
          %add3A_284 = arith.addi %add3A_261, %add3A_283 : vector<16xi32>
          %gather3A_285 = tpu.vector_load_idx %arg13[%add3A_284] : memref<832xf32, #tpu.memory_space<vmem>>[vector<16xi32>], vector<16xf32>,
          %add3A_286 = arith.addf %add3A_281, %gather3A_285 : vector<16xf32>
          %add3A_287 = arith.constant 5 : i32
          %add3A_288 = vector.broadcast %add3A_287 : i32 to vector<16xi32>
          %add3A_289 = arith.addi %add3A_261, %add3A_288 : vector<16xi32>
          %gather3A_290 = tpu.vector_load_idx %arg13[%add3A_289] : memref<832xf32, #tpu.memory_space<vmem>>[vector<16xi32>], vector<16xf32>,
          %add3A_291 = arith.addf %add3A_286, %gather3A_290 : vector<16xf32>
          %add3A_292 = arith.constant 6 : i32
          %add3A_293 = vector.broadcast %add3A_292 : i32 to vector<16xi32>
          %add3A_294 = arith.addi %add3A_261, %add3A_293 : vector<16xi32>
          %gather3A_295 = tpu.vector_load_idx %arg13[%add3A_294] : memref<832xf32, #tpu.memory_space<vmem>>[vector<16xi32>], vector<16xf32>,
          %add3A_296 = arith.addf %add3A_291, %gather3A_295 : vector<16xf32>
          %add3A_297 = arith.constant 7 : i32
          %add3A_298 = vector.broadcast %add3A_297 : i32 to vector<16xi32>
          %add3A_299 = arith.addi %add3A_261, %add3A_298 : vector<16xi32>
          %gather3A_300 = tpu.vector_load_idx %arg13[%add3A_299] : memref<832xf32, #tpu.memory_space<vmem>>[vector<16xi32>], vector<16xf32>,
          %add3A_301 = arith.addf %add3A_296, %gather3A_300 : vector<16xf32>
          %add3A_302 = arith.constant 8 : i32
          %add3A_303 = vector.broadcast %add3A_302 : i32 to vector<16xi32>
          %add3A_304 = arith.addi %add3A_261, %add3A_303 : vector<16xi32>
          %gather3A_305 = tpu.vector_load_idx %arg13[%add3A_304] : memref<832xf32, #tpu.memory_space<vmem>>[vector<16xi32>], vector<16xf32>,
          %add3A_306 = arith.addf %add3A_301, %gather3A_305 : vector<16xf32>
          %add3A_307 = arith.constant 9 : i32
          %add3A_308 = vector.broadcast %add3A_307 : i32 to vector<16xi32>
          %add3A_309 = arith.addi %add3A_261, %add3A_308 : vector<16xi32>
          %gather3A_310 = tpu.vector_load_idx %arg13[%add3A_309] : memref<832xf32, #tpu.memory_space<vmem>>[vector<16xi32>], vector<16xf32>,
          %add3A_311 = arith.addf %add3A_306, %gather3A_310 : vector<16xf32>
          %add3A_312 = arith.constant 10 : i32
          %add3A_313 = vector.broadcast %add3A_312 : i32 to vector<16xi32>
          %add3A_314 = arith.addi %add3A_261, %add3A_313 : vector<16xi32>
          %gather3A_315 = tpu.vector_load_idx %arg13[%add3A_314] : memref<832xf32, #tpu.memory_space<vmem>>[vector<16xi32>], vector<16xf32>,
          %add3A_316 = arith.addf %add3A_311, %gather3A_315 : vector<16xf32>
          %add3A_317 = arith.constant 11 : i32
          %add3A_318 = vector.broadcast %add3A_317 : i32 to vector<16xi32>
          %add3A_319 = arith.addi %add3A_261, %add3A_318 : vector<16xi32>
          %gather3A_320 = tpu.vector_load_idx %arg13[%add3A_319] : memref<832xf32, #tpu.memory_space<vmem>>[vector<16xi32>], vector<16xf32>,
          %add3A_321 = arith.addf %add3A_316, %gather3A_320 : vector<16xf32>
          %add3A_322 = arith.constant 12 : i32
          %add3A_323 = vector.broadcast %add3A_322 : i32 to vector<16xi32>
          %add3A_324 = arith.addi %add3A_261, %add3A_323 : vector<16xi32>
          %gather3A_325 = tpu.vector_load_idx %arg13[%add3A_324] : memref<832xf32, #tpu.memory_space<vmem>>[vector<16xi32>], vector<16xf32>,
          %add3A_326 = arith.addf %add3A_321, %gather3A_325 : vector<16xf32>
          %add3A_327 = arith.constant 13 : i32
          %add3A_328 = vector.broadcast %add3A_327 : i32 to vector<16xi32>
          %add3A_329 = arith.addi %add3A_261, %add3A_328 : vector<16xi32>
          %gather3A_330 = tpu.vector_load_idx %arg13[%add3A_329] : memref<832xf32, #tpu.memory_space<vmem>>[vector<16xi32>], vector<16xf32>,
          %add3A_331 = arith.addf %add3A_326, %gather3A_330 : vector<16xf32>
          %add3A_332 = arith.constant 14 : i32
          %add3A_333 = vector.broadcast %add3A_332 : i32 to vector<16xi32>
          %add3A_334 = arith.addi %add3A_261, %add3A_333 : vector<16xi32>
          %gather3A_335 = tpu.vector_load_idx %arg13[%add3A_334] : memref<832xf32, #tpu.memory_space<vmem>>[vector<16xi32>], vector<16xf32>,
          %add3A_336 = arith.addf %add3A_331, %gather3A_335 : vector<16xf32>
          %add3A_337 = arith.constant 15 : i32
          %add3A_338 = vector.broadcast %add3A_337 : i32 to vector<16xi32>
          %add3A_339 = arith.addi %add3A_261, %add3A_338 : vector<16xi32>
          %gather3A_340 = tpu.vector_load_idx %arg13[%add3A_339] : memref<832xf32, #tpu.memory_space<vmem>>[vector<16xi32>], vector<16xf32>,
          %add3A_341 = arith.addf %add3A_336, %gather3A_340 : vector<16xf32>
          %add3A_342 = arith.constant 16 : i32
          %add3A_343 = vector.broadcast %add3A_342 : i32 to vector<16xi32>
          %add3A_344 = arith.addi %add3A_261, %add3A_343 : vector<16xi32>
          %gather3A_345 = tpu.vector_load_idx %arg13[%add3A_344] : memref<832xf32, #tpu.memory_space<vmem>>[vector<16xi32>], vector<16xf32>,
          %add3A_346 = arith.addf %add3A_341, %gather3A_345 : vector<16xf32>
          %add3A_347 = arith.constant 17 : i32
          %add3A_348 = vector.broadcast %add3A_347 : i32 to vector<16xi32>
          %add3A_349 = arith.addi %add3A_261, %add3A_348 : vector<16xi32>
          %gather3A_350 = tpu.vector_load_idx %arg13[%add3A_349] : memref<832xf32, #tpu.memory_space<vmem>>[vector<16xi32>], vector<16xf32>,
          %add3A_351 = arith.addf %add3A_346, %gather3A_350 : vector<16xf32>
          %add3A_352 = arith.constant 18 : i32
          %add3A_353 = vector.broadcast %add3A_352 : i32 to vector<16xi32>
          %add3A_354 = arith.addi %add3A_261, %add3A_353 : vector<16xi32>
          %gather3A_355 = tpu.vector_load_idx %arg13[%add3A_354] : memref<832xf32, #tpu.memory_space<vmem>>[vector<16xi32>], vector<16xf32>,
          %add3A_356 = arith.addf %add3A_351, %gather3A_355 : vector<16xf32>
          %add3A_357 = arith.constant 19 : i32
          %add3A_358 = vector.broadcast %add3A_357 : i32 to vector<16xi32>
          %add3A_359 = arith.addi %add3A_261, %add3A_358 : vector<16xi32>
          %gather3A_360 = tpu.vector_load_idx %arg13[%add3A_359] : memref<832xf32, #tpu.memory_space<vmem>>[vector<16xi32>], vector<16xf32>,
          %add3A_361 = arith.addf %add3A_356, %gather3A_360 : vector<16xf32>
          %add3A_362 = arith.constant 20 : i32
          %add3A_363 = vector.broadcast %add3A_362 : i32 to vector<16xi32>
          %add3A_364 = arith.addi %add3A_261, %add3A_363 : vector<16xi32>
          %gather3A_365 = tpu.vector_load_idx %arg13[%add3A_364] : memref<832xf32, #tpu.memory_space<vmem>>[vector<16xi32>], vector<16xf32>,
          %add3A_366 = arith.addf %add3A_361, %gather3A_365 : vector<16xf32>
          %add3A_367 = arith.constant 21 : i32
          %add3A_368 = vector.broadcast %add3A_367 : i32 to vector<16xi32>
          %add3A_369 = arith.addi %add3A_261, %add3A_368 : vector<16xi32>
          %gather3A_370 = tpu.vector_load_idx %arg13[%add3A_369] : memref<832xf32, #tpu.memory_space<vmem>>[vector<16xi32>], vector<16xf32>,
          %add3A_371 = arith.addf %add3A_366, %gather3A_370 : vector<16xf32>
          %add3A_372 = arith.constant 22 : i32
          %add3A_373 = vector.broadcast %add3A_372 : i32 to vector<16xi32>
          %add3A_374 = arith.addi %add3A_261, %add3A_373 : vector<16xi32>
          %gather3A_375 = tpu.vector_load_idx %arg13[%add3A_374] : memref<832xf32, #tpu.memory_space<vmem>>[vector<16xi32>], vector<16xf32>,
          %add3A_376 = arith.addf %add3A_371, %gather3A_375 : vector<16xf32>
          %add3A_377 = arith.constant 23 : i32
          %add3A_378 = vector.broadcast %add3A_377 : i32 to vector<16xi32>
          %add3A_379 = arith.addi %add3A_261, %add3A_378 : vector<16xi32>
          %gather3A_380 = tpu.vector_load_idx %arg13[%add3A_379] : memref<832xf32, #tpu.memory_space<vmem>>[vector<16xi32>], vector<16xf32>,
          %add3A_381 = arith.addf %add3A_376, %gather3A_380 : vector<16xf32>
          %add3A_382 = arith.constant 24 : i32
          %add3A_383 = vector.broadcast %add3A_382 : i32 to vector<16xi32>
          %add3A_384 = arith.addi %add3A_261, %add3A_383 : vector<16xi32>
          %gather3A_385 = tpu.vector_load_idx %arg13[%add3A_384] : memref<832xf32, #tpu.memory_space<vmem>>[vector<16xi32>], vector<16xf32>,
          %add3A_386 = arith.addf %add3A_381, %gather3A_385 : vector<16xf32>
          %add3A_387 = arith.constant 25 : i32
          %add3A_388 = vector.broadcast %add3A_387 : i32 to vector<16xi32>
          %add3A_389 = arith.addi %add3A_261, %add3A_388 : vector<16xi32>
          %gather3A_390 = tpu.vector_load_idx %arg13[%add3A_389] : memref<832xf32, #tpu.memory_space<vmem>>[vector<16xi32>], vector<16xf32>,
          %add3A_391 = arith.addf %add3A_386, %gather3A_390 : vector<16xf32>
          %mul3A_392 = arith.constant 32 : i32
          %mul3A_393 = arith.muli %add3A_106, %mul3A_392 : i32
          %mul3A_394 = arith.constant 16 : i32
          %mul3A_395 = arith.muli %scan3A_257, %mul3A_394 : i32
          %add3A_396 = arith.addi %mul3A_393, %mul3A_395 : i32
          %swap3A = arith.index_cast %add3A_396 : i32 to index
          %swap3A_397 = tpu.vector_load %arg20[%swap3A] {strides = array<i32>} : memref<1024xf32, #tpu.memory_space<vmem>>, vector<16xf32>,
          tpu.vector_store %arg20[%swap3A], %add3A_391 {strides = array<i32>} : memref<1024xf32, #tpu.memory_space<vmem>>, vector<16xf32>,
        }
        %scan3A_117 = arith.constant 2 : i32
        %add3A_118 = arith.constant 8 : i32
        %add3A_119 = arith.addi %add3A_106, %add3A_118 : i32
        %lt3A_120 = arith.constant 32 : i32
        %lt3A_121 = arith.cmpi slt, %add3A_119, %lt3A_120 : i32
        %convert_element_type3A_122 = arith.extui %lt3A_121 : i1 to i32
        %cond3A_123 = arith.constant 0 : i32
        %cond3A_124 = arith.cmpi ne, %convert_element_type3A_122, %cond3A_123 : i32
        scf.if %cond3A_124 {
          %add3A_257 = arith.constant 8 : i32
          %add3A_258 = arith.addi %add3A_106, %add3A_257 : i32
          %mul3A_259 = arith.constant 832 : i32
          %mul3A_260 = arith.muli %add3A_258, %mul3A_259 : i32
          %dma_start3A_261 = tpu.memref_slice %arg11[%mul3A_260] : memref<26624xi32, #tpu.memory_space<vmem>> -> memref<832xi32, #tpu.memory_space<vmem>>
          %dma_start3A_262 = arith.constant 0 : i32
          %dma_start3A_263 = tpu.memref_slice %arg10[%dma_start3A_262] : memref<1000000xf32, #tpu.memory_space<vmem_shared>> -> memref<1000000xf32, #tpu.memory_space<vmem_shared>>
          tpu.enqueue_indirect_dma source(%dma_start3A_263 : memref<1000000xf32, #tpu.memory_space<vmem_shared>>) target(%arg13 : memref<832xf32, #tpu.memory_space<vmem>>) offsets(%dma_start3A_261 : memref<832xi32, #tpu.memory_space<vmem>>) semaphore(%arg25 : memref<!tpu.dma_semaphore, #tpu.memory_space<semaphore_mem>>)
        } else {
        }
        %mul3A_125 = arith.constant 8 : i32
        %mul3A_126 = arith.muli %mul3A_125, %scan3A_82 : i32
        %add3A_127 = arith.constant 2 : i32
        %add3A_128 = arith.addi %mul3A_126, %add3A_127 : i32
        %mul3A_129 = arith.constant 832 : i32
        %mul3A_130 = arith.muli %add3A_128, %mul3A_129 : i32
        %dma_wait3A_131 = tpu.memref_slice %arg11[%mul3A_130] : memref<26624xi32, #tpu.memory_space<vmem>> -> memref<832xi32, #tpu.memory_space<vmem>>
        %dma_wait3A_132 = arith.constant 0 : i32
        %dma_wait3A_133 = tpu.memref_slice %arg10[%dma_wait3A_132] : memref<1000000xf32, #tpu.memory_space<vmem_shared>> -> memref<1000000xf32, #tpu.memory_space<vmem_shared>>
        tpu.wait_indirect_dma semaphore(%arg26 : memref<!tpu.dma_semaphore, #tpu.memory_space<semaphore_mem>>) src(%dma_wait3A_133 : memref<1000000xf32, #tpu.memory_space<vmem_shared>>) dst(%arg14 : memref<832xf32, #tpu.memory_space<vmem>>)
        %scan3A_134 = arith.constant 0 : i32
        %scan3A_135 = arith.constant 0 : i32
        %scan3A_136 = arith.constant 2 : i32
        %scan3A_137 = arith.addi %scan3A_135, %scan3A_136 : i32
        %scan3A_138 = arith.constant 1 : i32
        scf.for %scan3A_257 = %scan3A_135 to %scan3A_137 step %scan3A_138  : i32 {
          %mul3A_258 = arith.constant 416 : i32
          %mul3A_259 = arith.muli %scan3A_257, %mul3A_258 : i32
          %add3A_260 = vector.broadcast %mul3A_259 : i32 to vector<16xi32>
          %add3A_261 = arith.addi %add3A_260, %mul3A_3 : vector<16xi32>
          %broadcast_in_dim3A = arith.constant 0.000000e+00 : f32
          %broadcast_in_dim3A_262 = vector.broadcast %broadcast_in_dim3A : f32 to vector<16xf32>
          %add3A_263 = arith.constant 0 : i32
          %add3A_264 = vector.broadcast %add3A_263 : i32 to vector<16xi32>
          %add3A_265 = arith.addi %add3A_261, %add3A_264 : vector<16xi32>
          %gather3A = tpu.vector_load_idx %arg14[%add3A_265] : memref<832xf32, #tpu.memory_space<vmem>>[vector<16xi32>], vector<16xf32>,
          %add3A_266 = arith.addf %broadcast_in_dim3A_262, %gather3A : vector<16xf32>
          %add3A_267 = arith.constant 1 : i32
          %add3A_268 = vector.broadcast %add3A_267 : i32 to vector<16xi32>
          %add3A_269 = arith.addi %add3A_261, %add3A_268 : vector<16xi32>
          %gather3A_270 = tpu.vector_load_idx %arg14[%add3A_269] : memref<832xf32, #tpu.memory_space<vmem>>[vector<16xi32>], vector<16xf32>,
          %add3A_271 = arith.addf %add3A_266, %gather3A_270 : vector<16xf32>
          %add3A_272 = arith.constant 2 : i32
          %add3A_273 = vector.broadcast %add3A_272 : i32 to vector<16xi32>
          %add3A_274 = arith.addi %add3A_261, %add3A_273 : vector<16xi32>
          %gather3A_275 = tpu.vector_load_idx %arg14[%add3A_274] : memref<832xf32, #tpu.memory_space<vmem>>[vector<16xi32>], vector<16xf32>,
          %add3A_276 = arith.addf %add3A_271, %gather3A_275 : vector<16xf32>
          %add3A_277 = arith.constant 3 : i32
          %add3A_278 = vector.broadcast %add3A_277 : i32 to vector<16xi32>
          %add3A_279 = arith.addi %add3A_261, %add3A_278 : vector<16xi32>
          %gather3A_280 = tpu.vector_load_idx %arg14[%add3A_279] : memref<832xf32, #tpu.memory_space<vmem>>[vector<16xi32>], vector<16xf32>,
          %add3A_281 = arith.addf %add3A_276, %gather3A_280 : vector<16xf32>
          %add3A_282 = arith.constant 4 : i32
          %add3A_283 = vector.broadcast %add3A_282 : i32 to vector<16xi32>
          %add3A_284 = arith.addi %add3A_261, %add3A_283 : vector<16xi32>
          %gather3A_285 = tpu.vector_load_idx %arg14[%add3A_284] : memref<832xf32, #tpu.memory_space<vmem>>[vector<16xi32>], vector<16xf32>,
          %add3A_286 = arith.addf %add3A_281, %gather3A_285 : vector<16xf32>
          %add3A_287 = arith.constant 5 : i32
          %add3A_288 = vector.broadcast %add3A_287 : i32 to vector<16xi32>
          %add3A_289 = arith.addi %add3A_261, %add3A_288 : vector<16xi32>
          %gather3A_290 = tpu.vector_load_idx %arg14[%add3A_289] : memref<832xf32, #tpu.memory_space<vmem>>[vector<16xi32>], vector<16xf32>,
          %add3A_291 = arith.addf %add3A_286, %gather3A_290 : vector<16xf32>
          %add3A_292 = arith.constant 6 : i32
          %add3A_293 = vector.broadcast %add3A_292 : i32 to vector<16xi32>
          %add3A_294 = arith.addi %add3A_261, %add3A_293 : vector<16xi32>
          %gather3A_295 = tpu.vector_load_idx %arg14[%add3A_294] : memref<832xf32, #tpu.memory_space<vmem>>[vector<16xi32>], vector<16xf32>,
          %add3A_296 = arith.addf %add3A_291, %gather3A_295 : vector<16xf32>
          %add3A_297 = arith.constant 7 : i32
          %add3A_298 = vector.broadcast %add3A_297 : i32 to vector<16xi32>
          %add3A_299 = arith.addi %add3A_261, %add3A_298 : vector<16xi32>
          %gather3A_300 = tpu.vector_load_idx %arg14[%add3A_299] : memref<832xf32, #tpu.memory_space<vmem>>[vector<16xi32>], vector<16xf32>,
          %add3A_301 = arith.addf %add3A_296, %gather3A_300 : vector<16xf32>
          %add3A_302 = arith.constant 8 : i32
          %add3A_303 = vector.broadcast %add3A_302 : i32 to vector<16xi32>
          %add3A_304 = arith.addi %add3A_261, %add3A_303 : vector<16xi32>
          %gather3A_305 = tpu.vector_load_idx %arg14[%add3A_304] : memref<832xf32, #tpu.memory_space<vmem>>[vector<16xi32>], vector<16xf32>,
          %add3A_306 = arith.addf %add3A_301, %gather3A_305 : vector<16xf32>
          %add3A_307 = arith.constant 9 : i32
          %add3A_308 = vector.broadcast %add3A_307 : i32 to vector<16xi32>
          %add3A_309 = arith.addi %add3A_261, %add3A_308 : vector<16xi32>
          %gather3A_310 = tpu.vector_load_idx %arg14[%add3A_309] : memref<832xf32, #tpu.memory_space<vmem>>[vector<16xi32>], vector<16xf32>,
          %add3A_311 = arith.addf %add3A_306, %gather3A_310 : vector<16xf32>
          %add3A_312 = arith.constant 10 : i32
          %add3A_313 = vector.broadcast %add3A_312 : i32 to vector<16xi32>
          %add3A_314 = arith.addi %add3A_261, %add3A_313 : vector<16xi32>
          %gather3A_315 = tpu.vector_load_idx %arg14[%add3A_314] : memref<832xf32, #tpu.memory_space<vmem>>[vector<16xi32>], vector<16xf32>,
          %add3A_316 = arith.addf %add3A_311, %gather3A_315 : vector<16xf32>
          %add3A_317 = arith.constant 11 : i32
          %add3A_318 = vector.broadcast %add3A_317 : i32 to vector<16xi32>
          %add3A_319 = arith.addi %add3A_261, %add3A_318 : vector<16xi32>
          %gather3A_320 = tpu.vector_load_idx %arg14[%add3A_319] : memref<832xf32, #tpu.memory_space<vmem>>[vector<16xi32>], vector<16xf32>,
          %add3A_321 = arith.addf %add3A_316, %gather3A_320 : vector<16xf32>
          %add3A_322 = arith.constant 12 : i32
          %add3A_323 = vector.broadcast %add3A_322 : i32 to vector<16xi32>
          %add3A_324 = arith.addi %add3A_261, %add3A_323 : vector<16xi32>
          %gather3A_325 = tpu.vector_load_idx %arg14[%add3A_324] : memref<832xf32, #tpu.memory_space<vmem>>[vector<16xi32>], vector<16xf32>,
          %add3A_326 = arith.addf %add3A_321, %gather3A_325 : vector<16xf32>
          %add3A_327 = arith.constant 13 : i32
          %add3A_328 = vector.broadcast %add3A_327 : i32 to vector<16xi32>
          %add3A_329 = arith.addi %add3A_261, %add3A_328 : vector<16xi32>
          %gather3A_330 = tpu.vector_load_idx %arg14[%add3A_329] : memref<832xf32, #tpu.memory_space<vmem>>[vector<16xi32>], vector<16xf32>,
          %add3A_331 = arith.addf %add3A_326, %gather3A_330 : vector<16xf32>
          %add3A_332 = arith.constant 14 : i32
          %add3A_333 = vector.broadcast %add3A_332 : i32 to vector<16xi32>
          %add3A_334 = arith.addi %add3A_261, %add3A_333 : vector<16xi32>
          %gather3A_335 = tpu.vector_load_idx %arg14[%add3A_334] : memref<832xf32, #tpu.memory_space<vmem>>[vector<16xi32>], vector<16xf32>,
          %add3A_336 = arith.addf %add3A_331, %gather3A_335 : vector<16xf32>
          %add3A_337 = arith.constant 15 : i32
          %add3A_338 = vector.broadcast %add3A_337 : i32 to vector<16xi32>
          %add3A_339 = arith.addi %add3A_261, %add3A_338 : vector<16xi32>
          %gather3A_340 = tpu.vector_load_idx %arg14[%add3A_339] : memref<832xf32, #tpu.memory_space<vmem>>[vector<16xi32>], vector<16xf32>,
          %add3A_341 = arith.addf %add3A_336, %gather3A_340 : vector<16xf32>
          %add3A_342 = arith.constant 16 : i32
          %add3A_343 = vector.broadcast %add3A_342 : i32 to vector<16xi32>
          %add3A_344 = arith.addi %add3A_261, %add3A_343 : vector<16xi32>
          %gather3A_345 = tpu.vector_load_idx %arg14[%add3A_344] : memref<832xf32, #tpu.memory_space<vmem>>[vector<16xi32>], vector<16xf32>,
          %add3A_346 = arith.addf %add3A_341, %gather3A_345 : vector<16xf32>
          %add3A_347 = arith.constant 17 : i32
          %add3A_348 = vector.broadcast %add3A_347 : i32 to vector<16xi32>
          %add3A_349 = arith.addi %add3A_261, %add3A_348 : vector<16xi32>
          %gather3A_350 = tpu.vector_load_idx %arg14[%add3A_349] : memref<832xf32, #tpu.memory_space<vmem>>[vector<16xi32>], vector<16xf32>,
          %add3A_351 = arith.addf %add3A_346, %gather3A_350 : vector<16xf32>
          %add3A_352 = arith.constant 18 : i32
          %add3A_353 = vector.broadcast %add3A_352 : i32 to vector<16xi32>
          %add3A_354 = arith.addi %add3A_261, %add3A_353 : vector<16xi32>
          %gather3A_355 = tpu.vector_load_idx %arg14[%add3A_354] : memref<832xf32, #tpu.memory_space<vmem>>[vector<16xi32>], vector<16xf32>,
          %add3A_356 = arith.addf %add3A_351, %gather3A_355 : vector<16xf32>
          %add3A_357 = arith.constant 19 : i32
          %add3A_358 = vector.broadcast %add3A_357 : i32 to vector<16xi32>
          %add3A_359 = arith.addi %add3A_261, %add3A_358 : vector<16xi32>
          %gather3A_360 = tpu.vector_load_idx %arg14[%add3A_359] : memref<832xf32, #tpu.memory_space<vmem>>[vector<16xi32>], vector<16xf32>,
          %add3A_361 = arith.addf %add3A_356, %gather3A_360 : vector<16xf32>
          %add3A_362 = arith.constant 20 : i32
          %add3A_363 = vector.broadcast %add3A_362 : i32 to vector<16xi32>
          %add3A_364 = arith.addi %add3A_261, %add3A_363 : vector<16xi32>
          %gather3A_365 = tpu.vector_load_idx %arg14[%add3A_364] : memref<832xf32, #tpu.memory_space<vmem>>[vector<16xi32>], vector<16xf32>,
          %add3A_366 = arith.addf %add3A_361, %gather3A_365 : vector<16xf32>
          %add3A_367 = arith.constant 21 : i32
          %add3A_368 = vector.broadcast %add3A_367 : i32 to vector<16xi32>
          %add3A_369 = arith.addi %add3A_261, %add3A_368 : vector<16xi32>
          %gather3A_370 = tpu.vector_load_idx %arg14[%add3A_369] : memref<832xf32, #tpu.memory_space<vmem>>[vector<16xi32>], vector<16xf32>,
          %add3A_371 = arith.addf %add3A_366, %gather3A_370 : vector<16xf32>
          %add3A_372 = arith.constant 22 : i32
          %add3A_373 = vector.broadcast %add3A_372 : i32 to vector<16xi32>
          %add3A_374 = arith.addi %add3A_261, %add3A_373 : vector<16xi32>
          %gather3A_375 = tpu.vector_load_idx %arg14[%add3A_374] : memref<832xf32, #tpu.memory_space<vmem>>[vector<16xi32>], vector<16xf32>,
          %add3A_376 = arith.addf %add3A_371, %gather3A_375 : vector<16xf32>
          %add3A_377 = arith.constant 23 : i32
          %add3A_378 = vector.broadcast %add3A_377 : i32 to vector<16xi32>
          %add3A_379 = arith.addi %add3A_261, %add3A_378 : vector<16xi32>
          %gather3A_380 = tpu.vector_load_idx %arg14[%add3A_379] : memref<832xf32, #tpu.memory_space<vmem>>[vector<16xi32>], vector<16xf32>,
          %add3A_381 = arith.addf %add3A_376, %gather3A_380 : vector<16xf32>
          %add3A_382 = arith.constant 24 : i32
          %add3A_383 = vector.broadcast %add3A_382 : i32 to vector<16xi32>
          %add3A_384 = arith.addi %add3A_261, %add3A_383 : vector<16xi32>
          %gather3A_385 = tpu.vector_load_idx %arg14[%add3A_384] : memref<832xf32, #tpu.memory_space<vmem>>[vector<16xi32>], vector<16xf32>,
          %add3A_386 = arith.addf %add3A_381, %gather3A_385 : vector<16xf32>
          %add3A_387 = arith.constant 25 : i32
          %add3A_388 = vector.broadcast %add3A_387 : i32 to vector<16xi32>
          %add3A_389 = arith.addi %add3A_261, %add3A_388 : vector<16xi32>
          %gather3A_390 = tpu.vector_load_idx %arg14[%add3A_389] : memref<832xf32, #tpu.memory_space<vmem>>[vector<16xi32>], vector<16xf32>,
          %add3A_391 = arith.addf %add3A_386, %gather3A_390 : vector<16xf32>
          %mul3A_392 = arith.constant 32 : i32
          %mul3A_393 = arith.muli %add3A_128, %mul3A_392 : i32
          %mul3A_394 = arith.constant 16 : i32
          %mul3A_395 = arith.muli %scan3A_257, %mul3A_394 : i32
          %add3A_396 = arith.addi %mul3A_393, %mul3A_395 : i32
          %swap3A = arith.index_cast %add3A_396 : i32 to index
          %swap3A_397 = tpu.vector_load %arg20[%swap3A] {strides = array<i32>} : memref<1024xf32, #tpu.memory_space<vmem>>, vector<16xf32>,
          tpu.vector_store %arg20[%swap3A], %add3A_391 {strides = array<i32>} : memref<1024xf32, #tpu.memory_space<vmem>>, vector<16xf32>,
        }
        %scan3A_139 = arith.constant 2 : i32
        %add3A_140 = arith.constant 8 : i32
        %add3A_141 = arith.addi %add3A_128, %add3A_140 : i32
        %lt3A_142 = arith.constant 32 : i32
        %lt3A_143 = arith.cmpi slt, %add3A_141, %lt3A_142 : i32
        %convert_element_type3A_144 = arith.extui %lt3A_143 : i1 to i32
        %cond3A_145 = arith.constant 0 : i32
        %cond3A_146 = arith.cmpi ne, %convert_element_type3A_144, %cond3A_145 : i32
        scf.if %cond3A_146 {
          %add3A_257 = arith.constant 8 : i32
          %add3A_258 = arith.addi %add3A_128, %add3A_257 : i32
          %mul3A_259 = arith.constant 832 : i32
          %mul3A_260 = arith.muli %add3A_258, %mul3A_259 : i32
          %dma_start3A_261 = tpu.memref_slice %arg11[%mul3A_260] : memref<26624xi32, #tpu.memory_space<vmem>> -> memref<832xi32, #tpu.memory_space<vmem>>
          %dma_start3A_262 = arith.constant 0 : i32
          %dma_start3A_263 = tpu.memref_slice %arg10[%dma_start3A_262] : memref<1000000xf32, #tpu.memory_space<vmem_shared>> -> memref<1000000xf32, #tpu.memory_space<vmem_shared>>
          tpu.enqueue_indirect_dma source(%dma_start3A_263 : memref<1000000xf32, #tpu.memory_space<vmem_shared>>) target(%arg14 : memref<832xf32, #tpu.memory_space<vmem>>) offsets(%dma_start3A_261 : memref<832xi32, #tpu.memory_space<vmem>>) semaphore(%arg26 : memref<!tpu.dma_semaphore, #tpu.memory_space<semaphore_mem>>)
        } else {
        }
        %mul3A_147 = arith.constant 8 : i32
        %mul3A_148 = arith.muli %mul3A_147, %scan3A_82 : i32
        %add3A_149 = arith.constant 3 : i32
        %add3A_150 = arith.addi %mul3A_148, %add3A_149 : i32
        %mul3A_151 = arith.constant 832 : i32
        %mul3A_152 = arith.muli %add3A_150, %mul3A_151 : i32
        %dma_wait3A_153 = tpu.memref_slice %arg11[%mul3A_152] : memref<26624xi32, #tpu.memory_space<vmem>> -> memref<832xi32, #tpu.memory_space<vmem>>
        %dma_wait3A_154 = arith.constant 0 : i32
        %dma_wait3A_155 = tpu.memref_slice %arg10[%dma_wait3A_154] : memref<1000000xf32, #tpu.memory_space<vmem_shared>> -> memref<1000000xf32, #tpu.memory_space<vmem_shared>>
        tpu.wait_indirect_dma semaphore(%arg27 : memref<!tpu.dma_semaphore, #tpu.memory_space<semaphore_mem>>) src(%dma_wait3A_155 : memref<1000000xf32, #tpu.memory_space<vmem_shared>>) dst(%arg15 : memref<832xf32, #tpu.memory_space<vmem>>)
        %scan3A_156 = arith.constant 0 : i32
        %scan3A_157 = arith.constant 0 : i32
        %scan3A_158 = arith.constant 2 : i32
        %scan3A_159 = arith.addi %scan3A_157, %scan3A_158 : i32
        %scan3A_160 = arith.constant 1 : i32
        scf.for %scan3A_257 = %scan3A_157 to %scan3A_159 step %scan3A_160  : i32 {
          %mul3A_258 = arith.constant 416 : i32
          %mul3A_259 = arith.muli %scan3A_257, %mul3A_258 : i32
          %add3A_260 = vector.broadcast %mul3A_259 : i32 to vector<16xi32>
          %add3A_261 = arith.addi %add3A_260, %mul3A_3 : vector<16xi32>
          %broadcast_in_dim3A = arith.constant 0.000000e+00 : f32
          %broadcast_in_dim3A_262 = vector.broadcast %broadcast_in_dim3A : f32 to vector<16xf32>
          %add3A_263 = arith.constant 0 : i32
          %add3A_264 = vector.broadcast %add3A_263 : i32 to vector<16xi32>
          %add3A_265 = arith.addi %add3A_261, %add3A_264 : vector<16xi32>
          %gather3A = tpu.vector_load_idx %arg15[%add3A_265] : memref<832xf32, #tpu.memory_space<vmem>>[vector<16xi32>], vector<16xf32>,
          %add3A_266 = arith.addf %broadcast_in_dim3A_262, %gather3A : vector<16xf32>
          %add3A_267 = arith.constant 1 : i32
          %add3A_268 = vector.broadcast %add3A_267 : i32 to vector<16xi32>
          %add3A_269 = arith.addi %add3A_261, %add3A_268 : vector<16xi32>
          %gather3A_270 = tpu.vector_load_idx %arg15[%add3A_269] : memref<832xf32, #tpu.memory_space<vmem>>[vector<16xi32>], vector<16xf32>,
          %add3A_271 = arith.addf %add3A_266, %gather3A_270 : vector<16xf32>
          %add3A_272 = arith.constant 2 : i32
          %add3A_273 = vector.broadcast %add3A_272 : i32 to vector<16xi32>
          %add3A_274 = arith.addi %add3A_261, %add3A_273 : vector<16xi32>
          %gather3A_275 = tpu.vector_load_idx %arg15[%add3A_274] : memref<832xf32, #tpu.memory_space<vmem>>[vector<16xi32>], vector<16xf32>,
          %add3A_276 = arith.addf %add3A_271, %gather3A_275 : vector<16xf32>
          %add3A_277 = arith.constant 3 : i32
          %add3A_278 = vector.broadcast %add3A_277 : i32 to vector<16xi32>
          %add3A_279 = arith.addi %add3A_261, %add3A_278 : vector<16xi32>
          %gather3A_280 = tpu.vector_load_idx %arg15[%add3A_279] : memref<832xf32, #tpu.memory_space<vmem>>[vector<16xi32>], vector<16xf32>,
          %add3A_281 = arith.addf %add3A_276, %gather3A_280 : vector<16xf32>
          %add3A_282 = arith.constant 4 : i32
          %add3A_283 = vector.broadcast %add3A_282 : i32 to vector<16xi32>
          %add3A_284 = arith.addi %add3A_261, %add3A_283 : vector<16xi32>
          %gather3A_285 = tpu.vector_load_idx %arg15[%add3A_284] : memref<832xf32, #tpu.memory_space<vmem>>[vector<16xi32>], vector<16xf32>,
          %add3A_286 = arith.addf %add3A_281, %gather3A_285 : vector<16xf32>
          %add3A_287 = arith.constant 5 : i32
          %add3A_288 = vector.broadcast %add3A_287 : i32 to vector<16xi32>
          %add3A_289 = arith.addi %add3A_261, %add3A_288 : vector<16xi32>
          %gather3A_290 = tpu.vector_load_idx %arg15[%add3A_289] : memref<832xf32, #tpu.memory_space<vmem>>[vector<16xi32>], vector<16xf32>,
          %add3A_291 = arith.addf %add3A_286, %gather3A_290 : vector<16xf32>
          %add3A_292 = arith.constant 6 : i32
          %add3A_293 = vector.broadcast %add3A_292 : i32 to vector<16xi32>
          %add3A_294 = arith.addi %add3A_261, %add3A_293 : vector<16xi32>
          %gather3A_295 = tpu.vector_load_idx %arg15[%add3A_294] : memref<832xf32, #tpu.memory_space<vmem>>[vector<16xi32>], vector<16xf32>,
          %add3A_296 = arith.addf %add3A_291, %gather3A_295 : vector<16xf32>
          %add3A_297 = arith.constant 7 : i32
          %add3A_298 = vector.broadcast %add3A_297 : i32 to vector<16xi32>
          %add3A_299 = arith.addi %add3A_261, %add3A_298 : vector<16xi32>
          %gather3A_300 = tpu.vector_load_idx %arg15[%add3A_299] : memref<832xf32, #tpu.memory_space<vmem>>[vector<16xi32>], vector<16xf32>,
          %add3A_301 = arith.addf %add3A_296, %gather3A_300 : vector<16xf32>
          %add3A_302 = arith.constant 8 : i32
          %add3A_303 = vector.broadcast %add3A_302 : i32 to vector<16xi32>
          %add3A_304 = arith.addi %add3A_261, %add3A_303 : vector<16xi32>
          %gather3A_305 = tpu.vector_load_idx %arg15[%add3A_304] : memref<832xf32, #tpu.memory_space<vmem>>[vector<16xi32>], vector<16xf32>,
          %add3A_306 = arith.addf %add3A_301, %gather3A_305 : vector<16xf32>
          %add3A_307 = arith.constant 9 : i32
          %add3A_308 = vector.broadcast %add3A_307 : i32 to vector<16xi32>
          %add3A_309 = arith.addi %add3A_261, %add3A_308 : vector<16xi32>
          %gather3A_310 = tpu.vector_load_idx %arg15[%add3A_309] : memref<832xf32, #tpu.memory_space<vmem>>[vector<16xi32>], vector<16xf32>,
          %add3A_311 = arith.addf %add3A_306, %gather3A_310 : vector<16xf32>
          %add3A_312 = arith.constant 10 : i32
          %add3A_313 = vector.broadcast %add3A_312 : i32 to vector<16xi32>
          %add3A_314 = arith.addi %add3A_261, %add3A_313 : vector<16xi32>
          %gather3A_315 = tpu.vector_load_idx %arg15[%add3A_314] : memref<832xf32, #tpu.memory_space<vmem>>[vector<16xi32>], vector<16xf32>,
          %add3A_316 = arith.addf %add3A_311, %gather3A_315 : vector<16xf32>
          %add3A_317 = arith.constant 11 : i32
          %add3A_318 = vector.broadcast %add3A_317 : i32 to vector<16xi32>
          %add3A_319 = arith.addi %add3A_261, %add3A_318 : vector<16xi32>
          %gather3A_320 = tpu.vector_load_idx %arg15[%add3A_319] : memref<832xf32, #tpu.memory_space<vmem>>[vector<16xi32>], vector<16xf32>,
          %add3A_321 = arith.addf %add3A_316, %gather3A_320 : vector<16xf32>
          %add3A_322 = arith.constant 12 : i32
          %add3A_323 = vector.broadcast %add3A_322 : i32 to vector<16xi32>
          %add3A_324 = arith.addi %add3A_261, %add3A_323 : vector<16xi32>
          %gather3A_325 = tpu.vector_load_idx %arg15[%add3A_324] : memref<832xf32, #tpu.memory_space<vmem>>[vector<16xi32>], vector<16xf32>,
          %add3A_326 = arith.addf %add3A_321, %gather3A_325 : vector<16xf32>
          %add3A_327 = arith.constant 13 : i32
          %add3A_328 = vector.broadcast %add3A_327 : i32 to vector<16xi32>
          %add3A_329 = arith.addi %add3A_261, %add3A_328 : vector<16xi32>
          %gather3A_330 = tpu.vector_load_idx %arg15[%add3A_329] : memref<832xf32, #tpu.memory_space<vmem>>[vector<16xi32>], vector<16xf32>,
          %add3A_331 = arith.addf %add3A_326, %gather3A_330 : vector<16xf32>
          %add3A_332 = arith.constant 14 : i32
          %add3A_333 = vector.broadcast %add3A_332 : i32 to vector<16xi32>
          %add3A_334 = arith.addi %add3A_261, %add3A_333 : vector<16xi32>
          %gather3A_335 = tpu.vector_load_idx %arg15[%add3A_334] : memref<832xf32, #tpu.memory_space<vmem>>[vector<16xi32>], vector<16xf32>,
          %add3A_336 = arith.addf %add3A_331, %gather3A_335 : vector<16xf32>
          %add3A_337 = arith.constant 15 : i32
          %add3A_338 = vector.broadcast %add3A_337 : i32 to vector<16xi32>
          %add3A_339 = arith.addi %add3A_261, %add3A_338 : vector<16xi32>
          %gather3A_340 = tpu.vector_load_idx %arg15[%add3A_339] : memref<832xf32, #tpu.memory_space<vmem>>[vector<16xi32>], vector<16xf32>,
          %add3A_341 = arith.addf %add3A_336, %gather3A_340 : vector<16xf32>
          %add3A_342 = arith.constant 16 : i32
          %add3A_343 = vector.broadcast %add3A_342 : i32 to vector<16xi32>
          %add3A_344 = arith.addi %add3A_261, %add3A_343 : vector<16xi32>
          %gather3A_345 = tpu.vector_load_idx %arg15[%add3A_344] : memref<832xf32, #tpu.memory_space<vmem>>[vector<16xi32>], vector<16xf32>,
          %add3A_346 = arith.addf %add3A_341, %gather3A_345 : vector<16xf32>
          %add3A_347 = arith.constant 17 : i32
          %add3A_348 = vector.broadcast %add3A_347 : i32 to vector<16xi32>
          %add3A_349 = arith.addi %add3A_261, %add3A_348 : vector<16xi32>
          %gather3A_350 = tpu.vector_load_idx %arg15[%add3A_349] : memref<832xf32, #tpu.memory_space<vmem>>[vector<16xi32>], vector<16xf32>,
          %add3A_351 = arith.addf %add3A_346, %gather3A_350 : vector<16xf32>
          %add3A_352 = arith.constant 18 : i32
          %add3A_353 = vector.broadcast %add3A_352 : i32 to vector<16xi32>
          %add3A_354 = arith.addi %add3A_261, %add3A_353 : vector<16xi32>
          %gather3A_355 = tpu.vector_load_idx %arg15[%add3A_354] : memref<832xf32, #tpu.memory_space<vmem>>[vector<16xi32>], vector<16xf32>,
          %add3A_356 = arith.addf %add3A_351, %gather3A_355 : vector<16xf32>
          %add3A_357 = arith.constant 19 : i32
          %add3A_358 = vector.broadcast %add3A_357 : i32 to vector<16xi32>
          %add3A_359 = arith.addi %add3A_261, %add3A_358 : vector<16xi32>
          %gather3A_360 = tpu.vector_load_idx %arg15[%add3A_359] : memref<832xf32, #tpu.memory_space<vmem>>[vector<16xi32>], vector<16xf32>,
          %add3A_361 = arith.addf %add3A_356, %gather3A_360 : vector<16xf32>
          %add3A_362 = arith.constant 20 : i32
          %add3A_363 = vector.broadcast %add3A_362 : i32 to vector<16xi32>
          %add3A_364 = arith.addi %add3A_261, %add3A_363 : vector<16xi32>
          %gather3A_365 = tpu.vector_load_idx %arg15[%add3A_364] : memref<832xf32, #tpu.memory_space<vmem>>[vector<16xi32>], vector<16xf32>,
          %add3A_366 = arith.addf %add3A_361, %gather3A_365 : vector<16xf32>
          %add3A_367 = arith.constant 21 : i32
          %add3A_368 = vector.broadcast %add3A_367 : i32 to vector<16xi32>
          %add3A_369 = arith.addi %add3A_261, %add3A_368 : vector<16xi32>
          %gather3A_370 = tpu.vector_load_idx %arg15[%add3A_369] : memref<832xf32, #tpu.memory_space<vmem>>[vector<16xi32>], vector<16xf32>,
          %add3A_371 = arith.addf %add3A_366, %gather3A_370 : vector<16xf32>
          %add3A_372 = arith.constant 22 : i32
          %add3A_373 = vector.broadcast %add3A_372 : i32 to vector<16xi32>
          %add3A_374 = arith.addi %add3A_261, %add3A_373 : vector<16xi32>
          %gather3A_375 = tpu.vector_load_idx %arg15[%add3A_374] : memref<832xf32, #tpu.memory_space<vmem>>[vector<16xi32>], vector<16xf32>,
          %add3A_376 = arith.addf %add3A_371, %gather3A_375 : vector<16xf32>
          %add3A_377 = arith.constant 23 : i32
          %add3A_378 = vector.broadcast %add3A_377 : i32 to vector<16xi32>
          %add3A_379 = arith.addi %add3A_261, %add3A_378 : vector<16xi32>
          %gather3A_380 = tpu.vector_load_idx %arg15[%add3A_379] : memref<832xf32, #tpu.memory_space<vmem>>[vector<16xi32>], vector<16xf32>,
          %add3A_381 = arith.addf %add3A_376, %gather3A_380 : vector<16xf32>
          %add3A_382 = arith.constant 24 : i32
          %add3A_383 = vector.broadcast %add3A_382 : i32 to vector<16xi32>
          %add3A_384 = arith.addi %add3A_261, %add3A_383 : vector<16xi32>
          %gather3A_385 = tpu.vector_load_idx %arg15[%add3A_384] : memref<832xf32, #tpu.memory_space<vmem>>[vector<16xi32>], vector<16xf32>,
          %add3A_386 = arith.addf %add3A_381, %gather3A_385 : vector<16xf32>
          %add3A_387 = arith.constant 25 : i32
          %add3A_388 = vector.broadcast %add3A_387 : i32 to vector<16xi32>
          %add3A_389 = arith.addi %add3A_261, %add3A_388 : vector<16xi32>
          %gather3A_390 = tpu.vector_load_idx %arg15[%add3A_389] : memref<832xf32, #tpu.memory_space<vmem>>[vector<16xi32>], vector<16xf32>,
          %add3A_391 = arith.addf %add3A_386, %gather3A_390 : vector<16xf32>
          %mul3A_392 = arith.constant 32 : i32
          %mul3A_393 = arith.muli %add3A_150, %mul3A_392 : i32
          %mul3A_394 = arith.constant 16 : i32
          %mul3A_395 = arith.muli %scan3A_257, %mul3A_394 : i32
          %add3A_396 = arith.addi %mul3A_393, %mul3A_395 : i32
          %swap3A = arith.index_cast %add3A_396 : i32 to index
          %swap3A_397 = tpu.vector_load %arg20[%swap3A] {strides = array<i32>} : memref<1024xf32, #tpu.memory_space<vmem>>, vector<16xf32>,
          tpu.vector_store %arg20[%swap3A], %add3A_391 {strides = array<i32>} : memref<1024xf32, #tpu.memory_space<vmem>>, vector<16xf32>,
        }
        %scan3A_161 = arith.constant 2 : i32
        %add3A_162 = arith.constant 8 : i32
        %add3A_163 = arith.addi %add3A_150, %add3A_162 : i32
        %lt3A_164 = arith.constant 32 : i32
        %lt3A_165 = arith.cmpi slt, %add3A_163, %lt3A_164 : i32
        %convert_element_type3A_166 = arith.extui %lt3A_165 : i1 to i32
        %cond3A_167 = arith.constant 0 : i32
        %cond3A_168 = arith.cmpi ne, %convert_element_type3A_166, %cond3A_167 : i32
        scf.if %cond3A_168 {
          %add3A_257 = arith.constant 8 : i32
          %add3A_258 = arith.addi %add3A_150, %add3A_257 : i32
          %mul3A_259 = arith.constant 832 : i32
          %mul3A_260 = arith.muli %add3A_258, %mul3A_259 : i32
          %dma_start3A_261 = tpu.memref_slice %arg11[%mul3A_260] : memref<26624xi32, #tpu.memory_space<vmem>> -> memref<832xi32, #tpu.memory_space<vmem>>
          %dma_start3A_262 = arith.constant 0 : i32
          %dma_start3A_263 = tpu.memref_slice %arg10[%dma_start3A_262] : memref<1000000xf32, #tpu.memory_space<vmem_shared>> -> memref<1000000xf32, #tpu.memory_space<vmem_shared>>
          tpu.enqueue_indirect_dma source(%dma_start3A_263 : memref<1000000xf32, #tpu.memory_space<vmem_shared>>) target(%arg15 : memref<832xf32, #tpu.memory_space<vmem>>) offsets(%dma_start3A_261 : memref<832xi32, #tpu.memory_space<vmem>>) semaphore(%arg27 : memref<!tpu.dma_semaphore, #tpu.memory_space<semaphore_mem>>)
        } else {
        }
        %mul3A_169 = arith.constant 8 : i32
        %mul3A_170 = arith.muli %mul3A_169, %scan3A_82 : i32
        %add3A_171 = arith.constant 4 : i32
        %add3A_172 = arith.addi %mul3A_170, %add3A_171 : i32
        %mul3A_173 = arith.constant 832 : i32
        %mul3A_174 = arith.muli %add3A_172, %mul3A_173 : i32
        %dma_wait3A_175 = tpu.memref_slice %arg11[%mul3A_174] : memref<26624xi32, #tpu.memory_space<vmem>> -> memref<832xi32, #tpu.memory_space<vmem>>
        %dma_wait3A_176 = arith.constant 0 : i32
        %dma_wait3A_177 = tpu.memref_slice %arg10[%dma_wait3A_176] : memref<1000000xf32, #tpu.memory_space<vmem_shared>> -> memref<1000000xf32, #tpu.memory_space<vmem_shared>>
        tpu.wait_indirect_dma semaphore(%arg28 : memref<!tpu.dma_semaphore, #tpu.memory_space<semaphore_mem>>) src(%dma_wait3A_177 : memref<1000000xf32, #tpu.memory_space<vmem_shared>>) dst(%arg16 : memref<832xf32, #tpu.memory_space<vmem>>)
        %scan3A_178 = arith.constant 0 : i32
        %scan3A_179 = arith.constant 0 : i32
        %scan3A_180 = arith.constant 2 : i32
        %scan3A_181 = arith.addi %scan3A_179, %scan3A_180 : i32
        %scan3A_182 = arith.constant 1 : i32
        scf.for %scan3A_257 = %scan3A_179 to %scan3A_181 step %scan3A_182  : i32 {
          %mul3A_258 = arith.constant 416 : i32
          %mul3A_259 = arith.muli %scan3A_257, %mul3A_258 : i32
          %add3A_260 = vector.broadcast %mul3A_259 : i32 to vector<16xi32>
          %add3A_261 = arith.addi %add3A_260, %mul3A_3 : vector<16xi32>
          %broadcast_in_dim3A = arith.constant 0.000000e+00 : f32
          %broadcast_in_dim3A_262 = vector.broadcast %broadcast_in_dim3A : f32 to vector<16xf32>
          %add3A_263 = arith.constant 0 : i32
          %add3A_264 = vector.broadcast %add3A_263 : i32 to vector<16xi32>
          %add3A_265 = arith.addi %add3A_261, %add3A_264 : vector<16xi32>
          %gather3A = tpu.vector_load_idx %arg16[%add3A_265] : memref<832xf32, #tpu.memory_space<vmem>>[vector<16xi32>], vector<16xf32>,
          %add3A_266 = arith.addf %broadcast_in_dim3A_262, %gather3A : vector<16xf32>
          %add3A_267 = arith.constant 1 : i32
          %add3A_268 = vector.broadcast %add3A_267 : i32 to vector<16xi32>
          %add3A_269 = arith.addi %add3A_261, %add3A_268 : vector<16xi32>
          %gather3A_270 = tpu.vector_load_idx %arg16[%add3A_269] : memref<832xf32, #tpu.memory_space<vmem>>[vector<16xi32>], vector<16xf32>,
          %add3A_271 = arith.addf %add3A_266, %gather3A_270 : vector<16xf32>
          %add3A_272 = arith.constant 2 : i32
          %add3A_273 = vector.broadcast %add3A_272 : i32 to vector<16xi32>
          %add3A_274 = arith.addi %add3A_261, %add3A_273 : vector<16xi32>
          %gather3A_275 = tpu.vector_load_idx %arg16[%add3A_274] : memref<832xf32, #tpu.memory_space<vmem>>[vector<16xi32>], vector<16xf32>,
          %add3A_276 = arith.addf %add3A_271, %gather3A_275 : vector<16xf32>
          %add3A_277 = arith.constant 3 : i32
          %add3A_278 = vector.broadcast %add3A_277 : i32 to vector<16xi32>
          %add3A_279 = arith.addi %add3A_261, %add3A_278 : vector<16xi32>
          %gather3A_280 = tpu.vector_load_idx %arg16[%add3A_279] : memref<832xf32, #tpu.memory_space<vmem>>[vector<16xi32>], vector<16xf32>,
          %add3A_281 = arith.addf %add3A_276, %gather3A_280 : vector<16xf32>
          %add3A_282 = arith.constant 4 : i32
          %add3A_283 = vector.broadcast %add3A_282 : i32 to vector<16xi32>
          %add3A_284 = arith.addi %add3A_261, %add3A_283 : vector<16xi32>
          %gather3A_285 = tpu.vector_load_idx %arg16[%add3A_284] : memref<832xf32, #tpu.memory_space<vmem>>[vector<16xi32>], vector<16xf32>,
          %add3A_286 = arith.addf %add3A_281, %gather3A_285 : vector<16xf32>
          %add3A_287 = arith.constant 5 : i32
          %add3A_288 = vector.broadcast %add3A_287 : i32 to vector<16xi32>
          %add3A_289 = arith.addi %add3A_261, %add3A_288 : vector<16xi32>
          %gather3A_290 = tpu.vector_load_idx %arg16[%add3A_289] : memref<832xf32, #tpu.memory_space<vmem>>[vector<16xi32>], vector<16xf32>,
          %add3A_291 = arith.addf %add3A_286, %gather3A_290 : vector<16xf32>
          %add3A_292 = arith.constant 6 : i32
          %add3A_293 = vector.broadcast %add3A_292 : i32 to vector<16xi32>
          %add3A_294 = arith.addi %add3A_261, %add3A_293 : vector<16xi32>
          %gather3A_295 = tpu.vector_load_idx %arg16[%add3A_294] : memref<832xf32, #tpu.memory_space<vmem>>[vector<16xi32>], vector<16xf32>,
          %add3A_296 = arith.addf %add3A_291, %gather3A_295 : vector<16xf32>
          %add3A_297 = arith.constant 7 : i32
          %add3A_298 = vector.broadcast %add3A_297 : i32 to vector<16xi32>
          %add3A_299 = arith.addi %add3A_261, %add3A_298 : vector<16xi32>
          %gather3A_300 = tpu.vector_load_idx %arg16[%add3A_299] : memref<832xf32, #tpu.memory_space<vmem>>[vector<16xi32>], vector<16xf32>,
          %add3A_301 = arith.addf %add3A_296, %gather3A_300 : vector<16xf32>
          %add3A_302 = arith.constant 8 : i32
          %add3A_303 = vector.broadcast %add3A_302 : i32 to vector<16xi32>
          %add3A_304 = arith.addi %add3A_261, %add3A_303 : vector<16xi32>
          %gather3A_305 = tpu.vector_load_idx %arg16[%add3A_304] : memref<832xf32, #tpu.memory_space<vmem>>[vector<16xi32>], vector<16xf32>,
          %add3A_306 = arith.addf %add3A_301, %gather3A_305 : vector<16xf32>
          %add3A_307 = arith.constant 9 : i32
          %add3A_308 = vector.broadcast %add3A_307 : i32 to vector<16xi32>
          %add3A_309 = arith.addi %add3A_261, %add3A_308 : vector<16xi32>
          %gather3A_310 = tpu.vector_load_idx %arg16[%add3A_309] : memref<832xf32, #tpu.memory_space<vmem>>[vector<16xi32>], vector<16xf32>,
          %add3A_311 = arith.addf %add3A_306, %gather3A_310 : vector<16xf32>
          %add3A_312 = arith.constant 10 : i32
          %add3A_313 = vector.broadcast %add3A_312 : i32 to vector<16xi32>
          %add3A_314 = arith.addi %add3A_261, %add3A_313 : vector<16xi32>
          %gather3A_315 = tpu.vector_load_idx %arg16[%add3A_314] : memref<832xf32, #tpu.memory_space<vmem>>[vector<16xi32>], vector<16xf32>,
          %add3A_316 = arith.addf %add3A_311, %gather3A_315 : vector<16xf32>
          %add3A_317 = arith.constant 11 : i32
          %add3A_318 = vector.broadcast %add3A_317 : i32 to vector<16xi32>
          %add3A_319 = arith.addi %add3A_261, %add3A_318 : vector<16xi32>
          %gather3A_320 = tpu.vector_load_idx %arg16[%add3A_319] : memref<832xf32, #tpu.memory_space<vmem>>[vector<16xi32>], vector<16xf32>,
          %add3A_321 = arith.addf %add3A_316, %gather3A_320 : vector<16xf32>
          %add3A_322 = arith.constant 12 : i32
          %add3A_323 = vector.broadcast %add3A_322 : i32 to vector<16xi32>
          %add3A_324 = arith.addi %add3A_261, %add3A_323 : vector<16xi32>
          %gather3A_325 = tpu.vector_load_idx %arg16[%add3A_324] : memref<832xf32, #tpu.memory_space<vmem>>[vector<16xi32>], vector<16xf32>,
          %add3A_326 = arith.addf %add3A_321, %gather3A_325 : vector<16xf32>
          %add3A_327 = arith.constant 13 : i32
          %add3A_328 = vector.broadcast %add3A_327 : i32 to vector<16xi32>
          %add3A_329 = arith.addi %add3A_261, %add3A_328 : vector<16xi32>
          %gather3A_330 = tpu.vector_load_idx %arg16[%add3A_329] : memref<832xf32, #tpu.memory_space<vmem>>[vector<16xi32>], vector<16xf32>,
          %add3A_331 = arith.addf %add3A_326, %gather3A_330 : vector<16xf32>
          %add3A_332 = arith.constant 14 : i32
          %add3A_333 = vector.broadcast %add3A_332 : i32 to vector<16xi32>
          %add3A_334 = arith.addi %add3A_261, %add3A_333 : vector<16xi32>
          %gather3A_335 = tpu.vector_load_idx %arg16[%add3A_334] : memref<832xf32, #tpu.memory_space<vmem>>[vector<16xi32>], vector<16xf32>,
          %add3A_336 = arith.addf %add3A_331, %gather3A_335 : vector<16xf32>
          %add3A_337 = arith.constant 15 : i32
          %add3A_338 = vector.broadcast %add3A_337 : i32 to vector<16xi32>
          %add3A_339 = arith.addi %add3A_261, %add3A_338 : vector<16xi32>
          %gather3A_340 = tpu.vector_load_idx %arg16[%add3A_339] : memref<832xf32, #tpu.memory_space<vmem>>[vector<16xi32>], vector<16xf32>,
          %add3A_341 = arith.addf %add3A_336, %gather3A_340 : vector<16xf32>
          %add3A_342 = arith.constant 16 : i32
          %add3A_343 = vector.broadcast %add3A_342 : i32 to vector<16xi32>
          %add3A_344 = arith.addi %add3A_261, %add3A_343 : vector<16xi32>
          %gather3A_345 = tpu.vector_load_idx %arg16[%add3A_344] : memref<832xf32, #tpu.memory_space<vmem>>[vector<16xi32>], vector<16xf32>,
          %add3A_346 = arith.addf %add3A_341, %gather3A_345 : vector<16xf32>
          %add3A_347 = arith.constant 17 : i32
          %add3A_348 = vector.broadcast %add3A_347 : i32 to vector<16xi32>
          %add3A_349 = arith.addi %add3A_261, %add3A_348 : vector<16xi32>
          %gather3A_350 = tpu.vector_load_idx %arg16[%add3A_349] : memref<832xf32, #tpu.memory_space<vmem>>[vector<16xi32>], vector<16xf32>,
          %add3A_351 = arith.addf %add3A_346, %gather3A_350 : vector<16xf32>
          %add3A_352 = arith.constant 18 : i32
          %add3A_353 = vector.broadcast %add3A_352 : i32 to vector<16xi32>
          %add3A_354 = arith.addi %add3A_261, %add3A_353 : vector<16xi32>
          %gather3A_355 = tpu.vector_load_idx %arg16[%add3A_354] : memref<832xf32, #tpu.memory_space<vmem>>[vector<16xi32>], vector<16xf32>,
          %add3A_356 = arith.addf %add3A_351, %gather3A_355 : vector<16xf32>
          %add3A_357 = arith.constant 19 : i32
          %add3A_358 = vector.broadcast %add3A_357 : i32 to vector<16xi32>
          %add3A_359 = arith.addi %add3A_261, %add3A_358 : vector<16xi32>
          %gather3A_360 = tpu.vector_load_idx %arg16[%add3A_359] : memref<832xf32, #tpu.memory_space<vmem>>[vector<16xi32>], vector<16xf32>,
          %add3A_361 = arith.addf %add3A_356, %gather3A_360 : vector<16xf32>
          %add3A_362 = arith.constant 20 : i32
          %add3A_363 = vector.broadcast %add3A_362 : i32 to vector<16xi32>
          %add3A_364 = arith.addi %add3A_261, %add3A_363 : vector<16xi32>
          %gather3A_365 = tpu.vector_load_idx %arg16[%add3A_364] : memref<832xf32, #tpu.memory_space<vmem>>[vector<16xi32>], vector<16xf32>,
          %add3A_366 = arith.addf %add3A_361, %gather3A_365 : vector<16xf32>
          %add3A_367 = arith.constant 21 : i32
          %add3A_368 = vector.broadcast %add3A_367 : i32 to vector<16xi32>
          %add3A_369 = arith.addi %add3A_261, %add3A_368 : vector<16xi32>
          %gather3A_370 = tpu.vector_load_idx %arg16[%add3A_369] : memref<832xf32, #tpu.memory_space<vmem>>[vector<16xi32>], vector<16xf32>,
          %add3A_371 = arith.addf %add3A_366, %gather3A_370 : vector<16xf32>
          %add3A_372 = arith.constant 22 : i32
          %add3A_373 = vector.broadcast %add3A_372 : i32 to vector<16xi32>
          %add3A_374 = arith.addi %add3A_261, %add3A_373 : vector<16xi32>
          %gather3A_375 = tpu.vector_load_idx %arg16[%add3A_374] : memref<832xf32, #tpu.memory_space<vmem>>[vector<16xi32>], vector<16xf32>,
          %add3A_376 = arith.addf %add3A_371, %gather3A_375 : vector<16xf32>
          %add3A_377 = arith.constant 23 : i32
          %add3A_378 = vector.broadcast %add3A_377 : i32 to vector<16xi32>
          %add3A_379 = arith.addi %add3A_261, %add3A_378 : vector<16xi32>
          %gather3A_380 = tpu.vector_load_idx %arg16[%add3A_379] : memref<832xf32, #tpu.memory_space<vmem>>[vector<16xi32>], vector<16xf32>,
          %add3A_381 = arith.addf %add3A_376, %gather3A_380 : vector<16xf32>
          %add3A_382 = arith.constant 24 : i32
          %add3A_383 = vector.broadcast %add3A_382 : i32 to vector<16xi32>
          %add3A_384 = arith.addi %add3A_261, %add3A_383 : vector<16xi32>
          %gather3A_385 = tpu.vector_load_idx %arg16[%add3A_384] : memref<832xf32, #tpu.memory_space<vmem>>[vector<16xi32>], vector<16xf32>,
          %add3A_386 = arith.addf %add3A_381, %gather3A_385 : vector<16xf32>
          %add3A_387 = arith.constant 25 : i32
          %add3A_388 = vector.broadcast %add3A_387 : i32 to vector<16xi32>
          %add3A_389 = arith.addi %add3A_261, %add3A_388 : vector<16xi32>
          %gather3A_390 = tpu.vector_load_idx %arg16[%add3A_389] : memref<832xf32, #tpu.memory_space<vmem>>[vector<16xi32>], vector<16xf32>,
          %add3A_391 = arith.addf %add3A_386, %gather3A_390 : vector<16xf32>
          %mul3A_392 = arith.constant 32 : i32
          %mul3A_393 = arith.muli %add3A_172, %mul3A_392 : i32
          %mul3A_394 = arith.constant 16 : i32
          %mul3A_395 = arith.muli %scan3A_257, %mul3A_394 : i32
          %add3A_396 = arith.addi %mul3A_393, %mul3A_395 : i32
          %swap3A = arith.index_cast %add3A_396 : i32 to index
          %swap3A_397 = tpu.vector_load %arg20[%swap3A] {strides = array<i32>} : memref<1024xf32, #tpu.memory_space<vmem>>, vector<16xf32>,
          tpu.vector_store %arg20[%swap3A], %add3A_391 {strides = array<i32>} : memref<1024xf32, #tpu.memory_space<vmem>>, vector<16xf32>,
        }
        %scan3A_183 = arith.constant 2 : i32
        %add3A_184 = arith.constant 8 : i32
        %add3A_185 = arith.addi %add3A_172, %add3A_184 : i32
        %lt3A_186 = arith.constant 32 : i32
        %lt3A_187 = arith.cmpi slt, %add3A_185, %lt3A_186 : i32
        %convert_element_type3A_188 = arith.extui %lt3A_187 : i1 to i32
        %cond3A_189 = arith.constant 0 : i32
        %cond3A_190 = arith.cmpi ne, %convert_element_type3A_188, %cond3A_189 : i32
        scf.if %cond3A_190 {
          %add3A_257 = arith.constant 8 : i32
          %add3A_258 = arith.addi %add3A_172, %add3A_257 : i32
          %mul3A_259 = arith.constant 832 : i32
          %mul3A_260 = arith.muli %add3A_258, %mul3A_259 : i32
          %dma_start3A_261 = tpu.memref_slice %arg11[%mul3A_260] : memref<26624xi32, #tpu.memory_space<vmem>> -> memref<832xi32, #tpu.memory_space<vmem>>
          %dma_start3A_262 = arith.constant 0 : i32
          %dma_start3A_263 = tpu.memref_slice %arg10[%dma_start3A_262] : memref<1000000xf32, #tpu.memory_space<vmem_shared>> -> memref<1000000xf32, #tpu.memory_space<vmem_shared>>
          tpu.enqueue_indirect_dma source(%dma_start3A_263 : memref<1000000xf32, #tpu.memory_space<vmem_shared>>) target(%arg16 : memref<832xf32, #tpu.memory_space<vmem>>) offsets(%dma_start3A_261 : memref<832xi32, #tpu.memory_space<vmem>>) semaphore(%arg28 : memref<!tpu.dma_semaphore, #tpu.memory_space<semaphore_mem>>)
        } else {
        }
        %mul3A_191 = arith.constant 8 : i32
        %mul3A_192 = arith.muli %mul3A_191, %scan3A_82 : i32
        %add3A_193 = arith.constant 5 : i32
        %add3A_194 = arith.addi %mul3A_192, %add3A_193 : i32
        %mul3A_195 = arith.constant 832 : i32
        %mul3A_196 = arith.muli %add3A_194, %mul3A_195 : i32
        %dma_wait3A_197 = tpu.memref_slice %arg11[%mul3A_196] : memref<26624xi32, #tpu.memory_space<vmem>> -> memref<832xi32, #tpu.memory_space<vmem>>
        %dma_wait3A_198 = arith.constant 0 : i32
        %dma_wait3A_199 = tpu.memref_slice %arg10[%dma_wait3A_198] : memref<1000000xf32, #tpu.memory_space<vmem_shared>> -> memref<1000000xf32, #tpu.memory_space<vmem_shared>>
        tpu.wait_indirect_dma semaphore(%arg29 : memref<!tpu.dma_semaphore, #tpu.memory_space<semaphore_mem>>) src(%dma_wait3A_199 : memref<1000000xf32, #tpu.memory_space<vmem_shared>>) dst(%arg17 : memref<832xf32, #tpu.memory_space<vmem>>)
        %scan3A_200 = arith.constant 0 : i32
        %scan3A_201 = arith.constant 0 : i32
        %scan3A_202 = arith.constant 2 : i32
        %scan3A_203 = arith.addi %scan3A_201, %scan3A_202 : i32
        %scan3A_204 = arith.constant 1 : i32
        scf.for %scan3A_257 = %scan3A_201 to %scan3A_203 step %scan3A_204  : i32 {
          %mul3A_258 = arith.constant 416 : i32
          %mul3A_259 = arith.muli %scan3A_257, %mul3A_258 : i32
          %add3A_260 = vector.broadcast %mul3A_259 : i32 to vector<16xi32>
          %add3A_261 = arith.addi %add3A_260, %mul3A_3 : vector<16xi32>
          %broadcast_in_dim3A = arith.constant 0.000000e+00 : f32
          %broadcast_in_dim3A_262 = vector.broadcast %broadcast_in_dim3A : f32 to vector<16xf32>
          %add3A_263 = arith.constant 0 : i32
          %add3A_264 = vector.broadcast %add3A_263 : i32 to vector<16xi32>
          %add3A_265 = arith.addi %add3A_261, %add3A_264 : vector<16xi32>
          %gather3A = tpu.vector_load_idx %arg17[%add3A_265] : memref<832xf32, #tpu.memory_space<vmem>>[vector<16xi32>], vector<16xf32>,
          %add3A_266 = arith.addf %broadcast_in_dim3A_262, %gather3A : vector<16xf32>
          %add3A_267 = arith.constant 1 : i32
          %add3A_268 = vector.broadcast %add3A_267 : i32 to vector<16xi32>
          %add3A_269 = arith.addi %add3A_261, %add3A_268 : vector<16xi32>
          %gather3A_270 = tpu.vector_load_idx %arg17[%add3A_269] : memref<832xf32, #tpu.memory_space<vmem>>[vector<16xi32>], vector<16xf32>,
          %add3A_271 = arith.addf %add3A_266, %gather3A_270 : vector<16xf32>
          %add3A_272 = arith.constant 2 : i32
          %add3A_273 = vector.broadcast %add3A_272 : i32 to vector<16xi32>
          %add3A_274 = arith.addi %add3A_261, %add3A_273 : vector<16xi32>
          %gather3A_275 = tpu.vector_load_idx %arg17[%add3A_274] : memref<832xf32, #tpu.memory_space<vmem>>[vector<16xi32>], vector<16xf32>,
          %add3A_276 = arith.addf %add3A_271, %gather3A_275 : vector<16xf32>
          %add3A_277 = arith.constant 3 : i32
          %add3A_278 = vector.broadcast %add3A_277 : i32 to vector<16xi32>
          %add3A_279 = arith.addi %add3A_261, %add3A_278 : vector<16xi32>
          %gather3A_280 = tpu.vector_load_idx %arg17[%add3A_279] : memref<832xf32, #tpu.memory_space<vmem>>[vector<16xi32>], vector<16xf32>,
          %add3A_281 = arith.addf %add3A_276, %gather3A_280 : vector<16xf32>
          %add3A_282 = arith.constant 4 : i32
          %add3A_283 = vector.broadcast %add3A_282 : i32 to vector<16xi32>
          %add3A_284 = arith.addi %add3A_261, %add3A_283 : vector<16xi32>
          %gather3A_285 = tpu.vector_load_idx %arg17[%add3A_284] : memref<832xf32, #tpu.memory_space<vmem>>[vector<16xi32>], vector<16xf32>,
          %add3A_286 = arith.addf %add3A_281, %gather3A_285 : vector<16xf32>
          %add3A_287 = arith.constant 5 : i32
          %add3A_288 = vector.broadcast %add3A_287 : i32 to vector<16xi32>
          %add3A_289 = arith.addi %add3A_261, %add3A_288 : vector<16xi32>
          %gather3A_290 = tpu.vector_load_idx %arg17[%add3A_289] : memref<832xf32, #tpu.memory_space<vmem>>[vector<16xi32>], vector<16xf32>,
          %add3A_291 = arith.addf %add3A_286, %gather3A_290 : vector<16xf32>
          %add3A_292 = arith.constant 6 : i32
          %add3A_293 = vector.broadcast %add3A_292 : i32 to vector<16xi32>
          %add3A_294 = arith.addi %add3A_261, %add3A_293 : vector<16xi32>
          %gather3A_295 = tpu.vector_load_idx %arg17[%add3A_294] : memref<832xf32, #tpu.memory_space<vmem>>[vector<16xi32>], vector<16xf32>,
          %add3A_296 = arith.addf %add3A_291, %gather3A_295 : vector<16xf32>
          %add3A_297 = arith.constant 7 : i32
          %add3A_298 = vector.broadcast %add3A_297 : i32 to vector<16xi32>
          %add3A_299 = arith.addi %add3A_261, %add3A_298 : vector<16xi32>
          %gather3A_300 = tpu.vector_load_idx %arg17[%add3A_299] : memref<832xf32, #tpu.memory_space<vmem>>[vector<16xi32>], vector<16xf32>,
          %add3A_301 = arith.addf %add3A_296, %gather3A_300 : vector<16xf32>
          %add3A_302 = arith.constant 8 : i32
          %add3A_303 = vector.broadcast %add3A_302 : i32 to vector<16xi32>
          %add3A_304 = arith.addi %add3A_261, %add3A_303 : vector<16xi32>
          %gather3A_305 = tpu.vector_load_idx %arg17[%add3A_304] : memref<832xf32, #tpu.memory_space<vmem>>[vector<16xi32>], vector<16xf32>,
          %add3A_306 = arith.addf %add3A_301, %gather3A_305 : vector<16xf32>
          %add3A_307 = arith.constant 9 : i32
          %add3A_308 = vector.broadcast %add3A_307 : i32 to vector<16xi32>
          %add3A_309 = arith.addi %add3A_261, %add3A_308 : vector<16xi32>
          %gather3A_310 = tpu.vector_load_idx %arg17[%add3A_309] : memref<832xf32, #tpu.memory_space<vmem>>[vector<16xi32>], vector<16xf32>,
          %add3A_311 = arith.addf %add3A_306, %gather3A_310 : vector<16xf32>
          %add3A_312 = arith.constant 10 : i32
          %add3A_313 = vector.broadcast %add3A_312 : i32 to vector<16xi32>
          %add3A_314 = arith.addi %add3A_261, %add3A_313 : vector<16xi32>
          %gather3A_315 = tpu.vector_load_idx %arg17[%add3A_314] : memref<832xf32, #tpu.memory_space<vmem>>[vector<16xi32>], vector<16xf32>,
          %add3A_316 = arith.addf %add3A_311, %gather3A_315 : vector<16xf32>
          %add3A_317 = arith.constant 11 : i32
          %add3A_318 = vector.broadcast %add3A_317 : i32 to vector<16xi32>
          %add3A_319 = arith.addi %add3A_261, %add3A_318 : vector<16xi32>
          %gather3A_320 = tpu.vector_load_idx %arg17[%add3A_319] : memref<832xf32, #tpu.memory_space<vmem>>[vector<16xi32>], vector<16xf32>,
          %add3A_321 = arith.addf %add3A_316, %gather3A_320 : vector<16xf32>
          %add3A_322 = arith.constant 12 : i32
          %add3A_323 = vector.broadcast %add3A_322 : i32 to vector<16xi32>
          %add3A_324 = arith.addi %add3A_261, %add3A_323 : vector<16xi32>
          %gather3A_325 = tpu.vector_load_idx %arg17[%add3A_324] : memref<832xf32, #tpu.memory_space<vmem>>[vector<16xi32>], vector<16xf32>,
          %add3A_326 = arith.addf %add3A_321, %gather3A_325 : vector<16xf32>
          %add3A_327 = arith.constant 13 : i32
          %add3A_328 = vector.broadcast %add3A_327 : i32 to vector<16xi32>
          %add3A_329 = arith.addi %add3A_261, %add3A_328 : vector<16xi32>
          %gather3A_330 = tpu.vector_load_idx %arg17[%add3A_329] : memref<832xf32, #tpu.memory_space<vmem>>[vector<16xi32>], vector<16xf32>,
          %add3A_331 = arith.addf %add3A_326, %gather3A_330 : vector<16xf32>
          %add3A_332 = arith.constant 14 : i32
          %add3A_333 = vector.broadcast %add3A_332 : i32 to vector<16xi32>
          %add3A_334 = arith.addi %add3A_261, %add3A_333 : vector<16xi32>
          %gather3A_335 = tpu.vector_load_idx %arg17[%add3A_334] : memref<832xf32, #tpu.memory_space<vmem>>[vector<16xi32>], vector<16xf32>,
          %add3A_336 = arith.addf %add3A_331, %gather3A_335 : vector<16xf32>
          %add3A_337 = arith.constant 15 : i32
          %add3A_338 = vector.broadcast %add3A_337 : i32 to vector<16xi32>
          %add3A_339 = arith.addi %add3A_261, %add3A_338 : vector<16xi32>
          %gather3A_340 = tpu.vector_load_idx %arg17[%add3A_339] : memref<832xf32, #tpu.memory_space<vmem>>[vector<16xi32>], vector<16xf32>,
          %add3A_341 = arith.addf %add3A_336, %gather3A_340 : vector<16xf32>
          %add3A_342 = arith.constant 16 : i32
          %add3A_343 = vector.broadcast %add3A_342 : i32 to vector<16xi32>
          %add3A_344 = arith.addi %add3A_261, %add3A_343 : vector<16xi32>
          %gather3A_345 = tpu.vector_load_idx %arg17[%add3A_344] : memref<832xf32, #tpu.memory_space<vmem>>[vector<16xi32>], vector<16xf32>,
          %add3A_346 = arith.addf %add3A_341, %gather3A_345 : vector<16xf32>
          %add3A_347 = arith.constant 17 : i32
          %add3A_348 = vector.broadcast %add3A_347 : i32 to vector<16xi32>
          %add3A_349 = arith.addi %add3A_261, %add3A_348 : vector<16xi32>
          %gather3A_350 = tpu.vector_load_idx %arg17[%add3A_349] : memref<832xf32, #tpu.memory_space<vmem>>[vector<16xi32>], vector<16xf32>,
          %add3A_351 = arith.addf %add3A_346, %gather3A_350 : vector<16xf32>
          %add3A_352 = arith.constant 18 : i32
          %add3A_353 = vector.broadcast %add3A_352 : i32 to vector<16xi32>
          %add3A_354 = arith.addi %add3A_261, %add3A_353 : vector<16xi32>
          %gather3A_355 = tpu.vector_load_idx %arg17[%add3A_354] : memref<832xf32, #tpu.memory_space<vmem>>[vector<16xi32>], vector<16xf32>,
          %add3A_356 = arith.addf %add3A_351, %gather3A_355 : vector<16xf32>
          %add3A_357 = arith.constant 19 : i32
          %add3A_358 = vector.broadcast %add3A_357 : i32 to vector<16xi32>
          %add3A_359 = arith.addi %add3A_261, %add3A_358 : vector<16xi32>
          %gather3A_360 = tpu.vector_load_idx %arg17[%add3A_359] : memref<832xf32, #tpu.memory_space<vmem>>[vector<16xi32>], vector<16xf32>,
          %add3A_361 = arith.addf %add3A_356, %gather3A_360 : vector<16xf32>
          %add3A_362 = arith.constant 20 : i32
          %add3A_363 = vector.broadcast %add3A_362 : i32 to vector<16xi32>
          %add3A_364 = arith.addi %add3A_261, %add3A_363 : vector<16xi32>
          %gather3A_365 = tpu.vector_load_idx %arg17[%add3A_364] : memref<832xf32, #tpu.memory_space<vmem>>[vector<16xi32>], vector<16xf32>,
          %add3A_366 = arith.addf %add3A_361, %gather3A_365 : vector<16xf32>
          %add3A_367 = arith.constant 21 : i32
          %add3A_368 = vector.broadcast %add3A_367 : i32 to vector<16xi32>
          %add3A_369 = arith.addi %add3A_261, %add3A_368 : vector<16xi32>
          %gather3A_370 = tpu.vector_load_idx %arg17[%add3A_369] : memref<832xf32, #tpu.memory_space<vmem>>[vector<16xi32>], vector<16xf32>,
          %add3A_371 = arith.addf %add3A_366, %gather3A_370 : vector<16xf32>
          %add3A_372 = arith.constant 22 : i32
          %add3A_373 = vector.broadcast %add3A_372 : i32 to vector<16xi32>
          %add3A_374 = arith.addi %add3A_261, %add3A_373 : vector<16xi32>
          %gather3A_375 = tpu.vector_load_idx %arg17[%add3A_374] : memref<832xf32, #tpu.memory_space<vmem>>[vector<16xi32>], vector<16xf32>,
          %add3A_376 = arith.addf %add3A_371, %gather3A_375 : vector<16xf32>
          %add3A_377 = arith.constant 23 : i32
          %add3A_378 = vector.broadcast %add3A_377 : i32 to vector<16xi32>
          %add3A_379 = arith.addi %add3A_261, %add3A_378 : vector<16xi32>
          %gather3A_380 = tpu.vector_load_idx %arg17[%add3A_379] : memref<832xf32, #tpu.memory_space<vmem>>[vector<16xi32>], vector<16xf32>,
          %add3A_381 = arith.addf %add3A_376, %gather3A_380 : vector<16xf32>
          %add3A_382 = arith.constant 24 : i32
          %add3A_383 = vector.broadcast %add3A_382 : i32 to vector<16xi32>
          %add3A_384 = arith.addi %add3A_261, %add3A_383 : vector<16xi32>
          %gather3A_385 = tpu.vector_load_idx %arg17[%add3A_384] : memref<832xf32, #tpu.memory_space<vmem>>[vector<16xi32>], vector<16xf32>,
          %add3A_386 = arith.addf %add3A_381, %gather3A_385 : vector<16xf32>
          %add3A_387 = arith.constant 25 : i32
          %add3A_388 = vector.broadcast %add3A_387 : i32 to vector<16xi32>
          %add3A_389 = arith.addi %add3A_261, %add3A_388 : vector<16xi32>
          %gather3A_390 = tpu.vector_load_idx %arg17[%add3A_389] : memref<832xf32, #tpu.memory_space<vmem>>[vector<16xi32>], vector<16xf32>,
          %add3A_391 = arith.addf %add3A_386, %gather3A_390 : vector<16xf32>
          %mul3A_392 = arith.constant 32 : i32
          %mul3A_393 = arith.muli %add3A_194, %mul3A_392 : i32
          %mul3A_394 = arith.constant 16 : i32
          %mul3A_395 = arith.muli %scan3A_257, %mul3A_394 : i32
          %add3A_396 = arith.addi %mul3A_393, %mul3A_395 : i32
          %swap3A = arith.index_cast %add3A_396 : i32 to index
          %swap3A_397 = tpu.vector_load %arg20[%swap3A] {strides = array<i32>} : memref<1024xf32, #tpu.memory_space<vmem>>, vector<16xf32>,
          tpu.vector_store %arg20[%swap3A], %add3A_391 {strides = array<i32>} : memref<1024xf32, #tpu.memory_space<vmem>>, vector<16xf32>,
        }
        %scan3A_205 = arith.constant 2 : i32
        %add3A_206 = arith.constant 8 : i32
        %add3A_207 = arith.addi %add3A_194, %add3A_206 : i32
        %lt3A_208 = arith.constant 32 : i32
        %lt3A_209 = arith.cmpi slt, %add3A_207, %lt3A_208 : i32
        %convert_element_type3A_210 = arith.extui %lt3A_209 : i1 to i32
        %cond3A_211 = arith.constant 0 : i32
        %cond3A_212 = arith.cmpi ne, %convert_element_type3A_210, %cond3A_211 : i32
        scf.if %cond3A_212 {
          %add3A_257 = arith.constant 8 : i32
          %add3A_258 = arith.addi %add3A_194, %add3A_257 : i32
          %mul3A_259 = arith.constant 832 : i32
          %mul3A_260 = arith.muli %add3A_258, %mul3A_259 : i32
          %dma_start3A_261 = tpu.memref_slice %arg11[%mul3A_260] : memref<26624xi32, #tpu.memory_space<vmem>> -> memref<832xi32, #tpu.memory_space<vmem>>
          %dma_start3A_262 = arith.constant 0 : i32
          %dma_start3A_263 = tpu.memref_slice %arg10[%dma_start3A_262] : memref<1000000xf32, #tpu.memory_space<vmem_shared>> -> memref<1000000xf32, #tpu.memory_space<vmem_shared>>
          tpu.enqueue_indirect_dma source(%dma_start3A_263 : memref<1000000xf32, #tpu.memory_space<vmem_shared>>) target(%arg17 : memref<832xf32, #tpu.memory_space<vmem>>) offsets(%dma_start3A_261 : memref<832xi32, #tpu.memory_space<vmem>>) semaphore(%arg29 : memref<!tpu.dma_semaphore, #tpu.memory_space<semaphore_mem>>)
        } else {
        }
        %mul3A_213 = arith.constant 8 : i32
        %mul3A_214 = arith.muli %mul3A_213, %scan3A_82 : i32
        %add3A_215 = arith.constant 6 : i32
        %add3A_216 = arith.addi %mul3A_214, %add3A_215 : i32
        %mul3A_217 = arith.constant 832 : i32
        %mul3A_218 = arith.muli %add3A_216, %mul3A_217 : i32
        %dma_wait3A_219 = tpu.memref_slice %arg11[%mul3A_218] : memref<26624xi32, #tpu.memory_space<vmem>> -> memref<832xi32, #tpu.memory_space<vmem>>
        %dma_wait3A_220 = arith.constant 0 : i32
        %dma_wait3A_221 = tpu.memref_slice %arg10[%dma_wait3A_220] : memref<1000000xf32, #tpu.memory_space<vmem_shared>> -> memref<1000000xf32, #tpu.memory_space<vmem_shared>>
        tpu.wait_indirect_dma semaphore(%arg30 : memref<!tpu.dma_semaphore, #tpu.memory_space<semaphore_mem>>) src(%dma_wait3A_221 : memref<1000000xf32, #tpu.memory_space<vmem_shared>>) dst(%arg18 : memref<832xf32, #tpu.memory_space<vmem>>)
        %scan3A_222 = arith.constant 0 : i32
        %scan3A_223 = arith.constant 0 : i32
        %scan3A_224 = arith.constant 2 : i32
        %scan3A_225 = arith.addi %scan3A_223, %scan3A_224 : i32
        %scan3A_226 = arith.constant 1 : i32
        scf.for %scan3A_257 = %scan3A_223 to %scan3A_225 step %scan3A_226  : i32 {
          %mul3A_258 = arith.constant 416 : i32
          %mul3A_259 = arith.muli %scan3A_257, %mul3A_258 : i32
          %add3A_260 = vector.broadcast %mul3A_259 : i32 to vector<16xi32>
          %add3A_261 = arith.addi %add3A_260, %mul3A_3 : vector<16xi32>
          %broadcast_in_dim3A = arith.constant 0.000000e+00 : f32
          %broadcast_in_dim3A_262 = vector.broadcast %broadcast_in_dim3A : f32 to vector<16xf32>
          %add3A_263 = arith.constant 0 : i32
          %add3A_264 = vector.broadcast %add3A_263 : i32 to vector<16xi32>
          %add3A_265 = arith.addi %add3A_261, %add3A_264 : vector<16xi32>
          %gather3A = tpu.vector_load_idx %arg18[%add3A_265] : memref<832xf32, #tpu.memory_space<vmem>>[vector<16xi32>], vector<16xf32>,
          %add3A_266 = arith.addf %broadcast_in_dim3A_262, %gather3A : vector<16xf32>
          %add3A_267 = arith.constant 1 : i32
          %add3A_268 = vector.broadcast %add3A_267 : i32 to vector<16xi32>
          %add3A_269 = arith.addi %add3A_261, %add3A_268 : vector<16xi32>
          %gather3A_270 = tpu.vector_load_idx %arg18[%add3A_269] : memref<832xf32, #tpu.memory_space<vmem>>[vector<16xi32>], vector<16xf32>,
          %add3A_271 = arith.addf %add3A_266, %gather3A_270 : vector<16xf32>
          %add3A_272 = arith.constant 2 : i32
          %add3A_273 = vector.broadcast %add3A_272 : i32 to vector<16xi32>
          %add3A_274 = arith.addi %add3A_261, %add3A_273 : vector<16xi32>
          %gather3A_275 = tpu.vector_load_idx %arg18[%add3A_274] : memref<832xf32, #tpu.memory_space<vmem>>[vector<16xi32>], vector<16xf32>,
          %add3A_276 = arith.addf %add3A_271, %gather3A_275 : vector<16xf32>
          %add3A_277 = arith.constant 3 : i32
          %add3A_278 = vector.broadcast %add3A_277 : i32 to vector<16xi32>
          %add3A_279 = arith.addi %add3A_261, %add3A_278 : vector<16xi32>
          %gather3A_280 = tpu.vector_load_idx %arg18[%add3A_279] : memref<832xf32, #tpu.memory_space<vmem>>[vector<16xi32>], vector<16xf32>,
          %add3A_281 = arith.addf %add3A_276, %gather3A_280 : vector<16xf32>
          %add3A_282 = arith.constant 4 : i32
          %add3A_283 = vector.broadcast %add3A_282 : i32 to vector<16xi32>
          %add3A_284 = arith.addi %add3A_261, %add3A_283 : vector<16xi32>
          %gather3A_285 = tpu.vector_load_idx %arg18[%add3A_284] : memref<832xf32, #tpu.memory_space<vmem>>[vector<16xi32>], vector<16xf32>,
          %add3A_286 = arith.addf %add3A_281, %gather3A_285 : vector<16xf32>
          %add3A_287 = arith.constant 5 : i32
          %add3A_288 = vector.broadcast %add3A_287 : i32 to vector<16xi32>
          %add3A_289 = arith.addi %add3A_261, %add3A_288 : vector<16xi32>
          %gather3A_290 = tpu.vector_load_idx %arg18[%add3A_289] : memref<832xf32, #tpu.memory_space<vmem>>[vector<16xi32>], vector<16xf32>,
          %add3A_291 = arith.addf %add3A_286, %gather3A_290 : vector<16xf32>
          %add3A_292 = arith.constant 6 : i32
          %add3A_293 = vector.broadcast %add3A_292 : i32 to vector<16xi32>
          %add3A_294 = arith.addi %add3A_261, %add3A_293 : vector<16xi32>
          %gather3A_295 = tpu.vector_load_idx %arg18[%add3A_294] : memref<832xf32, #tpu.memory_space<vmem>>[vector<16xi32>], vector<16xf32>,
          %add3A_296 = arith.addf %add3A_291, %gather3A_295 : vector<16xf32>
          %add3A_297 = arith.constant 7 : i32
          %add3A_298 = vector.broadcast %add3A_297 : i32 to vector<16xi32>
          %add3A_299 = arith.addi %add3A_261, %add3A_298 : vector<16xi32>
          %gather3A_300 = tpu.vector_load_idx %arg18[%add3A_299] : memref<832xf32, #tpu.memory_space<vmem>>[vector<16xi32>], vector<16xf32>,
          %add3A_301 = arith.addf %add3A_296, %gather3A_300 : vector<16xf32>
          %add3A_302 = arith.constant 8 : i32
          %add3A_303 = vector.broadcast %add3A_302 : i32 to vector<16xi32>
          %add3A_304 = arith.addi %add3A_261, %add3A_303 : vector<16xi32>
          %gather3A_305 = tpu.vector_load_idx %arg18[%add3A_304] : memref<832xf32, #tpu.memory_space<vmem>>[vector<16xi32>], vector<16xf32>,
          %add3A_306 = arith.addf %add3A_301, %gather3A_305 : vector<16xf32>
          %add3A_307 = arith.constant 9 : i32
          %add3A_308 = vector.broadcast %add3A_307 : i32 to vector<16xi32>
          %add3A_309 = arith.addi %add3A_261, %add3A_308 : vector<16xi32>
          %gather3A_310 = tpu.vector_load_idx %arg18[%add3A_309] : memref<832xf32, #tpu.memory_space<vmem>>[vector<16xi32>], vector<16xf32>,
          %add3A_311 = arith.addf %add3A_306, %gather3A_310 : vector<16xf32>
          %add3A_312 = arith.constant 10 : i32
          %add3A_313 = vector.broadcast %add3A_312 : i32 to vector<16xi32>
          %add3A_314 = arith.addi %add3A_261, %add3A_313 : vector<16xi32>
          %gather3A_315 = tpu.vector_load_idx %arg18[%add3A_314] : memref<832xf32, #tpu.memory_space<vmem>>[vector<16xi32>], vector<16xf32>,
          %add3A_316 = arith.addf %add3A_311, %gather3A_315 : vector<16xf32>
          %add3A_317 = arith.constant 11 : i32
          %add3A_318 = vector.broadcast %add3A_317 : i32 to vector<16xi32>
          %add3A_319 = arith.addi %add3A_261, %add3A_318 : vector<16xi32>
          %gather3A_320 = tpu.vector_load_idx %arg18[%add3A_319] : memref<832xf32, #tpu.memory_space<vmem>>[vector<16xi32>], vector<16xf32>,
          %add3A_321 = arith.addf %add3A_316, %gather3A_320 : vector<16xf32>
          %add3A_322 = arith.constant 12 : i32
          %add3A_323 = vector.broadcast %add3A_322 : i32 to vector<16xi32>
          %add3A_324 = arith.addi %add3A_261, %add3A_323 : vector<16xi32>
          %gather3A_325 = tpu.vector_load_idx %arg18[%add3A_324] : memref<832xf32, #tpu.memory_space<vmem>>[vector<16xi32>], vector<16xf32>,
          %add3A_326 = arith.addf %add3A_321, %gather3A_325 : vector<16xf32>
          %add3A_327 = arith.constant 13 : i32
          %add3A_328 = vector.broadcast %add3A_327 : i32 to vector<16xi32>
          %add3A_329 = arith.addi %add3A_261, %add3A_328 : vector<16xi32>
          %gather3A_330 = tpu.vector_load_idx %arg18[%add3A_329] : memref<832xf32, #tpu.memory_space<vmem>>[vector<16xi32>], vector<16xf32>,
          %add3A_331 = arith.addf %add3A_326, %gather3A_330 : vector<16xf32>
          %add3A_332 = arith.constant 14 : i32
          %add3A_333 = vector.broadcast %add3A_332 : i32 to vector<16xi32>
          %add3A_334 = arith.addi %add3A_261, %add3A_333 : vector<16xi32>
          %gather3A_335 = tpu.vector_load_idx %arg18[%add3A_334] : memref<832xf32, #tpu.memory_space<vmem>>[vector<16xi32>], vector<16xf32>,
          %add3A_336 = arith.addf %add3A_331, %gather3A_335 : vector<16xf32>
          %add3A_337 = arith.constant 15 : i32
          %add3A_338 = vector.broadcast %add3A_337 : i32 to vector<16xi32>
          %add3A_339 = arith.addi %add3A_261, %add3A_338 : vector<16xi32>
          %gather3A_340 = tpu.vector_load_idx %arg18[%add3A_339] : memref<832xf32, #tpu.memory_space<vmem>>[vector<16xi32>], vector<16xf32>,
          %add3A_341 = arith.addf %add3A_336, %gather3A_340 : vector<16xf32>
          %add3A_342 = arith.constant 16 : i32
          %add3A_343 = vector.broadcast %add3A_342 : i32 to vector<16xi32>
          %add3A_344 = arith.addi %add3A_261, %add3A_343 : vector<16xi32>
          %gather3A_345 = tpu.vector_load_idx %arg18[%add3A_344] : memref<832xf32, #tpu.memory_space<vmem>>[vector<16xi32>], vector<16xf32>,
          %add3A_346 = arith.addf %add3A_341, %gather3A_345 : vector<16xf32>
          %add3A_347 = arith.constant 17 : i32
          %add3A_348 = vector.broadcast %add3A_347 : i32 to vector<16xi32>
          %add3A_349 = arith.addi %add3A_261, %add3A_348 : vector<16xi32>
          %gather3A_350 = tpu.vector_load_idx %arg18[%add3A_349] : memref<832xf32, #tpu.memory_space<vmem>>[vector<16xi32>], vector<16xf32>,
          %add3A_351 = arith.addf %add3A_346, %gather3A_350 : vector<16xf32>
          %add3A_352 = arith.constant 18 : i32
          %add3A_353 = vector.broadcast %add3A_352 : i32 to vector<16xi32>
          %add3A_354 = arith.addi %add3A_261, %add3A_353 : vector<16xi32>
          %gather3A_355 = tpu.vector_load_idx %arg18[%add3A_354] : memref<832xf32, #tpu.memory_space<vmem>>[vector<16xi32>], vector<16xf32>,
          %add3A_356 = arith.addf %add3A_351, %gather3A_355 : vector<16xf32>
          %add3A_357 = arith.constant 19 : i32
          %add3A_358 = vector.broadcast %add3A_357 : i32 to vector<16xi32>
          %add3A_359 = arith.addi %add3A_261, %add3A_358 : vector<16xi32>
          %gather3A_360 = tpu.vector_load_idx %arg18[%add3A_359] : memref<832xf32, #tpu.memory_space<vmem>>[vector<16xi32>], vector<16xf32>,
          %add3A_361 = arith.addf %add3A_356, %gather3A_360 : vector<16xf32>
          %add3A_362 = arith.constant 20 : i32
          %add3A_363 = vector.broadcast %add3A_362 : i32 to vector<16xi32>
          %add3A_364 = arith.addi %add3A_261, %add3A_363 : vector<16xi32>
          %gather3A_365 = tpu.vector_load_idx %arg18[%add3A_364] : memref<832xf32, #tpu.memory_space<vmem>>[vector<16xi32>], vector<16xf32>,
          %add3A_366 = arith.addf %add3A_361, %gather3A_365 : vector<16xf32>
          %add3A_367 = arith.constant 21 : i32
          %add3A_368 = vector.broadcast %add3A_367 : i32 to vector<16xi32>
          %add3A_369 = arith.addi %add3A_261, %add3A_368 : vector<16xi32>
          %gather3A_370 = tpu.vector_load_idx %arg18[%add3A_369] : memref<832xf32, #tpu.memory_space<vmem>>[vector<16xi32>], vector<16xf32>,
          %add3A_371 = arith.addf %add3A_366, %gather3A_370 : vector<16xf32>
          %add3A_372 = arith.constant 22 : i32
          %add3A_373 = vector.broadcast %add3A_372 : i32 to vector<16xi32>
          %add3A_374 = arith.addi %add3A_261, %add3A_373 : vector<16xi32>
          %gather3A_375 = tpu.vector_load_idx %arg18[%add3A_374] : memref<832xf32, #tpu.memory_space<vmem>>[vector<16xi32>], vector<16xf32>,
          %add3A_376 = arith.addf %add3A_371, %gather3A_375 : vector<16xf32>
          %add3A_377 = arith.constant 23 : i32
          %add3A_378 = vector.broadcast %add3A_377 : i32 to vector<16xi32>
          %add3A_379 = arith.addi %add3A_261, %add3A_378 : vector<16xi32>
          %gather3A_380 = tpu.vector_load_idx %arg18[%add3A_379] : memref<832xf32, #tpu.memory_space<vmem>>[vector<16xi32>], vector<16xf32>,
          %add3A_381 = arith.addf %add3A_376, %gather3A_380 : vector<16xf32>
          %add3A_382 = arith.constant 24 : i32
          %add3A_383 = vector.broadcast %add3A_382 : i32 to vector<16xi32>
          %add3A_384 = arith.addi %add3A_261, %add3A_383 : vector<16xi32>
          %gather3A_385 = tpu.vector_load_idx %arg18[%add3A_384] : memref<832xf32, #tpu.memory_space<vmem>>[vector<16xi32>], vector<16xf32>,
          %add3A_386 = arith.addf %add3A_381, %gather3A_385 : vector<16xf32>
          %add3A_387 = arith.constant 25 : i32
          %add3A_388 = vector.broadcast %add3A_387 : i32 to vector<16xi32>
          %add3A_389 = arith.addi %add3A_261, %add3A_388 : vector<16xi32>
          %gather3A_390 = tpu.vector_load_idx %arg18[%add3A_389] : memref<832xf32, #tpu.memory_space<vmem>>[vector<16xi32>], vector<16xf32>,
          %add3A_391 = arith.addf %add3A_386, %gather3A_390 : vector<16xf32>
          %mul3A_392 = arith.constant 32 : i32
          %mul3A_393 = arith.muli %add3A_216, %mul3A_392 : i32
          %mul3A_394 = arith.constant 16 : i32
          %mul3A_395 = arith.muli %scan3A_257, %mul3A_394 : i32
          %add3A_396 = arith.addi %mul3A_393, %mul3A_395 : i32
          %swap3A = arith.index_cast %add3A_396 : i32 to index
          %swap3A_397 = tpu.vector_load %arg20[%swap3A] {strides = array<i32>} : memref<1024xf32, #tpu.memory_space<vmem>>, vector<16xf32>,
          tpu.vector_store %arg20[%swap3A], %add3A_391 {strides = array<i32>} : memref<1024xf32, #tpu.memory_space<vmem>>, vector<16xf32>,
        }
        %scan3A_227 = arith.constant 2 : i32
        %add3A_228 = arith.constant 8 : i32
        %add3A_229 = arith.addi %add3A_216, %add3A_228 : i32
        %lt3A_230 = arith.constant 32 : i32
        %lt3A_231 = arith.cmpi slt, %add3A_229, %lt3A_230 : i32
        %convert_element_type3A_232 = arith.extui %lt3A_231 : i1 to i32
        %cond3A_233 = arith.constant 0 : i32
        %cond3A_234 = arith.cmpi ne, %convert_element_type3A_232, %cond3A_233 : i32
        scf.if %cond3A_234 {
          %add3A_257 = arith.constant 8 : i32
          %add3A_258 = arith.addi %add3A_216, %add3A_257 : i32
          %mul3A_259 = arith.constant 832 : i32
          %mul3A_260 = arith.muli %add3A_258, %mul3A_259 : i32
          %dma_start3A_261 = tpu.memref_slice %arg11[%mul3A_260] : memref<26624xi32, #tpu.memory_space<vmem>> -> memref<832xi32, #tpu.memory_space<vmem>>
          %dma_start3A_262 = arith.constant 0 : i32
          %dma_start3A_263 = tpu.memref_slice %arg10[%dma_start3A_262] : memref<1000000xf32, #tpu.memory_space<vmem_shared>> -> memref<1000000xf32, #tpu.memory_space<vmem_shared>>
          tpu.enqueue_indirect_dma source(%dma_start3A_263 : memref<1000000xf32, #tpu.memory_space<vmem_shared>>) target(%arg18 : memref<832xf32, #tpu.memory_space<vmem>>) offsets(%dma_start3A_261 : memref<832xi32, #tpu.memory_space<vmem>>) semaphore(%arg30 : memref<!tpu.dma_semaphore, #tpu.memory_space<semaphore_mem>>)
        } else {
        }
        %mul3A_235 = arith.constant 8 : i32
        %mul3A_236 = arith.muli %mul3A_235, %scan3A_82 : i32
        %add3A_237 = arith.constant 7 : i32
        %add3A_238 = arith.addi %mul3A_236, %add3A_237 : i32
        %mul3A_239 = arith.constant 832 : i32
        %mul3A_240 = arith.muli %add3A_238, %mul3A_239 : i32
        %dma_wait3A_241 = tpu.memref_slice %arg11[%mul3A_240] : memref<26624xi32, #tpu.memory_space<vmem>> -> memref<832xi32, #tpu.memory_space<vmem>>
        %dma_wait3A_242 = arith.constant 0 : i32
        %dma_wait3A_243 = tpu.memref_slice %arg10[%dma_wait3A_242] : memref<1000000xf32, #tpu.memory_space<vmem_shared>> -> memref<1000000xf32, #tpu.memory_space<vmem_shared>>
        tpu.wait_indirect_dma semaphore(%arg31 : memref<!tpu.dma_semaphore, #tpu.memory_space<semaphore_mem>>) src(%dma_wait3A_243 : memref<1000000xf32, #tpu.memory_space<vmem_shared>>) dst(%arg19 : memref<832xf32, #tpu.memory_space<vmem>>)
        %scan3A_244 = arith.constant 0 : i32
        %scan3A_245 = arith.constant 0 : i32
        %scan3A_246 = arith.constant 2 : i32
        %scan3A_247 = arith.addi %scan3A_245, %scan3A_246 : i32
        %scan3A_248 = arith.constant 1 : i32
        scf.for %scan3A_257 = %scan3A_245 to %scan3A_247 step %scan3A_248  : i32 {
          %mul3A_258 = arith.constant 416 : i32
          %mul3A_259 = arith.muli %scan3A_257, %mul3A_258 : i32
          %add3A_260 = vector.broadcast %mul3A_259 : i32 to vector<16xi32>
          %add3A_261 = arith.addi %add3A_260, %mul3A_3 : vector<16xi32>
          %broadcast_in_dim3A = arith.constant 0.000000e+00 : f32
          %broadcast_in_dim3A_262 = vector.broadcast %broadcast_in_dim3A : f32 to vector<16xf32>
          %add3A_263 = arith.constant 0 : i32
          %add3A_264 = vector.broadcast %add3A_263 : i32 to vector<16xi32>
          %add3A_265 = arith.addi %add3A_261, %add3A_264 : vector<16xi32>
          %gather3A = tpu.vector_load_idx %arg19[%add3A_265] : memref<832xf32, #tpu.memory_space<vmem>>[vector<16xi32>], vector<16xf32>,
          %add3A_266 = arith.addf %broadcast_in_dim3A_262, %gather3A : vector<16xf32>
          %add3A_267 = arith.constant 1 : i32
          %add3A_268 = vector.broadcast %add3A_267 : i32 to vector<16xi32>
          %add3A_269 = arith.addi %add3A_261, %add3A_268 : vector<16xi32>
          %gather3A_270 = tpu.vector_load_idx %arg19[%add3A_269] : memref<832xf32, #tpu.memory_space<vmem>>[vector<16xi32>], vector<16xf32>,
          %add3A_271 = arith.addf %add3A_266, %gather3A_270 : vector<16xf32>
          %add3A_272 = arith.constant 2 : i32
          %add3A_273 = vector.broadcast %add3A_272 : i32 to vector<16xi32>
          %add3A_274 = arith.addi %add3A_261, %add3A_273 : vector<16xi32>
          %gather3A_275 = tpu.vector_load_idx %arg19[%add3A_274] : memref<832xf32, #tpu.memory_space<vmem>>[vector<16xi32>], vector<16xf32>,
          %add3A_276 = arith.addf %add3A_271, %gather3A_275 : vector<16xf32>
          %add3A_277 = arith.constant 3 : i32
          %add3A_278 = vector.broadcast %add3A_277 : i32 to vector<16xi32>
          %add3A_279 = arith.addi %add3A_261, %add3A_278 : vector<16xi32>
          %gather3A_280 = tpu.vector_load_idx %arg19[%add3A_279] : memref<832xf32, #tpu.memory_space<vmem>>[vector<16xi32>], vector<16xf32>,
          %add3A_281 = arith.addf %add3A_276, %gather3A_280 : vector<16xf32>
          %add3A_282 = arith.constant 4 : i32
          %add3A_283 = vector.broadcast %add3A_282 : i32 to vector<16xi32>
          %add3A_284 = arith.addi %add3A_261, %add3A_283 : vector<16xi32>
          %gather3A_285 = tpu.vector_load_idx %arg19[%add3A_284] : memref<832xf32, #tpu.memory_space<vmem>>[vector<16xi32>], vector<16xf32>,
          %add3A_286 = arith.addf %add3A_281, %gather3A_285 : vector<16xf32>
          %add3A_287 = arith.constant 5 : i32
          %add3A_288 = vector.broadcast %add3A_287 : i32 to vector<16xi32>
          %add3A_289 = arith.addi %add3A_261, %add3A_288 : vector<16xi32>
          %gather3A_290 = tpu.vector_load_idx %arg19[%add3A_289] : memref<832xf32, #tpu.memory_space<vmem>>[vector<16xi32>], vector<16xf32>,
          %add3A_291 = arith.addf %add3A_286, %gather3A_290 : vector<16xf32>
          %add3A_292 = arith.constant 6 : i32
          %add3A_293 = vector.broadcast %add3A_292 : i32 to vector<16xi32>
          %add3A_294 = arith.addi %add3A_261, %add3A_293 : vector<16xi32>
          %gather3A_295 = tpu.vector_load_idx %arg19[%add3A_294] : memref<832xf32, #tpu.memory_space<vmem>>[vector<16xi32>], vector<16xf32>,
          %add3A_296 = arith.addf %add3A_291, %gather3A_295 : vector<16xf32>
          %add3A_297 = arith.constant 7 : i32
          %add3A_298 = vector.broadcast %add3A_297 : i32 to vector<16xi32>
          %add3A_299 = arith.addi %add3A_261, %add3A_298 : vector<16xi32>
          %gather3A_300 = tpu.vector_load_idx %arg19[%add3A_299] : memref<832xf32, #tpu.memory_space<vmem>>[vector<16xi32>], vector<16xf32>,
          %add3A_301 = arith.addf %add3A_296, %gather3A_300 : vector<16xf32>
          %add3A_302 = arith.constant 8 : i32
          %add3A_303 = vector.broadcast %add3A_302 : i32 to vector<16xi32>
          %add3A_304 = arith.addi %add3A_261, %add3A_303 : vector<16xi32>
          %gather3A_305 = tpu.vector_load_idx %arg19[%add3A_304] : memref<832xf32, #tpu.memory_space<vmem>>[vector<16xi32>], vector<16xf32>,
          %add3A_306 = arith.addf %add3A_301, %gather3A_305 : vector<16xf32>
          %add3A_307 = arith.constant 9 : i32
          %add3A_308 = vector.broadcast %add3A_307 : i32 to vector<16xi32>
          %add3A_309 = arith.addi %add3A_261, %add3A_308 : vector<16xi32>
          %gather3A_310 = tpu.vector_load_idx %arg19[%add3A_309] : memref<832xf32, #tpu.memory_space<vmem>>[vector<16xi32>], vector<16xf32>,
          %add3A_311 = arith.addf %add3A_306, %gather3A_310 : vector<16xf32>
          %add3A_312 = arith.constant 10 : i32
          %add3A_313 = vector.broadcast %add3A_312 : i32 to vector<16xi32>
          %add3A_314 = arith.addi %add3A_261, %add3A_313 : vector<16xi32>
          %gather3A_315 = tpu.vector_load_idx %arg19[%add3A_314] : memref<832xf32, #tpu.memory_space<vmem>>[vector<16xi32>], vector<16xf32>,
          %add3A_316 = arith.addf %add3A_311, %gather3A_315 : vector<16xf32>
          %add3A_317 = arith.constant 11 : i32
          %add3A_318 = vector.broadcast %add3A_317 : i32 to vector<16xi32>
          %add3A_319 = arith.addi %add3A_261, %add3A_318 : vector<16xi32>
          %gather3A_320 = tpu.vector_load_idx %arg19[%add3A_319] : memref<832xf32, #tpu.memory_space<vmem>>[vector<16xi32>], vector<16xf32>,
          %add3A_321 = arith.addf %add3A_316, %gather3A_320 : vector<16xf32>
          %add3A_322 = arith.constant 12 : i32
          %add3A_323 = vector.broadcast %add3A_322 : i32 to vector<16xi32>
          %add3A_324 = arith.addi %add3A_261, %add3A_323 : vector<16xi32>
          %gather3A_325 = tpu.vector_load_idx %arg19[%add3A_324] : memref<832xf32, #tpu.memory_space<vmem>>[vector<16xi32>], vector<16xf32>,
          %add3A_326 = arith.addf %add3A_321, %gather3A_325 : vector<16xf32>
          %add3A_327 = arith.constant 13 : i32
          %add3A_328 = vector.broadcast %add3A_327 : i32 to vector<16xi32>
          %add3A_329 = arith.addi %add3A_261, %add3A_328 : vector<16xi32>
          %gather3A_330 = tpu.vector_load_idx %arg19[%add3A_329] : memref<832xf32, #tpu.memory_space<vmem>>[vector<16xi32>], vector<16xf32>,
          %add3A_331 = arith.addf %add3A_326, %gather3A_330 : vector<16xf32>
          %add3A_332 = arith.constant 14 : i32
          %add3A_333 = vector.broadcast %add3A_332 : i32 to vector<16xi32>
          %add3A_334 = arith.addi %add3A_261, %add3A_333 : vector<16xi32>
          %gather3A_335 = tpu.vector_load_idx %arg19[%add3A_334] : memref<832xf32, #tpu.memory_space<vmem>>[vector<16xi32>], vector<16xf32>,
          %add3A_336 = arith.addf %add3A_331, %gather3A_335 : vector<16xf32>
          %add3A_337 = arith.constant 15 : i32
          %add3A_338 = vector.broadcast %add3A_337 : i32 to vector<16xi32>
          %add3A_339 = arith.addi %add3A_261, %add3A_338 : vector<16xi32>
          %gather3A_340 = tpu.vector_load_idx %arg19[%add3A_339] : memref<832xf32, #tpu.memory_space<vmem>>[vector<16xi32>], vector<16xf32>,
          %add3A_341 = arith.addf %add3A_336, %gather3A_340 : vector<16xf32>
          %add3A_342 = arith.constant 16 : i32
          %add3A_343 = vector.broadcast %add3A_342 : i32 to vector<16xi32>
          %add3A_344 = arith.addi %add3A_261, %add3A_343 : vector<16xi32>
          %gather3A_345 = tpu.vector_load_idx %arg19[%add3A_344] : memref<832xf32, #tpu.memory_space<vmem>>[vector<16xi32>], vector<16xf32>,
          %add3A_346 = arith.addf %add3A_341, %gather3A_345 : vector<16xf32>
          %add3A_347 = arith.constant 17 : i32
          %add3A_348 = vector.broadcast %add3A_347 : i32 to vector<16xi32>
          %add3A_349 = arith.addi %add3A_261, %add3A_348 : vector<16xi32>
          %gather3A_350 = tpu.vector_load_idx %arg19[%add3A_349] : memref<832xf32, #tpu.memory_space<vmem>>[vector<16xi32>], vector<16xf32>,
          %add3A_351 = arith.addf %add3A_346, %gather3A_350 : vector<16xf32>
          %add3A_352 = arith.constant 18 : i32
          %add3A_353 = vector.broadcast %add3A_352 : i32 to vector<16xi32>
          %add3A_354 = arith.addi %add3A_261, %add3A_353 : vector<16xi32>
          %gather3A_355 = tpu.vector_load_idx %arg19[%add3A_354] : memref<832xf32, #tpu.memory_space<vmem>>[vector<16xi32>], vector<16xf32>,
          %add3A_356 = arith.addf %add3A_351, %gather3A_355 : vector<16xf32>
          %add3A_357 = arith.constant 19 : i32
          %add3A_358 = vector.broadcast %add3A_357 : i32 to vector<16xi32>
          %add3A_359 = arith.addi %add3A_261, %add3A_358 : vector<16xi32>
          %gather3A_360 = tpu.vector_load_idx %arg19[%add3A_359] : memref<832xf32, #tpu.memory_space<vmem>>[vector<16xi32>], vector<16xf32>,
          %add3A_361 = arith.addf %add3A_356, %gather3A_360 : vector<16xf32>
          %add3A_362 = arith.constant 20 : i32
          %add3A_363 = vector.broadcast %add3A_362 : i32 to vector<16xi32>
          %add3A_364 = arith.addi %add3A_261, %add3A_363 : vector<16xi32>
          %gather3A_365 = tpu.vector_load_idx %arg19[%add3A_364] : memref<832xf32, #tpu.memory_space<vmem>>[vector<16xi32>], vector<16xf32>,
          %add3A_366 = arith.addf %add3A_361, %gather3A_365 : vector<16xf32>
          %add3A_367 = arith.constant 21 : i32
          %add3A_368 = vector.broadcast %add3A_367 : i32 to vector<16xi32>
          %add3A_369 = arith.addi %add3A_261, %add3A_368 : vector<16xi32>
          %gather3A_370 = tpu.vector_load_idx %arg19[%add3A_369] : memref<832xf32, #tpu.memory_space<vmem>>[vector<16xi32>], vector<16xf32>,
          %add3A_371 = arith.addf %add3A_366, %gather3A_370 : vector<16xf32>
          %add3A_372 = arith.constant 22 : i32
          %add3A_373 = vector.broadcast %add3A_372 : i32 to vector<16xi32>
          %add3A_374 = arith.addi %add3A_261, %add3A_373 : vector<16xi32>
          %gather3A_375 = tpu.vector_load_idx %arg19[%add3A_374] : memref<832xf32, #tpu.memory_space<vmem>>[vector<16xi32>], vector<16xf32>,
          %add3A_376 = arith.addf %add3A_371, %gather3A_375 : vector<16xf32>
          %add3A_377 = arith.constant 23 : i32
          %add3A_378 = vector.broadcast %add3A_377 : i32 to vector<16xi32>
          %add3A_379 = arith.addi %add3A_261, %add3A_378 : vector<16xi32>
          %gather3A_380 = tpu.vector_load_idx %arg19[%add3A_379] : memref<832xf32, #tpu.memory_space<vmem>>[vector<16xi32>], vector<16xf32>,
          %add3A_381 = arith.addf %add3A_376, %gather3A_380 : vector<16xf32>
          %add3A_382 = arith.constant 24 : i32
          %add3A_383 = vector.broadcast %add3A_382 : i32 to vector<16xi32>
          %add3A_384 = arith.addi %add3A_261, %add3A_383 : vector<16xi32>
          %gather3A_385 = tpu.vector_load_idx %arg19[%add3A_384] : memref<832xf32, #tpu.memory_space<vmem>>[vector<16xi32>], vector<16xf32>,
          %add3A_386 = arith.addf %add3A_381, %gather3A_385 : vector<16xf32>
          %add3A_387 = arith.constant 25 : i32
          %add3A_388 = vector.broadcast %add3A_387 : i32 to vector<16xi32>
          %add3A_389 = arith.addi %add3A_261, %add3A_388 : vector<16xi32>
          %gather3A_390 = tpu.vector_load_idx %arg19[%add3A_389] : memref<832xf32, #tpu.memory_space<vmem>>[vector<16xi32>], vector<16xf32>,
          %add3A_391 = arith.addf %add3A_386, %gather3A_390 : vector<16xf32>
          %mul3A_392 = arith.constant 32 : i32
          %mul3A_393 = arith.muli %add3A_238, %mul3A_392 : i32
          %mul3A_394 = arith.constant 16 : i32
          %mul3A_395 = arith.muli %scan3A_257, %mul3A_394 : i32
          %add3A_396 = arith.addi %mul3A_393, %mul3A_395 : i32
          %swap3A = arith.index_cast %add3A_396 : i32 to index
          %swap3A_397 = tpu.vector_load %arg20[%swap3A] {strides = array<i32>} : memref<1024xf32, #tpu.memory_space<vmem>>, vector<16xf32>,
          tpu.vector_store %arg20[%swap3A], %add3A_391 {strides = array<i32>} : memref<1024xf32, #tpu.memory_space<vmem>>, vector<16xf32>,
        }
        %scan3A_249 = arith.constant 2 : i32
        %add3A_250 = arith.constant 8 : i32
        %add3A_251 = arith.addi %add3A_238, %add3A_250 : i32
        %lt3A_252 = arith.constant 32 : i32
        %lt3A_253 = arith.cmpi slt, %add3A_251, %lt3A_252 : i32
        %convert_element_type3A_254 = arith.extui %lt3A_253 : i1 to i32
        %cond3A_255 = arith.constant 0 : i32
        %cond3A_256 = arith.cmpi ne, %convert_element_type3A_254, %cond3A_255 : i32
        scf.if %cond3A_256 {
          %add3A_257 = arith.constant 8 : i32
          %add3A_258 = arith.addi %add3A_238, %add3A_257 : i32
          %mul3A_259 = arith.constant 832 : i32
          %mul3A_260 = arith.muli %add3A_258, %mul3A_259 : i32
          %dma_start3A_261 = tpu.memref_slice %arg11[%mul3A_260] : memref<26624xi32, #tpu.memory_space<vmem>> -> memref<832xi32, #tpu.memory_space<vmem>>
          %dma_start3A_262 = arith.constant 0 : i32
          %dma_start3A_263 = tpu.memref_slice %arg10[%dma_start3A_262] : memref<1000000xf32, #tpu.memory_space<vmem_shared>> -> memref<1000000xf32, #tpu.memory_space<vmem_shared>>
          tpu.enqueue_indirect_dma source(%dma_start3A_263 : memref<1000000xf32, #tpu.memory_space<vmem_shared>>) target(%arg19 : memref<832xf32, #tpu.memory_space<vmem>>) offsets(%dma_start3A_261 : memref<832xi32, #tpu.memory_space<vmem>>) semaphore(%arg31 : memref<!tpu.dma_semaphore, #tpu.memory_space<semaphore_mem>>)
        } else {
        }
      }
      %scan3A_81 = arith.constant 4 : i32
      "tpu.region"() ({
        %run_scoped3A = tpu.sem_alloc : memref<!tpu.dma_semaphore, #tpu.memory_space<semaphore_mem>>
        %dma_start3A_82 = tpu.memref_slice %arg6[%mul3A_0] : memref<16384xf32, #tpu.memory_space<hbm>> -> memref<1024xf32, #tpu.memory_space<hbm>>
        %dma_start3A_83 = tpu.memref_slice %arg6[%mul3A_0] : memref<16384xf32, #tpu.memory_space<hbm>> -> memref<1024xf32, #tpu.memory_space<hbm>>
        tpu.enqueue_dma source(%arg20 : memref<1024xf32, #tpu.memory_space<vmem>>) target(%dma_start3A_83 : memref<1024xf32, #tpu.memory_space<hbm>>) target_semaphore(%run_scoped3A : memref<!tpu.dma_semaphore, #tpu.memory_space<semaphore_mem>>)
        %dma_wait3A_84 = tpu.memref_slice %arg6[%mul3A_0] : memref<16384xf32, #tpu.memory_space<hbm>> -> memref<1024xf32, #tpu.memory_space<hbm>>
        %dma_wait3A_85 = tpu.memref_slice %arg6[%mul3A_0] : memref<16384xf32, #tpu.memory_space<hbm>> -> memref<1024xf32, #tpu.memory_space<hbm>>
        tpu.wait_dma2 semaphore(%run_scoped3A : memref<!tpu.dma_semaphore, #tpu.memory_space<semaphore_mem>>) src(%arg20 : memref<1024xf32, #tpu.memory_space<vmem>>) dst(%dma_wait3A_85 : memref<1024xf32, #tpu.memory_space<hbm>>)
        tpu.yield
      }) : () -> ()
    } else {
    }
    %eq3A_6 = arith.constant 1 : i32
    %eq3A_7 = arith.cmpi eq, %arg0, %eq3A_6 : i32
    %convert_element_type3A_8 = arith.extui %eq3A_7 : i1 to i32
    %cond3A_9 = arith.constant 0 : i32
    %cond3A_10 = arith.cmpi ne, %convert_element_type3A_8, %cond3A_9 : i32
    scf.if %cond3A_10 {
      %mul3A_11 = arith.constant 62496 : i32
      %mul3A_12 = arith.muli %arg1, %mul3A_11 : i32
      %mul3A_13 = arith.constant 62496 : i32
      %mul3A_14 = arith.muli %arg1, %mul3A_13 : i32
      %dma_start3A = tpu.memref_slice %arg10[%mul3A_14] : memref<1000000xf32, #tpu.memory_space<vmem_shared>> -> memref<62496xf32, #tpu.memory_space<vmem_shared>>
      %dma_start3A_15 = tpu.memref_slice %arg5[%mul3A_12] : memref<1000000xf32, #tpu.memory_space<hbm>> -> memref<62496xf32, #tpu.memory_space<hbm>>
      tpu.enqueue_dma source(%dma_start3A_15 : memref<62496xf32, #tpu.memory_space<hbm>>) target(%dma_start3A : memref<62496xf32, #tpu.memory_space<vmem_shared>>) target_semaphore(%arg22 : memref<!tpu.dma_semaphore, #tpu.memory_space<semaphore_mem>>)
      %eq3A_16 = arith.constant 0 : i32
      %eq3A_17 = arith.cmpi eq, %arg1, %eq3A_16 : i32
      %convert_element_type3A_18 = arith.extui %eq3A_17 : i1 to i32
      %cond3A_19 = arith.constant 0 : i32
      %cond3A_20 = arith.cmpi ne, %convert_element_type3A_18, %cond3A_19 : i32
      scf.if %cond3A_20 {
        %dma_start3A_82 = arith.constant 999936 : i32
        %dma_start3A_83 = tpu.memref_slice %arg10[%dma_start3A_82] : memref<1000000xf32, #tpu.memory_space<vmem_shared>> -> memref<64xf32, #tpu.memory_space<vmem_shared>>
        %dma_start3A_84 = arith.constant 999936 : i32
        %dma_start3A_85 = tpu.memref_slice %arg5[%dma_start3A_84] : memref<1000000xf32, #tpu.memory_space<hbm>> -> memref<64xf32, #tpu.memory_space<hbm>>
        tpu.enqueue_dma source(%dma_start3A_85 : memref<64xf32, #tpu.memory_space<hbm>>) target(%dma_start3A_83 : memref<64xf32, #tpu.memory_space<vmem_shared>>) target_semaphore(%arg23 : memref<!tpu.dma_semaphore, #tpu.memory_space<semaphore_mem>>)
      } else {
      }
      %dma_start3A_21 = arith.constant 0 : i32
      %dma_start3A_22 = tpu.memref_slice %arg3[%arg1, %dma_start3A_21] : memref<16x26624xi32, #tpu.memory_space<hbm>> -> memref<1x26624xi32, #tpu.memory_space<hbm>>
      %dma_start3A_23 = tpu.memref_squeeze %dma_start3A_22 : memref<1x26624xi32, #tpu.memory_space<hbm>> -> memref<26624xi32, #tpu.memory_space<hbm>>
      %dma_start3A_24 = arith.constant 0 : i32
      %dma_start3A_25 = tpu.memref_slice %arg3[%arg1, %dma_start3A_24] : memref<16x26624xi32, #tpu.memory_space<hbm>> -> memref<1x26624xi32, #tpu.memory_space<hbm>>
      %dma_start3A_26 = tpu.memref_squeeze %dma_start3A_25 : memref<1x26624xi32, #tpu.memory_space<hbm>> -> memref<26624xi32, #tpu.memory_space<hbm>>
      tpu.enqueue_dma source(%dma_start3A_26 : memref<26624xi32, #tpu.memory_space<hbm>>) target(%arg11 : memref<26624xi32, #tpu.memory_space<vmem>>) target_semaphore(%arg21 : memref<!tpu.dma_semaphore, #tpu.memory_space<semaphore_mem>>)
      %dma_wait3A = arith.constant 0 : i32
      %dma_wait3A_27 = tpu.memref_slice %arg3[%arg1, %dma_wait3A] : memref<16x26624xi32, #tpu.memory_space<hbm>> -> memref<1x26624xi32, #tpu.memory_space<hbm>>
      %dma_wait3A_28 = tpu.memref_squeeze %dma_wait3A_27 : memref<1x26624xi32, #tpu.memory_space<hbm>> -> memref<26624xi32, #tpu.memory_space<hbm>>
      %dma_wait3A_29 = arith.constant 0 : i32
      %dma_wait3A_30 = tpu.memref_slice %arg3[%arg1, %dma_wait3A_29] : memref<16x26624xi32, #tpu.memory_space<hbm>> -> memref<1x26624xi32, #tpu.memory_space<hbm>>
      %dma_wait3A_31 = tpu.memref_squeeze %dma_wait3A_30 : memref<1x26624xi32, #tpu.memory_space<hbm>> -> memref<26624xi32, #tpu.memory_space<hbm>>
      tpu.wait_dma2 semaphore(%arg21 : memref<!tpu.dma_semaphore, #tpu.memory_space<semaphore_mem>>) src(%dma_wait3A_31 : memref<26624xi32, #tpu.memory_space<hbm>>) dst(%arg11 : memref<26624xi32, #tpu.memory_space<vmem>>)
      %scan3A = arith.constant 0 : i32
      %scan3A_32 = arith.constant 0 : i32
      %scan3A_33 = arith.constant 64 : i32
      %scan3A_34 = arith.addi %scan3A_32, %scan3A_33 : i32
      %scan3A_35 = arith.constant 1 : i32
      scf.for %scan3A_82 = %scan3A_32 to %scan3A_34 step %scan3A_35  : i32 {
        %mul3A_83 = arith.constant 416 : i32
        %mul3A_84 = arith.muli %scan3A_82, %mul3A_83 : i32
        %add3A = vector.broadcast %mul3A_84 : i32 to vector<16xi32>
        %add3A_85 = arith.addi %add3A, %mul3A_3 : vector<16xi32>
        %broadcast_in_dim3A = arith.constant 0.000000e+00 : f32
        %broadcast_in_dim3A_86 = vector.broadcast %broadcast_in_dim3A : f32 to vector<16xf32>
        %add3A_87 = arith.constant 0 : i32
        %add3A_88 = vector.broadcast %add3A_87 : i32 to vector<16xi32>
        %add3A_89 = arith.addi %add3A_85, %add3A_88 : vector<16xi32>
        %gather3A = tpu.vector_load_idx %arg11[%add3A_89] : memref<26624xi32, #tpu.memory_space<vmem>>[vector<16xi32>], vector<16xi32>,
        %ne3A = arith.constant 0 : i32
        %ne3A_90 = vector.broadcast %ne3A : i32 to vector<16xi32>
        %ne3A_91 = arith.cmpi ne, %gather3A, %ne3A_90 : vector<16xi32>
        %jit3A = arith.constant 1.000000e+00 : f32
        %jit3A_92 = arith.constant 0.000000e+00 : f32
        %broadcast_in_dim3A_93 = vector.broadcast %jit3A : f32 to vector<16xf32>
        %broadcast_in_dim3A_94 = vector.broadcast %jit3A_92 : f32 to vector<16xf32>
        %select_n3A = arith.select %ne3A_91, %broadcast_in_dim3A_93, %broadcast_in_dim3A_94 : vector<16xi1>, vector<16xf32>
        %add3A_95 = arith.addf %broadcast_in_dim3A_86, %select_n3A : vector<16xf32>
        %add3A_96 = arith.constant 1 : i32
        %add3A_97 = vector.broadcast %add3A_96 : i32 to vector<16xi32>
        %add3A_98 = arith.addi %add3A_85, %add3A_97 : vector<16xi32>
        %gather3A_99 = tpu.vector_load_idx %arg11[%add3A_98] : memref<26624xi32, #tpu.memory_space<vmem>>[vector<16xi32>], vector<16xi32>,
        %ne3A_100 = arith.constant 0 : i32
        %ne3A_101 = vector.broadcast %ne3A_100 : i32 to vector<16xi32>
        %ne3A_102 = arith.cmpi ne, %gather3A_99, %ne3A_101 : vector<16xi32>
        %jit3A_103 = arith.constant 1.000000e+00 : f32
        %jit3A_104 = arith.constant 0.000000e+00 : f32
        %broadcast_in_dim3A_105 = vector.broadcast %jit3A_103 : f32 to vector<16xf32>
        %broadcast_in_dim3A_106 = vector.broadcast %jit3A_104 : f32 to vector<16xf32>
        %select_n3A_107 = arith.select %ne3A_102, %broadcast_in_dim3A_105, %broadcast_in_dim3A_106 : vector<16xi1>, vector<16xf32>
        %add3A_108 = arith.addf %add3A_95, %select_n3A_107 : vector<16xf32>
        %add3A_109 = arith.constant 2 : i32
        %add3A_110 = vector.broadcast %add3A_109 : i32 to vector<16xi32>
        %add3A_111 = arith.addi %add3A_85, %add3A_110 : vector<16xi32>
        %gather3A_112 = tpu.vector_load_idx %arg11[%add3A_111] : memref<26624xi32, #tpu.memory_space<vmem>>[vector<16xi32>], vector<16xi32>,
        %ne3A_113 = arith.constant 0 : i32
        %ne3A_114 = vector.broadcast %ne3A_113 : i32 to vector<16xi32>
        %ne3A_115 = arith.cmpi ne, %gather3A_112, %ne3A_114 : vector<16xi32>
        %jit3A_116 = arith.constant 1.000000e+00 : f32
        %jit3A_117 = arith.constant 0.000000e+00 : f32
        %broadcast_in_dim3A_118 = vector.broadcast %jit3A_116 : f32 to vector<16xf32>
        %broadcast_in_dim3A_119 = vector.broadcast %jit3A_117 : f32 to vector<16xf32>
        %select_n3A_120 = arith.select %ne3A_115, %broadcast_in_dim3A_118, %broadcast_in_dim3A_119 : vector<16xi1>, vector<16xf32>
        %add3A_121 = arith.addf %add3A_108, %select_n3A_120 : vector<16xf32>
        %add3A_122 = arith.constant 3 : i32
        %add3A_123 = vector.broadcast %add3A_122 : i32 to vector<16xi32>
        %add3A_124 = arith.addi %add3A_85, %add3A_123 : vector<16xi32>
        %gather3A_125 = tpu.vector_load_idx %arg11[%add3A_124] : memref<26624xi32, #tpu.memory_space<vmem>>[vector<16xi32>], vector<16xi32>,
        %ne3A_126 = arith.constant 0 : i32
        %ne3A_127 = vector.broadcast %ne3A_126 : i32 to vector<16xi32>
        %ne3A_128 = arith.cmpi ne, %gather3A_125, %ne3A_127 : vector<16xi32>
        %jit3A_129 = arith.constant 1.000000e+00 : f32
        %jit3A_130 = arith.constant 0.000000e+00 : f32
        %broadcast_in_dim3A_131 = vector.broadcast %jit3A_129 : f32 to vector<16xf32>
        %broadcast_in_dim3A_132 = vector.broadcast %jit3A_130 : f32 to vector<16xf32>
        %select_n3A_133 = arith.select %ne3A_128, %broadcast_in_dim3A_131, %broadcast_in_dim3A_132 : vector<16xi1>, vector<16xf32>
        %add3A_134 = arith.addf %add3A_121, %select_n3A_133 : vector<16xf32>
        %add3A_135 = arith.constant 4 : i32
        %add3A_136 = vector.broadcast %add3A_135 : i32 to vector<16xi32>
        %add3A_137 = arith.addi %add3A_85, %add3A_136 : vector<16xi32>
        %gather3A_138 = tpu.vector_load_idx %arg11[%add3A_137] : memref<26624xi32, #tpu.memory_space<vmem>>[vector<16xi32>], vector<16xi32>,
        %ne3A_139 = arith.constant 0 : i32
        %ne3A_140 = vector.broadcast %ne3A_139 : i32 to vector<16xi32>
        %ne3A_141 = arith.cmpi ne, %gather3A_138, %ne3A_140 : vector<16xi32>
        %jit3A_142 = arith.constant 1.000000e+00 : f32
        %jit3A_143 = arith.constant 0.000000e+00 : f32
        %broadcast_in_dim3A_144 = vector.broadcast %jit3A_142 : f32 to vector<16xf32>
        %broadcast_in_dim3A_145 = vector.broadcast %jit3A_143 : f32 to vector<16xf32>
        %select_n3A_146 = arith.select %ne3A_141, %broadcast_in_dim3A_144, %broadcast_in_dim3A_145 : vector<16xi1>, vector<16xf32>
        %add3A_147 = arith.addf %add3A_134, %select_n3A_146 : vector<16xf32>
        %add3A_148 = arith.constant 5 : i32
        %add3A_149 = vector.broadcast %add3A_148 : i32 to vector<16xi32>
        %add3A_150 = arith.addi %add3A_85, %add3A_149 : vector<16xi32>
        %gather3A_151 = tpu.vector_load_idx %arg11[%add3A_150] : memref<26624xi32, #tpu.memory_space<vmem>>[vector<16xi32>], vector<16xi32>,
        %ne3A_152 = arith.constant 0 : i32
        %ne3A_153 = vector.broadcast %ne3A_152 : i32 to vector<16xi32>
        %ne3A_154 = arith.cmpi ne, %gather3A_151, %ne3A_153 : vector<16xi32>
        %jit3A_155 = arith.constant 1.000000e+00 : f32
        %jit3A_156 = arith.constant 0.000000e+00 : f32
        %broadcast_in_dim3A_157 = vector.broadcast %jit3A_155 : f32 to vector<16xf32>
        %broadcast_in_dim3A_158 = vector.broadcast %jit3A_156 : f32 to vector<16xf32>
        %select_n3A_159 = arith.select %ne3A_154, %broadcast_in_dim3A_157, %broadcast_in_dim3A_158 : vector<16xi1>, vector<16xf32>
        %add3A_160 = arith.addf %add3A_147, %select_n3A_159 : vector<16xf32>
        %add3A_161 = arith.constant 6 : i32
        %add3A_162 = vector.broadcast %add3A_161 : i32 to vector<16xi32>
        %add3A_163 = arith.addi %add3A_85, %add3A_162 : vector<16xi32>
        %gather3A_164 = tpu.vector_load_idx %arg11[%add3A_163] : memref<26624xi32, #tpu.memory_space<vmem>>[vector<16xi32>], vector<16xi32>,
        %ne3A_165 = arith.constant 0 : i32
        %ne3A_166 = vector.broadcast %ne3A_165 : i32 to vector<16xi32>
        %ne3A_167 = arith.cmpi ne, %gather3A_164, %ne3A_166 : vector<16xi32>
        %jit3A_168 = arith.constant 1.000000e+00 : f32
        %jit3A_169 = arith.constant 0.000000e+00 : f32
        %broadcast_in_dim3A_170 = vector.broadcast %jit3A_168 : f32 to vector<16xf32>
        %broadcast_in_dim3A_171 = vector.broadcast %jit3A_169 : f32 to vector<16xf32>
        %select_n3A_172 = arith.select %ne3A_167, %broadcast_in_dim3A_170, %broadcast_in_dim3A_171 : vector<16xi1>, vector<16xf32>
        %add3A_173 = arith.addf %add3A_160, %select_n3A_172 : vector<16xf32>
        %add3A_174 = arith.constant 7 : i32
        %add3A_175 = vector.broadcast %add3A_174 : i32 to vector<16xi32>
        %add3A_176 = arith.addi %add3A_85, %add3A_175 : vector<16xi32>
        %gather3A_177 = tpu.vector_load_idx %arg11[%add3A_176] : memref<26624xi32, #tpu.memory_space<vmem>>[vector<16xi32>], vector<16xi32>,
        %ne3A_178 = arith.constant 0 : i32
        %ne3A_179 = vector.broadcast %ne3A_178 : i32 to vector<16xi32>
        %ne3A_180 = arith.cmpi ne, %gather3A_177, %ne3A_179 : vector<16xi32>
        %jit3A_181 = arith.constant 1.000000e+00 : f32
        %jit3A_182 = arith.constant 0.000000e+00 : f32
        %broadcast_in_dim3A_183 = vector.broadcast %jit3A_181 : f32 to vector<16xf32>
        %broadcast_in_dim3A_184 = vector.broadcast %jit3A_182 : f32 to vector<16xf32>
        %select_n3A_185 = arith.select %ne3A_180, %broadcast_in_dim3A_183, %broadcast_in_dim3A_184 : vector<16xi1>, vector<16xf32>
        %add3A_186 = arith.addf %add3A_173, %select_n3A_185 : vector<16xf32>
        %add3A_187 = arith.constant 8 : i32
        %add3A_188 = vector.broadcast %add3A_187 : i32 to vector<16xi32>
        %add3A_189 = arith.addi %add3A_85, %add3A_188 : vector<16xi32>
        %gather3A_190 = tpu.vector_load_idx %arg11[%add3A_189] : memref<26624xi32, #tpu.memory_space<vmem>>[vector<16xi32>], vector<16xi32>,
        %ne3A_191 = arith.constant 0 : i32
        %ne3A_192 = vector.broadcast %ne3A_191 : i32 to vector<16xi32>
        %ne3A_193 = arith.cmpi ne, %gather3A_190, %ne3A_192 : vector<16xi32>
        %jit3A_194 = arith.constant 1.000000e+00 : f32
        %jit3A_195 = arith.constant 0.000000e+00 : f32
        %broadcast_in_dim3A_196 = vector.broadcast %jit3A_194 : f32 to vector<16xf32>
        %broadcast_in_dim3A_197 = vector.broadcast %jit3A_195 : f32 to vector<16xf32>
        %select_n3A_198 = arith.select %ne3A_193, %broadcast_in_dim3A_196, %broadcast_in_dim3A_197 : vector<16xi1>, vector<16xf32>
        %add3A_199 = arith.addf %add3A_186, %select_n3A_198 : vector<16xf32>
        %add3A_200 = arith.constant 9 : i32
        %add3A_201 = vector.broadcast %add3A_200 : i32 to vector<16xi32>
        %add3A_202 = arith.addi %add3A_85, %add3A_201 : vector<16xi32>
        %gather3A_203 = tpu.vector_load_idx %arg11[%add3A_202] : memref<26624xi32, #tpu.memory_space<vmem>>[vector<16xi32>], vector<16xi32>,
        %ne3A_204 = arith.constant 0 : i32
        %ne3A_205 = vector.broadcast %ne3A_204 : i32 to vector<16xi32>
        %ne3A_206 = arith.cmpi ne, %gather3A_203, %ne3A_205 : vector<16xi32>
        %jit3A_207 = arith.constant 1.000000e+00 : f32
        %jit3A_208 = arith.constant 0.000000e+00 : f32
        %broadcast_in_dim3A_209 = vector.broadcast %jit3A_207 : f32 to vector<16xf32>
        %broadcast_in_dim3A_210 = vector.broadcast %jit3A_208 : f32 to vector<16xf32>
        %select_n3A_211 = arith.select %ne3A_206, %broadcast_in_dim3A_209, %broadcast_in_dim3A_210 : vector<16xi1>, vector<16xf32>
        %add3A_212 = arith.addf %add3A_199, %select_n3A_211 : vector<16xf32>
        %add3A_213 = arith.constant 10 : i32
        %add3A_214 = vector.broadcast %add3A_213 : i32 to vector<16xi32>
        %add3A_215 = arith.addi %add3A_85, %add3A_214 : vector<16xi32>
        %gather3A_216 = tpu.vector_load_idx %arg11[%add3A_215] : memref<26624xi32, #tpu.memory_space<vmem>>[vector<16xi32>], vector<16xi32>,
        %ne3A_217 = arith.constant 0 : i32
        %ne3A_218 = vector.broadcast %ne3A_217 : i32 to vector<16xi32>
        %ne3A_219 = arith.cmpi ne, %gather3A_216, %ne3A_218 : vector<16xi32>
        %jit3A_220 = arith.constant 1.000000e+00 : f32
        %jit3A_221 = arith.constant 0.000000e+00 : f32
        %broadcast_in_dim3A_222 = vector.broadcast %jit3A_220 : f32 to vector<16xf32>
        %broadcast_in_dim3A_223 = vector.broadcast %jit3A_221 : f32 to vector<16xf32>
        %select_n3A_224 = arith.select %ne3A_219, %broadcast_in_dim3A_222, %broadcast_in_dim3A_223 : vector<16xi1>, vector<16xf32>
        %add3A_225 = arith.addf %add3A_212, %select_n3A_224 : vector<16xf32>
        %add3A_226 = arith.constant 11 : i32
        %add3A_227 = vector.broadcast %add3A_226 : i32 to vector<16xi32>
        %add3A_228 = arith.addi %add3A_85, %add3A_227 : vector<16xi32>
        %gather3A_229 = tpu.vector_load_idx %arg11[%add3A_228] : memref<26624xi32, #tpu.memory_space<vmem>>[vector<16xi32>], vector<16xi32>,
        %ne3A_230 = arith.constant 0 : i32
        %ne3A_231 = vector.broadcast %ne3A_230 : i32 to vector<16xi32>
        %ne3A_232 = arith.cmpi ne, %gather3A_229, %ne3A_231 : vector<16xi32>
        %jit3A_233 = arith.constant 1.000000e+00 : f32
        %jit3A_234 = arith.constant 0.000000e+00 : f32
        %broadcast_in_dim3A_235 = vector.broadcast %jit3A_233 : f32 to vector<16xf32>
        %broadcast_in_dim3A_236 = vector.broadcast %jit3A_234 : f32 to vector<16xf32>
        %select_n3A_237 = arith.select %ne3A_232, %broadcast_in_dim3A_235, %broadcast_in_dim3A_236 : vector<16xi1>, vector<16xf32>
        %add3A_238 = arith.addf %add3A_225, %select_n3A_237 : vector<16xf32>
        %add3A_239 = arith.constant 12 : i32
        %add3A_240 = vector.broadcast %add3A_239 : i32 to vector<16xi32>
        %add3A_241 = arith.addi %add3A_85, %add3A_240 : vector<16xi32>
        %gather3A_242 = tpu.vector_load_idx %arg11[%add3A_241] : memref<26624xi32, #tpu.memory_space<vmem>>[vector<16xi32>], vector<16xi32>,
        %ne3A_243 = arith.constant 0 : i32
        %ne3A_244 = vector.broadcast %ne3A_243 : i32 to vector<16xi32>
        %ne3A_245 = arith.cmpi ne, %gather3A_242, %ne3A_244 : vector<16xi32>
        %jit3A_246 = arith.constant 1.000000e+00 : f32
        %jit3A_247 = arith.constant 0.000000e+00 : f32
        %broadcast_in_dim3A_248 = vector.broadcast %jit3A_246 : f32 to vector<16xf32>
        %broadcast_in_dim3A_249 = vector.broadcast %jit3A_247 : f32 to vector<16xf32>
        %select_n3A_250 = arith.select %ne3A_245, %broadcast_in_dim3A_248, %broadcast_in_dim3A_249 : vector<16xi1>, vector<16xf32>
        %add3A_251 = arith.addf %add3A_238, %select_n3A_250 : vector<16xf32>
        %add3A_252 = arith.constant 13 : i32
        %add3A_253 = vector.broadcast %add3A_252 : i32 to vector<16xi32>
        %add3A_254 = arith.addi %add3A_85, %add3A_253 : vector<16xi32>
        %gather3A_255 = tpu.vector_load_idx %arg11[%add3A_254] : memref<26624xi32, #tpu.memory_space<vmem>>[vector<16xi32>], vector<16xi32>,
        %ne3A_256 = arith.constant 0 : i32
        %ne3A_257 = vector.broadcast %ne3A_256 : i32 to vector<16xi32>
        %ne3A_258 = arith.cmpi ne, %gather3A_255, %ne3A_257 : vector<16xi32>
        %jit3A_259 = arith.constant 1.000000e+00 : f32
        %jit3A_260 = arith.constant 0.000000e+00 : f32
        %broadcast_in_dim3A_261 = vector.broadcast %jit3A_259 : f32 to vector<16xf32>
        %broadcast_in_dim3A_262 = vector.broadcast %jit3A_260 : f32 to vector<16xf32>
        %select_n3A_263 = arith.select %ne3A_258, %broadcast_in_dim3A_261, %broadcast_in_dim3A_262 : vector<16xi1>, vector<16xf32>
        %add3A_264 = arith.addf %add3A_251, %select_n3A_263 : vector<16xf32>
        %add3A_265 = arith.constant 14 : i32
        %add3A_266 = vector.broadcast %add3A_265 : i32 to vector<16xi32>
        %add3A_267 = arith.addi %add3A_85, %add3A_266 : vector<16xi32>
        %gather3A_268 = tpu.vector_load_idx %arg11[%add3A_267] : memref<26624xi32, #tpu.memory_space<vmem>>[vector<16xi32>], vector<16xi32>,
        %ne3A_269 = arith.constant 0 : i32
        %ne3A_270 = vector.broadcast %ne3A_269 : i32 to vector<16xi32>
        %ne3A_271 = arith.cmpi ne, %gather3A_268, %ne3A_270 : vector<16xi32>
        %jit3A_272 = arith.constant 1.000000e+00 : f32
        %jit3A_273 = arith.constant 0.000000e+00 : f32
        %broadcast_in_dim3A_274 = vector.broadcast %jit3A_272 : f32 to vector<16xf32>
        %broadcast_in_dim3A_275 = vector.broadcast %jit3A_273 : f32 to vector<16xf32>
        %select_n3A_276 = arith.select %ne3A_271, %broadcast_in_dim3A_274, %broadcast_in_dim3A_275 : vector<16xi1>, vector<16xf32>
        %add3A_277 = arith.addf %add3A_264, %select_n3A_276 : vector<16xf32>
        %add3A_278 = arith.constant 15 : i32
        %add3A_279 = vector.broadcast %add3A_278 : i32 to vector<16xi32>
        %add3A_280 = arith.addi %add3A_85, %add3A_279 : vector<16xi32>
        %gather3A_281 = tpu.vector_load_idx %arg11[%add3A_280] : memref<26624xi32, #tpu.memory_space<vmem>>[vector<16xi32>], vector<16xi32>,
        %ne3A_282 = arith.constant 0 : i32
        %ne3A_283 = vector.broadcast %ne3A_282 : i32 to vector<16xi32>
        %ne3A_284 = arith.cmpi ne, %gather3A_281, %ne3A_283 : vector<16xi32>
        %jit3A_285 = arith.constant 1.000000e+00 : f32
        %jit3A_286 = arith.constant 0.000000e+00 : f32
        %broadcast_in_dim3A_287 = vector.broadcast %jit3A_285 : f32 to vector<16xf32>
        %broadcast_in_dim3A_288 = vector.broadcast %jit3A_286 : f32 to vector<16xf32>
        %select_n3A_289 = arith.select %ne3A_284, %broadcast_in_dim3A_287, %broadcast_in_dim3A_288 : vector<16xi1>, vector<16xf32>
        %add3A_290 = arith.addf %add3A_277, %select_n3A_289 : vector<16xf32>
        %add3A_291 = arith.constant 16 : i32
        %add3A_292 = vector.broadcast %add3A_291 : i32 to vector<16xi32>
        %add3A_293 = arith.addi %add3A_85, %add3A_292 : vector<16xi32>
        %gather3A_294 = tpu.vector_load_idx %arg11[%add3A_293] : memref<26624xi32, #tpu.memory_space<vmem>>[vector<16xi32>], vector<16xi32>,
        %ne3A_295 = arith.constant 0 : i32
        %ne3A_296 = vector.broadcast %ne3A_295 : i32 to vector<16xi32>
        %ne3A_297 = arith.cmpi ne, %gather3A_294, %ne3A_296 : vector<16xi32>
        %jit3A_298 = arith.constant 1.000000e+00 : f32
        %jit3A_299 = arith.constant 0.000000e+00 : f32
        %broadcast_in_dim3A_300 = vector.broadcast %jit3A_298 : f32 to vector<16xf32>
        %broadcast_in_dim3A_301 = vector.broadcast %jit3A_299 : f32 to vector<16xf32>
        %select_n3A_302 = arith.select %ne3A_297, %broadcast_in_dim3A_300, %broadcast_in_dim3A_301 : vector<16xi1>, vector<16xf32>
        %add3A_303 = arith.addf %add3A_290, %select_n3A_302 : vector<16xf32>
        %add3A_304 = arith.constant 17 : i32
        %add3A_305 = vector.broadcast %add3A_304 : i32 to vector<16xi32>
        %add3A_306 = arith.addi %add3A_85, %add3A_305 : vector<16xi32>
        %gather3A_307 = tpu.vector_load_idx %arg11[%add3A_306] : memref<26624xi32, #tpu.memory_space<vmem>>[vector<16xi32>], vector<16xi32>,
        %ne3A_308 = arith.constant 0 : i32
        %ne3A_309 = vector.broadcast %ne3A_308 : i32 to vector<16xi32>
        %ne3A_310 = arith.cmpi ne, %gather3A_307, %ne3A_309 : vector<16xi32>
        %jit3A_311 = arith.constant 1.000000e+00 : f32
        %jit3A_312 = arith.constant 0.000000e+00 : f32
        %broadcast_in_dim3A_313 = vector.broadcast %jit3A_311 : f32 to vector<16xf32>
        %broadcast_in_dim3A_314 = vector.broadcast %jit3A_312 : f32 to vector<16xf32>
        %select_n3A_315 = arith.select %ne3A_310, %broadcast_in_dim3A_313, %broadcast_in_dim3A_314 : vector<16xi1>, vector<16xf32>
        %add3A_316 = arith.addf %add3A_303, %select_n3A_315 : vector<16xf32>
        %add3A_317 = arith.constant 18 : i32
        %add3A_318 = vector.broadcast %add3A_317 : i32 to vector<16xi32>
        %add3A_319 = arith.addi %add3A_85, %add3A_318 : vector<16xi32>
        %gather3A_320 = tpu.vector_load_idx %arg11[%add3A_319] : memref<26624xi32, #tpu.memory_space<vmem>>[vector<16xi32>], vector<16xi32>,
        %ne3A_321 = arith.constant 0 : i32
        %ne3A_322 = vector.broadcast %ne3A_321 : i32 to vector<16xi32>
        %ne3A_323 = arith.cmpi ne, %gather3A_320, %ne3A_322 : vector<16xi32>
        %jit3A_324 = arith.constant 1.000000e+00 : f32
        %jit3A_325 = arith.constant 0.000000e+00 : f32
        %broadcast_in_dim3A_326 = vector.broadcast %jit3A_324 : f32 to vector<16xf32>
        %broadcast_in_dim3A_327 = vector.broadcast %jit3A_325 : f32 to vector<16xf32>
        %select_n3A_328 = arith.select %ne3A_323, %broadcast_in_dim3A_326, %broadcast_in_dim3A_327 : vector<16xi1>, vector<16xf32>
        %add3A_329 = arith.addf %add3A_316, %select_n3A_328 : vector<16xf32>
        %add3A_330 = arith.constant 19 : i32
        %add3A_331 = vector.broadcast %add3A_330 : i32 to vector<16xi32>
        %add3A_332 = arith.addi %add3A_85, %add3A_331 : vector<16xi32>
        %gather3A_333 = tpu.vector_load_idx %arg11[%add3A_332] : memref<26624xi32, #tpu.memory_space<vmem>>[vector<16xi32>], vector<16xi32>,
        %ne3A_334 = arith.constant 0 : i32
        %ne3A_335 = vector.broadcast %ne3A_334 : i32 to vector<16xi32>
        %ne3A_336 = arith.cmpi ne, %gather3A_333, %ne3A_335 : vector<16xi32>
        %jit3A_337 = arith.constant 1.000000e+00 : f32
        %jit3A_338 = arith.constant 0.000000e+00 : f32
        %broadcast_in_dim3A_339 = vector.broadcast %jit3A_337 : f32 to vector<16xf32>
        %broadcast_in_dim3A_340 = vector.broadcast %jit3A_338 : f32 to vector<16xf32>
        %select_n3A_341 = arith.select %ne3A_336, %broadcast_in_dim3A_339, %broadcast_in_dim3A_340 : vector<16xi1>, vector<16xf32>
        %add3A_342 = arith.addf %add3A_329, %select_n3A_341 : vector<16xf32>
        %add3A_343 = arith.constant 20 : i32
        %add3A_344 = vector.broadcast %add3A_343 : i32 to vector<16xi32>
        %add3A_345 = arith.addi %add3A_85, %add3A_344 : vector<16xi32>
        %gather3A_346 = tpu.vector_load_idx %arg11[%add3A_345] : memref<26624xi32, #tpu.memory_space<vmem>>[vector<16xi32>], vector<16xi32>,
        %ne3A_347 = arith.constant 0 : i32
        %ne3A_348 = vector.broadcast %ne3A_347 : i32 to vector<16xi32>
        %ne3A_349 = arith.cmpi ne, %gather3A_346, %ne3A_348 : vector<16xi32>
        %jit3A_350 = arith.constant 1.000000e+00 : f32
        %jit3A_351 = arith.constant 0.000000e+00 : f32
        %broadcast_in_dim3A_352 = vector.broadcast %jit3A_350 : f32 to vector<16xf32>
        %broadcast_in_dim3A_353 = vector.broadcast %jit3A_351 : f32 to vector<16xf32>
        %select_n3A_354 = arith.select %ne3A_349, %broadcast_in_dim3A_352, %broadcast_in_dim3A_353 : vector<16xi1>, vector<16xf32>
        %add3A_355 = arith.addf %add3A_342, %select_n3A_354 : vector<16xf32>
        %add3A_356 = arith.constant 21 : i32
        %add3A_357 = vector.broadcast %add3A_356 : i32 to vector<16xi32>
        %add3A_358 = arith.addi %add3A_85, %add3A_357 : vector<16xi32>
        %gather3A_359 = tpu.vector_load_idx %arg11[%add3A_358] : memref<26624xi32, #tpu.memory_space<vmem>>[vector<16xi32>], vector<16xi32>,
        %ne3A_360 = arith.constant 0 : i32
        %ne3A_361 = vector.broadcast %ne3A_360 : i32 to vector<16xi32>
        %ne3A_362 = arith.cmpi ne, %gather3A_359, %ne3A_361 : vector<16xi32>
        %jit3A_363 = arith.constant 1.000000e+00 : f32
        %jit3A_364 = arith.constant 0.000000e+00 : f32
        %broadcast_in_dim3A_365 = vector.broadcast %jit3A_363 : f32 to vector<16xf32>
        %broadcast_in_dim3A_366 = vector.broadcast %jit3A_364 : f32 to vector<16xf32>
        %select_n3A_367 = arith.select %ne3A_362, %broadcast_in_dim3A_365, %broadcast_in_dim3A_366 : vector<16xi1>, vector<16xf32>
        %add3A_368 = arith.addf %add3A_355, %select_n3A_367 : vector<16xf32>
        %add3A_369 = arith.constant 22 : i32
        %add3A_370 = vector.broadcast %add3A_369 : i32 to vector<16xi32>
        %add3A_371 = arith.addi %add3A_85, %add3A_370 : vector<16xi32>
        %gather3A_372 = tpu.vector_load_idx %arg11[%add3A_371] : memref<26624xi32, #tpu.memory_space<vmem>>[vector<16xi32>], vector<16xi32>,
        %ne3A_373 = arith.constant 0 : i32
        %ne3A_374 = vector.broadcast %ne3A_373 : i32 to vector<16xi32>
        %ne3A_375 = arith.cmpi ne, %gather3A_372, %ne3A_374 : vector<16xi32>
        %jit3A_376 = arith.constant 1.000000e+00 : f32
        %jit3A_377 = arith.constant 0.000000e+00 : f32
        %broadcast_in_dim3A_378 = vector.broadcast %jit3A_376 : f32 to vector<16xf32>
        %broadcast_in_dim3A_379 = vector.broadcast %jit3A_377 : f32 to vector<16xf32>
        %select_n3A_380 = arith.select %ne3A_375, %broadcast_in_dim3A_378, %broadcast_in_dim3A_379 : vector<16xi1>, vector<16xf32>
        %add3A_381 = arith.addf %add3A_368, %select_n3A_380 : vector<16xf32>
        %add3A_382 = arith.constant 23 : i32
        %add3A_383 = vector.broadcast %add3A_382 : i32 to vector<16xi32>
        %add3A_384 = arith.addi %add3A_85, %add3A_383 : vector<16xi32>
        %gather3A_385 = tpu.vector_load_idx %arg11[%add3A_384] : memref<26624xi32, #tpu.memory_space<vmem>>[vector<16xi32>], vector<16xi32>,
        %ne3A_386 = arith.constant 0 : i32
        %ne3A_387 = vector.broadcast %ne3A_386 : i32 to vector<16xi32>
        %ne3A_388 = arith.cmpi ne, %gather3A_385, %ne3A_387 : vector<16xi32>
        %jit3A_389 = arith.constant 1.000000e+00 : f32
        %jit3A_390 = arith.constant 0.000000e+00 : f32
        %broadcast_in_dim3A_391 = vector.broadcast %jit3A_389 : f32 to vector<16xf32>
        %broadcast_in_dim3A_392 = vector.broadcast %jit3A_390 : f32 to vector<16xf32>
        %select_n3A_393 = arith.select %ne3A_388, %broadcast_in_dim3A_391, %broadcast_in_dim3A_392 : vector<16xi1>, vector<16xf32>
        %add3A_394 = arith.addf %add3A_381, %select_n3A_393 : vector<16xf32>
        %add3A_395 = arith.constant 24 : i32
        %add3A_396 = vector.broadcast %add3A_395 : i32 to vector<16xi32>
        %add3A_397 = arith.addi %add3A_85, %add3A_396 : vector<16xi32>
        %gather3A_398 = tpu.vector_load_idx %arg11[%add3A_397] : memref<26624xi32, #tpu.memory_space<vmem>>[vector<16xi32>], vector<16xi32>,
        %ne3A_399 = arith.constant 0 : i32
        %ne3A_400 = vector.broadcast %ne3A_399 : i32 to vector<16xi32>
        %ne3A_401 = arith.cmpi ne, %gather3A_398, %ne3A_400 : vector<16xi32>
        %jit3A_402 = arith.constant 1.000000e+00 : f32
        %jit3A_403 = arith.constant 0.000000e+00 : f32
        %broadcast_in_dim3A_404 = vector.broadcast %jit3A_402 : f32 to vector<16xf32>
        %broadcast_in_dim3A_405 = vector.broadcast %jit3A_403 : f32 to vector<16xf32>
        %select_n3A_406 = arith.select %ne3A_401, %broadcast_in_dim3A_404, %broadcast_in_dim3A_405 : vector<16xi1>, vector<16xf32>
        %add3A_407 = arith.addf %add3A_394, %select_n3A_406 : vector<16xf32>
        %add3A_408 = arith.constant 25 : i32
        %add3A_409 = vector.broadcast %add3A_408 : i32 to vector<16xi32>
        %add3A_410 = arith.addi %add3A_85, %add3A_409 : vector<16xi32>
        %gather3A_411 = tpu.vector_load_idx %arg11[%add3A_410] : memref<26624xi32, #tpu.memory_space<vmem>>[vector<16xi32>], vector<16xi32>,
        %ne3A_412 = arith.constant 0 : i32
        %ne3A_413 = vector.broadcast %ne3A_412 : i32 to vector<16xi32>
        %ne3A_414 = arith.cmpi ne, %gather3A_411, %ne3A_413 : vector<16xi32>
        %jit3A_415 = arith.constant 1.000000e+00 : f32
        %jit3A_416 = arith.constant 0.000000e+00 : f32
        %broadcast_in_dim3A_417 = vector.broadcast %jit3A_415 : f32 to vector<16xf32>
        %broadcast_in_dim3A_418 = vector.broadcast %jit3A_416 : f32 to vector<16xf32>
        %select_n3A_419 = arith.select %ne3A_414, %broadcast_in_dim3A_417, %broadcast_in_dim3A_418 : vector<16xi1>, vector<16xf32>
        %add3A_420 = arith.addf %add3A_407, %select_n3A_419 : vector<16xf32>
        %mul3A_421 = arith.constant 16 : i32
        %mul3A_422 = arith.muli %scan3A_82, %mul3A_421 : i32
        %swap3A = arith.index_cast %mul3A_422 : i32 to index
        %swap3A_423 = tpu.vector_load %arg20[%swap3A] {strides = array<i32>} : memref<1024xf32, #tpu.memory_space<vmem>>, vector<16xf32>,
        tpu.vector_store %arg20[%swap3A], %add3A_420 {strides = array<i32>} : memref<1024xf32, #tpu.memory_space<vmem>>, vector<16xf32>,
      }
      %scan3A_36 = arith.constant 64 : i32
      "tpu.region"() ({
        %run_scoped3A = tpu.sem_alloc : memref<!tpu.dma_semaphore, #tpu.memory_space<semaphore_mem>>
        %dma_start3A_82 = tpu.memref_slice %arg9[%mul3A_0] : memref<16384xf32, #tpu.memory_space<hbm>> -> memref<1024xf32, #tpu.memory_space<hbm>>
        %dma_start3A_83 = tpu.memref_slice %arg9[%mul3A_0] : memref<16384xf32, #tpu.memory_space<hbm>> -> memref<1024xf32, #tpu.memory_space<hbm>>
        tpu.enqueue_dma source(%arg20 : memref<1024xf32, #tpu.memory_space<vmem>>) target(%dma_start3A_83 : memref<1024xf32, #tpu.memory_space<hbm>>) target_semaphore(%run_scoped3A : memref<!tpu.dma_semaphore, #tpu.memory_space<semaphore_mem>>)
        %dma_wait3A_84 = tpu.memref_slice %arg9[%mul3A_0] : memref<16384xf32, #tpu.memory_space<hbm>> -> memref<1024xf32, #tpu.memory_space<hbm>>
        %dma_wait3A_85 = tpu.memref_slice %arg9[%mul3A_0] : memref<16384xf32, #tpu.memory_space<hbm>> -> memref<1024xf32, #tpu.memory_space<hbm>>
        tpu.wait_dma2 semaphore(%run_scoped3A : memref<!tpu.dma_semaphore, #tpu.memory_space<semaphore_mem>>) src(%arg20 : memref<1024xf32, #tpu.memory_space<vmem>>) dst(%dma_wait3A_85 : memref<1024xf32, #tpu.memory_space<hbm>>)
        tpu.yield
      }) : () -> ()
      %dma_wait3A_37 = tpu.memref_slice %arg10[%mul3A_14] : memref<1000000xf32, #tpu.memory_space<vmem_shared>> -> memref<62496xf32, #tpu.memory_space<vmem_shared>>
      %dma_wait3A_38 = tpu.memref_slice %arg5[%mul3A_12] : memref<1000000xf32, #tpu.memory_space<hbm>> -> memref<62496xf32, #tpu.memory_space<hbm>>
      tpu.wait_dma2 semaphore(%arg22 : memref<!tpu.dma_semaphore, #tpu.memory_space<semaphore_mem>>) src(%dma_wait3A_38 : memref<62496xf32, #tpu.memory_space<hbm>>) dst(%dma_wait3A_37 : memref<62496xf32, #tpu.memory_space<vmem_shared>>)
      %eq3A_39 = arith.constant 0 : i32
      %eq3A_40 = arith.cmpi eq, %arg1, %eq3A_39 : i32
      %convert_element_type3A_41 = arith.extui %eq3A_40 : i1 to i32
      %cond3A_42 = arith.constant 0 : i32
      %cond3A_43 = arith.cmpi ne, %convert_element_type3A_41, %cond3A_42 : i32
      scf.if %cond3A_43 {
        %dma_wait3A_82 = arith.constant 999936 : i32
        %dma_wait3A_83 = tpu.memref_slice %arg10[%dma_wait3A_82] : memref<1000000xf32, #tpu.memory_space<vmem_shared>> -> memref<64xf32, #tpu.memory_space<vmem_shared>>
        %dma_wait3A_84 = arith.constant 999936 : i32
        %dma_wait3A_85 = tpu.memref_slice %arg5[%dma_wait3A_84] : memref<1000000xf32, #tpu.memory_space<hbm>> -> memref<64xf32, #tpu.memory_space<hbm>>
        tpu.wait_dma2 semaphore(%arg23 : memref<!tpu.dma_semaphore, #tpu.memory_space<semaphore_mem>>) src(%dma_wait3A_85 : memref<64xf32, #tpu.memory_space<hbm>>) dst(%dma_wait3A_83 : memref<64xf32, #tpu.memory_space<vmem_shared>>)
      } else {
      }
      %barrier3A = arith.constant 0 : index
      tpu.barrier barrier_id(%barrier3A)
      %dma_start3A_44 = arith.constant 0 : i32
      %dma_start3A_45 = tpu.memref_slice %arg11[%dma_start3A_44] : memref<26624xi32, #tpu.memory_space<vmem>> -> memref<832xi32, #tpu.memory_space<vmem>>
      %dma_start3A_46 = arith.constant 0 : i32
      %dma_start3A_47 = tpu.memref_slice %arg10[%dma_start3A_46] : memref<1000000xf32, #tpu.memory_space<vmem_shared>> -> memref<1000000xf32, #tpu.memory_space<vmem_shared>>
      tpu.enqueue_indirect_dma source(%dma_start3A_47 : memref<1000000xf32, #tpu.memory_space<vmem_shared>>) target(%arg12 : memref<832xf32, #tpu.memory_space<vmem>>) offsets(%dma_start3A_45 : memref<832xi32, #tpu.memory_space<vmem>>) semaphore(%arg24 : memref<!tpu.dma_semaphore, #tpu.memory_space<semaphore_mem>>)
      %dma_start3A_48 = arith.constant 832 : i32
      %dma_start3A_49 = tpu.memref_slice %arg11[%dma_start3A_48] : memref<26624xi32, #tpu.memory_space<vmem>> -> memref<832xi32, #tpu.memory_space<vmem>>
      %dma_start3A_50 = arith.constant 0 : i32
      %dma_start3A_51 = tpu.memref_slice %arg10[%dma_start3A_50] : memref<1000000xf32, #tpu.memory_space<vmem_shared>> -> memref<1000000xf32, #tpu.memory_space<vmem_shared>>
      tpu.enqueue_indirect_dma source(%dma_start3A_51 : memref<1000000xf32, #tpu.memory_space<vmem_shared>>) target(%arg13 : memref<832xf32, #tpu.memory_space<vmem>>) offsets(%dma_start3A_49 : memref<832xi32, #tpu.memory_space<vmem>>) semaphore(%arg25 : memref<!tpu.dma_semaphore, #tpu.memory_space<semaphore_mem>>)
      %dma_start3A_52 = arith.constant 1664 : i32
      %dma_start3A_53 = tpu.memref_slice %arg11[%dma_start3A_52] : memref<26624xi32, #tpu.memory_space<vmem>> -> memref<832xi32, #tpu.memory_space<vmem>>
      %dma_start3A_54 = arith.constant 0 : i32
      %dma_start3A_55 = tpu.memref_slice %arg10[%dma_start3A_54] : memref<1000000xf32, #tpu.memory_space<vmem_shared>> -> memref<1000000xf32, #tpu.memory_space<vmem_shared>>
      tpu.enqueue_indirect_dma source(%dma_start3A_55 : memref<1000000xf32, #tpu.memory_space<vmem_shared>>) target(%arg14 : memref<832xf32, #tpu.memory_space<vmem>>) offsets(%dma_start3A_53 : memref<832xi32, #tpu.memory_space<vmem>>) semaphore(%arg26 : memref<!tpu.dma_semaphore, #tpu.memory_space<semaphore_mem>>)
      %dma_start3A_56 = arith.constant 2496 : i32
      %dma_start3A_57 = tpu.memref_slice %arg11[%dma_start3A_56] : memref<26624xi32, #tpu.memory_space<vmem>> -> memref<832xi32, #tpu.memory_space<vmem>>
      %dma_start3A_58 = arith.constant 0 : i32
      %dma_start3A_59 = tpu.memref_slice %arg10[%dma_start3A_58] : memref<1000000xf32, #tpu.memory_space<vmem_shared>> -> memref<1000000xf32, #tpu.memory_space<vmem_shared>>
      tpu.enqueue_indirect_dma source(%dma_start3A_59 : memref<1000000xf32, #tpu.memory_space<vmem_shared>>) target(%arg15 : memref<832xf32, #tpu.memory_space<vmem>>) offsets(%dma_start3A_57 : memref<832xi32, #tpu.memory_space<vmem>>) semaphore(%arg27 : memref<!tpu.dma_semaphore, #tpu.memory_space<semaphore_mem>>)
      %dma_start3A_60 = arith.constant 3328 : i32
      %dma_start3A_61 = tpu.memref_slice %arg11[%dma_start3A_60] : memref<26624xi32, #tpu.memory_space<vmem>> -> memref<832xi32, #tpu.memory_space<vmem>>
      %dma_start3A_62 = arith.constant 0 : i32
      %dma_start3A_63 = tpu.memref_slice %arg10[%dma_start3A_62] : memref<1000000xf32, #tpu.memory_space<vmem_shared>> -> memref<1000000xf32, #tpu.memory_space<vmem_shared>>
      tpu.enqueue_indirect_dma source(%dma_start3A_63 : memref<1000000xf32, #tpu.memory_space<vmem_shared>>) target(%arg16 : memref<832xf32, #tpu.memory_space<vmem>>) offsets(%dma_start3A_61 : memref<832xi32, #tpu.memory_space<vmem>>) semaphore(%arg28 : memref<!tpu.dma_semaphore, #tpu.memory_space<semaphore_mem>>)
      %dma_start3A_64 = arith.constant 4160 : i32
      %dma_start3A_65 = tpu.memref_slice %arg11[%dma_start3A_64] : memref<26624xi32, #tpu.memory_space<vmem>> -> memref<832xi32, #tpu.memory_space<vmem>>
      %dma_start3A_66 = arith.constant 0 : i32
      %dma_start3A_67 = tpu.memref_slice %arg10[%dma_start3A_66] : memref<1000000xf32, #tpu.memory_space<vmem_shared>> -> memref<1000000xf32, #tpu.memory_space<vmem_shared>>
      tpu.enqueue_indirect_dma source(%dma_start3A_67 : memref<1000000xf32, #tpu.memory_space<vmem_shared>>) target(%arg17 : memref<832xf32, #tpu.memory_space<vmem>>) offsets(%dma_start3A_65 : memref<832xi32, #tpu.memory_space<vmem>>) semaphore(%arg29 : memref<!tpu.dma_semaphore, #tpu.memory_space<semaphore_mem>>)
      %dma_start3A_68 = arith.constant 4992 : i32
      %dma_start3A_69 = tpu.memref_slice %arg11[%dma_start3A_68] : memref<26624xi32, #tpu.memory_space<vmem>> -> memref<832xi32, #tpu.memory_space<vmem>>
      %dma_start3A_70 = arith.constant 0 : i32
      %dma_start3A_71 = tpu.memref_slice %arg10[%dma_start3A_70] : memref<1000000xf32, #tpu.memory_space<vmem_shared>> -> memref<1000000xf32, #tpu.memory_space<vmem_shared>>
      tpu.enqueue_indirect_dma source(%dma_start3A_71 : memref<1000000xf32, #tpu.memory_space<vmem_shared>>) target(%arg18 : memref<832xf32, #tpu.memory_space<vmem>>) offsets(%dma_start3A_69 : memref<832xi32, #tpu.memory_space<vmem>>) semaphore(%arg30 : memref<!tpu.dma_semaphore, #tpu.memory_space<semaphore_mem>>)
      %dma_start3A_72 = arith.constant 5824 : i32
      %dma_start3A_73 = tpu.memref_slice %arg11[%dma_start3A_72] : memref<26624xi32, #tpu.memory_space<vmem>> -> memref<832xi32, #tpu.memory_space<vmem>>
      %dma_start3A_74 = arith.constant 0 : i32
      %dma_start3A_75 = tpu.memref_slice %arg10[%dma_start3A_74] : memref<1000000xf32, #tpu.memory_space<vmem_shared>> -> memref<1000000xf32, #tpu.memory_space<vmem_shared>>
      tpu.enqueue_indirect_dma source(%dma_start3A_75 : memref<1000000xf32, #tpu.memory_space<vmem_shared>>) target(%arg19 : memref<832xf32, #tpu.memory_space<vmem>>) offsets(%dma_start3A_73 : memref<832xi32, #tpu.memory_space<vmem>>) semaphore(%arg31 : memref<!tpu.dma_semaphore, #tpu.memory_space<semaphore_mem>>)
      %scan3A_76 = arith.constant 0 : i32
      %scan3A_77 = arith.constant 0 : i32
      %scan3A_78 = arith.constant 4 : i32
      %scan3A_79 = arith.addi %scan3A_77, %scan3A_78 : i32
      %scan3A_80 = arith.constant 1 : i32
      scf.for %scan3A_82 = %scan3A_77 to %scan3A_79 step %scan3A_80  : i32 {
        %mul3A_83 = arith.constant 8 : i32
        %mul3A_84 = arith.muli %mul3A_83, %scan3A_82 : i32
        %add3A = arith.constant 0 : i32
        %add3A_85 = arith.addi %mul3A_84, %add3A : i32
        %mul3A_86 = arith.constant 832 : i32
        %mul3A_87 = arith.muli %add3A_85, %mul3A_86 : i32
        %dma_wait3A_88 = tpu.memref_slice %arg11[%mul3A_87] : memref<26624xi32, #tpu.memory_space<vmem>> -> memref<832xi32, #tpu.memory_space<vmem>>
        %dma_wait3A_89 = arith.constant 0 : i32
        %dma_wait3A_90 = tpu.memref_slice %arg10[%dma_wait3A_89] : memref<1000000xf32, #tpu.memory_space<vmem_shared>> -> memref<1000000xf32, #tpu.memory_space<vmem_shared>>
        tpu.wait_indirect_dma semaphore(%arg24 : memref<!tpu.dma_semaphore, #tpu.memory_space<semaphore_mem>>) src(%dma_wait3A_90 : memref<1000000xf32, #tpu.memory_space<vmem_shared>>) dst(%arg12 : memref<832xf32, #tpu.memory_space<vmem>>)
        %scan3A_91 = arith.constant 0 : i32
        %scan3A_92 = arith.constant 0 : i32
        %scan3A_93 = arith.constant 2 : i32
        %scan3A_94 = arith.addi %scan3A_92, %scan3A_93 : i32
        %scan3A_95 = arith.constant 1 : i32
        scf.for %scan3A_257 = %scan3A_92 to %scan3A_94 step %scan3A_95  : i32 {
          %mul3A_258 = arith.constant 416 : i32
          %mul3A_259 = arith.muli %scan3A_257, %mul3A_258 : i32
          %add3A_260 = vector.broadcast %mul3A_259 : i32 to vector<16xi32>
          %add3A_261 = arith.addi %add3A_260, %mul3A_3 : vector<16xi32>
          %broadcast_in_dim3A = arith.constant 0.000000e+00 : f32
          %broadcast_in_dim3A_262 = vector.broadcast %broadcast_in_dim3A : f32 to vector<16xf32>
          %add3A_263 = arith.constant 0 : i32
          %add3A_264 = vector.broadcast %add3A_263 : i32 to vector<16xi32>
          %add3A_265 = arith.addi %add3A_261, %add3A_264 : vector<16xi32>
          %gather3A = tpu.vector_load_idx %arg12[%add3A_265] : memref<832xf32, #tpu.memory_space<vmem>>[vector<16xi32>], vector<16xf32>,
          %add3A_266 = arith.addf %broadcast_in_dim3A_262, %gather3A : vector<16xf32>
          %add3A_267 = arith.constant 1 : i32
          %add3A_268 = vector.broadcast %add3A_267 : i32 to vector<16xi32>
          %add3A_269 = arith.addi %add3A_261, %add3A_268 : vector<16xi32>
          %gather3A_270 = tpu.vector_load_idx %arg12[%add3A_269] : memref<832xf32, #tpu.memory_space<vmem>>[vector<16xi32>], vector<16xf32>,
          %add3A_271 = arith.addf %add3A_266, %gather3A_270 : vector<16xf32>
          %add3A_272 = arith.constant 2 : i32
          %add3A_273 = vector.broadcast %add3A_272 : i32 to vector<16xi32>
          %add3A_274 = arith.addi %add3A_261, %add3A_273 : vector<16xi32>
          %gather3A_275 = tpu.vector_load_idx %arg12[%add3A_274] : memref<832xf32, #tpu.memory_space<vmem>>[vector<16xi32>], vector<16xf32>,
          %add3A_276 = arith.addf %add3A_271, %gather3A_275 : vector<16xf32>
          %add3A_277 = arith.constant 3 : i32
          %add3A_278 = vector.broadcast %add3A_277 : i32 to vector<16xi32>
          %add3A_279 = arith.addi %add3A_261, %add3A_278 : vector<16xi32>
          %gather3A_280 = tpu.vector_load_idx %arg12[%add3A_279] : memref<832xf32, #tpu.memory_space<vmem>>[vector<16xi32>], vector<16xf32>,
          %add3A_281 = arith.addf %add3A_276, %gather3A_280 : vector<16xf32>
          %add3A_282 = arith.constant 4 : i32
          %add3A_283 = vector.broadcast %add3A_282 : i32 to vector<16xi32>
          %add3A_284 = arith.addi %add3A_261, %add3A_283 : vector<16xi32>
          %gather3A_285 = tpu.vector_load_idx %arg12[%add3A_284] : memref<832xf32, #tpu.memory_space<vmem>>[vector<16xi32>], vector<16xf32>,
          %add3A_286 = arith.addf %add3A_281, %gather3A_285 : vector<16xf32>
          %add3A_287 = arith.constant 5 : i32
          %add3A_288 = vector.broadcast %add3A_287 : i32 to vector<16xi32>
          %add3A_289 = arith.addi %add3A_261, %add3A_288 : vector<16xi32>
          %gather3A_290 = tpu.vector_load_idx %arg12[%add3A_289] : memref<832xf32, #tpu.memory_space<vmem>>[vector<16xi32>], vector<16xf32>,
          %add3A_291 = arith.addf %add3A_286, %gather3A_290 : vector<16xf32>
          %add3A_292 = arith.constant 6 : i32
          %add3A_293 = vector.broadcast %add3A_292 : i32 to vector<16xi32>
          %add3A_294 = arith.addi %add3A_261, %add3A_293 : vector<16xi32>
          %gather3A_295 = tpu.vector_load_idx %arg12[%add3A_294] : memref<832xf32, #tpu.memory_space<vmem>>[vector<16xi32>], vector<16xf32>,
          %add3A_296 = arith.addf %add3A_291, %gather3A_295 : vector<16xf32>
          %add3A_297 = arith.constant 7 : i32
          %add3A_298 = vector.broadcast %add3A_297 : i32 to vector<16xi32>
          %add3A_299 = arith.addi %add3A_261, %add3A_298 : vector<16xi32>
          %gather3A_300 = tpu.vector_load_idx %arg12[%add3A_299] : memref<832xf32, #tpu.memory_space<vmem>>[vector<16xi32>], vector<16xf32>,
          %add3A_301 = arith.addf %add3A_296, %gather3A_300 : vector<16xf32>
          %add3A_302 = arith.constant 8 : i32
          %add3A_303 = vector.broadcast %add3A_302 : i32 to vector<16xi32>
          %add3A_304 = arith.addi %add3A_261, %add3A_303 : vector<16xi32>
          %gather3A_305 = tpu.vector_load_idx %arg12[%add3A_304] : memref<832xf32, #tpu.memory_space<vmem>>[vector<16xi32>], vector<16xf32>,
          %add3A_306 = arith.addf %add3A_301, %gather3A_305 : vector<16xf32>
          %add3A_307 = arith.constant 9 : i32
          %add3A_308 = vector.broadcast %add3A_307 : i32 to vector<16xi32>
          %add3A_309 = arith.addi %add3A_261, %add3A_308 : vector<16xi32>
          %gather3A_310 = tpu.vector_load_idx %arg12[%add3A_309] : memref<832xf32, #tpu.memory_space<vmem>>[vector<16xi32>], vector<16xf32>,
          %add3A_311 = arith.addf %add3A_306, %gather3A_310 : vector<16xf32>
          %add3A_312 = arith.constant 10 : i32
          %add3A_313 = vector.broadcast %add3A_312 : i32 to vector<16xi32>
          %add3A_314 = arith.addi %add3A_261, %add3A_313 : vector<16xi32>
          %gather3A_315 = tpu.vector_load_idx %arg12[%add3A_314] : memref<832xf32, #tpu.memory_space<vmem>>[vector<16xi32>], vector<16xf32>,
          %add3A_316 = arith.addf %add3A_311, %gather3A_315 : vector<16xf32>
          %add3A_317 = arith.constant 11 : i32
          %add3A_318 = vector.broadcast %add3A_317 : i32 to vector<16xi32>
          %add3A_319 = arith.addi %add3A_261, %add3A_318 : vector<16xi32>
          %gather3A_320 = tpu.vector_load_idx %arg12[%add3A_319] : memref<832xf32, #tpu.memory_space<vmem>>[vector<16xi32>], vector<16xf32>,
          %add3A_321 = arith.addf %add3A_316, %gather3A_320 : vector<16xf32>
          %add3A_322 = arith.constant 12 : i32
          %add3A_323 = vector.broadcast %add3A_322 : i32 to vector<16xi32>
          %add3A_324 = arith.addi %add3A_261, %add3A_323 : vector<16xi32>
          %gather3A_325 = tpu.vector_load_idx %arg12[%add3A_324] : memref<832xf32, #tpu.memory_space<vmem>>[vector<16xi32>], vector<16xf32>,
          %add3A_326 = arith.addf %add3A_321, %gather3A_325 : vector<16xf32>
          %add3A_327 = arith.constant 13 : i32
          %add3A_328 = vector.broadcast %add3A_327 : i32 to vector<16xi32>
          %add3A_329 = arith.addi %add3A_261, %add3A_328 : vector<16xi32>
          %gather3A_330 = tpu.vector_load_idx %arg12[%add3A_329] : memref<832xf32, #tpu.memory_space<vmem>>[vector<16xi32>], vector<16xf32>,
          %add3A_331 = arith.addf %add3A_326, %gather3A_330 : vector<16xf32>
          %add3A_332 = arith.constant 14 : i32
          %add3A_333 = vector.broadcast %add3A_332 : i32 to vector<16xi32>
          %add3A_334 = arith.addi %add3A_261, %add3A_333 : vector<16xi32>
          %gather3A_335 = tpu.vector_load_idx %arg12[%add3A_334] : memref<832xf32, #tpu.memory_space<vmem>>[vector<16xi32>], vector<16xf32>,
          %add3A_336 = arith.addf %add3A_331, %gather3A_335 : vector<16xf32>
          %add3A_337 = arith.constant 15 : i32
          %add3A_338 = vector.broadcast %add3A_337 : i32 to vector<16xi32>
          %add3A_339 = arith.addi %add3A_261, %add3A_338 : vector<16xi32>
          %gather3A_340 = tpu.vector_load_idx %arg12[%add3A_339] : memref<832xf32, #tpu.memory_space<vmem>>[vector<16xi32>], vector<16xf32>,
          %add3A_341 = arith.addf %add3A_336, %gather3A_340 : vector<16xf32>
          %add3A_342 = arith.constant 16 : i32
          %add3A_343 = vector.broadcast %add3A_342 : i32 to vector<16xi32>
          %add3A_344 = arith.addi %add3A_261, %add3A_343 : vector<16xi32>
          %gather3A_345 = tpu.vector_load_idx %arg12[%add3A_344] : memref<832xf32, #tpu.memory_space<vmem>>[vector<16xi32>], vector<16xf32>,
          %add3A_346 = arith.addf %add3A_341, %gather3A_345 : vector<16xf32>
          %add3A_347 = arith.constant 17 : i32
          %add3A_348 = vector.broadcast %add3A_347 : i32 to vector<16xi32>
          %add3A_349 = arith.addi %add3A_261, %add3A_348 : vector<16xi32>
          %gather3A_350 = tpu.vector_load_idx %arg12[%add3A_349] : memref<832xf32, #tpu.memory_space<vmem>>[vector<16xi32>], vector<16xf32>,
          %add3A_351 = arith.addf %add3A_346, %gather3A_350 : vector<16xf32>
          %add3A_352 = arith.constant 18 : i32
          %add3A_353 = vector.broadcast %add3A_352 : i32 to vector<16xi32>
          %add3A_354 = arith.addi %add3A_261, %add3A_353 : vector<16xi32>
          %gather3A_355 = tpu.vector_load_idx %arg12[%add3A_354] : memref<832xf32, #tpu.memory_space<vmem>>[vector<16xi32>], vector<16xf32>,
          %add3A_356 = arith.addf %add3A_351, %gather3A_355 : vector<16xf32>
          %add3A_357 = arith.constant 19 : i32
          %add3A_358 = vector.broadcast %add3A_357 : i32 to vector<16xi32>
          %add3A_359 = arith.addi %add3A_261, %add3A_358 : vector<16xi32>
          %gather3A_360 = tpu.vector_load_idx %arg12[%add3A_359] : memref<832xf32, #tpu.memory_space<vmem>>[vector<16xi32>], vector<16xf32>,
          %add3A_361 = arith.addf %add3A_356, %gather3A_360 : vector<16xf32>
          %add3A_362 = arith.constant 20 : i32
          %add3A_363 = vector.broadcast %add3A_362 : i32 to vector<16xi32>
          %add3A_364 = arith.addi %add3A_261, %add3A_363 : vector<16xi32>
          %gather3A_365 = tpu.vector_load_idx %arg12[%add3A_364] : memref<832xf32, #tpu.memory_space<vmem>>[vector<16xi32>], vector<16xf32>,
          %add3A_366 = arith.addf %add3A_361, %gather3A_365 : vector<16xf32>
          %add3A_367 = arith.constant 21 : i32
          %add3A_368 = vector.broadcast %add3A_367 : i32 to vector<16xi32>
          %add3A_369 = arith.addi %add3A_261, %add3A_368 : vector<16xi32>
          %gather3A_370 = tpu.vector_load_idx %arg12[%add3A_369] : memref<832xf32, #tpu.memory_space<vmem>>[vector<16xi32>], vector<16xf32>,
          %add3A_371 = arith.addf %add3A_366, %gather3A_370 : vector<16xf32>
          %add3A_372 = arith.constant 22 : i32
          %add3A_373 = vector.broadcast %add3A_372 : i32 to vector<16xi32>
          %add3A_374 = arith.addi %add3A_261, %add3A_373 : vector<16xi32>
          %gather3A_375 = tpu.vector_load_idx %arg12[%add3A_374] : memref<832xf32, #tpu.memory_space<vmem>>[vector<16xi32>], vector<16xf32>,
          %add3A_376 = arith.addf %add3A_371, %gather3A_375 : vector<16xf32>
          %add3A_377 = arith.constant 23 : i32
          %add3A_378 = vector.broadcast %add3A_377 : i32 to vector<16xi32>
          %add3A_379 = arith.addi %add3A_261, %add3A_378 : vector<16xi32>
          %gather3A_380 = tpu.vector_load_idx %arg12[%add3A_379] : memref<832xf32, #tpu.memory_space<vmem>>[vector<16xi32>], vector<16xf32>,
          %add3A_381 = arith.addf %add3A_376, %gather3A_380 : vector<16xf32>
          %add3A_382 = arith.constant 24 : i32
          %add3A_383 = vector.broadcast %add3A_382 : i32 to vector<16xi32>
          %add3A_384 = arith.addi %add3A_261, %add3A_383 : vector<16xi32>
          %gather3A_385 = tpu.vector_load_idx %arg12[%add3A_384] : memref<832xf32, #tpu.memory_space<vmem>>[vector<16xi32>], vector<16xf32>,
          %add3A_386 = arith.addf %add3A_381, %gather3A_385 : vector<16xf32>
          %add3A_387 = arith.constant 25 : i32
          %add3A_388 = vector.broadcast %add3A_387 : i32 to vector<16xi32>
          %add3A_389 = arith.addi %add3A_261, %add3A_388 : vector<16xi32>
          %gather3A_390 = tpu.vector_load_idx %arg12[%add3A_389] : memref<832xf32, #tpu.memory_space<vmem>>[vector<16xi32>], vector<16xf32>,
          %add3A_391 = arith.addf %add3A_386, %gather3A_390 : vector<16xf32>
          %mul3A_392 = arith.constant 32 : i32
          %mul3A_393 = arith.muli %add3A_85, %mul3A_392 : i32
          %mul3A_394 = arith.constant 16 : i32
          %mul3A_395 = arith.muli %scan3A_257, %mul3A_394 : i32
          %add3A_396 = arith.addi %mul3A_393, %mul3A_395 : i32
          %swap3A = arith.index_cast %add3A_396 : i32 to index
          %swap3A_397 = tpu.vector_load %arg20[%swap3A] {strides = array<i32>} : memref<1024xf32, #tpu.memory_space<vmem>>, vector<16xf32>,
          tpu.vector_store %arg20[%swap3A], %add3A_391 {strides = array<i32>} : memref<1024xf32, #tpu.memory_space<vmem>>, vector<16xf32>,
        }
        %scan3A_96 = arith.constant 2 : i32
        %add3A_97 = arith.constant 8 : i32
        %add3A_98 = arith.addi %add3A_85, %add3A_97 : i32
        %lt3A = arith.constant 32 : i32
        %lt3A_99 = arith.cmpi slt, %add3A_98, %lt3A : i32
        %convert_element_type3A_100 = arith.extui %lt3A_99 : i1 to i32
        %cond3A_101 = arith.constant 0 : i32
        %cond3A_102 = arith.cmpi ne, %convert_element_type3A_100, %cond3A_101 : i32
        scf.if %cond3A_102 {
          %add3A_257 = arith.constant 8 : i32
          %add3A_258 = arith.addi %add3A_85, %add3A_257 : i32
          %mul3A_259 = arith.constant 832 : i32
          %mul3A_260 = arith.muli %add3A_258, %mul3A_259 : i32
          %dma_start3A_261 = tpu.memref_slice %arg11[%mul3A_260] : memref<26624xi32, #tpu.memory_space<vmem>> -> memref<832xi32, #tpu.memory_space<vmem>>
          %dma_start3A_262 = arith.constant 0 : i32
          %dma_start3A_263 = tpu.memref_slice %arg10[%dma_start3A_262] : memref<1000000xf32, #tpu.memory_space<vmem_shared>> -> memref<1000000xf32, #tpu.memory_space<vmem_shared>>
          tpu.enqueue_indirect_dma source(%dma_start3A_263 : memref<1000000xf32, #tpu.memory_space<vmem_shared>>) target(%arg12 : memref<832xf32, #tpu.memory_space<vmem>>) offsets(%dma_start3A_261 : memref<832xi32, #tpu.memory_space<vmem>>) semaphore(%arg24 : memref<!tpu.dma_semaphore, #tpu.memory_space<semaphore_mem>>)
        } else {
        }
        %mul3A_103 = arith.constant 8 : i32
        %mul3A_104 = arith.muli %mul3A_103, %scan3A_82 : i32
        %add3A_105 = arith.constant 1 : i32
        %add3A_106 = arith.addi %mul3A_104, %add3A_105 : i32
        %mul3A_107 = arith.constant 832 : i32
        %mul3A_108 = arith.muli %add3A_106, %mul3A_107 : i32
        %dma_wait3A_109 = tpu.memref_slice %arg11[%mul3A_108] : memref<26624xi32, #tpu.memory_space<vmem>> -> memref<832xi32, #tpu.memory_space<vmem>>
        %dma_wait3A_110 = arith.constant 0 : i32
        %dma_wait3A_111 = tpu.memref_slice %arg10[%dma_wait3A_110] : memref<1000000xf32, #tpu.memory_space<vmem_shared>> -> memref<1000000xf32, #tpu.memory_space<vmem_shared>>
        tpu.wait_indirect_dma semaphore(%arg25 : memref<!tpu.dma_semaphore, #tpu.memory_space<semaphore_mem>>) src(%dma_wait3A_111 : memref<1000000xf32, #tpu.memory_space<vmem_shared>>) dst(%arg13 : memref<832xf32, #tpu.memory_space<vmem>>)
        %scan3A_112 = arith.constant 0 : i32
        %scan3A_113 = arith.constant 0 : i32
        %scan3A_114 = arith.constant 2 : i32
        %scan3A_115 = arith.addi %scan3A_113, %scan3A_114 : i32
        %scan3A_116 = arith.constant 1 : i32
        scf.for %scan3A_257 = %scan3A_113 to %scan3A_115 step %scan3A_116  : i32 {
          %mul3A_258 = arith.constant 416 : i32
          %mul3A_259 = arith.muli %scan3A_257, %mul3A_258 : i32
          %add3A_260 = vector.broadcast %mul3A_259 : i32 to vector<16xi32>
          %add3A_261 = arith.addi %add3A_260, %mul3A_3 : vector<16xi32>
          %broadcast_in_dim3A = arith.constant 0.000000e+00 : f32
          %broadcast_in_dim3A_262 = vector.broadcast %broadcast_in_dim3A : f32 to vector<16xf32>
          %add3A_263 = arith.constant 0 : i32
          %add3A_264 = vector.broadcast %add3A_263 : i32 to vector<16xi32>
          %add3A_265 = arith.addi %add3A_261, %add3A_264 : vector<16xi32>
          %gather3A = tpu.vector_load_idx %arg13[%add3A_265] : memref<832xf32, #tpu.memory_space<vmem>>[vector<16xi32>], vector<16xf32>,
          %add3A_266 = arith.addf %broadcast_in_dim3A_262, %gather3A : vector<16xf32>
          %add3A_267 = arith.constant 1 : i32
          %add3A_268 = vector.broadcast %add3A_267 : i32 to vector<16xi32>
          %add3A_269 = arith.addi %add3A_261, %add3A_268 : vector<16xi32>
          %gather3A_270 = tpu.vector_load_idx %arg13[%add3A_269] : memref<832xf32, #tpu.memory_space<vmem>>[vector<16xi32>], vector<16xf32>,
          %add3A_271 = arith.addf %add3A_266, %gather3A_270 : vector<16xf32>
          %add3A_272 = arith.constant 2 : i32
          %add3A_273 = vector.broadcast %add3A_272 : i32 to vector<16xi32>
          %add3A_274 = arith.addi %add3A_261, %add3A_273 : vector<16xi32>
          %gather3A_275 = tpu.vector_load_idx %arg13[%add3A_274] : memref<832xf32, #tpu.memory_space<vmem>>[vector<16xi32>], vector<16xf32>,
          %add3A_276 = arith.addf %add3A_271, %gather3A_275 : vector<16xf32>
          %add3A_277 = arith.constant 3 : i32
          %add3A_278 = vector.broadcast %add3A_277 : i32 to vector<16xi32>
          %add3A_279 = arith.addi %add3A_261, %add3A_278 : vector<16xi32>
          %gather3A_280 = tpu.vector_load_idx %arg13[%add3A_279] : memref<832xf32, #tpu.memory_space<vmem>>[vector<16xi32>], vector<16xf32>,
          %add3A_281 = arith.addf %add3A_276, %gather3A_280 : vector<16xf32>
          %add3A_282 = arith.constant 4 : i32
          %add3A_283 = vector.broadcast %add3A_282 : i32 to vector<16xi32>
          %add3A_284 = arith.addi %add3A_261, %add3A_283 : vector<16xi32>
          %gather3A_285 = tpu.vector_load_idx %arg13[%add3A_284] : memref<832xf32, #tpu.memory_space<vmem>>[vector<16xi32>], vector<16xf32>,
          %add3A_286 = arith.addf %add3A_281, %gather3A_285 : vector<16xf32>
          %add3A_287 = arith.constant 5 : i32
          %add3A_288 = vector.broadcast %add3A_287 : i32 to vector<16xi32>
          %add3A_289 = arith.addi %add3A_261, %add3A_288 : vector<16xi32>
          %gather3A_290 = tpu.vector_load_idx %arg13[%add3A_289] : memref<832xf32, #tpu.memory_space<vmem>>[vector<16xi32>], vector<16xf32>,
          %add3A_291 = arith.addf %add3A_286, %gather3A_290 : vector<16xf32>
          %add3A_292 = arith.constant 6 : i32
          %add3A_293 = vector.broadcast %add3A_292 : i32 to vector<16xi32>
          %add3A_294 = arith.addi %add3A_261, %add3A_293 : vector<16xi32>
          %gather3A_295 = tpu.vector_load_idx %arg13[%add3A_294] : memref<832xf32, #tpu.memory_space<vmem>>[vector<16xi32>], vector<16xf32>,
          %add3A_296 = arith.addf %add3A_291, %gather3A_295 : vector<16xf32>
          %add3A_297 = arith.constant 7 : i32
          %add3A_298 = vector.broadcast %add3A_297 : i32 to vector<16xi32>
          %add3A_299 = arith.addi %add3A_261, %add3A_298 : vector<16xi32>
          %gather3A_300 = tpu.vector_load_idx %arg13[%add3A_299] : memref<832xf32, #tpu.memory_space<vmem>>[vector<16xi32>], vector<16xf32>,
          %add3A_301 = arith.addf %add3A_296, %gather3A_300 : vector<16xf32>
          %add3A_302 = arith.constant 8 : i32
          %add3A_303 = vector.broadcast %add3A_302 : i32 to vector<16xi32>
          %add3A_304 = arith.addi %add3A_261, %add3A_303 : vector<16xi32>
          %gather3A_305 = tpu.vector_load_idx %arg13[%add3A_304] : memref<832xf32, #tpu.memory_space<vmem>>[vector<16xi32>], vector<16xf32>,
          %add3A_306 = arith.addf %add3A_301, %gather3A_305 : vector<16xf32>
          %add3A_307 = arith.constant 9 : i32
          %add3A_308 = vector.broadcast %add3A_307 : i32 to vector<16xi32>
          %add3A_309 = arith.addi %add3A_261, %add3A_308 : vector<16xi32>
          %gather3A_310 = tpu.vector_load_idx %arg13[%add3A_309] : memref<832xf32, #tpu.memory_space<vmem>>[vector<16xi32>], vector<16xf32>,
          %add3A_311 = arith.addf %add3A_306, %gather3A_310 : vector<16xf32>
          %add3A_312 = arith.constant 10 : i32
          %add3A_313 = vector.broadcast %add3A_312 : i32 to vector<16xi32>
          %add3A_314 = arith.addi %add3A_261, %add3A_313 : vector<16xi32>
          %gather3A_315 = tpu.vector_load_idx %arg13[%add3A_314] : memref<832xf32, #tpu.memory_space<vmem>>[vector<16xi32>], vector<16xf32>,
          %add3A_316 = arith.addf %add3A_311, %gather3A_315 : vector<16xf32>
          %add3A_317 = arith.constant 11 : i32
          %add3A_318 = vector.broadcast %add3A_317 : i32 to vector<16xi32>
          %add3A_319 = arith.addi %add3A_261, %add3A_318 : vector<16xi32>
          %gather3A_320 = tpu.vector_load_idx %arg13[%add3A_319] : memref<832xf32, #tpu.memory_space<vmem>>[vector<16xi32>], vector<16xf32>,
          %add3A_321 = arith.addf %add3A_316, %gather3A_320 : vector<16xf32>
          %add3A_322 = arith.constant 12 : i32
          %add3A_323 = vector.broadcast %add3A_322 : i32 to vector<16xi32>
          %add3A_324 = arith.addi %add3A_261, %add3A_323 : vector<16xi32>
          %gather3A_325 = tpu.vector_load_idx %arg13[%add3A_324] : memref<832xf32, #tpu.memory_space<vmem>>[vector<16xi32>], vector<16xf32>,
          %add3A_326 = arith.addf %add3A_321, %gather3A_325 : vector<16xf32>
          %add3A_327 = arith.constant 13 : i32
          %add3A_328 = vector.broadcast %add3A_327 : i32 to vector<16xi32>
          %add3A_329 = arith.addi %add3A_261, %add3A_328 : vector<16xi32>
          %gather3A_330 = tpu.vector_load_idx %arg13[%add3A_329] : memref<832xf32, #tpu.memory_space<vmem>>[vector<16xi32>], vector<16xf32>,
          %add3A_331 = arith.addf %add3A_326, %gather3A_330 : vector<16xf32>
          %add3A_332 = arith.constant 14 : i32
          %add3A_333 = vector.broadcast %add3A_332 : i32 to vector<16xi32>
          %add3A_334 = arith.addi %add3A_261, %add3A_333 : vector<16xi32>
          %gather3A_335 = tpu.vector_load_idx %arg13[%add3A_334] : memref<832xf32, #tpu.memory_space<vmem>>[vector<16xi32>], vector<16xf32>,
          %add3A_336 = arith.addf %add3A_331, %gather3A_335 : vector<16xf32>
          %add3A_337 = arith.constant 15 : i32
          %add3A_338 = vector.broadcast %add3A_337 : i32 to vector<16xi32>
          %add3A_339 = arith.addi %add3A_261, %add3A_338 : vector<16xi32>
          %gather3A_340 = tpu.vector_load_idx %arg13[%add3A_339] : memref<832xf32, #tpu.memory_space<vmem>>[vector<16xi32>], vector<16xf32>,
          %add3A_341 = arith.addf %add3A_336, %gather3A_340 : vector<16xf32>
          %add3A_342 = arith.constant 16 : i32
          %add3A_343 = vector.broadcast %add3A_342 : i32 to vector<16xi32>
          %add3A_344 = arith.addi %add3A_261, %add3A_343 : vector<16xi32>
          %gather3A_345 = tpu.vector_load_idx %arg13[%add3A_344] : memref<832xf32, #tpu.memory_space<vmem>>[vector<16xi32>], vector<16xf32>,
          %add3A_346 = arith.addf %add3A_341, %gather3A_345 : vector<16xf32>
          %add3A_347 = arith.constant 17 : i32
          %add3A_348 = vector.broadcast %add3A_347 : i32 to vector<16xi32>
          %add3A_349 = arith.addi %add3A_261, %add3A_348 : vector<16xi32>
          %gather3A_350 = tpu.vector_load_idx %arg13[%add3A_349] : memref<832xf32, #tpu.memory_space<vmem>>[vector<16xi32>], vector<16xf32>,
          %add3A_351 = arith.addf %add3A_346, %gather3A_350 : vector<16xf32>
          %add3A_352 = arith.constant 18 : i32
          %add3A_353 = vector.broadcast %add3A_352 : i32 to vector<16xi32>
          %add3A_354 = arith.addi %add3A_261, %add3A_353 : vector<16xi32>
          %gather3A_355 = tpu.vector_load_idx %arg13[%add3A_354] : memref<832xf32, #tpu.memory_space<vmem>>[vector<16xi32>], vector<16xf32>,
          %add3A_356 = arith.addf %add3A_351, %gather3A_355 : vector<16xf32>
          %add3A_357 = arith.constant 19 : i32
          %add3A_358 = vector.broadcast %add3A_357 : i32 to vector<16xi32>
          %add3A_359 = arith.addi %add3A_261, %add3A_358 : vector<16xi32>
          %gather3A_360 = tpu.vector_load_idx %arg13[%add3A_359] : memref<832xf32, #tpu.memory_space<vmem>>[vector<16xi32>], vector<16xf32>,
          %add3A_361 = arith.addf %add3A_356, %gather3A_360 : vector<16xf32>
          %add3A_362 = arith.constant 20 : i32
          %add3A_363 = vector.broadcast %add3A_362 : i32 to vector<16xi32>
          %add3A_364 = arith.addi %add3A_261, %add3A_363 : vector<16xi32>
          %gather3A_365 = tpu.vector_load_idx %arg13[%add3A_364] : memref<832xf32, #tpu.memory_space<vmem>>[vector<16xi32>], vector<16xf32>,
          %add3A_366 = arith.addf %add3A_361, %gather3A_365 : vector<16xf32>
          %add3A_367 = arith.constant 21 : i32
          %add3A_368 = vector.broadcast %add3A_367 : i32 to vector<16xi32>
          %add3A_369 = arith.addi %add3A_261, %add3A_368 : vector<16xi32>
          %gather3A_370 = tpu.vector_load_idx %arg13[%add3A_369] : memref<832xf32, #tpu.memory_space<vmem>>[vector<16xi32>], vector<16xf32>,
          %add3A_371 = arith.addf %add3A_366, %gather3A_370 : vector<16xf32>
          %add3A_372 = arith.constant 22 : i32
          %add3A_373 = vector.broadcast %add3A_372 : i32 to vector<16xi32>
          %add3A_374 = arith.addi %add3A_261, %add3A_373 : vector<16xi32>
          %gather3A_375 = tpu.vector_load_idx %arg13[%add3A_374] : memref<832xf32, #tpu.memory_space<vmem>>[vector<16xi32>], vector<16xf32>,
          %add3A_376 = arith.addf %add3A_371, %gather3A_375 : vector<16xf32>
          %add3A_377 = arith.constant 23 : i32
          %add3A_378 = vector.broadcast %add3A_377 : i32 to vector<16xi32>
          %add3A_379 = arith.addi %add3A_261, %add3A_378 : vector<16xi32>
          %gather3A_380 = tpu.vector_load_idx %arg13[%add3A_379] : memref<832xf32, #tpu.memory_space<vmem>>[vector<16xi32>], vector<16xf32>,
          %add3A_381 = arith.addf %add3A_376, %gather3A_380 : vector<16xf32>
          %add3A_382 = arith.constant 24 : i32
          %add3A_383 = vector.broadcast %add3A_382 : i32 to vector<16xi32>
          %add3A_384 = arith.addi %add3A_261, %add3A_383 : vector<16xi32>
          %gather3A_385 = tpu.vector_load_idx %arg13[%add3A_384] : memref<832xf32, #tpu.memory_space<vmem>>[vector<16xi32>], vector<16xf32>,
          %add3A_386 = arith.addf %add3A_381, %gather3A_385 : vector<16xf32>
          %add3A_387 = arith.constant 25 : i32
          %add3A_388 = vector.broadcast %add3A_387 : i32 to vector<16xi32>
          %add3A_389 = arith.addi %add3A_261, %add3A_388 : vector<16xi32>
          %gather3A_390 = tpu.vector_load_idx %arg13[%add3A_389] : memref<832xf32, #tpu.memory_space<vmem>>[vector<16xi32>], vector<16xf32>,
          %add3A_391 = arith.addf %add3A_386, %gather3A_390 : vector<16xf32>
          %mul3A_392 = arith.constant 32 : i32
          %mul3A_393 = arith.muli %add3A_106, %mul3A_392 : i32
          %mul3A_394 = arith.constant 16 : i32
          %mul3A_395 = arith.muli %scan3A_257, %mul3A_394 : i32
          %add3A_396 = arith.addi %mul3A_393, %mul3A_395 : i32
          %swap3A = arith.index_cast %add3A_396 : i32 to index
          %swap3A_397 = tpu.vector_load %arg20[%swap3A] {strides = array<i32>} : memref<1024xf32, #tpu.memory_space<vmem>>, vector<16xf32>,
          tpu.vector_store %arg20[%swap3A], %add3A_391 {strides = array<i32>} : memref<1024xf32, #tpu.memory_space<vmem>>, vector<16xf32>,
        }
        %scan3A_117 = arith.constant 2 : i32
        %add3A_118 = arith.constant 8 : i32
        %add3A_119 = arith.addi %add3A_106, %add3A_118 : i32
        %lt3A_120 = arith.constant 32 : i32
        %lt3A_121 = arith.cmpi slt, %add3A_119, %lt3A_120 : i32
        %convert_element_type3A_122 = arith.extui %lt3A_121 : i1 to i32
        %cond3A_123 = arith.constant 0 : i32
        %cond3A_124 = arith.cmpi ne, %convert_element_type3A_122, %cond3A_123 : i32
        scf.if %cond3A_124 {
          %add3A_257 = arith.constant 8 : i32
          %add3A_258 = arith.addi %add3A_106, %add3A_257 : i32
          %mul3A_259 = arith.constant 832 : i32
          %mul3A_260 = arith.muli %add3A_258, %mul3A_259 : i32
          %dma_start3A_261 = tpu.memref_slice %arg11[%mul3A_260] : memref<26624xi32, #tpu.memory_space<vmem>> -> memref<832xi32, #tpu.memory_space<vmem>>
          %dma_start3A_262 = arith.constant 0 : i32
          %dma_start3A_263 = tpu.memref_slice %arg10[%dma_start3A_262] : memref<1000000xf32, #tpu.memory_space<vmem_shared>> -> memref<1000000xf32, #tpu.memory_space<vmem_shared>>
          tpu.enqueue_indirect_dma source(%dma_start3A_263 : memref<1000000xf32, #tpu.memory_space<vmem_shared>>) target(%arg13 : memref<832xf32, #tpu.memory_space<vmem>>) offsets(%dma_start3A_261 : memref<832xi32, #tpu.memory_space<vmem>>) semaphore(%arg25 : memref<!tpu.dma_semaphore, #tpu.memory_space<semaphore_mem>>)
        } else {
        }
        %mul3A_125 = arith.constant 8 : i32
        %mul3A_126 = arith.muli %mul3A_125, %scan3A_82 : i32
        %add3A_127 = arith.constant 2 : i32
        %add3A_128 = arith.addi %mul3A_126, %add3A_127 : i32
        %mul3A_129 = arith.constant 832 : i32
        %mul3A_130 = arith.muli %add3A_128, %mul3A_129 : i32
        %dma_wait3A_131 = tpu.memref_slice %arg11[%mul3A_130] : memref<26624xi32, #tpu.memory_space<vmem>> -> memref<832xi32, #tpu.memory_space<vmem>>
        %dma_wait3A_132 = arith.constant 0 : i32
        %dma_wait3A_133 = tpu.memref_slice %arg10[%dma_wait3A_132] : memref<1000000xf32, #tpu.memory_space<vmem_shared>> -> memref<1000000xf32, #tpu.memory_space<vmem_shared>>
        tpu.wait_indirect_dma semaphore(%arg26 : memref<!tpu.dma_semaphore, #tpu.memory_space<semaphore_mem>>) src(%dma_wait3A_133 : memref<1000000xf32, #tpu.memory_space<vmem_shared>>) dst(%arg14 : memref<832xf32, #tpu.memory_space<vmem>>)
        %scan3A_134 = arith.constant 0 : i32
        %scan3A_135 = arith.constant 0 : i32
        %scan3A_136 = arith.constant 2 : i32
        %scan3A_137 = arith.addi %scan3A_135, %scan3A_136 : i32
        %scan3A_138 = arith.constant 1 : i32
        scf.for %scan3A_257 = %scan3A_135 to %scan3A_137 step %scan3A_138  : i32 {
          %mul3A_258 = arith.constant 416 : i32
          %mul3A_259 = arith.muli %scan3A_257, %mul3A_258 : i32
          %add3A_260 = vector.broadcast %mul3A_259 : i32 to vector<16xi32>
          %add3A_261 = arith.addi %add3A_260, %mul3A_3 : vector<16xi32>
          %broadcast_in_dim3A = arith.constant 0.000000e+00 : f32
          %broadcast_in_dim3A_262 = vector.broadcast %broadcast_in_dim3A : f32 to vector<16xf32>
          %add3A_263 = arith.constant 0 : i32
          %add3A_264 = vector.broadcast %add3A_263 : i32 to vector<16xi32>
          %add3A_265 = arith.addi %add3A_261, %add3A_264 : vector<16xi32>
          %gather3A = tpu.vector_load_idx %arg14[%add3A_265] : memref<832xf32, #tpu.memory_space<vmem>>[vector<16xi32>], vector<16xf32>,
          %add3A_266 = arith.addf %broadcast_in_dim3A_262, %gather3A : vector<16xf32>
          %add3A_267 = arith.constant 1 : i32
          %add3A_268 = vector.broadcast %add3A_267 : i32 to vector<16xi32>
          %add3A_269 = arith.addi %add3A_261, %add3A_268 : vector<16xi32>
          %gather3A_270 = tpu.vector_load_idx %arg14[%add3A_269] : memref<832xf32, #tpu.memory_space<vmem>>[vector<16xi32>], vector<16xf32>,
          %add3A_271 = arith.addf %add3A_266, %gather3A_270 : vector<16xf32>
          %add3A_272 = arith.constant 2 : i32
          %add3A_273 = vector.broadcast %add3A_272 : i32 to vector<16xi32>
          %add3A_274 = arith.addi %add3A_261, %add3A_273 : vector<16xi32>
          %gather3A_275 = tpu.vector_load_idx %arg14[%add3A_274] : memref<832xf32, #tpu.memory_space<vmem>>[vector<16xi32>], vector<16xf32>,
          %add3A_276 = arith.addf %add3A_271, %gather3A_275 : vector<16xf32>
          %add3A_277 = arith.constant 3 : i32
          %add3A_278 = vector.broadcast %add3A_277 : i32 to vector<16xi32>
          %add3A_279 = arith.addi %add3A_261, %add3A_278 : vector<16xi32>
          %gather3A_280 = tpu.vector_load_idx %arg14[%add3A_279] : memref<832xf32, #tpu.memory_space<vmem>>[vector<16xi32>], vector<16xf32>,
          %add3A_281 = arith.addf %add3A_276, %gather3A_280 : vector<16xf32>
          %add3A_282 = arith.constant 4 : i32
          %add3A_283 = vector.broadcast %add3A_282 : i32 to vector<16xi32>
          %add3A_284 = arith.addi %add3A_261, %add3A_283 : vector<16xi32>
          %gather3A_285 = tpu.vector_load_idx %arg14[%add3A_284] : memref<832xf32, #tpu.memory_space<vmem>>[vector<16xi32>], vector<16xf32>,
          %add3A_286 = arith.addf %add3A_281, %gather3A_285 : vector<16xf32>
          %add3A_287 = arith.constant 5 : i32
          %add3A_288 = vector.broadcast %add3A_287 : i32 to vector<16xi32>
          %add3A_289 = arith.addi %add3A_261, %add3A_288 : vector<16xi32>
          %gather3A_290 = tpu.vector_load_idx %arg14[%add3A_289] : memref<832xf32, #tpu.memory_space<vmem>>[vector<16xi32>], vector<16xf32>,
          %add3A_291 = arith.addf %add3A_286, %gather3A_290 : vector<16xf32>
          %add3A_292 = arith.constant 6 : i32
          %add3A_293 = vector.broadcast %add3A_292 : i32 to vector<16xi32>
          %add3A_294 = arith.addi %add3A_261, %add3A_293 : vector<16xi32>
          %gather3A_295 = tpu.vector_load_idx %arg14[%add3A_294] : memref<832xf32, #tpu.memory_space<vmem>>[vector<16xi32>], vector<16xf32>,
          %add3A_296 = arith.addf %add3A_291, %gather3A_295 : vector<16xf32>
          %add3A_297 = arith.constant 7 : i32
          %add3A_298 = vector.broadcast %add3A_297 : i32 to vector<16xi32>
          %add3A_299 = arith.addi %add3A_261, %add3A_298 : vector<16xi32>
          %gather3A_300 = tpu.vector_load_idx %arg14[%add3A_299] : memref<832xf32, #tpu.memory_space<vmem>>[vector<16xi32>], vector<16xf32>,
          %add3A_301 = arith.addf %add3A_296, %gather3A_300 : vector<16xf32>
          %add3A_302 = arith.constant 8 : i32
          %add3A_303 = vector.broadcast %add3A_302 : i32 to vector<16xi32>
          %add3A_304 = arith.addi %add3A_261, %add3A_303 : vector<16xi32>
          %gather3A_305 = tpu.vector_load_idx %arg14[%add3A_304] : memref<832xf32, #tpu.memory_space<vmem>>[vector<16xi32>], vector<16xf32>,
          %add3A_306 = arith.addf %add3A_301, %gather3A_305 : vector<16xf32>
          %add3A_307 = arith.constant 9 : i32
          %add3A_308 = vector.broadcast %add3A_307 : i32 to vector<16xi32>
          %add3A_309 = arith.addi %add3A_261, %add3A_308 : vector<16xi32>
          %gather3A_310 = tpu.vector_load_idx %arg14[%add3A_309] : memref<832xf32, #tpu.memory_space<vmem>>[vector<16xi32>], vector<16xf32>,
          %add3A_311 = arith.addf %add3A_306, %gather3A_310 : vector<16xf32>
          %add3A_312 = arith.constant 10 : i32
          %add3A_313 = vector.broadcast %add3A_312 : i32 to vector<16xi32>
          %add3A_314 = arith.addi %add3A_261, %add3A_313 : vector<16xi32>
          %gather3A_315 = tpu.vector_load_idx %arg14[%add3A_314] : memref<832xf32, #tpu.memory_space<vmem>>[vector<16xi32>], vector<16xf32>,
          %add3A_316 = arith.addf %add3A_311, %gather3A_315 : vector<16xf32>
          %add3A_317 = arith.constant 11 : i32
          %add3A_318 = vector.broadcast %add3A_317 : i32 to vector<16xi32>
          %add3A_319 = arith.addi %add3A_261, %add3A_318 : vector<16xi32>
          %gather3A_320 = tpu.vector_load_idx %arg14[%add3A_319] : memref<832xf32, #tpu.memory_space<vmem>>[vector<16xi32>], vector<16xf32>,
          %add3A_321 = arith.addf %add3A_316, %gather3A_320 : vector<16xf32>
          %add3A_322 = arith.constant 12 : i32
          %add3A_323 = vector.broadcast %add3A_322 : i32 to vector<16xi32>
          %add3A_324 = arith.addi %add3A_261, %add3A_323 : vector<16xi32>
          %gather3A_325 = tpu.vector_load_idx %arg14[%add3A_324] : memref<832xf32, #tpu.memory_space<vmem>>[vector<16xi32>], vector<16xf32>,
          %add3A_326 = arith.addf %add3A_321, %gather3A_325 : vector<16xf32>
          %add3A_327 = arith.constant 13 : i32
          %add3A_328 = vector.broadcast %add3A_327 : i32 to vector<16xi32>
          %add3A_329 = arith.addi %add3A_261, %add3A_328 : vector<16xi32>
          %gather3A_330 = tpu.vector_load_idx %arg14[%add3A_329] : memref<832xf32, #tpu.memory_space<vmem>>[vector<16xi32>], vector<16xf32>,
          %add3A_331 = arith.addf %add3A_326, %gather3A_330 : vector<16xf32>
          %add3A_332 = arith.constant 14 : i32
          %add3A_333 = vector.broadcast %add3A_332 : i32 to vector<16xi32>
          %add3A_334 = arith.addi %add3A_261, %add3A_333 : vector<16xi32>
          %gather3A_335 = tpu.vector_load_idx %arg14[%add3A_334] : memref<832xf32, #tpu.memory_space<vmem>>[vector<16xi32>], vector<16xf32>,
          %add3A_336 = arith.addf %add3A_331, %gather3A_335 : vector<16xf32>
          %add3A_337 = arith.constant 15 : i32
          %add3A_338 = vector.broadcast %add3A_337 : i32 to vector<16xi32>
          %add3A_339 = arith.addi %add3A_261, %add3A_338 : vector<16xi32>
          %gather3A_340 = tpu.vector_load_idx %arg14[%add3A_339] : memref<832xf32, #tpu.memory_space<vmem>>[vector<16xi32>], vector<16xf32>,
          %add3A_341 = arith.addf %add3A_336, %gather3A_340 : vector<16xf32>
          %add3A_342 = arith.constant 16 : i32
          %add3A_343 = vector.broadcast %add3A_342 : i32 to vector<16xi32>
          %add3A_344 = arith.addi %add3A_261, %add3A_343 : vector<16xi32>
          %gather3A_345 = tpu.vector_load_idx %arg14[%add3A_344] : memref<832xf32, #tpu.memory_space<vmem>>[vector<16xi32>], vector<16xf32>,
          %add3A_346 = arith.addf %add3A_341, %gather3A_345 : vector<16xf32>
          %add3A_347 = arith.constant 17 : i32
          %add3A_348 = vector.broadcast %add3A_347 : i32 to vector<16xi32>
          %add3A_349 = arith.addi %add3A_261, %add3A_348 : vector<16xi32>
          %gather3A_350 = tpu.vector_load_idx %arg14[%add3A_349] : memref<832xf32, #tpu.memory_space<vmem>>[vector<16xi32>], vector<16xf32>,
          %add3A_351 = arith.addf %add3A_346, %gather3A_350 : vector<16xf32>
          %add3A_352 = arith.constant 18 : i32
          %add3A_353 = vector.broadcast %add3A_352 : i32 to vector<16xi32>
          %add3A_354 = arith.addi %add3A_261, %add3A_353 : vector<16xi32>
          %gather3A_355 = tpu.vector_load_idx %arg14[%add3A_354] : memref<832xf32, #tpu.memory_space<vmem>>[vector<16xi32>], vector<16xf32>,
          %add3A_356 = arith.addf %add3A_351, %gather3A_355 : vector<16xf32>
          %add3A_357 = arith.constant 19 : i32
          %add3A_358 = vector.broadcast %add3A_357 : i32 to vector<16xi32>
          %add3A_359 = arith.addi %add3A_261, %add3A_358 : vector<16xi32>
          %gather3A_360 = tpu.vector_load_idx %arg14[%add3A_359] : memref<832xf32, #tpu.memory_space<vmem>>[vector<16xi32>], vector<16xf32>,
          %add3A_361 = arith.addf %add3A_356, %gather3A_360 : vector<16xf32>
          %add3A_362 = arith.constant 20 : i32
          %add3A_363 = vector.broadcast %add3A_362 : i32 to vector<16xi32>
          %add3A_364 = arith.addi %add3A_261, %add3A_363 : vector<16xi32>
          %gather3A_365 = tpu.vector_load_idx %arg14[%add3A_364] : memref<832xf32, #tpu.memory_space<vmem>>[vector<16xi32>], vector<16xf32>,
          %add3A_366 = arith.addf %add3A_361, %gather3A_365 : vector<16xf32>
          %add3A_367 = arith.constant 21 : i32
          %add3A_368 = vector.broadcast %add3A_367 : i32 to vector<16xi32>
          %add3A_369 = arith.addi %add3A_261, %add3A_368 : vector<16xi32>
          %gather3A_370 = tpu.vector_load_idx %arg14[%add3A_369] : memref<832xf32, #tpu.memory_space<vmem>>[vector<16xi32>], vector<16xf32>,
          %add3A_371 = arith.addf %add3A_366, %gather3A_370 : vector<16xf32>
          %add3A_372 = arith.constant 22 : i32
          %add3A_373 = vector.broadcast %add3A_372 : i32 to vector<16xi32>
          %add3A_374 = arith.addi %add3A_261, %add3A_373 : vector<16xi32>
          %gather3A_375 = tpu.vector_load_idx %arg14[%add3A_374] : memref<832xf32, #tpu.memory_space<vmem>>[vector<16xi32>], vector<16xf32>,
          %add3A_376 = arith.addf %add3A_371, %gather3A_375 : vector<16xf32>
          %add3A_377 = arith.constant 23 : i32
          %add3A_378 = vector.broadcast %add3A_377 : i32 to vector<16xi32>
          %add3A_379 = arith.addi %add3A_261, %add3A_378 : vector<16xi32>
          %gather3A_380 = tpu.vector_load_idx %arg14[%add3A_379] : memref<832xf32, #tpu.memory_space<vmem>>[vector<16xi32>], vector<16xf32>,
          %add3A_381 = arith.addf %add3A_376, %gather3A_380 : vector<16xf32>
          %add3A_382 = arith.constant 24 : i32
          %add3A_383 = vector.broadcast %add3A_382 : i32 to vector<16xi32>
          %add3A_384 = arith.addi %add3A_261, %add3A_383 : vector<16xi32>
          %gather3A_385 = tpu.vector_load_idx %arg14[%add3A_384] : memref<832xf32, #tpu.memory_space<vmem>>[vector<16xi32>], vector<16xf32>,
          %add3A_386 = arith.addf %add3A_381, %gather3A_385 : vector<16xf32>
          %add3A_387 = arith.constant 25 : i32
          %add3A_388 = vector.broadcast %add3A_387 : i32 to vector<16xi32>
          %add3A_389 = arith.addi %add3A_261, %add3A_388 : vector<16xi32>
          %gather3A_390 = tpu.vector_load_idx %arg14[%add3A_389] : memref<832xf32, #tpu.memory_space<vmem>>[vector<16xi32>], vector<16xf32>,
          %add3A_391 = arith.addf %add3A_386, %gather3A_390 : vector<16xf32>
          %mul3A_392 = arith.constant 32 : i32
          %mul3A_393 = arith.muli %add3A_128, %mul3A_392 : i32
          %mul3A_394 = arith.constant 16 : i32
          %mul3A_395 = arith.muli %scan3A_257, %mul3A_394 : i32
          %add3A_396 = arith.addi %mul3A_393, %mul3A_395 : i32
          %swap3A = arith.index_cast %add3A_396 : i32 to index
          %swap3A_397 = tpu.vector_load %arg20[%swap3A] {strides = array<i32>} : memref<1024xf32, #tpu.memory_space<vmem>>, vector<16xf32>,
          tpu.vector_store %arg20[%swap3A], %add3A_391 {strides = array<i32>} : memref<1024xf32, #tpu.memory_space<vmem>>, vector<16xf32>,
        }
        %scan3A_139 = arith.constant 2 : i32
        %add3A_140 = arith.constant 8 : i32
        %add3A_141 = arith.addi %add3A_128, %add3A_140 : i32
        %lt3A_142 = arith.constant 32 : i32
        %lt3A_143 = arith.cmpi slt, %add3A_141, %lt3A_142 : i32
        %convert_element_type3A_144 = arith.extui %lt3A_143 : i1 to i32
        %cond3A_145 = arith.constant 0 : i32
        %cond3A_146 = arith.cmpi ne, %convert_element_type3A_144, %cond3A_145 : i32
        scf.if %cond3A_146 {
          %add3A_257 = arith.constant 8 : i32
          %add3A_258 = arith.addi %add3A_128, %add3A_257 : i32
          %mul3A_259 = arith.constant 832 : i32
          %mul3A_260 = arith.muli %add3A_258, %mul3A_259 : i32
          %dma_start3A_261 = tpu.memref_slice %arg11[%mul3A_260] : memref<26624xi32, #tpu.memory_space<vmem>> -> memref<832xi32, #tpu.memory_space<vmem>>
          %dma_start3A_262 = arith.constant 0 : i32
          %dma_start3A_263 = tpu.memref_slice %arg10[%dma_start3A_262] : memref<1000000xf32, #tpu.memory_space<vmem_shared>> -> memref<1000000xf32, #tpu.memory_space<vmem_shared>>
          tpu.enqueue_indirect_dma source(%dma_start3A_263 : memref<1000000xf32, #tpu.memory_space<vmem_shared>>) target(%arg14 : memref<832xf32, #tpu.memory_space<vmem>>) offsets(%dma_start3A_261 : memref<832xi32, #tpu.memory_space<vmem>>) semaphore(%arg26 : memref<!tpu.dma_semaphore, #tpu.memory_space<semaphore_mem>>)
        } else {
        }
        %mul3A_147 = arith.constant 8 : i32
        %mul3A_148 = arith.muli %mul3A_147, %scan3A_82 : i32
        %add3A_149 = arith.constant 3 : i32
        %add3A_150 = arith.addi %mul3A_148, %add3A_149 : i32
        %mul3A_151 = arith.constant 832 : i32
        %mul3A_152 = arith.muli %add3A_150, %mul3A_151 : i32
        %dma_wait3A_153 = tpu.memref_slice %arg11[%mul3A_152] : memref<26624xi32, #tpu.memory_space<vmem>> -> memref<832xi32, #tpu.memory_space<vmem>>
        %dma_wait3A_154 = arith.constant 0 : i32
        %dma_wait3A_155 = tpu.memref_slice %arg10[%dma_wait3A_154] : memref<1000000xf32, #tpu.memory_space<vmem_shared>> -> memref<1000000xf32, #tpu.memory_space<vmem_shared>>
        tpu.wait_indirect_dma semaphore(%arg27 : memref<!tpu.dma_semaphore, #tpu.memory_space<semaphore_mem>>) src(%dma_wait3A_155 : memref<1000000xf32, #tpu.memory_space<vmem_shared>>) dst(%arg15 : memref<832xf32, #tpu.memory_space<vmem>>)
        %scan3A_156 = arith.constant 0 : i32
        %scan3A_157 = arith.constant 0 : i32
        %scan3A_158 = arith.constant 2 : i32
        %scan3A_159 = arith.addi %scan3A_157, %scan3A_158 : i32
        %scan3A_160 = arith.constant 1 : i32
        scf.for %scan3A_257 = %scan3A_157 to %scan3A_159 step %scan3A_160  : i32 {
          %mul3A_258 = arith.constant 416 : i32
          %mul3A_259 = arith.muli %scan3A_257, %mul3A_258 : i32
          %add3A_260 = vector.broadcast %mul3A_259 : i32 to vector<16xi32>
          %add3A_261 = arith.addi %add3A_260, %mul3A_3 : vector<16xi32>
          %broadcast_in_dim3A = arith.constant 0.000000e+00 : f32
          %broadcast_in_dim3A_262 = vector.broadcast %broadcast_in_dim3A : f32 to vector<16xf32>
          %add3A_263 = arith.constant 0 : i32
          %add3A_264 = vector.broadcast %add3A_263 : i32 to vector<16xi32>
          %add3A_265 = arith.addi %add3A_261, %add3A_264 : vector<16xi32>
          %gather3A = tpu.vector_load_idx %arg15[%add3A_265] : memref<832xf32, #tpu.memory_space<vmem>>[vector<16xi32>], vector<16xf32>,
          %add3A_266 = arith.addf %broadcast_in_dim3A_262, %gather3A : vector<16xf32>
          %add3A_267 = arith.constant 1 : i32
          %add3A_268 = vector.broadcast %add3A_267 : i32 to vector<16xi32>
          %add3A_269 = arith.addi %add3A_261, %add3A_268 : vector<16xi32>
          %gather3A_270 = tpu.vector_load_idx %arg15[%add3A_269] : memref<832xf32, #tpu.memory_space<vmem>>[vector<16xi32>], vector<16xf32>,
          %add3A_271 = arith.addf %add3A_266, %gather3A_270 : vector<16xf32>
          %add3A_272 = arith.constant 2 : i32
          %add3A_273 = vector.broadcast %add3A_272 : i32 to vector<16xi32>
          %add3A_274 = arith.addi %add3A_261, %add3A_273 : vector<16xi32>
          %gather3A_275 = tpu.vector_load_idx %arg15[%add3A_274] : memref<832xf32, #tpu.memory_space<vmem>>[vector<16xi32>], vector<16xf32>,
          %add3A_276 = arith.addf %add3A_271, %gather3A_275 : vector<16xf32>
          %add3A_277 = arith.constant 3 : i32
          %add3A_278 = vector.broadcast %add3A_277 : i32 to vector<16xi32>
          %add3A_279 = arith.addi %add3A_261, %add3A_278 : vector<16xi32>
          %gather3A_280 = tpu.vector_load_idx %arg15[%add3A_279] : memref<832xf32, #tpu.memory_space<vmem>>[vector<16xi32>], vector<16xf32>,
          %add3A_281 = arith.addf %add3A_276, %gather3A_280 : vector<16xf32>
          %add3A_282 = arith.constant 4 : i32
          %add3A_283 = vector.broadcast %add3A_282 : i32 to vector<16xi32>
          %add3A_284 = arith.addi %add3A_261, %add3A_283 : vector<16xi32>
          %gather3A_285 = tpu.vector_load_idx %arg15[%add3A_284] : memref<832xf32, #tpu.memory_space<vmem>>[vector<16xi32>], vector<16xf32>,
          %add3A_286 = arith.addf %add3A_281, %gather3A_285 : vector<16xf32>
          %add3A_287 = arith.constant 5 : i32
          %add3A_288 = vector.broadcast %add3A_287 : i32 to vector<16xi32>
          %add3A_289 = arith.addi %add3A_261, %add3A_288 : vector<16xi32>
          %gather3A_290 = tpu.vector_load_idx %arg15[%add3A_289] : memref<832xf32, #tpu.memory_space<vmem>>[vector<16xi32>], vector<16xf32>,
          %add3A_291 = arith.addf %add3A_286, %gather3A_290 : vector<16xf32>
          %add3A_292 = arith.constant 6 : i32
          %add3A_293 = vector.broadcast %add3A_292 : i32 to vector<16xi32>
          %add3A_294 = arith.addi %add3A_261, %add3A_293 : vector<16xi32>
          %gather3A_295 = tpu.vector_load_idx %arg15[%add3A_294] : memref<832xf32, #tpu.memory_space<vmem>>[vector<16xi32>], vector<16xf32>,
          %add3A_296 = arith.addf %add3A_291, %gather3A_295 : vector<16xf32>
          %add3A_297 = arith.constant 7 : i32
          %add3A_298 = vector.broadcast %add3A_297 : i32 to vector<16xi32>
          %add3A_299 = arith.addi %add3A_261, %add3A_298 : vector<16xi32>
          %gather3A_300 = tpu.vector_load_idx %arg15[%add3A_299] : memref<832xf32, #tpu.memory_space<vmem>>[vector<16xi32>], vector<16xf32>,
          %add3A_301 = arith.addf %add3A_296, %gather3A_300 : vector<16xf32>
          %add3A_302 = arith.constant 8 : i32
          %add3A_303 = vector.broadcast %add3A_302 : i32 to vector<16xi32>
          %add3A_304 = arith.addi %add3A_261, %add3A_303 : vector<16xi32>
          %gather3A_305 = tpu.vector_load_idx %arg15[%add3A_304] : memref<832xf32, #tpu.memory_space<vmem>>[vector<16xi32>], vector<16xf32>,
          %add3A_306 = arith.addf %add3A_301, %gather3A_305 : vector<16xf32>
          %add3A_307 = arith.constant 9 : i32
          %add3A_308 = vector.broadcast %add3A_307 : i32 to vector<16xi32>
          %add3A_309 = arith.addi %add3A_261, %add3A_308 : vector<16xi32>
          %gather3A_310 = tpu.vector_load_idx %arg15[%add3A_309] : memref<832xf32, #tpu.memory_space<vmem>>[vector<16xi32>], vector<16xf32>,
          %add3A_311 = arith.addf %add3A_306, %gather3A_310 : vector<16xf32>
          %add3A_312 = arith.constant 10 : i32
          %add3A_313 = vector.broadcast %add3A_312 : i32 to vector<16xi32>
          %add3A_314 = arith.addi %add3A_261, %add3A_313 : vector<16xi32>
          %gather3A_315 = tpu.vector_load_idx %arg15[%add3A_314] : memref<832xf32, #tpu.memory_space<vmem>>[vector<16xi32>], vector<16xf32>,
          %add3A_316 = arith.addf %add3A_311, %gather3A_315 : vector<16xf32>
          %add3A_317 = arith.constant 11 : i32
          %add3A_318 = vector.broadcast %add3A_317 : i32 to vector<16xi32>
          %add3A_319 = arith.addi %add3A_261, %add3A_318 : vector<16xi32>
          %gather3A_320 = tpu.vector_load_idx %arg15[%add3A_319] : memref<832xf32, #tpu.memory_space<vmem>>[vector<16xi32>], vector<16xf32>,
          %add3A_321 = arith.addf %add3A_316, %gather3A_320 : vector<16xf32>
          %add3A_322 = arith.constant 12 : i32
          %add3A_323 = vector.broadcast %add3A_322 : i32 to vector<16xi32>
          %add3A_324 = arith.addi %add3A_261, %add3A_323 : vector<16xi32>
          %gather3A_325 = tpu.vector_load_idx %arg15[%add3A_324] : memref<832xf32, #tpu.memory_space<vmem>>[vector<16xi32>], vector<16xf32>,
          %add3A_326 = arith.addf %add3A_321, %gather3A_325 : vector<16xf32>
          %add3A_327 = arith.constant 13 : i32
          %add3A_328 = vector.broadcast %add3A_327 : i32 to vector<16xi32>
          %add3A_329 = arith.addi %add3A_261, %add3A_328 : vector<16xi32>
          %gather3A_330 = tpu.vector_load_idx %arg15[%add3A_329] : memref<832xf32, #tpu.memory_space<vmem>>[vector<16xi32>], vector<16xf32>,
          %add3A_331 = arith.addf %add3A_326, %gather3A_330 : vector<16xf32>
          %add3A_332 = arith.constant 14 : i32
          %add3A_333 = vector.broadcast %add3A_332 : i32 to vector<16xi32>
          %add3A_334 = arith.addi %add3A_261, %add3A_333 : vector<16xi32>
          %gather3A_335 = tpu.vector_load_idx %arg15[%add3A_334] : memref<832xf32, #tpu.memory_space<vmem>>[vector<16xi32>], vector<16xf32>,
          %add3A_336 = arith.addf %add3A_331, %gather3A_335 : vector<16xf32>
          %add3A_337 = arith.constant 15 : i32
          %add3A_338 = vector.broadcast %add3A_337 : i32 to vector<16xi32>
          %add3A_339 = arith.addi %add3A_261, %add3A_338 : vector<16xi32>
          %gather3A_340 = tpu.vector_load_idx %arg15[%add3A_339] : memref<832xf32, #tpu.memory_space<vmem>>[vector<16xi32>], vector<16xf32>,
          %add3A_341 = arith.addf %add3A_336, %gather3A_340 : vector<16xf32>
          %add3A_342 = arith.constant 16 : i32
          %add3A_343 = vector.broadcast %add3A_342 : i32 to vector<16xi32>
          %add3A_344 = arith.addi %add3A_261, %add3A_343 : vector<16xi32>
          %gather3A_345 = tpu.vector_load_idx %arg15[%add3A_344] : memref<832xf32, #tpu.memory_space<vmem>>[vector<16xi32>], vector<16xf32>,
          %add3A_346 = arith.addf %add3A_341, %gather3A_345 : vector<16xf32>
          %add3A_347 = arith.constant 17 : i32
          %add3A_348 = vector.broadcast %add3A_347 : i32 to vector<16xi32>
          %add3A_349 = arith.addi %add3A_261, %add3A_348 : vector<16xi32>
          %gather3A_350 = tpu.vector_load_idx %arg15[%add3A_349] : memref<832xf32, #tpu.memory_space<vmem>>[vector<16xi32>], vector<16xf32>,
          %add3A_351 = arith.addf %add3A_346, %gather3A_350 : vector<16xf32>
          %add3A_352 = arith.constant 18 : i32
          %add3A_353 = vector.broadcast %add3A_352 : i32 to vector<16xi32>
          %add3A_354 = arith.addi %add3A_261, %add3A_353 : vector<16xi32>
          %gather3A_355 = tpu.vector_load_idx %arg15[%add3A_354] : memref<832xf32, #tpu.memory_space<vmem>>[vector<16xi32>], vector<16xf32>,
          %add3A_356 = arith.addf %add3A_351, %gather3A_355 : vector<16xf32>
          %add3A_357 = arith.constant 19 : i32
          %add3A_358 = vector.broadcast %add3A_357 : i32 to vector<16xi32>
          %add3A_359 = arith.addi %add3A_261, %add3A_358 : vector<16xi32>
          %gather3A_360 = tpu.vector_load_idx %arg15[%add3A_359] : memref<832xf32, #tpu.memory_space<vmem>>[vector<16xi32>], vector<16xf32>,
          %add3A_361 = arith.addf %add3A_356, %gather3A_360 : vector<16xf32>
          %add3A_362 = arith.constant 20 : i32
          %add3A_363 = vector.broadcast %add3A_362 : i32 to vector<16xi32>
          %add3A_364 = arith.addi %add3A_261, %add3A_363 : vector<16xi32>
          %gather3A_365 = tpu.vector_load_idx %arg15[%add3A_364] : memref<832xf32, #tpu.memory_space<vmem>>[vector<16xi32>], vector<16xf32>,
          %add3A_366 = arith.addf %add3A_361, %gather3A_365 : vector<16xf32>
          %add3A_367 = arith.constant 21 : i32
          %add3A_368 = vector.broadcast %add3A_367 : i32 to vector<16xi32>
          %add3A_369 = arith.addi %add3A_261, %add3A_368 : vector<16xi32>
          %gather3A_370 = tpu.vector_load_idx %arg15[%add3A_369] : memref<832xf32, #tpu.memory_space<vmem>>[vector<16xi32>], vector<16xf32>,
          %add3A_371 = arith.addf %add3A_366, %gather3A_370 : vector<16xf32>
          %add3A_372 = arith.constant 22 : i32
          %add3A_373 = vector.broadcast %add3A_372 : i32 to vector<16xi32>
          %add3A_374 = arith.addi %add3A_261, %add3A_373 : vector<16xi32>
          %gather3A_375 = tpu.vector_load_idx %arg15[%add3A_374] : memref<832xf32, #tpu.memory_space<vmem>>[vector<16xi32>], vector<16xf32>,
          %add3A_376 = arith.addf %add3A_371, %gather3A_375 : vector<16xf32>
          %add3A_377 = arith.constant 23 : i32
          %add3A_378 = vector.broadcast %add3A_377 : i32 to vector<16xi32>
          %add3A_379 = arith.addi %add3A_261, %add3A_378 : vector<16xi32>
          %gather3A_380 = tpu.vector_load_idx %arg15[%add3A_379] : memref<832xf32, #tpu.memory_space<vmem>>[vector<16xi32>], vector<16xf32>,
          %add3A_381 = arith.addf %add3A_376, %gather3A_380 : vector<16xf32>
          %add3A_382 = arith.constant 24 : i32
          %add3A_383 = vector.broadcast %add3A_382 : i32 to vector<16xi32>
          %add3A_384 = arith.addi %add3A_261, %add3A_383 : vector<16xi32>
          %gather3A_385 = tpu.vector_load_idx %arg15[%add3A_384] : memref<832xf32, #tpu.memory_space<vmem>>[vector<16xi32>], vector<16xf32>,
          %add3A_386 = arith.addf %add3A_381, %gather3A_385 : vector<16xf32>
          %add3A_387 = arith.constant 25 : i32
          %add3A_388 = vector.broadcast %add3A_387 : i32 to vector<16xi32>
          %add3A_389 = arith.addi %add3A_261, %add3A_388 : vector<16xi32>
          %gather3A_390 = tpu.vector_load_idx %arg15[%add3A_389] : memref<832xf32, #tpu.memory_space<vmem>>[vector<16xi32>], vector<16xf32>,
          %add3A_391 = arith.addf %add3A_386, %gather3A_390 : vector<16xf32>
          %mul3A_392 = arith.constant 32 : i32
          %mul3A_393 = arith.muli %add3A_150, %mul3A_392 : i32
          %mul3A_394 = arith.constant 16 : i32
          %mul3A_395 = arith.muli %scan3A_257, %mul3A_394 : i32
          %add3A_396 = arith.addi %mul3A_393, %mul3A_395 : i32
          %swap3A = arith.index_cast %add3A_396 : i32 to index
          %swap3A_397 = tpu.vector_load %arg20[%swap3A] {strides = array<i32>} : memref<1024xf32, #tpu.memory_space<vmem>>, vector<16xf32>,
          tpu.vector_store %arg20[%swap3A], %add3A_391 {strides = array<i32>} : memref<1024xf32, #tpu.memory_space<vmem>>, vector<16xf32>,
        }
        %scan3A_161 = arith.constant 2 : i32
        %add3A_162 = arith.constant 8 : i32
        %add3A_163 = arith.addi %add3A_150, %add3A_162 : i32
        %lt3A_164 = arith.constant 32 : i32
        %lt3A_165 = arith.cmpi slt, %add3A_163, %lt3A_164 : i32
        %convert_element_type3A_166 = arith.extui %lt3A_165 : i1 to i32
        %cond3A_167 = arith.constant 0 : i32
        %cond3A_168 = arith.cmpi ne, %convert_element_type3A_166, %cond3A_167 : i32
        scf.if %cond3A_168 {
          %add3A_257 = arith.constant 8 : i32
          %add3A_258 = arith.addi %add3A_150, %add3A_257 : i32
          %mul3A_259 = arith.constant 832 : i32
          %mul3A_260 = arith.muli %add3A_258, %mul3A_259 : i32
          %dma_start3A_261 = tpu.memref_slice %arg11[%mul3A_260] : memref<26624xi32, #tpu.memory_space<vmem>> -> memref<832xi32, #tpu.memory_space<vmem>>
          %dma_start3A_262 = arith.constant 0 : i32
          %dma_start3A_263 = tpu.memref_slice %arg10[%dma_start3A_262] : memref<1000000xf32, #tpu.memory_space<vmem_shared>> -> memref<1000000xf32, #tpu.memory_space<vmem_shared>>
          tpu.enqueue_indirect_dma source(%dma_start3A_263 : memref<1000000xf32, #tpu.memory_space<vmem_shared>>) target(%arg15 : memref<832xf32, #tpu.memory_space<vmem>>) offsets(%dma_start3A_261 : memref<832xi32, #tpu.memory_space<vmem>>) semaphore(%arg27 : memref<!tpu.dma_semaphore, #tpu.memory_space<semaphore_mem>>)
        } else {
        }
        %mul3A_169 = arith.constant 8 : i32
        %mul3A_170 = arith.muli %mul3A_169, %scan3A_82 : i32
        %add3A_171 = arith.constant 4 : i32
        %add3A_172 = arith.addi %mul3A_170, %add3A_171 : i32
        %mul3A_173 = arith.constant 832 : i32
        %mul3A_174 = arith.muli %add3A_172, %mul3A_173 : i32
        %dma_wait3A_175 = tpu.memref_slice %arg11[%mul3A_174] : memref<26624xi32, #tpu.memory_space<vmem>> -> memref<832xi32, #tpu.memory_space<vmem>>
        %dma_wait3A_176 = arith.constant 0 : i32
        %dma_wait3A_177 = tpu.memref_slice %arg10[%dma_wait3A_176] : memref<1000000xf32, #tpu.memory_space<vmem_shared>> -> memref<1000000xf32, #tpu.memory_space<vmem_shared>>
        tpu.wait_indirect_dma semaphore(%arg28 : memref<!tpu.dma_semaphore, #tpu.memory_space<semaphore_mem>>) src(%dma_wait3A_177 : memref<1000000xf32, #tpu.memory_space<vmem_shared>>) dst(%arg16 : memref<832xf32, #tpu.memory_space<vmem>>)
        %scan3A_178 = arith.constant 0 : i32
        %scan3A_179 = arith.constant 0 : i32
        %scan3A_180 = arith.constant 2 : i32
        %scan3A_181 = arith.addi %scan3A_179, %scan3A_180 : i32
        %scan3A_182 = arith.constant 1 : i32
        scf.for %scan3A_257 = %scan3A_179 to %scan3A_181 step %scan3A_182  : i32 {
          %mul3A_258 = arith.constant 416 : i32
          %mul3A_259 = arith.muli %scan3A_257, %mul3A_258 : i32
          %add3A_260 = vector.broadcast %mul3A_259 : i32 to vector<16xi32>
          %add3A_261 = arith.addi %add3A_260, %mul3A_3 : vector<16xi32>
          %broadcast_in_dim3A = arith.constant 0.000000e+00 : f32
          %broadcast_in_dim3A_262 = vector.broadcast %broadcast_in_dim3A : f32 to vector<16xf32>
          %add3A_263 = arith.constant 0 : i32
          %add3A_264 = vector.broadcast %add3A_263 : i32 to vector<16xi32>
          %add3A_265 = arith.addi %add3A_261, %add3A_264 : vector<16xi32>
          %gather3A = tpu.vector_load_idx %arg16[%add3A_265] : memref<832xf32, #tpu.memory_space<vmem>>[vector<16xi32>], vector<16xf32>,
          %add3A_266 = arith.addf %broadcast_in_dim3A_262, %gather3A : vector<16xf32>
          %add3A_267 = arith.constant 1 : i32
          %add3A_268 = vector.broadcast %add3A_267 : i32 to vector<16xi32>
          %add3A_269 = arith.addi %add3A_261, %add3A_268 : vector<16xi32>
          %gather3A_270 = tpu.vector_load_idx %arg16[%add3A_269] : memref<832xf32, #tpu.memory_space<vmem>>[vector<16xi32>], vector<16xf32>,
          %add3A_271 = arith.addf %add3A_266, %gather3A_270 : vector<16xf32>
          %add3A_272 = arith.constant 2 : i32
          %add3A_273 = vector.broadcast %add3A_272 : i32 to vector<16xi32>
          %add3A_274 = arith.addi %add3A_261, %add3A_273 : vector<16xi32>
          %gather3A_275 = tpu.vector_load_idx %arg16[%add3A_274] : memref<832xf32, #tpu.memory_space<vmem>>[vector<16xi32>], vector<16xf32>,
          %add3A_276 = arith.addf %add3A_271, %gather3A_275 : vector<16xf32>
          %add3A_277 = arith.constant 3 : i32
          %add3A_278 = vector.broadcast %add3A_277 : i32 to vector<16xi32>
          %add3A_279 = arith.addi %add3A_261, %add3A_278 : vector<16xi32>
          %gather3A_280 = tpu.vector_load_idx %arg16[%add3A_279] : memref<832xf32, #tpu.memory_space<vmem>>[vector<16xi32>], vector<16xf32>,
          %add3A_281 = arith.addf %add3A_276, %gather3A_280 : vector<16xf32>
          %add3A_282 = arith.constant 4 : i32
          %add3A_283 = vector.broadcast %add3A_282 : i32 to vector<16xi32>
          %add3A_284 = arith.addi %add3A_261, %add3A_283 : vector<16xi32>
          %gather3A_285 = tpu.vector_load_idx %arg16[%add3A_284] : memref<832xf32, #tpu.memory_space<vmem>>[vector<16xi32>], vector<16xf32>,
          %add3A_286 = arith.addf %add3A_281, %gather3A_285 : vector<16xf32>
          %add3A_287 = arith.constant 5 : i32
          %add3A_288 = vector.broadcast %add3A_287 : i32 to vector<16xi32>
          %add3A_289 = arith.addi %add3A_261, %add3A_288 : vector<16xi32>
          %gather3A_290 = tpu.vector_load_idx %arg16[%add3A_289] : memref<832xf32, #tpu.memory_space<vmem>>[vector<16xi32>], vector<16xf32>,
          %add3A_291 = arith.addf %add3A_286, %gather3A_290 : vector<16xf32>
          %add3A_292 = arith.constant 6 : i32
          %add3A_293 = vector.broadcast %add3A_292 : i32 to vector<16xi32>
          %add3A_294 = arith.addi %add3A_261, %add3A_293 : vector<16xi32>
          %gather3A_295 = tpu.vector_load_idx %arg16[%add3A_294] : memref<832xf32, #tpu.memory_space<vmem>>[vector<16xi32>], vector<16xf32>,
          %add3A_296 = arith.addf %add3A_291, %gather3A_295 : vector<16xf32>
          %add3A_297 = arith.constant 7 : i32
          %add3A_298 = vector.broadcast %add3A_297 : i32 to vector<16xi32>
          %add3A_299 = arith.addi %add3A_261, %add3A_298 : vector<16xi32>
          %gather3A_300 = tpu.vector_load_idx %arg16[%add3A_299] : memref<832xf32, #tpu.memory_space<vmem>>[vector<16xi32>], vector<16xf32>,
          %add3A_301 = arith.addf %add3A_296, %gather3A_300 : vector<16xf32>
          %add3A_302 = arith.constant 8 : i32
          %add3A_303 = vector.broadcast %add3A_302 : i32 to vector<16xi32>
          %add3A_304 = arith.addi %add3A_261, %add3A_303 : vector<16xi32>
          %gather3A_305 = tpu.vector_load_idx %arg16[%add3A_304] : memref<832xf32, #tpu.memory_space<vmem>>[vector<16xi32>], vector<16xf32>,
          %add3A_306 = arith.addf %add3A_301, %gather3A_305 : vector<16xf32>
          %add3A_307 = arith.constant 9 : i32
          %add3A_308 = vector.broadcast %add3A_307 : i32 to vector<16xi32>
          %add3A_309 = arith.addi %add3A_261, %add3A_308 : vector<16xi32>
          %gather3A_310 = tpu.vector_load_idx %arg16[%add3A_309] : memref<832xf32, #tpu.memory_space<vmem>>[vector<16xi32>], vector<16xf32>,
          %add3A_311 = arith.addf %add3A_306, %gather3A_310 : vector<16xf32>
          %add3A_312 = arith.constant 10 : i32
          %add3A_313 = vector.broadcast %add3A_312 : i32 to vector<16xi32>
          %add3A_314 = arith.addi %add3A_261, %add3A_313 : vector<16xi32>
          %gather3A_315 = tpu.vector_load_idx %arg16[%add3A_314] : memref<832xf32, #tpu.memory_space<vmem>>[vector<16xi32>], vector<16xf32>,
          %add3A_316 = arith.addf %add3A_311, %gather3A_315 : vector<16xf32>
          %add3A_317 = arith.constant 11 : i32
          %add3A_318 = vector.broadcast %add3A_317 : i32 to vector<16xi32>
          %add3A_319 = arith.addi %add3A_261, %add3A_318 : vector<16xi32>
          %gather3A_320 = tpu.vector_load_idx %arg16[%add3A_319] : memref<832xf32, #tpu.memory_space<vmem>>[vector<16xi32>], vector<16xf32>,
          %add3A_321 = arith.addf %add3A_316, %gather3A_320 : vector<16xf32>
          %add3A_322 = arith.constant 12 : i32
          %add3A_323 = vector.broadcast %add3A_322 : i32 to vector<16xi32>
          %add3A_324 = arith.addi %add3A_261, %add3A_323 : vector<16xi32>
          %gather3A_325 = tpu.vector_load_idx %arg16[%add3A_324] : memref<832xf32, #tpu.memory_space<vmem>>[vector<16xi32>], vector<16xf32>,
          %add3A_326 = arith.addf %add3A_321, %gather3A_325 : vector<16xf32>
          %add3A_327 = arith.constant 13 : i32
          %add3A_328 = vector.broadcast %add3A_327 : i32 to vector<16xi32>
          %add3A_329 = arith.addi %add3A_261, %add3A_328 : vector<16xi32>
          %gather3A_330 = tpu.vector_load_idx %arg16[%add3A_329] : memref<832xf32, #tpu.memory_space<vmem>>[vector<16xi32>], vector<16xf32>,
          %add3A_331 = arith.addf %add3A_326, %gather3A_330 : vector<16xf32>
          %add3A_332 = arith.constant 14 : i32
          %add3A_333 = vector.broadcast %add3A_332 : i32 to vector<16xi32>
          %add3A_334 = arith.addi %add3A_261, %add3A_333 : vector<16xi32>
          %gather3A_335 = tpu.vector_load_idx %arg16[%add3A_334] : memref<832xf32, #tpu.memory_space<vmem>>[vector<16xi32>], vector<16xf32>,
          %add3A_336 = arith.addf %add3A_331, %gather3A_335 : vector<16xf32>
          %add3A_337 = arith.constant 15 : i32
          %add3A_338 = vector.broadcast %add3A_337 : i32 to vector<16xi32>
          %add3A_339 = arith.addi %add3A_261, %add3A_338 : vector<16xi32>
          %gather3A_340 = tpu.vector_load_idx %arg16[%add3A_339] : memref<832xf32, #tpu.memory_space<vmem>>[vector<16xi32>], vector<16xf32>,
          %add3A_341 = arith.addf %add3A_336, %gather3A_340 : vector<16xf32>
          %add3A_342 = arith.constant 16 : i32
          %add3A_343 = vector.broadcast %add3A_342 : i32 to vector<16xi32>
          %add3A_344 = arith.addi %add3A_261, %add3A_343 : vector<16xi32>
          %gather3A_345 = tpu.vector_load_idx %arg16[%add3A_344] : memref<832xf32, #tpu.memory_space<vmem>>[vector<16xi32>], vector<16xf32>,
          %add3A_346 = arith.addf %add3A_341, %gather3A_345 : vector<16xf32>
          %add3A_347 = arith.constant 17 : i32
          %add3A_348 = vector.broadcast %add3A_347 : i32 to vector<16xi32>
          %add3A_349 = arith.addi %add3A_261, %add3A_348 : vector<16xi32>
          %gather3A_350 = tpu.vector_load_idx %arg16[%add3A_349] : memref<832xf32, #tpu.memory_space<vmem>>[vector<16xi32>], vector<16xf32>,
          %add3A_351 = arith.addf %add3A_346, %gather3A_350 : vector<16xf32>
          %add3A_352 = arith.constant 18 : i32
          %add3A_353 = vector.broadcast %add3A_352 : i32 to vector<16xi32>
          %add3A_354 = arith.addi %add3A_261, %add3A_353 : vector<16xi32>
          %gather3A_355 = tpu.vector_load_idx %arg16[%add3A_354] : memref<832xf32, #tpu.memory_space<vmem>>[vector<16xi32>], vector<16xf32>,
          %add3A_356 = arith.addf %add3A_351, %gather3A_355 : vector<16xf32>
          %add3A_357 = arith.constant 19 : i32
          %add3A_358 = vector.broadcast %add3A_357 : i32 to vector<16xi32>
          %add3A_359 = arith.addi %add3A_261, %add3A_358 : vector<16xi32>
          %gather3A_360 = tpu.vector_load_idx %arg16[%add3A_359] : memref<832xf32, #tpu.memory_space<vmem>>[vector<16xi32>], vector<16xf32>,
          %add3A_361 = arith.addf %add3A_356, %gather3A_360 : vector<16xf32>
          %add3A_362 = arith.constant 20 : i32
          %add3A_363 = vector.broadcast %add3A_362 : i32 to vector<16xi32>
          %add3A_364 = arith.addi %add3A_261, %add3A_363 : vector<16xi32>
          %gather3A_365 = tpu.vector_load_idx %arg16[%add3A_364] : memref<832xf32, #tpu.memory_space<vmem>>[vector<16xi32>], vector<16xf32>,
          %add3A_366 = arith.addf %add3A_361, %gather3A_365 : vector<16xf32>
          %add3A_367 = arith.constant 21 : i32
          %add3A_368 = vector.broadcast %add3A_367 : i32 to vector<16xi32>
          %add3A_369 = arith.addi %add3A_261, %add3A_368 : vector<16xi32>
          %gather3A_370 = tpu.vector_load_idx %arg16[%add3A_369] : memref<832xf32, #tpu.memory_space<vmem>>[vector<16xi32>], vector<16xf32>,
          %add3A_371 = arith.addf %add3A_366, %gather3A_370 : vector<16xf32>
          %add3A_372 = arith.constant 22 : i32
          %add3A_373 = vector.broadcast %add3A_372 : i32 to vector<16xi32>
          %add3A_374 = arith.addi %add3A_261, %add3A_373 : vector<16xi32>
          %gather3A_375 = tpu.vector_load_idx %arg16[%add3A_374] : memref<832xf32, #tpu.memory_space<vmem>>[vector<16xi32>], vector<16xf32>,
          %add3A_376 = arith.addf %add3A_371, %gather3A_375 : vector<16xf32>
          %add3A_377 = arith.constant 23 : i32
          %add3A_378 = vector.broadcast %add3A_377 : i32 to vector<16xi32>
          %add3A_379 = arith.addi %add3A_261, %add3A_378 : vector<16xi32>
          %gather3A_380 = tpu.vector_load_idx %arg16[%add3A_379] : memref<832xf32, #tpu.memory_space<vmem>>[vector<16xi32>], vector<16xf32>,
          %add3A_381 = arith.addf %add3A_376, %gather3A_380 : vector<16xf32>
          %add3A_382 = arith.constant 24 : i32
          %add3A_383 = vector.broadcast %add3A_382 : i32 to vector<16xi32>
          %add3A_384 = arith.addi %add3A_261, %add3A_383 : vector<16xi32>
          %gather3A_385 = tpu.vector_load_idx %arg16[%add3A_384] : memref<832xf32, #tpu.memory_space<vmem>>[vector<16xi32>], vector<16xf32>,
          %add3A_386 = arith.addf %add3A_381, %gather3A_385 : vector<16xf32>
          %add3A_387 = arith.constant 25 : i32
          %add3A_388 = vector.broadcast %add3A_387 : i32 to vector<16xi32>
          %add3A_389 = arith.addi %add3A_261, %add3A_388 : vector<16xi32>
          %gather3A_390 = tpu.vector_load_idx %arg16[%add3A_389] : memref<832xf32, #tpu.memory_space<vmem>>[vector<16xi32>], vector<16xf32>,
          %add3A_391 = arith.addf %add3A_386, %gather3A_390 : vector<16xf32>
          %mul3A_392 = arith.constant 32 : i32
          %mul3A_393 = arith.muli %add3A_172, %mul3A_392 : i32
          %mul3A_394 = arith.constant 16 : i32
          %mul3A_395 = arith.muli %scan3A_257, %mul3A_394 : i32
          %add3A_396 = arith.addi %mul3A_393, %mul3A_395 : i32
          %swap3A = arith.index_cast %add3A_396 : i32 to index
          %swap3A_397 = tpu.vector_load %arg20[%swap3A] {strides = array<i32>} : memref<1024xf32, #tpu.memory_space<vmem>>, vector<16xf32>,
          tpu.vector_store %arg20[%swap3A], %add3A_391 {strides = array<i32>} : memref<1024xf32, #tpu.memory_space<vmem>>, vector<16xf32>,
        }
        %scan3A_183 = arith.constant 2 : i32
        %add3A_184 = arith.constant 8 : i32
        %add3A_185 = arith.addi %add3A_172, %add3A_184 : i32
        %lt3A_186 = arith.constant 32 : i32
        %lt3A_187 = arith.cmpi slt, %add3A_185, %lt3A_186 : i32
        %convert_element_type3A_188 = arith.extui %lt3A_187 : i1 to i32
        %cond3A_189 = arith.constant 0 : i32
        %cond3A_190 = arith.cmpi ne, %convert_element_type3A_188, %cond3A_189 : i32
        scf.if %cond3A_190 {
          %add3A_257 = arith.constant 8 : i32
          %add3A_258 = arith.addi %add3A_172, %add3A_257 : i32
          %mul3A_259 = arith.constant 832 : i32
          %mul3A_260 = arith.muli %add3A_258, %mul3A_259 : i32
          %dma_start3A_261 = tpu.memref_slice %arg11[%mul3A_260] : memref<26624xi32, #tpu.memory_space<vmem>> -> memref<832xi32, #tpu.memory_space<vmem>>
          %dma_start3A_262 = arith.constant 0 : i32
          %dma_start3A_263 = tpu.memref_slice %arg10[%dma_start3A_262] : memref<1000000xf32, #tpu.memory_space<vmem_shared>> -> memref<1000000xf32, #tpu.memory_space<vmem_shared>>
          tpu.enqueue_indirect_dma source(%dma_start3A_263 : memref<1000000xf32, #tpu.memory_space<vmem_shared>>) target(%arg16 : memref<832xf32, #tpu.memory_space<vmem>>) offsets(%dma_start3A_261 : memref<832xi32, #tpu.memory_space<vmem>>) semaphore(%arg28 : memref<!tpu.dma_semaphore, #tpu.memory_space<semaphore_mem>>)
        } else {
        }
        %mul3A_191 = arith.constant 8 : i32
        %mul3A_192 = arith.muli %mul3A_191, %scan3A_82 : i32
        %add3A_193 = arith.constant 5 : i32
        %add3A_194 = arith.addi %mul3A_192, %add3A_193 : i32
        %mul3A_195 = arith.constant 832 : i32
        %mul3A_196 = arith.muli %add3A_194, %mul3A_195 : i32
        %dma_wait3A_197 = tpu.memref_slice %arg11[%mul3A_196] : memref<26624xi32, #tpu.memory_space<vmem>> -> memref<832xi32, #tpu.memory_space<vmem>>
        %dma_wait3A_198 = arith.constant 0 : i32
        %dma_wait3A_199 = tpu.memref_slice %arg10[%dma_wait3A_198] : memref<1000000xf32, #tpu.memory_space<vmem_shared>> -> memref<1000000xf32, #tpu.memory_space<vmem_shared>>
        tpu.wait_indirect_dma semaphore(%arg29 : memref<!tpu.dma_semaphore, #tpu.memory_space<semaphore_mem>>) src(%dma_wait3A_199 : memref<1000000xf32, #tpu.memory_space<vmem_shared>>) dst(%arg17 : memref<832xf32, #tpu.memory_space<vmem>>)
        %scan3A_200 = arith.constant 0 : i32
        %scan3A_201 = arith.constant 0 : i32
        %scan3A_202 = arith.constant 2 : i32
        %scan3A_203 = arith.addi %scan3A_201, %scan3A_202 : i32
        %scan3A_204 = arith.constant 1 : i32
        scf.for %scan3A_257 = %scan3A_201 to %scan3A_203 step %scan3A_204  : i32 {
          %mul3A_258 = arith.constant 416 : i32
          %mul3A_259 = arith.muli %scan3A_257, %mul3A_258 : i32
          %add3A_260 = vector.broadcast %mul3A_259 : i32 to vector<16xi32>
          %add3A_261 = arith.addi %add3A_260, %mul3A_3 : vector<16xi32>
          %broadcast_in_dim3A = arith.constant 0.000000e+00 : f32
          %broadcast_in_dim3A_262 = vector.broadcast %broadcast_in_dim3A : f32 to vector<16xf32>
          %add3A_263 = arith.constant 0 : i32
          %add3A_264 = vector.broadcast %add3A_263 : i32 to vector<16xi32>
          %add3A_265 = arith.addi %add3A_261, %add3A_264 : vector<16xi32>
          %gather3A = tpu.vector_load_idx %arg17[%add3A_265] : memref<832xf32, #tpu.memory_space<vmem>>[vector<16xi32>], vector<16xf32>,
          %add3A_266 = arith.addf %broadcast_in_dim3A_262, %gather3A : vector<16xf32>
          %add3A_267 = arith.constant 1 : i32
          %add3A_268 = vector.broadcast %add3A_267 : i32 to vector<16xi32>
          %add3A_269 = arith.addi %add3A_261, %add3A_268 : vector<16xi32>
          %gather3A_270 = tpu.vector_load_idx %arg17[%add3A_269] : memref<832xf32, #tpu.memory_space<vmem>>[vector<16xi32>], vector<16xf32>,
          %add3A_271 = arith.addf %add3A_266, %gather3A_270 : vector<16xf32>
          %add3A_272 = arith.constant 2 : i32
          %add3A_273 = vector.broadcast %add3A_272 : i32 to vector<16xi32>
          %add3A_274 = arith.addi %add3A_261, %add3A_273 : vector<16xi32>
          %gather3A_275 = tpu.vector_load_idx %arg17[%add3A_274] : memref<832xf32, #tpu.memory_space<vmem>>[vector<16xi32>], vector<16xf32>,
          %add3A_276 = arith.addf %add3A_271, %gather3A_275 : vector<16xf32>
          %add3A_277 = arith.constant 3 : i32
          %add3A_278 = vector.broadcast %add3A_277 : i32 to vector<16xi32>
          %add3A_279 = arith.addi %add3A_261, %add3A_278 : vector<16xi32>
          %gather3A_280 = tpu.vector_load_idx %arg17[%add3A_279] : memref<832xf32, #tpu.memory_space<vmem>>[vector<16xi32>], vector<16xf32>,
          %add3A_281 = arith.addf %add3A_276, %gather3A_280 : vector<16xf32>
          %add3A_282 = arith.constant 4 : i32
          %add3A_283 = vector.broadcast %add3A_282 : i32 to vector<16xi32>
          %add3A_284 = arith.addi %add3A_261, %add3A_283 : vector<16xi32>
          %gather3A_285 = tpu.vector_load_idx %arg17[%add3A_284] : memref<832xf32, #tpu.memory_space<vmem>>[vector<16xi32>], vector<16xf32>,
          %add3A_286 = arith.addf %add3A_281, %gather3A_285 : vector<16xf32>
          %add3A_287 = arith.constant 5 : i32
          %add3A_288 = vector.broadcast %add3A_287 : i32 to vector<16xi32>
          %add3A_289 = arith.addi %add3A_261, %add3A_288 : vector<16xi32>
          %gather3A_290 = tpu.vector_load_idx %arg17[%add3A_289] : memref<832xf32, #tpu.memory_space<vmem>>[vector<16xi32>], vector<16xf32>,
          %add3A_291 = arith.addf %add3A_286, %gather3A_290 : vector<16xf32>
          %add3A_292 = arith.constant 6 : i32
          %add3A_293 = vector.broadcast %add3A_292 : i32 to vector<16xi32>
          %add3A_294 = arith.addi %add3A_261, %add3A_293 : vector<16xi32>
          %gather3A_295 = tpu.vector_load_idx %arg17[%add3A_294] : memref<832xf32, #tpu.memory_space<vmem>>[vector<16xi32>], vector<16xf32>,
          %add3A_296 = arith.addf %add3A_291, %gather3A_295 : vector<16xf32>
          %add3A_297 = arith.constant 7 : i32
          %add3A_298 = vector.broadcast %add3A_297 : i32 to vector<16xi32>
          %add3A_299 = arith.addi %add3A_261, %add3A_298 : vector<16xi32>
          %gather3A_300 = tpu.vector_load_idx %arg17[%add3A_299] : memref<832xf32, #tpu.memory_space<vmem>>[vector<16xi32>], vector<16xf32>,
          %add3A_301 = arith.addf %add3A_296, %gather3A_300 : vector<16xf32>
          %add3A_302 = arith.constant 8 : i32
          %add3A_303 = vector.broadcast %add3A_302 : i32 to vector<16xi32>
          %add3A_304 = arith.addi %add3A_261, %add3A_303 : vector<16xi32>
          %gather3A_305 = tpu.vector_load_idx %arg17[%add3A_304] : memref<832xf32, #tpu.memory_space<vmem>>[vector<16xi32>], vector<16xf32>,
          %add3A_306 = arith.addf %add3A_301, %gather3A_305 : vector<16xf32>
          %add3A_307 = arith.constant 9 : i32
          %add3A_308 = vector.broadcast %add3A_307 : i32 to vector<16xi32>
          %add3A_309 = arith.addi %add3A_261, %add3A_308 : vector<16xi32>
          %gather3A_310 = tpu.vector_load_idx %arg17[%add3A_309] : memref<832xf32, #tpu.memory_space<vmem>>[vector<16xi32>], vector<16xf32>,
          %add3A_311 = arith.addf %add3A_306, %gather3A_310 : vector<16xf32>
          %add3A_312 = arith.constant 10 : i32
          %add3A_313 = vector.broadcast %add3A_312 : i32 to vector<16xi32>
          %add3A_314 = arith.addi %add3A_261, %add3A_313 : vector<16xi32>
          %gather3A_315 = tpu.vector_load_idx %arg17[%add3A_314] : memref<832xf32, #tpu.memory_space<vmem>>[vector<16xi32>], vector<16xf32>,
          %add3A_316 = arith.addf %add3A_311, %gather3A_315 : vector<16xf32>
          %add3A_317 = arith.constant 11 : i32
          %add3A_318 = vector.broadcast %add3A_317 : i32 to vector<16xi32>
          %add3A_319 = arith.addi %add3A_261, %add3A_318 : vector<16xi32>
          %gather3A_320 = tpu.vector_load_idx %arg17[%add3A_319] : memref<832xf32, #tpu.memory_space<vmem>>[vector<16xi32>], vector<16xf32>,
          %add3A_321 = arith.addf %add3A_316, %gather3A_320 : vector<16xf32>
          %add3A_322 = arith.constant 12 : i32
          %add3A_323 = vector.broadcast %add3A_322 : i32 to vector<16xi32>
          %add3A_324 = arith.addi %add3A_261, %add3A_323 : vector<16xi32>
          %gather3A_325 = tpu.vector_load_idx %arg17[%add3A_324] : memref<832xf32, #tpu.memory_space<vmem>>[vector<16xi32>], vector<16xf32>,
          %add3A_326 = arith.addf %add3A_321, %gather3A_325 : vector<16xf32>
          %add3A_327 = arith.constant 13 : i32
          %add3A_328 = vector.broadcast %add3A_327 : i32 to vector<16xi32>
          %add3A_329 = arith.addi %add3A_261, %add3A_328 : vector<16xi32>
          %gather3A_330 = tpu.vector_load_idx %arg17[%add3A_329] : memref<832xf32, #tpu.memory_space<vmem>>[vector<16xi32>], vector<16xf32>,
          %add3A_331 = arith.addf %add3A_326, %gather3A_330 : vector<16xf32>
          %add3A_332 = arith.constant 14 : i32
          %add3A_333 = vector.broadcast %add3A_332 : i32 to vector<16xi32>
          %add3A_334 = arith.addi %add3A_261, %add3A_333 : vector<16xi32>
          %gather3A_335 = tpu.vector_load_idx %arg17[%add3A_334] : memref<832xf32, #tpu.memory_space<vmem>>[vector<16xi32>], vector<16xf32>,
          %add3A_336 = arith.addf %add3A_331, %gather3A_335 : vector<16xf32>
          %add3A_337 = arith.constant 15 : i32
          %add3A_338 = vector.broadcast %add3A_337 : i32 to vector<16xi32>
          %add3A_339 = arith.addi %add3A_261, %add3A_338 : vector<16xi32>
          %gather3A_340 = tpu.vector_load_idx %arg17[%add3A_339] : memref<832xf32, #tpu.memory_space<vmem>>[vector<16xi32>], vector<16xf32>,
          %add3A_341 = arith.addf %add3A_336, %gather3A_340 : vector<16xf32>
          %add3A_342 = arith.constant 16 : i32
          %add3A_343 = vector.broadcast %add3A_342 : i32 to vector<16xi32>
          %add3A_344 = arith.addi %add3A_261, %add3A_343 : vector<16xi32>
          %gather3A_345 = tpu.vector_load_idx %arg17[%add3A_344] : memref<832xf32, #tpu.memory_space<vmem>>[vector<16xi32>], vector<16xf32>,
          %add3A_346 = arith.addf %add3A_341, %gather3A_345 : vector<16xf32>
          %add3A_347 = arith.constant 17 : i32
          %add3A_348 = vector.broadcast %add3A_347 : i32 to vector<16xi32>
          %add3A_349 = arith.addi %add3A_261, %add3A_348 : vector<16xi32>
          %gather3A_350 = tpu.vector_load_idx %arg17[%add3A_349] : memref<832xf32, #tpu.memory_space<vmem>>[vector<16xi32>], vector<16xf32>,
          %add3A_351 = arith.addf %add3A_346, %gather3A_350 : vector<16xf32>
          %add3A_352 = arith.constant 18 : i32
          %add3A_353 = vector.broadcast %add3A_352 : i32 to vector<16xi32>
          %add3A_354 = arith.addi %add3A_261, %add3A_353 : vector<16xi32>
          %gather3A_355 = tpu.vector_load_idx %arg17[%add3A_354] : memref<832xf32, #tpu.memory_space<vmem>>[vector<16xi32>], vector<16xf32>,
          %add3A_356 = arith.addf %add3A_351, %gather3A_355 : vector<16xf32>
          %add3A_357 = arith.constant 19 : i32
          %add3A_358 = vector.broadcast %add3A_357 : i32 to vector<16xi32>
          %add3A_359 = arith.addi %add3A_261, %add3A_358 : vector<16xi32>
          %gather3A_360 = tpu.vector_load_idx %arg17[%add3A_359] : memref<832xf32, #tpu.memory_space<vmem>>[vector<16xi32>], vector<16xf32>,
          %add3A_361 = arith.addf %add3A_356, %gather3A_360 : vector<16xf32>
          %add3A_362 = arith.constant 20 : i32
          %add3A_363 = vector.broadcast %add3A_362 : i32 to vector<16xi32>
          %add3A_364 = arith.addi %add3A_261, %add3A_363 : vector<16xi32>
          %gather3A_365 = tpu.vector_load_idx %arg17[%add3A_364] : memref<832xf32, #tpu.memory_space<vmem>>[vector<16xi32>], vector<16xf32>,
          %add3A_366 = arith.addf %add3A_361, %gather3A_365 : vector<16xf32>
          %add3A_367 = arith.constant 21 : i32
          %add3A_368 = vector.broadcast %add3A_367 : i32 to vector<16xi32>
          %add3A_369 = arith.addi %add3A_261, %add3A_368 : vector<16xi32>
          %gather3A_370 = tpu.vector_load_idx %arg17[%add3A_369] : memref<832xf32, #tpu.memory_space<vmem>>[vector<16xi32>], vector<16xf32>,
          %add3A_371 = arith.addf %add3A_366, %gather3A_370 : vector<16xf32>
          %add3A_372 = arith.constant 22 : i32
          %add3A_373 = vector.broadcast %add3A_372 : i32 to vector<16xi32>
          %add3A_374 = arith.addi %add3A_261, %add3A_373 : vector<16xi32>
          %gather3A_375 = tpu.vector_load_idx %arg17[%add3A_374] : memref<832xf32, #tpu.memory_space<vmem>>[vector<16xi32>], vector<16xf32>,
          %add3A_376 = arith.addf %add3A_371, %gather3A_375 : vector<16xf32>
          %add3A_377 = arith.constant 23 : i32
          %add3A_378 = vector.broadcast %add3A_377 : i32 to vector<16xi32>
          %add3A_379 = arith.addi %add3A_261, %add3A_378 : vector<16xi32>
          %gather3A_380 = tpu.vector_load_idx %arg17[%add3A_379] : memref<832xf32, #tpu.memory_space<vmem>>[vector<16xi32>], vector<16xf32>,
          %add3A_381 = arith.addf %add3A_376, %gather3A_380 : vector<16xf32>
          %add3A_382 = arith.constant 24 : i32
          %add3A_383 = vector.broadcast %add3A_382 : i32 to vector<16xi32>
          %add3A_384 = arith.addi %add3A_261, %add3A_383 : vector<16xi32>
          %gather3A_385 = tpu.vector_load_idx %arg17[%add3A_384] : memref<832xf32, #tpu.memory_space<vmem>>[vector<16xi32>], vector<16xf32>,
          %add3A_386 = arith.addf %add3A_381, %gather3A_385 : vector<16xf32>
          %add3A_387 = arith.constant 25 : i32
          %add3A_388 = vector.broadcast %add3A_387 : i32 to vector<16xi32>
          %add3A_389 = arith.addi %add3A_261, %add3A_388 : vector<16xi32>
          %gather3A_390 = tpu.vector_load_idx %arg17[%add3A_389] : memref<832xf32, #tpu.memory_space<vmem>>[vector<16xi32>], vector<16xf32>,
          %add3A_391 = arith.addf %add3A_386, %gather3A_390 : vector<16xf32>
          %mul3A_392 = arith.constant 32 : i32
          %mul3A_393 = arith.muli %add3A_194, %mul3A_392 : i32
          %mul3A_394 = arith.constant 16 : i32
          %mul3A_395 = arith.muli %scan3A_257, %mul3A_394 : i32
          %add3A_396 = arith.addi %mul3A_393, %mul3A_395 : i32
          %swap3A = arith.index_cast %add3A_396 : i32 to index
          %swap3A_397 = tpu.vector_load %arg20[%swap3A] {strides = array<i32>} : memref<1024xf32, #tpu.memory_space<vmem>>, vector<16xf32>,
          tpu.vector_store %arg20[%swap3A], %add3A_391 {strides = array<i32>} : memref<1024xf32, #tpu.memory_space<vmem>>, vector<16xf32>,
        }
        %scan3A_205 = arith.constant 2 : i32
        %add3A_206 = arith.constant 8 : i32
        %add3A_207 = arith.addi %add3A_194, %add3A_206 : i32
        %lt3A_208 = arith.constant 32 : i32
        %lt3A_209 = arith.cmpi slt, %add3A_207, %lt3A_208 : i32
        %convert_element_type3A_210 = arith.extui %lt3A_209 : i1 to i32
        %cond3A_211 = arith.constant 0 : i32
        %cond3A_212 = arith.cmpi ne, %convert_element_type3A_210, %cond3A_211 : i32
        scf.if %cond3A_212 {
          %add3A_257 = arith.constant 8 : i32
          %add3A_258 = arith.addi %add3A_194, %add3A_257 : i32
          %mul3A_259 = arith.constant 832 : i32
          %mul3A_260 = arith.muli %add3A_258, %mul3A_259 : i32
          %dma_start3A_261 = tpu.memref_slice %arg11[%mul3A_260] : memref<26624xi32, #tpu.memory_space<vmem>> -> memref<832xi32, #tpu.memory_space<vmem>>
          %dma_start3A_262 = arith.constant 0 : i32
          %dma_start3A_263 = tpu.memref_slice %arg10[%dma_start3A_262] : memref<1000000xf32, #tpu.memory_space<vmem_shared>> -> memref<1000000xf32, #tpu.memory_space<vmem_shared>>
          tpu.enqueue_indirect_dma source(%dma_start3A_263 : memref<1000000xf32, #tpu.memory_space<vmem_shared>>) target(%arg17 : memref<832xf32, #tpu.memory_space<vmem>>) offsets(%dma_start3A_261 : memref<832xi32, #tpu.memory_space<vmem>>) semaphore(%arg29 : memref<!tpu.dma_semaphore, #tpu.memory_space<semaphore_mem>>)
        } else {
        }
        %mul3A_213 = arith.constant 8 : i32
        %mul3A_214 = arith.muli %mul3A_213, %scan3A_82 : i32
        %add3A_215 = arith.constant 6 : i32
        %add3A_216 = arith.addi %mul3A_214, %add3A_215 : i32
        %mul3A_217 = arith.constant 832 : i32
        %mul3A_218 = arith.muli %add3A_216, %mul3A_217 : i32
        %dma_wait3A_219 = tpu.memref_slice %arg11[%mul3A_218] : memref<26624xi32, #tpu.memory_space<vmem>> -> memref<832xi32, #tpu.memory_space<vmem>>
        %dma_wait3A_220 = arith.constant 0 : i32
        %dma_wait3A_221 = tpu.memref_slice %arg10[%dma_wait3A_220] : memref<1000000xf32, #tpu.memory_space<vmem_shared>> -> memref<1000000xf32, #tpu.memory_space<vmem_shared>>
        tpu.wait_indirect_dma semaphore(%arg30 : memref<!tpu.dma_semaphore, #tpu.memory_space<semaphore_mem>>) src(%dma_wait3A_221 : memref<1000000xf32, #tpu.memory_space<vmem_shared>>) dst(%arg18 : memref<832xf32, #tpu.memory_space<vmem>>)
        %scan3A_222 = arith.constant 0 : i32
        %scan3A_223 = arith.constant 0 : i32
        %scan3A_224 = arith.constant 2 : i32
        %scan3A_225 = arith.addi %scan3A_223, %scan3A_224 : i32
        %scan3A_226 = arith.constant 1 : i32
        scf.for %scan3A_257 = %scan3A_223 to %scan3A_225 step %scan3A_226  : i32 {
          %mul3A_258 = arith.constant 416 : i32
          %mul3A_259 = arith.muli %scan3A_257, %mul3A_258 : i32
          %add3A_260 = vector.broadcast %mul3A_259 : i32 to vector<16xi32>
          %add3A_261 = arith.addi %add3A_260, %mul3A_3 : vector<16xi32>
          %broadcast_in_dim3A = arith.constant 0.000000e+00 : f32
          %broadcast_in_dim3A_262 = vector.broadcast %broadcast_in_dim3A : f32 to vector<16xf32>
          %add3A_263 = arith.constant 0 : i32
          %add3A_264 = vector.broadcast %add3A_263 : i32 to vector<16xi32>
          %add3A_265 = arith.addi %add3A_261, %add3A_264 : vector<16xi32>
          %gather3A = tpu.vector_load_idx %arg18[%add3A_265] : memref<832xf32, #tpu.memory_space<vmem>>[vector<16xi32>], vector<16xf32>,
          %add3A_266 = arith.addf %broadcast_in_dim3A_262, %gather3A : vector<16xf32>
          %add3A_267 = arith.constant 1 : i32
          %add3A_268 = vector.broadcast %add3A_267 : i32 to vector<16xi32>
          %add3A_269 = arith.addi %add3A_261, %add3A_268 : vector<16xi32>
          %gather3A_270 = tpu.vector_load_idx %arg18[%add3A_269] : memref<832xf32, #tpu.memory_space<vmem>>[vector<16xi32>], vector<16xf32>,
          %add3A_271 = arith.addf %add3A_266, %gather3A_270 : vector<16xf32>
          %add3A_272 = arith.constant 2 : i32
          %add3A_273 = vector.broadcast %add3A_272 : i32 to vector<16xi32>
          %add3A_274 = arith.addi %add3A_261, %add3A_273 : vector<16xi32>
          %gather3A_275 = tpu.vector_load_idx %arg18[%add3A_274] : memref<832xf32, #tpu.memory_space<vmem>>[vector<16xi32>], vector<16xf32>,
          %add3A_276 = arith.addf %add3A_271, %gather3A_275 : vector<16xf32>
          %add3A_277 = arith.constant 3 : i32
          %add3A_278 = vector.broadcast %add3A_277 : i32 to vector<16xi32>
          %add3A_279 = arith.addi %add3A_261, %add3A_278 : vector<16xi32>
          %gather3A_280 = tpu.vector_load_idx %arg18[%add3A_279] : memref<832xf32, #tpu.memory_space<vmem>>[vector<16xi32>], vector<16xf32>,
          %add3A_281 = arith.addf %add3A_276, %gather3A_280 : vector<16xf32>
          %add3A_282 = arith.constant 4 : i32
          %add3A_283 = vector.broadcast %add3A_282 : i32 to vector<16xi32>
          %add3A_284 = arith.addi %add3A_261, %add3A_283 : vector<16xi32>
          %gather3A_285 = tpu.vector_load_idx %arg18[%add3A_284] : memref<832xf32, #tpu.memory_space<vmem>>[vector<16xi32>], vector<16xf32>,
          %add3A_286 = arith.addf %add3A_281, %gather3A_285 : vector<16xf32>
          %add3A_287 = arith.constant 5 : i32
          %add3A_288 = vector.broadcast %add3A_287 : i32 to vector<16xi32>
          %add3A_289 = arith.addi %add3A_261, %add3A_288 : vector<16xi32>
          %gather3A_290 = tpu.vector_load_idx %arg18[%add3A_289] : memref<832xf32, #tpu.memory_space<vmem>>[vector<16xi32>], vector<16xf32>,
          %add3A_291 = arith.addf %add3A_286, %gather3A_290 : vector<16xf32>
          %add3A_292 = arith.constant 6 : i32
          %add3A_293 = vector.broadcast %add3A_292 : i32 to vector<16xi32>
          %add3A_294 = arith.addi %add3A_261, %add3A_293 : vector<16xi32>
          %gather3A_295 = tpu.vector_load_idx %arg18[%add3A_294] : memref<832xf32, #tpu.memory_space<vmem>>[vector<16xi32>], vector<16xf32>,
          %add3A_296 = arith.addf %add3A_291, %gather3A_295 : vector<16xf32>
          %add3A_297 = arith.constant 7 : i32
          %add3A_298 = vector.broadcast %add3A_297 : i32 to vector<16xi32>
          %add3A_299 = arith.addi %add3A_261, %add3A_298 : vector<16xi32>
          %gather3A_300 = tpu.vector_load_idx %arg18[%add3A_299] : memref<832xf32, #tpu.memory_space<vmem>>[vector<16xi32>], vector<16xf32>,
          %add3A_301 = arith.addf %add3A_296, %gather3A_300 : vector<16xf32>
          %add3A_302 = arith.constant 8 : i32
          %add3A_303 = vector.broadcast %add3A_302 : i32 to vector<16xi32>
          %add3A_304 = arith.addi %add3A_261, %add3A_303 : vector<16xi32>
          %gather3A_305 = tpu.vector_load_idx %arg18[%add3A_304] : memref<832xf32, #tpu.memory_space<vmem>>[vector<16xi32>], vector<16xf32>,
          %add3A_306 = arith.addf %add3A_301, %gather3A_305 : vector<16xf32>
          %add3A_307 = arith.constant 9 : i32
          %add3A_308 = vector.broadcast %add3A_307 : i32 to vector<16xi32>
          %add3A_309 = arith.addi %add3A_261, %add3A_308 : vector<16xi32>
          %gather3A_310 = tpu.vector_load_idx %arg18[%add3A_309] : memref<832xf32, #tpu.memory_space<vmem>>[vector<16xi32>], vector<16xf32>,
          %add3A_311 = arith.addf %add3A_306, %gather3A_310 : vector<16xf32>
          %add3A_312 = arith.constant 10 : i32
          %add3A_313 = vector.broadcast %add3A_312 : i32 to vector<16xi32>
          %add3A_314 = arith.addi %add3A_261, %add3A_313 : vector<16xi32>
          %gather3A_315 = tpu.vector_load_idx %arg18[%add3A_314] : memref<832xf32, #tpu.memory_space<vmem>>[vector<16xi32>], vector<16xf32>,
          %add3A_316 = arith.addf %add3A_311, %gather3A_315 : vector<16xf32>
          %add3A_317 = arith.constant 11 : i32
          %add3A_318 = vector.broadcast %add3A_317 : i32 to vector<16xi32>
          %add3A_319 = arith.addi %add3A_261, %add3A_318 : vector<16xi32>
          %gather3A_320 = tpu.vector_load_idx %arg18[%add3A_319] : memref<832xf32, #tpu.memory_space<vmem>>[vector<16xi32>], vector<16xf32>,
          %add3A_321 = arith.addf %add3A_316, %gather3A_320 : vector<16xf32>
          %add3A_322 = arith.constant 12 : i32
          %add3A_323 = vector.broadcast %add3A_322 : i32 to vector<16xi32>
          %add3A_324 = arith.addi %add3A_261, %add3A_323 : vector<16xi32>
          %gather3A_325 = tpu.vector_load_idx %arg18[%add3A_324] : memref<832xf32, #tpu.memory_space<vmem>>[vector<16xi32>], vector<16xf32>,
          %add3A_326 = arith.addf %add3A_321, %gather3A_325 : vector<16xf32>
          %add3A_327 = arith.constant 13 : i32
          %add3A_328 = vector.broadcast %add3A_327 : i32 to vector<16xi32>
          %add3A_329 = arith.addi %add3A_261, %add3A_328 : vector<16xi32>
          %gather3A_330 = tpu.vector_load_idx %arg18[%add3A_329] : memref<832xf32, #tpu.memory_space<vmem>>[vector<16xi32>], vector<16xf32>,
          %add3A_331 = arith.addf %add3A_326, %gather3A_330 : vector<16xf32>
          %add3A_332 = arith.constant 14 : i32
          %add3A_333 = vector.broadcast %add3A_332 : i32 to vector<16xi32>
          %add3A_334 = arith.addi %add3A_261, %add3A_333 : vector<16xi32>
          %gather3A_335 = tpu.vector_load_idx %arg18[%add3A_334] : memref<832xf32, #tpu.memory_space<vmem>>[vector<16xi32>], vector<16xf32>,
          %add3A_336 = arith.addf %add3A_331, %gather3A_335 : vector<16xf32>
          %add3A_337 = arith.constant 15 : i32
          %add3A_338 = vector.broadcast %add3A_337 : i32 to vector<16xi32>
          %add3A_339 = arith.addi %add3A_261, %add3A_338 : vector<16xi32>
          %gather3A_340 = tpu.vector_load_idx %arg18[%add3A_339] : memref<832xf32, #tpu.memory_space<vmem>>[vector<16xi32>], vector<16xf32>,
          %add3A_341 = arith.addf %add3A_336, %gather3A_340 : vector<16xf32>
          %add3A_342 = arith.constant 16 : i32
          %add3A_343 = vector.broadcast %add3A_342 : i32 to vector<16xi32>
          %add3A_344 = arith.addi %add3A_261, %add3A_343 : vector<16xi32>
          %gather3A_345 = tpu.vector_load_idx %arg18[%add3A_344] : memref<832xf32, #tpu.memory_space<vmem>>[vector<16xi32>], vector<16xf32>,
          %add3A_346 = arith.addf %add3A_341, %gather3A_345 : vector<16xf32>
          %add3A_347 = arith.constant 17 : i32
          %add3A_348 = vector.broadcast %add3A_347 : i32 to vector<16xi32>
          %add3A_349 = arith.addi %add3A_261, %add3A_348 : vector<16xi32>
          %gather3A_350 = tpu.vector_load_idx %arg18[%add3A_349] : memref<832xf32, #tpu.memory_space<vmem>>[vector<16xi32>], vector<16xf32>,
          %add3A_351 = arith.addf %add3A_346, %gather3A_350 : vector<16xf32>
          %add3A_352 = arith.constant 18 : i32
          %add3A_353 = vector.broadcast %add3A_352 : i32 to vector<16xi32>
          %add3A_354 = arith.addi %add3A_261, %add3A_353 : vector<16xi32>
          %gather3A_355 = tpu.vector_load_idx %arg18[%add3A_354] : memref<832xf32, #tpu.memory_space<vmem>>[vector<16xi32>], vector<16xf32>,
          %add3A_356 = arith.addf %add3A_351, %gather3A_355 : vector<16xf32>
          %add3A_357 = arith.constant 19 : i32
          %add3A_358 = vector.broadcast %add3A_357 : i32 to vector<16xi32>
          %add3A_359 = arith.addi %add3A_261, %add3A_358 : vector<16xi32>
          %gather3A_360 = tpu.vector_load_idx %arg18[%add3A_359] : memref<832xf32, #tpu.memory_space<vmem>>[vector<16xi32>], vector<16xf32>,
          %add3A_361 = arith.addf %add3A_356, %gather3A_360 : vector<16xf32>
          %add3A_362 = arith.constant 20 : i32
          %add3A_363 = vector.broadcast %add3A_362 : i32 to vector<16xi32>
          %add3A_364 = arith.addi %add3A_261, %add3A_363 : vector<16xi32>
          %gather3A_365 = tpu.vector_load_idx %arg18[%add3A_364] : memref<832xf32, #tpu.memory_space<vmem>>[vector<16xi32>], vector<16xf32>,
          %add3A_366 = arith.addf %add3A_361, %gather3A_365 : vector<16xf32>
          %add3A_367 = arith.constant 21 : i32
          %add3A_368 = vector.broadcast %add3A_367 : i32 to vector<16xi32>
          %add3A_369 = arith.addi %add3A_261, %add3A_368 : vector<16xi32>
          %gather3A_370 = tpu.vector_load_idx %arg18[%add3A_369] : memref<832xf32, #tpu.memory_space<vmem>>[vector<16xi32>], vector<16xf32>,
          %add3A_371 = arith.addf %add3A_366, %gather3A_370 : vector<16xf32>
          %add3A_372 = arith.constant 22 : i32
          %add3A_373 = vector.broadcast %add3A_372 : i32 to vector<16xi32>
          %add3A_374 = arith.addi %add3A_261, %add3A_373 : vector<16xi32>
          %gather3A_375 = tpu.vector_load_idx %arg18[%add3A_374] : memref<832xf32, #tpu.memory_space<vmem>>[vector<16xi32>], vector<16xf32>,
          %add3A_376 = arith.addf %add3A_371, %gather3A_375 : vector<16xf32>
          %add3A_377 = arith.constant 23 : i32
          %add3A_378 = vector.broadcast %add3A_377 : i32 to vector<16xi32>
          %add3A_379 = arith.addi %add3A_261, %add3A_378 : vector<16xi32>
          %gather3A_380 = tpu.vector_load_idx %arg18[%add3A_379] : memref<832xf32, #tpu.memory_space<vmem>>[vector<16xi32>], vector<16xf32>,
          %add3A_381 = arith.addf %add3A_376, %gather3A_380 : vector<16xf32>
          %add3A_382 = arith.constant 24 : i32
          %add3A_383 = vector.broadcast %add3A_382 : i32 to vector<16xi32>
          %add3A_384 = arith.addi %add3A_261, %add3A_383 : vector<16xi32>
          %gather3A_385 = tpu.vector_load_idx %arg18[%add3A_384] : memref<832xf32, #tpu.memory_space<vmem>>[vector<16xi32>], vector<16xf32>,
          %add3A_386 = arith.addf %add3A_381, %gather3A_385 : vector<16xf32>
          %add3A_387 = arith.constant 25 : i32
          %add3A_388 = vector.broadcast %add3A_387 : i32 to vector<16xi32>
          %add3A_389 = arith.addi %add3A_261, %add3A_388 : vector<16xi32>
          %gather3A_390 = tpu.vector_load_idx %arg18[%add3A_389] : memref<832xf32, #tpu.memory_space<vmem>>[vector<16xi32>], vector<16xf32>,
          %add3A_391 = arith.addf %add3A_386, %gather3A_390 : vector<16xf32>
          %mul3A_392 = arith.constant 32 : i32
          %mul3A_393 = arith.muli %add3A_216, %mul3A_392 : i32
          %mul3A_394 = arith.constant 16 : i32
          %mul3A_395 = arith.muli %scan3A_257, %mul3A_394 : i32
          %add3A_396 = arith.addi %mul3A_393, %mul3A_395 : i32
          %swap3A = arith.index_cast %add3A_396 : i32 to index
          %swap3A_397 = tpu.vector_load %arg20[%swap3A] {strides = array<i32>} : memref<1024xf32, #tpu.memory_space<vmem>>, vector<16xf32>,
          tpu.vector_store %arg20[%swap3A], %add3A_391 {strides = array<i32>} : memref<1024xf32, #tpu.memory_space<vmem>>, vector<16xf32>,
        }
        %scan3A_227 = arith.constant 2 : i32
        %add3A_228 = arith.constant 8 : i32
        %add3A_229 = arith.addi %add3A_216, %add3A_228 : i32
        %lt3A_230 = arith.constant 32 : i32
        %lt3A_231 = arith.cmpi slt, %add3A_229, %lt3A_230 : i32
        %convert_element_type3A_232 = arith.extui %lt3A_231 : i1 to i32
        %cond3A_233 = arith.constant 0 : i32
        %cond3A_234 = arith.cmpi ne, %convert_element_type3A_232, %cond3A_233 : i32
        scf.if %cond3A_234 {
          %add3A_257 = arith.constant 8 : i32
          %add3A_258 = arith.addi %add3A_216, %add3A_257 : i32
          %mul3A_259 = arith.constant 832 : i32
          %mul3A_260 = arith.muli %add3A_258, %mul3A_259 : i32
          %dma_start3A_261 = tpu.memref_slice %arg11[%mul3A_260] : memref<26624xi32, #tpu.memory_space<vmem>> -> memref<832xi32, #tpu.memory_space<vmem>>
          %dma_start3A_262 = arith.constant 0 : i32
          %dma_start3A_263 = tpu.memref_slice %arg10[%dma_start3A_262] : memref<1000000xf32, #tpu.memory_space<vmem_shared>> -> memref<1000000xf32, #tpu.memory_space<vmem_shared>>
          tpu.enqueue_indirect_dma source(%dma_start3A_263 : memref<1000000xf32, #tpu.memory_space<vmem_shared>>) target(%arg18 : memref<832xf32, #tpu.memory_space<vmem>>) offsets(%dma_start3A_261 : memref<832xi32, #tpu.memory_space<vmem>>) semaphore(%arg30 : memref<!tpu.dma_semaphore, #tpu.memory_space<semaphore_mem>>)
        } else {
        }
        %mul3A_235 = arith.constant 8 : i32
        %mul3A_236 = arith.muli %mul3A_235, %scan3A_82 : i32
        %add3A_237 = arith.constant 7 : i32
        %add3A_238 = arith.addi %mul3A_236, %add3A_237 : i32
        %mul3A_239 = arith.constant 832 : i32
        %mul3A_240 = arith.muli %add3A_238, %mul3A_239 : i32
        %dma_wait3A_241 = tpu.memref_slice %arg11[%mul3A_240] : memref<26624xi32, #tpu.memory_space<vmem>> -> memref<832xi32, #tpu.memory_space<vmem>>
        %dma_wait3A_242 = arith.constant 0 : i32
        %dma_wait3A_243 = tpu.memref_slice %arg10[%dma_wait3A_242] : memref<1000000xf32, #tpu.memory_space<vmem_shared>> -> memref<1000000xf32, #tpu.memory_space<vmem_shared>>
        tpu.wait_indirect_dma semaphore(%arg31 : memref<!tpu.dma_semaphore, #tpu.memory_space<semaphore_mem>>) src(%dma_wait3A_243 : memref<1000000xf32, #tpu.memory_space<vmem_shared>>) dst(%arg19 : memref<832xf32, #tpu.memory_space<vmem>>)
        %scan3A_244 = arith.constant 0 : i32
        %scan3A_245 = arith.constant 0 : i32
        %scan3A_246 = arith.constant 2 : i32
        %scan3A_247 = arith.addi %scan3A_245, %scan3A_246 : i32
        %scan3A_248 = arith.constant 1 : i32
        scf.for %scan3A_257 = %scan3A_245 to %scan3A_247 step %scan3A_248  : i32 {
          %mul3A_258 = arith.constant 416 : i32
          %mul3A_259 = arith.muli %scan3A_257, %mul3A_258 : i32
          %add3A_260 = vector.broadcast %mul3A_259 : i32 to vector<16xi32>
          %add3A_261 = arith.addi %add3A_260, %mul3A_3 : vector<16xi32>
          %broadcast_in_dim3A = arith.constant 0.000000e+00 : f32
          %broadcast_in_dim3A_262 = vector.broadcast %broadcast_in_dim3A : f32 to vector<16xf32>
          %add3A_263 = arith.constant 0 : i32
          %add3A_264 = vector.broadcast %add3A_263 : i32 to vector<16xi32>
          %add3A_265 = arith.addi %add3A_261, %add3A_264 : vector<16xi32>
          %gather3A = tpu.vector_load_idx %arg19[%add3A_265] : memref<832xf32, #tpu.memory_space<vmem>>[vector<16xi32>], vector<16xf32>,
          %add3A_266 = arith.addf %broadcast_in_dim3A_262, %gather3A : vector<16xf32>
          %add3A_267 = arith.constant 1 : i32
          %add3A_268 = vector.broadcast %add3A_267 : i32 to vector<16xi32>
          %add3A_269 = arith.addi %add3A_261, %add3A_268 : vector<16xi32>
          %gather3A_270 = tpu.vector_load_idx %arg19[%add3A_269] : memref<832xf32, #tpu.memory_space<vmem>>[vector<16xi32>], vector<16xf32>,
          %add3A_271 = arith.addf %add3A_266, %gather3A_270 : vector<16xf32>
          %add3A_272 = arith.constant 2 : i32
          %add3A_273 = vector.broadcast %add3A_272 : i32 to vector<16xi32>
          %add3A_274 = arith.addi %add3A_261, %add3A_273 : vector<16xi32>
          %gather3A_275 = tpu.vector_load_idx %arg19[%add3A_274] : memref<832xf32, #tpu.memory_space<vmem>>[vector<16xi32>], vector<16xf32>,
          %add3A_276 = arith.addf %add3A_271, %gather3A_275 : vector<16xf32>
          %add3A_277 = arith.constant 3 : i32
          %add3A_278 = vector.broadcast %add3A_277 : i32 to vector<16xi32>
          %add3A_279 = arith.addi %add3A_261, %add3A_278 : vector<16xi32>
          %gather3A_280 = tpu.vector_load_idx %arg19[%add3A_279] : memref<832xf32, #tpu.memory_space<vmem>>[vector<16xi32>], vector<16xf32>,
          %add3A_281 = arith.addf %add3A_276, %gather3A_280 : vector<16xf32>
          %add3A_282 = arith.constant 4 : i32
          %add3A_283 = vector.broadcast %add3A_282 : i32 to vector<16xi32>
          %add3A_284 = arith.addi %add3A_261, %add3A_283 : vector<16xi32>
          %gather3A_285 = tpu.vector_load_idx %arg19[%add3A_284] : memref<832xf32, #tpu.memory_space<vmem>>[vector<16xi32>], vector<16xf32>,
          %add3A_286 = arith.addf %add3A_281, %gather3A_285 : vector<16xf32>
          %add3A_287 = arith.constant 5 : i32
          %add3A_288 = vector.broadcast %add3A_287 : i32 to vector<16xi32>
          %add3A_289 = arith.addi %add3A_261, %add3A_288 : vector<16xi32>
          %gather3A_290 = tpu.vector_load_idx %arg19[%add3A_289] : memref<832xf32, #tpu.memory_space<vmem>>[vector<16xi32>], vector<16xf32>,
          %add3A_291 = arith.addf %add3A_286, %gather3A_290 : vector<16xf32>
          %add3A_292 = arith.constant 6 : i32
          %add3A_293 = vector.broadcast %add3A_292 : i32 to vector<16xi32>
          %add3A_294 = arith.addi %add3A_261, %add3A_293 : vector<16xi32>
          %gather3A_295 = tpu.vector_load_idx %arg19[%add3A_294] : memref<832xf32, #tpu.memory_space<vmem>>[vector<16xi32>], vector<16xf32>,
          %add3A_296 = arith.addf %add3A_291, %gather3A_295 : vector<16xf32>
          %add3A_297 = arith.constant 7 : i32
          %add3A_298 = vector.broadcast %add3A_297 : i32 to vector<16xi32>
          %add3A_299 = arith.addi %add3A_261, %add3A_298 : vector<16xi32>
          %gather3A_300 = tpu.vector_load_idx %arg19[%add3A_299] : memref<832xf32, #tpu.memory_space<vmem>>[vector<16xi32>], vector<16xf32>,
          %add3A_301 = arith.addf %add3A_296, %gather3A_300 : vector<16xf32>
          %add3A_302 = arith.constant 8 : i32
          %add3A_303 = vector.broadcast %add3A_302 : i32 to vector<16xi32>
          %add3A_304 = arith.addi %add3A_261, %add3A_303 : vector<16xi32>
          %gather3A_305 = tpu.vector_load_idx %arg19[%add3A_304] : memref<832xf32, #tpu.memory_space<vmem>>[vector<16xi32>], vector<16xf32>,
          %add3A_306 = arith.addf %add3A_301, %gather3A_305 : vector<16xf32>
          %add3A_307 = arith.constant 9 : i32
          %add3A_308 = vector.broadcast %add3A_307 : i32 to vector<16xi32>
          %add3A_309 = arith.addi %add3A_261, %add3A_308 : vector<16xi32>
          %gather3A_310 = tpu.vector_load_idx %arg19[%add3A_309] : memref<832xf32, #tpu.memory_space<vmem>>[vector<16xi32>], vector<16xf32>,
          %add3A_311 = arith.addf %add3A_306, %gather3A_310 : vector<16xf32>
          %add3A_312 = arith.constant 10 : i32
          %add3A_313 = vector.broadcast %add3A_312 : i32 to vector<16xi32>
          %add3A_314 = arith.addi %add3A_261, %add3A_313 : vector<16xi32>
          %gather3A_315 = tpu.vector_load_idx %arg19[%add3A_314] : memref<832xf32, #tpu.memory_space<vmem>>[vector<16xi32>], vector<16xf32>,
          %add3A_316 = arith.addf %add3A_311, %gather3A_315 : vector<16xf32>
          %add3A_317 = arith.constant 11 : i32
          %add3A_318 = vector.broadcast %add3A_317 : i32 to vector<16xi32>
          %add3A_319 = arith.addi %add3A_261, %add3A_318 : vector<16xi32>
          %gather3A_320 = tpu.vector_load_idx %arg19[%add3A_319] : memref<832xf32, #tpu.memory_space<vmem>>[vector<16xi32>], vector<16xf32>,
          %add3A_321 = arith.addf %add3A_316, %gather3A_320 : vector<16xf32>
          %add3A_322 = arith.constant 12 : i32
          %add3A_323 = vector.broadcast %add3A_322 : i32 to vector<16xi32>
          %add3A_324 = arith.addi %add3A_261, %add3A_323 : vector<16xi32>
          %gather3A_325 = tpu.vector_load_idx %arg19[%add3A_324] : memref<832xf32, #tpu.memory_space<vmem>>[vector<16xi32>], vector<16xf32>,
          %add3A_326 = arith.addf %add3A_321, %gather3A_325 : vector<16xf32>
          %add3A_327 = arith.constant 13 : i32
          %add3A_328 = vector.broadcast %add3A_327 : i32 to vector<16xi32>
          %add3A_329 = arith.addi %add3A_261, %add3A_328 : vector<16xi32>
          %gather3A_330 = tpu.vector_load_idx %arg19[%add3A_329] : memref<832xf32, #tpu.memory_space<vmem>>[vector<16xi32>], vector<16xf32>,
          %add3A_331 = arith.addf %add3A_326, %gather3A_330 : vector<16xf32>
          %add3A_332 = arith.constant 14 : i32
          %add3A_333 = vector.broadcast %add3A_332 : i32 to vector<16xi32>
          %add3A_334 = arith.addi %add3A_261, %add3A_333 : vector<16xi32>
          %gather3A_335 = tpu.vector_load_idx %arg19[%add3A_334] : memref<832xf32, #tpu.memory_space<vmem>>[vector<16xi32>], vector<16xf32>,
          %add3A_336 = arith.addf %add3A_331, %gather3A_335 : vector<16xf32>
          %add3A_337 = arith.constant 15 : i32
          %add3A_338 = vector.broadcast %add3A_337 : i32 to vector<16xi32>
          %add3A_339 = arith.addi %add3A_261, %add3A_338 : vector<16xi32>
          %gather3A_340 = tpu.vector_load_idx %arg19[%add3A_339] : memref<832xf32, #tpu.memory_space<vmem>>[vector<16xi32>], vector<16xf32>,
          %add3A_341 = arith.addf %add3A_336, %gather3A_340 : vector<16xf32>
          %add3A_342 = arith.constant 16 : i32
          %add3A_343 = vector.broadcast %add3A_342 : i32 to vector<16xi32>
          %add3A_344 = arith.addi %add3A_261, %add3A_343 : vector<16xi32>
          %gather3A_345 = tpu.vector_load_idx %arg19[%add3A_344] : memref<832xf32, #tpu.memory_space<vmem>>[vector<16xi32>], vector<16xf32>,
          %add3A_346 = arith.addf %add3A_341, %gather3A_345 : vector<16xf32>
          %add3A_347 = arith.constant 17 : i32
          %add3A_348 = vector.broadcast %add3A_347 : i32 to vector<16xi32>
          %add3A_349 = arith.addi %add3A_261, %add3A_348 : vector<16xi32>
          %gather3A_350 = tpu.vector_load_idx %arg19[%add3A_349] : memref<832xf32, #tpu.memory_space<vmem>>[vector<16xi32>], vector<16xf32>,
          %add3A_351 = arith.addf %add3A_346, %gather3A_350 : vector<16xf32>
          %add3A_352 = arith.constant 18 : i32
          %add3A_353 = vector.broadcast %add3A_352 : i32 to vector<16xi32>
          %add3A_354 = arith.addi %add3A_261, %add3A_353 : vector<16xi32>
          %gather3A_355 = tpu.vector_load_idx %arg19[%add3A_354] : memref<832xf32, #tpu.memory_space<vmem>>[vector<16xi32>], vector<16xf32>,
          %add3A_356 = arith.addf %add3A_351, %gather3A_355 : vector<16xf32>
          %add3A_357 = arith.constant 19 : i32
          %add3A_358 = vector.broadcast %add3A_357 : i32 to vector<16xi32>
          %add3A_359 = arith.addi %add3A_261, %add3A_358 : vector<16xi32>
          %gather3A_360 = tpu.vector_load_idx %arg19[%add3A_359] : memref<832xf32, #tpu.memory_space<vmem>>[vector<16xi32>], vector<16xf32>,
          %add3A_361 = arith.addf %add3A_356, %gather3A_360 : vector<16xf32>
          %add3A_362 = arith.constant 20 : i32
          %add3A_363 = vector.broadcast %add3A_362 : i32 to vector<16xi32>
          %add3A_364 = arith.addi %add3A_261, %add3A_363 : vector<16xi32>
          %gather3A_365 = tpu.vector_load_idx %arg19[%add3A_364] : memref<832xf32, #tpu.memory_space<vmem>>[vector<16xi32>], vector<16xf32>,
          %add3A_366 = arith.addf %add3A_361, %gather3A_365 : vector<16xf32>
          %add3A_367 = arith.constant 21 : i32
          %add3A_368 = vector.broadcast %add3A_367 : i32 to vector<16xi32>
          %add3A_369 = arith.addi %add3A_261, %add3A_368 : vector<16xi32>
          %gather3A_370 = tpu.vector_load_idx %arg19[%add3A_369] : memref<832xf32, #tpu.memory_space<vmem>>[vector<16xi32>], vector<16xf32>,
          %add3A_371 = arith.addf %add3A_366, %gather3A_370 : vector<16xf32>
          %add3A_372 = arith.constant 22 : i32
          %add3A_373 = vector.broadcast %add3A_372 : i32 to vector<16xi32>
          %add3A_374 = arith.addi %add3A_261, %add3A_373 : vector<16xi32>
          %gather3A_375 = tpu.vector_load_idx %arg19[%add3A_374] : memref<832xf32, #tpu.memory_space<vmem>>[vector<16xi32>], vector<16xf32>,
          %add3A_376 = arith.addf %add3A_371, %gather3A_375 : vector<16xf32>
          %add3A_377 = arith.constant 23 : i32
          %add3A_378 = vector.broadcast %add3A_377 : i32 to vector<16xi32>
          %add3A_379 = arith.addi %add3A_261, %add3A_378 : vector<16xi32>
          %gather3A_380 = tpu.vector_load_idx %arg19[%add3A_379] : memref<832xf32, #tpu.memory_space<vmem>>[vector<16xi32>], vector<16xf32>,
          %add3A_381 = arith.addf %add3A_376, %gather3A_380 : vector<16xf32>
          %add3A_382 = arith.constant 24 : i32
          %add3A_383 = vector.broadcast %add3A_382 : i32 to vector<16xi32>
          %add3A_384 = arith.addi %add3A_261, %add3A_383 : vector<16xi32>
          %gather3A_385 = tpu.vector_load_idx %arg19[%add3A_384] : memref<832xf32, #tpu.memory_space<vmem>>[vector<16xi32>], vector<16xf32>,
          %add3A_386 = arith.addf %add3A_381, %gather3A_385 : vector<16xf32>
          %add3A_387 = arith.constant 25 : i32
          %add3A_388 = vector.broadcast %add3A_387 : i32 to vector<16xi32>
          %add3A_389 = arith.addi %add3A_261, %add3A_388 : vector<16xi32>
          %gather3A_390 = tpu.vector_load_idx %arg19[%add3A_389] : memref<832xf32, #tpu.memory_space<vmem>>[vector<16xi32>], vector<16xf32>,
          %add3A_391 = arith.addf %add3A_386, %gather3A_390 : vector<16xf32>
          %mul3A_392 = arith.constant 32 : i32
          %mul3A_393 = arith.muli %add3A_238, %mul3A_392 : i32
          %mul3A_394 = arith.constant 16 : i32
          %mul3A_395 = arith.muli %scan3A_257, %mul3A_394 : i32
          %add3A_396 = arith.addi %mul3A_393, %mul3A_395 : i32
          %swap3A = arith.index_cast %add3A_396 : i32 to index
          %swap3A_397 = tpu.vector_load %arg20[%swap3A] {strides = array<i32>} : memref<1024xf32, #tpu.memory_space<vmem>>, vector<16xf32>,
          tpu.vector_store %arg20[%swap3A], %add3A_391 {strides = array<i32>} : memref<1024xf32, #tpu.memory_space<vmem>>, vector<16xf32>,
        }
        %scan3A_249 = arith.constant 2 : i32
        %add3A_250 = arith.constant 8 : i32
        %add3A_251 = arith.addi %add3A_238, %add3A_250 : i32
        %lt3A_252 = arith.constant 32 : i32
        %lt3A_253 = arith.cmpi slt, %add3A_251, %lt3A_252 : i32
        %convert_element_type3A_254 = arith.extui %lt3A_253 : i1 to i32
        %cond3A_255 = arith.constant 0 : i32
        %cond3A_256 = arith.cmpi ne, %convert_element_type3A_254, %cond3A_255 : i32
        scf.if %cond3A_256 {
          %add3A_257 = arith.constant 8 : i32
          %add3A_258 = arith.addi %add3A_238, %add3A_257 : i32
          %mul3A_259 = arith.constant 832 : i32
          %mul3A_260 = arith.muli %add3A_258, %mul3A_259 : i32
          %dma_start3A_261 = tpu.memref_slice %arg11[%mul3A_260] : memref<26624xi32, #tpu.memory_space<vmem>> -> memref<832xi32, #tpu.memory_space<vmem>>
          %dma_start3A_262 = arith.constant 0 : i32
          %dma_start3A_263 = tpu.memref_slice %arg10[%dma_start3A_262] : memref<1000000xf32, #tpu.memory_space<vmem_shared>> -> memref<1000000xf32, #tpu.memory_space<vmem_shared>>
          tpu.enqueue_indirect_dma source(%dma_start3A_263 : memref<1000000xf32, #tpu.memory_space<vmem_shared>>) target(%arg19 : memref<832xf32, #tpu.memory_space<vmem>>) offsets(%dma_start3A_261 : memref<832xi32, #tpu.memory_space<vmem>>) semaphore(%arg31 : memref<!tpu.dma_semaphore, #tpu.memory_space<semaphore_mem>>)
        } else {
        }
      }
      %scan3A_81 = arith.constant 4 : i32
      "tpu.region"() ({
        %run_scoped3A = tpu.sem_alloc : memref<!tpu.dma_semaphore, #tpu.memory_space<semaphore_mem>>
        %dma_start3A_82 = tpu.memref_slice %arg8[%mul3A_0] : memref<16384xf32, #tpu.memory_space<hbm>> -> memref<1024xf32, #tpu.memory_space<hbm>>
        %dma_start3A_83 = tpu.memref_slice %arg8[%mul3A_0] : memref<16384xf32, #tpu.memory_space<hbm>> -> memref<1024xf32, #tpu.memory_space<hbm>>
        tpu.enqueue_dma source(%arg20 : memref<1024xf32, #tpu.memory_space<vmem>>) target(%dma_start3A_83 : memref<1024xf32, #tpu.memory_space<hbm>>) target_semaphore(%run_scoped3A : memref<!tpu.dma_semaphore, #tpu.memory_space<semaphore_mem>>)
        %dma_wait3A_84 = tpu.memref_slice %arg8[%mul3A_0] : memref<16384xf32, #tpu.memory_space<hbm>> -> memref<1024xf32, #tpu.memory_space<hbm>>
        %dma_wait3A_85 = tpu.memref_slice %arg8[%mul3A_0] : memref<16384xf32, #tpu.memory_space<hbm>> -> memref<1024xf32, #tpu.memory_space<hbm>>
        tpu.wait_dma2 semaphore(%run_scoped3A : memref<!tpu.dma_semaphore, #tpu.memory_space<semaphore_mem>>) src(%arg20 : memref<1024xf32, #tpu.memory_space<vmem>>) dst(%dma_wait3A_85 : memref<1024xf32, #tpu.memory_space<hbm>>)
        tpu.yield
      }) : () -> ()
    } else {
    }
    return
  }
}

</mosaic_0001>

<sc_bundles>
// kernel: kernel.3.cloned.1.call-start
scs
__scs_entry_jumppad:
0x0: {  	(pc) =	sbr.rel $0x88, $3  }
0x1: {  	(tag) =	ssettag $0x0;
	lr =	simm.s32 $0x1  }
0x2: {  	[smem:$0x3F9D] =	sst lr;
	_ =	strace $0xD0000000  }
0x3: {  	_ = 	snop  }
0x4: {  	_ = 	snop  }
0x5: {  	_ = 	snop  }
0x6: {  	_ = 	snop  }
0x7: {  	_ = 	snop  }
__scs_overlays_trampoline_lowered:
0x8: {  	[smem:$0x3FAC] =	sst s0  }
0x9: {  	[smem:$0x3FAD] =	sst s1  }
0xa: {  	[smem:$0x3FAE] =	sst s2  }
0xb: {  	[smem:$0x3FAF] =	sst s3  }
0xc: {  	[smem:$0x3FB0] =	sst s4  }
0xd: {  	[smem:$0x3FB1] =	sst s5  }
0xe: {  	[smem:$0x3FB2] =	sst s6  }
0xf: {  	[smem:$0x3FB3] =	sst s7  }
0x10: {  	[smem:$0x3FB4] =	sst s8  }
0x11: {  	[smem:$0x3FB5] =	sst s9;
	s0 =	simm.s32 @!p0 $0x0  }
0x12: {  	s1 =	sld [smem:$0x3F9B];
	s0 =	simm.s32 @p0 $0x1  }
0x13: {  	[smem:$0x3FB6] =	sst s0;
	s0 =	simm.s32 @!p1 $0x0  }
0x14: {  	s2 =	sld [smem:$0x3F9A];
	s0 =	simm.s32 @p1 $0x1  }
0x15: {  	[smem:$0x3FB7] =	sst s0;
	s0 =	simm.s32 @!p2 $0x0  }
0x16: {  	s3 =	sld [smem:$0x3FDB];
	s0 =	simm.s32 @p2 $0x1  }
0x17: {  	s4 =	simm.s32 $0x1BF5;
	[smem:$0x3FB9] =	sst s0  }
0x18: {  	s0 =	sld [smem:$0x3F9C];
	_ =	swait.ge [sflag:s4], $0x0  }
0x19: {  	s7 =	sld [smem:$0x3F9D]  }
0x1a: {  	s8 =	sadd.s32 $0xFFFFE003, lr  }
0x1b: {  	s9 =	sadd.s32 $0xFFFFFEF7, lr;
	s5 =	simm.s32 $0xFFFFFFFF;
	p2 =	slt.u32 s8, $0xFFFFF086  }
0x1c: {  	p1 =	slt.u32 s9, $0xF7A;
	s5 =	simm.s32 @!p2 $0x0  }
0x1d: {  	s5 =	simm.s32 @p1 $0x1;
	p0 =	seq.s32 s7, s2  }
0x1e: {  	s7 =	smul.u32 @!p0 $0xF7A, s2;
	p2 =	seq.s32 @!p0 s5, $0x0  }
0x1f: {  	s9 =	smul.u32 $0xF7A, s1;
	s8 =	simm.s32 @!p0 $0x1BF5;
	p2 =	por !p2, p0  }
0x20: {  	[sflag:s8] =	ssyncset.s32 @!p0 $0xFFFFF086;
	s6 =	sadd.s32 @!p0 s3, s7;
	s7 =	simm.s32 @!p0 $0x108  }
0x21: {  	s3 =	sadd.s32 s3, s9;
	s6 =	sadd.s32 @!p0 $0x88, s6;
	s7 =	simm.s32 @p2 $0x1082  }
0x22: {  	[simem:s7], [sflag:s8] =	dma.local @!p0 [hbm:s6], $0xF7A  }
0x23: {  	s9 =	sor.u32 $0xD0000000, s2;
	s6 =	simm.s32 $0x108;
	_ =	swait.ge @!p0 [sflag:s8], $0x0  }
0x24: {  	s3 =	sadd.s32 $0x88, s3;
	s6 =	simm.s32 @!p1 $0x1082;
	[sflag:s4] =	ssyncset.s32 $0xFFFFF086  }
0x25: {  	[simem:s6], [sflag:s4] =	dma.local [hbm:s3], $0xF7A  }
0x26: {  	[smem:$0x3F9D] =	sst s1;
	(tag) =	ssettag s2;
	_ =	strace s9  }
0x27: {  	s1 =	sld [smem:$0x3FAD]  }
0x28: {  	s2 =	sld [smem:$0x3FAE]  }
0x29: {  	s4 =	sld [smem:$0x3FB0]  }
0x2a: {  	p0 =	seq.s32 s5, $0x0;
	s5 =	sld [smem:$0x3FB1]  }
0x2b: {  	s6 =	sld [smem:$0x3FB2]  }
0x2c: {  	s7 =	sld [smem:$0x3FB3]  }
0x2d: {  	s3 =	simm.s32 $0x108;
	s8 =	sld [smem:$0x3FB4]  }
0x2e: {  	s3 =	simm.s32 @!p0 $0x1082;
	s9 =	sld [smem:$0x3FB5]  }
0x2f: {  	lr =	sadd.s32 s0, s3;
	s0 =	sld [smem:$0x3FAC]  }
0x30: {  	s3 =	sld [smem:$0x3FAF]  }
0x31: {  	[smem:$0x3FB8] =	sst s10  }
0x32: {  	s10 =	sld [smem:$0x3FB6];
	_ =	sdelay $0x3  }
0x33: {  	p0 =	seq.s32 s10, $0x1;
	s10 =	sld [smem:$0x3FB8];
	_ =	sdelay $0x3  }
0x34: {  	[smem:$0x3FB8] =	sst s10  }
0x35: {  	s10 =	sld [smem:$0x3FB7];
	_ =	sdelay $0x3  }
0x36: {  	p1 =	seq.s32 s10, $0x1;
	s10 =	sld [smem:$0x3FB8];
	_ =	sdelay $0x3  }
0x37: {  	[smem:$0x3FB8] =	sst s10  }
0x38: {  	s10 =	sld [smem:$0x3FB9]  }
0x39: {  	_ = 	snop;
	(pc) =	sbr.ind lr, $3  }
0x3a: {  	_ = 	snop  }
0x3b: {  	_ = 	snop  }
0x3c: {  	p2 =	seq.s32 s10, $0x1;
	s10 =	sld [smem:$0x3FB8]  }
0x3d: {  	_ =	shalt  }
0x3e: {  	_ =	shalt  }
0x3f: {  	_ =	shalt  }
0x40: {  	_ =	shalt  }
0x41: {  	_ =	shalt  }
0x42: {  	_ =	shalt  }
0x43: {  	_ =	shalt  }
0x44: {  	_ =	shalt  }
0x45: {  	_ =	shalt  }
0x46: {  	_ =	shalt  }
0x47: {  	_ =	shalt  }
0x48: {  	_ =	shalt  }
0x49: {  	_ =	shalt  }
0x4a: {  	_ =	shalt  }
0x4b: {  	_ =	shalt  }
0x4c: {  	_ =	shalt  }
0x4d: {  	_ =	shalt  }
0x4e: {  	_ =	shalt  }
0x4f: {  	_ =	shalt  }
0x50: {  	_ =	shalt  }
0x51: {  	_ =	shalt  }
0x52: {  	_ =	shalt  }
0x53: {  	_ =	shalt  }
0x54: {  	_ =	shalt  }
0x55: {  	_ =	shalt  }
0x56: {  	_ =	shalt  }
0x57: {  	_ =	shalt  }
0x58: {  	_ =	shalt  }
0x59: {  	_ =	shalt  }
0x5a: {  	_ =	shalt  }
0x5b: {  	_ =	shalt  }
0x5c: {  	_ =	shalt  }
0x5d: {  	_ =	shalt  }
0x5e: {  	_ =	shalt  }
0x5f: {  	_ =	shalt  }
0x60: {  	_ =	shalt  }
0x61: {  	_ =	shalt  }
0x62: {  	_ =	shalt  }
0x63: {  	_ =	shalt  }
0x64: {  	_ =	shalt  }
0x65: {  	_ =	shalt  }
0x66: {  	_ =	shalt  }
0x67: {  	_ =	shalt  }
0x68: {  	_ =	shalt  }
0x69: {  	_ =	shalt  }
0x6a: {  	_ =	shalt  }
0x6b: {  	_ =	shalt  }
0x6c: {  	_ =	shalt  }
0x6d: {  	_ =	shalt  }
0x6e: {  	_ =	shalt  }
0x6f: {  	_ =	shalt  }
0x70: {  	_ =	shalt  }
0x71: {  	_ =	shalt  }
0x72: {  	_ =	shalt  }
0x73: {  	_ =	shalt  }
0x74: {  	_ =	shalt  }
0x75: {  	_ =	shalt  }
0x76: {  	_ =	shalt  }
0x77: {  	_ =	shalt  }
0x78: {  	_ =	shalt  }
0x79: {  	_ =	shalt  }
0x7a: {  	_ =	shalt  }
0x7b: {  	_ =	shalt  }
0x7c: {  	_ =	shalt  }
0x7d: {  	_ =	shalt  }
0x7e: {  	_ =	shalt  }
0x7f: {  	_ =	shalt  }
0x80: {  	_ =	shalt  }
0x81: {  	_ =	shalt  }
0x82: {  	_ =	shalt  }
0x83: {  	_ =	shalt  }
0x84: {  	_ =	shalt  }
0x85: {  	_ =	shalt  }
0x86: {  	_ =	shalt  }
0x87: {  	_ =	shalt  }
.Lfunc_end0:
.L_simem_size_0:
called_computation_lowered:
.L_overlay_start_0:
0x88: {  	s2 =	sld [smem:$0x3FD9]  }
0x89: {  	s3 =	sld [smem:$0x3FFE];
	_ =	sdelay $0x1  }
0x8a: {  	s1 =	srdreg.scid  }
0x8b: {  	s0 =	sand.u32 $0x1, s1  }
0x8c: {  	s14 =	sshll.u32 s0, $0xA;
	s2 =	sadd.s32 s3, s2  }
0x8d: {  	s2 =	sadd.s32 s2, s14  }
0x8e: {  	[smem:$0x3FC4] =	sst s2  }
0x8f: {  	_ = 	snop  }
0x90: {  	s2 =	sld [smem:$0x3FD0];
	_ =	sdelay $0x2  }
0x91: {  	s15 =	simm.s32 $0xA;
	s4 =	simm.s32 $0x10  }
0x92: {  	[smem:s4], [sflag:s15] =	dma.local [hbm:s2], $0x1  }
0x93: {  	_ =	swait.eq [sflag:s15], $0x1  }
0x94: {  	s16 =	sld [smem:$0x10]  }
0x95: {  	s17 =	sld [smem:$0x11];
	[sflag:s15] =	ssyncset.done $0x0  }
0x96: {  	s5 =	sld [smem:$0x12];
	[sflag:s15] =	ssyncadd.s32 $0xFFFFFFFF  }
0x97: {  	s18 =	sld [smem:$0x13];
	(tm) =	ssettm $0x1  }
0x98: {  	s6 =	sld [smem:$0x3FFB];
	_ =	sdelay $0x3  }
0x99: {  	_ =	strace s6  }
0x9a: {  	s6 =	sld [smem:$0x3FFC];
	_ =	sdelay $0x3  }
0x9b: {  	_ =	strace s6  }
0x9c: {  	s6 =	sld [smem:$0x3FFD];
	_ =	sdelay $0x3  }
0x9d: {  	_ =	strace s6  }
0x9e: {  	_ =	strace $0x8FFFFFFF  }
0x9f: {  	s19 =	sld [smem:$0x3FDB];
	_ =	sdelay $0x1  }
0xa0: {  	s7 =	simm.s32 $_scs_section_size  }
0xa1: {  	s8 =	simm.s32 $_size__tile_overlayer_lowered;
	s9 =	simm.s32 $_tile_overlayer_lowered  }
0xa2: {  	s22 =	simm.s32 $0x1BFF;
	s21 =	sshll.u32 s9, $0x1;
	s6 =	sadd.s32 s7, s19  }
0xa3: {  	s10 =	simm.s32 $0x0;
	s20 =	sshll.u32 s8, $0x1;
	s8 =	sadd.s32 s21, s6  }
0xa4: {  	[timem:s10], [sflag:s22] =	dma.local [hbm:s8], s20  }
0xa5: {  	_ =	swait.ge [sflag:s22], s20  }
0xa6: {  	s7 =	ssub.s32 $0x0, s20;
	[sflag:s22] =	ssyncset.done $0x0  }
0xa7: {  	[sflag:s22] =	ssyncadd.s32 s7;
	_ =	sdelay $0x1  }
0xa8: {  	s23 =	simm.s32 $0x1B8B  }
0xa9: {  	_ =	swait.ge [sflag:s23], $0x1  }
0xaa: {  	[sflag:s23] =	ssyncset.done $0x0  }
0xab: {  	s25 =	simm.s32 $0x1B8E;
	s24 =	sld [smem:$0x3FFE];
	[sflag:s23] =	ssyncadd.s32 $0xFFFFFFFF  }
0xac: {  	s26 =	simm.s32 $execute0_lowered;
	[smem:$0x3FD2] =	sst s25  }
0xad: {  	s8 =	sshll.u32 s26, $0x1;
	_ =	strace $0x80000046;
	[dreg:$0x1] =	wrdreg $0xFFFFFFFF  }
0xae: {  	s28 =	simm.s32 $_size_execute0_lowered;
	s6 =	sadd.s32 s6, s8;
	[dreg:$0x0] =	wrdreg $0x0  }
0xaf: {  	s8 =	sshll.u32 s28, $0x1;
	[dreg:$0x2] =	wrdreg s6  }
0xb0: {  	[dreg:$0x3] =	wrdreg s8  }
0xb1: {  	[dreg:$0x4] =	wrdreg $0xC0  }
0xb2: {  	_ =	task [dreg:s10], $0x5FFFF  }
0xb3: {  	[dreg:$0x1] =	wrdreg $0xFFFFFFFF  }
0xb4: {  	[dreg:$0x0] =	wrdreg $0x60  }
0xb5: {  	[dreg:$0x2] =	wrdreg s24  }
0xb6: {  	[dreg:$0x3] =	wrdreg s16  }
0xb7: {  	[dreg:$0x4] =	wrdreg s17  }
0xb8: {  	[dreg:$0x5] =	wrdreg s5  }
0xb9: {  	[dreg:$0x6] =	wrdreg s18  }
0xba: {  	[dreg:$0x7] =	wrdreg $0x0  }
0xbb: {  	[dreg:$0x8] =	wrdreg $0x9  }
0xbc: {  	_ =	task.clear_ibuf [dreg:s10], $0x9FFFF;
	_ =	strace $0x90000046  }
0xbd: {  	s29 =	simm.s32 $0x9;
	_ =	strace $0x80000048  }
0xbe: {  	_ =	swait.ge [sflag:s29], $0x1  }
0xbf: {  	[sflag:s29] =	ssyncadd.s32 $0xFFFFFFFF  }
0xc0: {  	_ =	strace $0x90000048  }
0xc1: {  	_ =	sfence  }
0xc2: {  	s30 =	sld [smem:$0x0];
	_ =	sdelay $0x2  }
0xc3: {  	s31 =	sshll.u32 s1, $0xD;
	s1 =	sshrl.u32 s1, $0x2  }
0xc4: {  	s3 =	sand.u32 $0x4000, s31;
	s1 =	sadd.s32 s1, s30  }
0xc5: {  	s0 =	sor.u32 s3, s0;
	s1 =	sshll.u32 s1, $0x11  }
0xc6: {  	s0 =	sor.u32 s1, s0  }
0xc7: {  	s0 =	sadd.s32 $0x8F2B, s0  }
0xc8: {  	[sflag:s0] =	ssyncadd.remote.s32 $0x1  }
0xc9: {  	_ =	sfence.sel $0xFFFF  }
0xca: {  	[dreg:$0x0] =	wrdreg $0xFFFFFFFF;
	(pc) =	sbr.abs _section_cstart, $3  }
0xcb: {  	[dreg:$0x1] =	wrdreg $0xFFFFFFFF  }
0xcc: {  	_ =	task.clear_ibuf [dreg:s10], $0x2FFFF;
	_ =	strace $0x9FFFFFFF  }
0xcd: {  	(tm) =	ssettm $0x7FFFFFFF  }
tec
execute0_lowered:
.L_overlay_start_1:
0x0: {  	(tag) =	ssettag $0x1  }
0x1: {  	s0 =	rddreg [dreg:$0x0]  }
0x2: {  	s1 =	rddreg [dreg:$0x2]  }
0x3: {  	s2 =	rddreg [dreg:$0x4]  }
0x4: {  	s3 =	rddreg [dreg:$0x5]  }
0x5: {  	s4 =	stileid.u32;
	s5 =	srdreg.scid;
	s14 =	simm.s32 $0x0  }
0x6: {  	s29 =	simm.s32 $0x162A8;
	s31 =	simm.s32 $0x165E8;
	s30 =	simm.s32 $0x16FA8  }
0x7: {  	s28 =	simm.s32 $0x4;
	s12 =	simm.s32 $0x0;
	s6 =	smul.u32 $0xF420, s4  }
0x8: {  	s5 =	sand.u32 $0x1, s5;
	[smem:$0x7FF] =	sst s14;
	s7 =	smul.u32 $0xD00, s4  }
0x9: {  	s19 =	sadd.s32 $0x57640, s0;
	p1 =	sne.s32 s4, $0x0;
	s25 =	sshll.u32 s4, $0x6  }
0xa: {  	s8 =	ssub.s32 $0x2, s5;
	_ =	strace $0x80000047;
	p0 =	seq.s32 s5, $0x1  }
0xb: {  	[dreg:$0x8] =	wrdreg s19;
	s19 =	simm.s32 $0x1;
	s5 =	simm.s32 $0x6  }
0xc: {  	v1 =	vlaneseq.u32;
	s9 =	sshrl.u32 s6, $0x3;
	s10 =	sshrl.u32 s8, $0x1;
	s11 =	sadd.s32 s7, s0  }
0xd: {  	v2 =	vimm.f32 $1.000000000e+00;
	v8 =	vimm.s32 $0x1070503;
	v10 =	vimm.s32 $0x2000604;
	s17 =	sadd.s32 s6, s3;
	s6 =	sadd.s32 $0xF4200, s3;
	s7 =	sshll.u32 s4, $0x7  }
0xe: {  	v6 =	vimm.s32 $0x60402;
	v12 =	vimm.s32 $0x3010705;
	v14 =	vimm.s32 $0x4020006;
	s9 =	sadd.s32 s9, s0;
	s8 =	ssub.s32 s8, s10;
	s20 =	sadd.s32 $0xD400, s11  }
0xf: {  	v16 =	vimm.s32 $0x5030107;
	v0 =	vmul.u32 $0x1A, v1;
	v1 =	vand.u32 $0x3, v1;
	s1 =	sadd.s32 s1, s7;
	s0 =	sadd.s32 $0x38C40, s0;
	s22 =	sadd.s32 $0x400, s11  }
0x10: {  	v6 =	vunpack.c.0.s8.s32 v6;
	v8 =	vunpack.c.0.s8.s32 v8;
	v10 =	vunpack.c.0.s8.s32 v10;
	s23 =	sadd.s32 s2, s7;
	s26 =	sshrl.u32 s17, $0x3;
	[dreg:$0x9] =	wrdreg s20  }
0x11: {  	v12 =	vunpack.c.0.s8.s32 v12;
	v14 =	vunpack.c.0.s8.s32 v14;
	v16 =	vunpack.c.0.s8.s32 v16;
	s17 =	sshrl.u32 @!p1 s6, $0x3;
	s2 =	simm.s32 $0x172E8;
	[dreg:$0xa] =	wrdreg s1  }
0x12: {  	v1 =	vmul.u32 $0x2, v1;
	v3 =	vor.u32 $0x1, v0;
	v5 =	vadd.s32 $0x2, v0;
	s6 =	simm.s32 $0x7;
	s10 =	simm.s32 $0xA;
	[dreg:$0xc] =	wrdreg s0  }
0x13: {  	v7 =	vadd.s32 $0x3, v0;
	v9 =	vadd.s32 $0x4, v0;
	v11 =	vadd.s32 $0x5, v0;
	s11 =	simm.s32 $0xB;
	s18 =	sadd.s32 $0x38E00, s9;
	[dreg:$0xd] =	wrdreg s22  }
0x14: {  	v13 =	vadd.s32 $0x6, v0;
	v15 =	vadd.s32 $0x7, v0;
	v17 =	vadd.s32 $0x8, v0;
	s21 =	sadd.s32 $0x1A400, s9;
	[dreg:$0xe] =	wrdreg s23;
	s24 =	smax.u32 s8, $0x1  }
0x15: {  	v18 =	vadd.s32 $0x9, v0;
	v19 =	vadd.s32 $0xA, v0;
	v20 =	vadd.s32 $0xB, v0;
	s0 =	sor.u32 $0x1C02, s25;
	[dreg:$0x11] =	wrdreg s26;
	s22 =	simm.s32 $0x2  }
.Ltmp0:
0x16: {  	v21 =	vadd.s32 $0xC, v0;
	v22 =	vadd.s32 $0xD, v0;
	v23 =	vadd.s32 $0xE, v0;
	s23 =	simm.s32 $0x340;
	[dreg:$0x7] =	wrdreg s18;
	(pc) =	sbr.rel .LBB2_1-.Ltmp0, $4  }
0x17: {  	v24 =	vadd.s32 $0xF, v0;
	v25 =	vadd.s32 $0x10, v0;
	v26 =	vadd.s32 $0x11, v0;
	s26 =	simm.s32 $0x15F68;
	s1 =	simm.s32 $0x16928;
	[dreg:$0xb] =	wrdreg s21  }
0x18: {  	v27 =	vadd.s32 $0x12, v0;
	v28 =	vadd.s32 $0x13, v0;
	v29 =	vadd.s32 $0x14, v0;
	s25 =	simm.s32 $0x16C68;
	s8 =	simm.s32 $0x8;
	[dreg:$0xf] =	wrdreg s24  }
0x19: {  	v30 =	vadd.s32 $0x15, v0;
	v31 =	vadd.s32 $0x16, v0;
	v32 =	vadd.s32 $0x17, v0;
	s9 =	simm.s32 $0x9;
	[dreg:$0x10] =	wrdreg s0;
	s18 =	simm.s32 $0xF428  }
0x1a: {  	v33 =	vadd.s32 $0x18, v0;
	v34 =	vadd.s32 $0x19, v0;
	v4 =	vor.u32 $0x1, v1;
	s21 =	simm.s32 $0xC;
	s24 =	simm.s32 $0x15C28;
	s0 =	simm.s32 $0x5  }
.LBB2_44:
0x1b: {  	s4 =	rddreg [dreg:$0x3]  }
.LBB2_45:
0x1c: {  	s4 =	sadd.s32 s4, s7;
	s14 =	simm.s32 $0x0;
	s13 =	simm.s32 $0x17628  }
0x1d: {  	[hbm4b:s4+s14] =	stream.linear.scatter [tilespmem:s13], [sflag:$0xC], $0x400, $0x38;
	[tilespmem:$0x17A28] =	vst v63  }
0x1e: {  	_ =	swait.ge [sflag:s21], $0x400  }
0x1f: {  	s12 =	sadd.s32 $0x1, s12;
	s20 =	rddreg [dreg:$0xf]  }
0x20: {  	p2 =	sne.s32 s12, s20  }
.Ltmp1:
0x21: {  	_ = 	snop;
	(pc) =	sbr.rel @!p2 .LBB2_46-.Ltmp1, $3  }
0x22: {  	_ =	sdelay $0x1  }
0x23: {  	[sflag:s21] =	ssyncset.done $0x0  }
0x24: {  	[sflag:s21] =	ssyncadd.s32 $0xFFFFFC00  }
.LBB2_1:
.Ltmp2:
0x25: {  	(pc) =	sbr.rel @!p0 .LBB2_2-.Ltmp2, $2  }
0x26: {  	_ =	sdelay $0x2  }
0x27: {  	s4 =	simm.s32 $0x0  }
0x28: {  	s13 =	rddreg [dreg:$0xb]  }
0x29: {  	s15 =	rddreg [dreg:$0x10]  }
0x2a: {  	s16 =	rddreg [dreg:$0x11]  }
0x2b: {  	[spmem:s16], [sflag:s15] =	dma.local [hbm:s13], $0x1E84  }
0x2c: {  	v35 =	vadd.s32 s4, v0;
	s13 =	simm.s32 @!p1 $0x1C03;
	s15 =	rddreg [dreg:$0xc]  }
0x2d: {  	v36 =	vadd.s32 s4, v3;
	v35 =	vand.u32 $0xFFF8, v35;
	[spmem:s17], [sflag:s13] =	dma.local @!p1 [hbm:s15], $0x8  }
0x2e: {  	v36 =	vand.u32 $0xFFF8, v36;
	v35 =	vor.u32 v1, v35;
	s13 =	rddreg [dreg:$0xd]  }
0x2f: {  	v37 =	vadd.s32 s4, v5;
	v36 =	vor.u32 v4, v36;
	[tilespmem:s18], [sflag:$0x1] =	stream.linear.gather [hbm4b:s13+s4], $0x6800, $0x38;
	[tilespmem:$0x17A28] =	vst v63  }
0x30: {  	v37 =	vand.u32 $0xFFF8, v37;
	_ =	swait.ge [sflag:s19], $0x6800  }
0x31: {  	v38 =	vadd.s32 s4, v7;
	v37 =	vor.u32 v6, v37;
	[sflag:s19] =	ssyncset.done $0x0  }
0x32: {  	v38 =	vand.u32 $0xFFF8, v38;
	[sflag:s19] =	ssyncadd.s32 $0xFFFF9800  }
0x33: {  	v39 =	vadd.s32 s4, v9;
	v38 =	vor.u32 v8, v38;
	v35 =	vld.idx.msk [tilespmem:v35+s18+$0x0], $0xffff  }
0x34: {  	v39 =	vand.u32 $0xFFF8, v39;
	v36 =	vld.idx.msk [tilespmem:v36+s18+$0x0], $0xffff  }
0x35: {  	v40 =	vadd.s32 s4, v11;
	v39 =	vor.u32 v10, v39  }
0x36: {  	v40 =	vand.u32 $0xFFF8, v40;
	v37 =	vld.idx.msk [tilespmem:v37+s18+$0x0], $0xffff  }
0x37: {  	v41 =	vadd.s32 s4, v13;
	v42 =	vadd.s32 s4, v15;
	v40 =	vor.u32 v12, v40  }
0x38: {  	v43 =	vadd.s32 s4, v17;
	v60 =	vadd.s32 s4, v18;
	v41 =	vand.u32 $0xFFF8, v41;
	v38 =	vld.idx.msk [tilespmem:v38+s18+$0x0], $0xffff  }
0x39: {  	v41 =	vor.u32 v14, v41;
	vm0 =	veq.s32 v35, $0x0;
	vm1 =	veq.s32 v36, $0x0  }
0x3a: {  	v54 =	vand.u32 $0xFFF8, v42;
	v55 =	vld.idx.msk [tilespmem:v39+s18+$0x0], $0xffff;
	v56 =	vsel vm0, $0x0, v2;
	v57 =	vsel vm1, $0x0, v2  }
0x3b: {  	v35 =	vor.u32 v16, v54;
	vm15 =	veq.s32 v37, $0x0;
	v39 =	vadd.f32 v57, v56  }
0x3c: {  	v63 =	vadd.s32 s4, v19;
	v58 =	vand.u32 $0xFFF8, v43;
	v40 =	vld.idx.msk [tilespmem:v40+s18+$0x0], $0xffff;
	v59 =	vsel vm15, $0x0, v2  }
0x3d: {  	v37 =	vor.u32 v1, v58;
	vm4 =	veq.s32 v38, $0x0;
	v39 =	vadd.f32 v59, v39  }
0x3e: {  	v47 =	vadd.s32 s4, v20;
	v61 =	vand.u32 $0xFFF8, v60;
	v41 =	vld.idx.msk [tilespmem:v41+s18+$0x0], $0xffff;
	v62 =	vsel vm4, $0x0, v2  }
0x3f: {  	v38 =	vor.u32 v4, v61;
	vm5 =	veq.s32 v55, $0x0;
	v39 =	vadd.f32 v62, v39  }
0x40: {  	v50 =	vadd.s32 s4, v21;
	v45 =	vand.u32 $0xFFF8, v63;
	v46 =	vsel vm5, $0x0, v2;
	v35 =	vld.idx.msk [tilespmem:v35+s18+$0x0], $0xffff  }
0x41: {  	v36 =	vor.u32 v6, v45;
	vm6 =	veq.s32 v40, $0x0;
	v39 =	vadd.f32 v46, v39  }
0x42: {  	v48 =	vand.u32 $0xFFF8, v47;
	v51 =	vand.u32 $0xFFF8, v50;
	v49 =	vsel vm6, $0x0, v2;
	v37 =	vld.idx.msk [tilespmem:v37+s18+$0x0], $0xffff  }
0x43: {  	v40 =	vor.u32 v8, v48;
	vm7 =	veq.s32 v41, $0x0;
	v39 =	vadd.f32 v49, v39  }
0x44: {  	v53 =	vadd.s32 s4, v22;
	v41 =	vor.u32 v10, v51;
	v52 =	vsel vm7, $0x0, v2;
	v38 =	vld.idx.msk [tilespmem:v38+s18+$0x0], $0xffff  }
0x45: {  	v54 =	vand.u32 $0xFFF8, v53;
	vm8 =	veq.s32 v35, $0x0;
	v39 =	vadd.f32 v52, v39  }
0x46: {  	v56 =	vadd.s32 s4, v23;
	v59 =	vadd.s32 s4, v24;
	v36 =	vld.idx.msk [tilespmem:v36+s18+$0x0], $0xffff;
	v55 =	vsel vm8, $0x0, v2  }
0x47: {  	v35 =	vor.u32 v12, v54;
	vm9 =	veq.s32 v37, $0x0;
	v39 =	vadd.f32 v55, v39  }
0x48: {  	v57 =	vand.u32 $0xFFF8, v56;
	v40 =	vld.idx.msk [tilespmem:v40+s18+$0x0], $0xffff;
	v60 =	vand.u32 $0xFFF8, v59;
	v58 =	vsel vm9, $0x0, v2  }
0x49: {  	v37 =	vor.u32 v14, v57;
	vm10 =	veq.s32 v38, $0x0;
	v39 =	vadd.f32 v58, v39  }
0x4a: {  	v41 =	vld.idx.msk [tilespmem:v41+s18+$0x0], $0xffff;
	v62 =	vadd.s32 s4, v25;
	v46 =	vadd.s32 s4, v26;
	v61 =	vsel vm10, $0x0, v2  }
0x4b: {  	v38 =	vor.u32 v16, v60;
	vm11 =	veq.s32 v36, $0x0;
	v39 =	vadd.f32 v61, v39  }
0x4c: {  	v63 =	vand.u32 $0xFFF8, v62;
	v47 =	vand.u32 $0xFFF8, v46;
	v45 =	vsel vm11, $0x0, v2;
	v35 =	vld.idx.msk [tilespmem:v35+s18+$0x0], $0xffff  }
0x4d: {  	v36 =	vor.u32 v1, v63;
	vm12 =	veq.s32 v40, $0x0;
	v39 =	vadd.f32 v45, v39  }
0x4e: {  	v40 =	vor.u32 v4, v47;
	v49 =	vadd.s32 s4, v27;
	v48 =	vsel vm12, $0x0, v2;
	v37 =	vld.idx.msk [tilespmem:v37+s18+$0x0], $0xffff  }
0x4f: {  	vm13 =	veq.s32 v41, $0x0;
	v50 =	vand.u32 $0xFFF8, v49;
	v39 =	vadd.f32 v48, v39  }
0x50: {  	v51 =	vsel vm13, $0x0, v2;
	v41 =	vor.u32 v6, v50;
	v52 =	vadd.s32 s4, v28;
	v38 =	vld.idx.msk [tilespmem:v38+s18+$0x0], $0xffff  }
0x51: {  	v55 =	vadd.s32 s4, v29;
	vm14 =	veq.s32 v35, $0x0;
	v39 =	vadd.f32 v51, v39  }
0x52: {  	v53 =	vand.u32 $0xFFF8, v52;
	v36 =	vld.idx.msk [tilespmem:v36+s18+$0x0], $0xffff;
	v56 =	vand.u32 $0xFFF8, v55;
	v54 =	vsel vm14, $0x0, v2  }
0x53: {  	v35 =	vor.u32 v8, v53;
	vm15 =	veq.s32 v37, $0x0;
	v39 =	vadd.f32 v54, v39  }
0x54: {  	v40 =	vld.idx.msk [tilespmem:v40+s18+$0x0], $0xffff;
	v58 =	vadd.s32 s4, v30;
	v61 =	vadd.s32 s4, v31;
	v57 =	vsel vm15, $0x0, v2  }
0x55: {  	v37 =	vor.u32 v10, v56;
	vm4 =	veq.s32 v38, $0x0;
	v39 =	vadd.f32 v57, v39  }
0x56: {  	v59 =	vand.u32 $0xFFF8, v58;
	v41 =	vld.idx.msk [tilespmem:v41+s18+$0x0], $0xffff;
	v62 =	vand.u32 $0xFFF8, v61;
	v60 =	vsel vm4, $0x0, v2  }
0x57: {  	v38 =	vor.u32 v12, v59;
	vm5 =	veq.s32 v36, $0x0;
	v39 =	vadd.f32 v60, v39  }
0x58: {  	v36 =	vor.u32 v14, v62;
	v45 =	vadd.s32 s4, v32;
	v63 =	vsel vm5, $0x0, v2;
	v35 =	vld.idx.msk [tilespmem:v35+s18+$0x0], $0xffff  }
0x59: {  	vm6 =	veq.s32 v40, $0x0;
	v46 =	vand.u32 $0xFFF8, v45;
	v39 =	vadd.f32 v63, v39  }
0x5a: {  	v47 =	vsel vm6, $0x0, v2;
	v40 =	vor.u32 v16, v46;
	v48 =	vadd.s32 s4, v33;
	v37 =	vld.idx.msk [tilespmem:v37+s18+$0x0], $0xffff  }
0x5b: {  	vm7 =	veq.s32 v41, $0x0;
	v49 =	vand.u32 $0xFFF8, v48;
	v39 =	vadd.f32 v47, v39  }
0x5c: {  	v50 =	vsel vm7, $0x0, v2;
	v41 =	vor.u32 v1, v49;
	v38 =	vld.idx.msk [tilespmem:v38+s18+$0x0], $0xffff  }
0x5d: {  	v51 =	vadd.s32 s4, v34;
	vm8 =	veq.s32 v35, $0x0;
	v39 =	vadd.f32 v50, v39  }
0x5e: {  	v52 =	vld.idx.msk [tilespmem:v36+s18+$0x0], $0xffff;
	v53 =	vand.u32 $0xFFF8, v51;
	v54 =	vsel vm8, $0x0, v2  }
0x5f: {  	v36 =	vor.u32 v4, v53;
	vm9 =	veq.s32 v37, $0x0;
	v39 =	vadd.f32 v54, v39  }
0x60: {  	v55 =	vld.idx.msk [tilespmem:v40+s18+$0x0], $0xffff;
	v56 =	vsel vm9, $0x0, v2  }
0x61: {  	vm10 =	veq.s32 v38, $0x0;
	v39 =	vadd.f32 v56, v39  }
0x62: {  	v57 =	vld.idx.msk [tilespmem:v41+s18+$0x0], $0xffff;
	v58 =	vsel vm10, $0x0, v2  }
0x63: {  	vm11 =	veq.s32 v52, $0x0;
	v39 =	vadd.f32 v58, v39  }
0x64: {  	v59 =	vld.idx.msk [tilespmem:v36+s18+$0x0], $0xffff;
	v60 =	vsel vm11, $0x0, v2  }
0x65: {  	s20 =	simm.s32 $0x1A0;
	vm12 =	veq.s32 v55, $0x0;
	v36 =	vadd.f32 v60, v39  }
0x66: {  	v61 =	vadd.s32 s20, v0;
	v62 =	vsel vm12, $0x0, v2  }
0x67: {  	v37 =	vand.u32 $0xFFF8, v61;
	vm13 =	veq.s32 v57, $0x0;
	v36 =	vadd.f32 v62, v36  }
0x68: {  	v37 =	vor.u32 v1, v37;
	v63 =	vadd.s32 s20, v3;
	v45 =	vsel vm13, $0x0, v2  }
0x69: {  	v44 =	vand.u32 $0xFFF8, v63;
	vm14 =	veq.s32 v59, $0x0;
	v36 =	vadd.f32 v45, v36  }
0x6a: {  	v46 =	vor.u32 v4, v44;
	v47 =	vadd.s32 s20, v5;
	v48 =	vsel vm14, $0x0, v2  }
0x6b: {  	v38 =	vand.u32 $0xFFF8, v47;
	v36 =	vadd.f32 v48, v36  }
0x6c: {  	s4 =	simm.s32 $0x17628;
	v49 =	vadd.s32 s20, v7;
	v38 =	vor.u32 v6, v38  }
0x6d: {  	v39 =	vand.u32 $0xFFF8, v49;
	[tilespmem:s4+$0x0] =	vst v36  }
0x6e: {  	v51 =	vadd.s32 s20, v9;
	v50 =	vor.u32 v8, v39;
	v36 =	vld.idx.msk [tilespmem:v37+s18+$0x0], $0xffff  }
0x6f: {  	v39 =	vand.u32 $0xFFF8, v51;
	v35 =	vld.idx.msk [tilespmem:v46+s18+$0x0], $0xffff  }
0x70: {  	v52 =	vadd.s32 s20, v11;
	v39 =	vor.u32 v10, v39  }
0x71: {  	v53 =	vadd.s32 s20, v13;
	v40 =	vand.u32 $0xFFF8, v52;
	v38 =	vld.idx.msk [tilespmem:v38+s18+$0x0], $0xffff  }
0x72: {  	v41 =	vand.u32 $0xFFF8, v53;
	v40 =	vor.u32 v12, v40  }
0x73: {  	v41 =	vor.u32 v14, v41;
	v52 =	vadd.s32 s20, v21;
	v55 =	vadd.s32 s20, v17;
	v37 =	vld.idx.msk [tilespmem:v50+s18+$0x0], $0xffff  }
0x74: {  	v54 =	vadd.s32 s20, v15;
	vm15 =	veq.s32 v36, $0x0;
	vm4 =	veq.s32 v35, $0x0  }
0x75: {  	v56 =	vand.u32 $0xFFF8, v54;
	v57 =	vld.idx.msk [tilespmem:v39+s18+$0x0], $0xffff;
	v58 =	vsel vm15, $0x0, v2;
	v59 =	vsel vm4, $0x0, v2  }
0x76: {  	v35 =	vor.u32 v16, v56;
	vm5 =	veq.s32 v38, $0x0;
	v39 =	vadd.f32 v59, v58  }
0x77: {  	v60 =	vand.u32 $0xFFF8, v55;
	v62 =	vadd.s32 s20, v18;
	v40 =	vld.idx.msk [tilespmem:v40+s18+$0x0], $0xffff;
	v61 =	vsel vm5, $0x0, v2  }
0x78: {  	v38 =	vor.u32 v1, v60;
	vm6 =	veq.s32 v37, $0x0;
	v39 =	vadd.f32 v61, v39  }
0x79: {  	v63 =	vand.u32 $0xFFF8, v62;
	v41 =	vld.idx.msk [tilespmem:v41+s18+$0x0], $0xffff;
	v46 =	vadd.s32 s20, v19;
	v45 =	vsel vm6, $0x0, v2  }
0x7a: {  	v37 =	vor.u32 v4, v63;
	vm7 =	veq.s32 v57, $0x0;
	v39 =	vadd.f32 v45, v39  }
0x7b: {  	v49 =	vadd.s32 s20, v20;
	v47 =	vand.u32 $0xFFF8, v46;
	v48 =	vsel vm7, $0x0, v2;
	v35 =	vld.idx.msk [tilespmem:v35+s18+$0x0], $0xffff  }
0x7c: {  	v36 =	vor.u32 v6, v47;
	vm8 =	veq.s32 v40, $0x0;
	v39 =	vadd.f32 v48, v39  }
0x7d: {  	v53 =	vand.u32 $0xFFF8, v52;
	v50 =	vand.u32 $0xFFF8, v49;
	v51 =	vsel vm8, $0x0, v2;
	v38 =	vld.idx.msk [tilespmem:v38+s18+$0x0], $0xffff  }
0x7e: {  	v40 =	vor.u32 v8, v50;
	vm9 =	veq.s32 v41, $0x0;
	v39 =	vadd.f32 v51, v39  }
0x7f: {  	v55 =	vadd.s32 s20, v22;
	v41 =	vor.u32 v10, v53;
	v54 =	vsel vm9, $0x0, v2;
	v37 =	vld.idx.msk [tilespmem:v37+s18+$0x0], $0xffff  }
0x80: {  	v56 =	vand.u32 $0xFFF8, v55;
	vm10 =	veq.s32 v35, $0x0;
	v39 =	vadd.f32 v54, v39  }
0x81: {  	v58 =	vadd.s32 s20, v23;
	v61 =	vadd.s32 s20, v24;
	v36 =	vld.idx.msk [tilespmem:v36+s18+$0x0], $0xffff;
	v57 =	vsel vm10, $0x0, v2  }
0x82: {  	v35 =	vor.u32 v12, v56;
	vm11 =	veq.s32 v38, $0x0;
	v39 =	vadd.f32 v57, v39  }
0x83: {  	v59 =	vand.u32 $0xFFF8, v58;
	v40 =	vld.idx.msk [tilespmem:v40+s18+$0x0], $0xffff;
	v62 =	vand.u32 $0xFFF8, v61;
	v60 =	vsel vm11, $0x0, v2  }
0x84: {  	v38 =	vor.u32 v14, v59;
	vm12 =	veq.s32 v37, $0x0;
	v39 =	vadd.f32 v60, v39  }
0x85: {  	v41 =	vld.idx.msk [tilespmem:v41+s18+$0x0], $0xffff;
	v45 =	vadd.s32 s20, v25;
	v48 =	vadd.s32 s20, v26;
	v63 =	vsel vm12, $0x0, v2  }
0x86: {  	v37 =	vor.u32 v16, v62;
	vm13 =	veq.s32 v36, $0x0;
	v39 =	vadd.f32 v63, v39  }
0x87: {  	v46 =	vand.u32 $0xFFF8, v45;
	v49 =	vand.u32 $0xFFF8, v48;
	v47 =	vsel vm13, $0x0, v2;
	v35 =	vld.idx.msk [tilespmem:v35+s18+$0x0], $0xffff  }
0x88: {  	v36 =	vor.u32 v1, v46;
	vm14 =	veq.s32 v40, $0x0;
	v39 =	vadd.f32 v47, v39  }
0x89: {  	v40 =	vor.u32 v4, v49;
	v51 =	vadd.s32 s20, v27;
	v50 =	vsel vm14, $0x0, v2;
	v38 =	vld.idx.msk [tilespmem:v38+s18+$0x0], $0xffff  }
0x8a: {  	vm15 =	veq.s32 v41, $0x0;
	v52 =	vand.u32 $0xFFF8, v51;
	v39 =	vadd.f32 v50, v39  }
0x8b: {  	v53 =	vsel vm15, $0x0, v2;
	v41 =	vor.u32 v6, v52;
	v54 =	vadd.s32 s20, v28;
	v37 =	vld.idx.msk [tilespmem:v37+s18+$0x0], $0xffff  }
0x8c: {  	v57 =	vadd.s32 s20, v29;
	vm4 =	veq.s32 v35, $0x0;
	v39 =	vadd.f32 v53, v39  }
0x8d: {  	v55 =	vand.u32 $0xFFF8, v54;
	v36 =	vld.idx.msk [tilespmem:v36+s18+$0x0], $0xffff;
	v58 =	vand.u32 $0xFFF8, v57;
	v56 =	vsel vm4, $0x0, v2  }
0x8e: {  	v35 =	vor.u32 v8, v55;
	vm5 =	veq.s32 v38, $0x0;
	v39 =	vadd.f32 v56, v39  }
0x8f: {  	v40 =	vld.idx.msk [tilespmem:v40+s18+$0x0], $0xffff;
	v60 =	vadd.s32 s20, v30;
	v63 =	vadd.s32 s20, v31;
	v59 =	vsel vm5, $0x0, v2  }
0x90: {  	v38 =	vor.u32 v10, v58;
	vm6 =	veq.s32 v37, $0x0;
	v39 =	vadd.f32 v59, v39  }
0x91: {  	v61 =	vand.u32 $0xFFF8, v60;
	v41 =	vld.idx.msk [tilespmem:v41+s18+$0x0], $0xffff;
	v45 =	vand.u32 $0xFFF8, v63;
	v62 =	vsel vm6, $0x0, v2  }
0x92: {  	v37 =	vor.u32 v12, v61;
	vm7 =	veq.s32 v36, $0x0;
	v39 =	vadd.f32 v62, v39  }
0x93: {  	v36 =	vor.u32 v14, v45;
	v46 =	vsel vm7, $0x0, v2;
	v35 =	vld.idx.msk [tilespmem:v35+s18+$0x0], $0xffff  }
0x94: {  	v47 =	vadd.s32 s20, v32;
	vm8 =	veq.s32 v40, $0x0;
	v39 =	vadd.f32 v46, v39  }
0x95: {  	v48 =	vand.u32 $0xFFF8, v47;
	v49 =	vsel vm8, $0x0, v2;
	v38 =	vld.idx.msk [tilespmem:v38+s18+$0x0], $0xffff  }
0x96: {  	v40 =	vor.u32 v16, v48;
	vm9 =	veq.s32 v41, $0x0;
	v39 =	vadd.f32 v49, v39  }
0x97: {  	v52 =	vsel vm9, $0x0, v2;
	v37 =	vld.idx.msk [tilespmem:v37+s18+$0x0], $0xffff  }
0x98: {  	vm10 =	veq.s32 v35, $0x0;
	v39 =	vadd.f32 v52, v39  }
0x99: {  	v50 =	vadd.s32 s20, v33;
	v53 =	vld.idx.msk [tilespmem:v36+s18+$0x0], $0xffff;
	v54 =	vsel vm10, $0x0, v2  }
0x9a: {  	v51 =	vand.u32 $0xFFF8, v50;
	vm11 =	veq.s32 v38, $0x0;
	v36 =	vadd.f32 v54, v39  }
0x9b: {  	v57 =	vadd.s32 s20, v34;
	v41 =	vor.u32 v1, v51;
	v55 =	vld.idx.msk [tilespmem:v40+s18+$0x0], $0xffff;
	v56 =	vsel vm11, $0x0, v2  }
0x9c: {  	v58 =	vand.u32 $0xFFF8, v57;
	vm12 =	veq.s32 v37, $0x0;
	v36 =	vadd.f32 v56, v36  }
0x9d: {  	v37 =	vor.u32 v4, v58;
	v60 =	vsel vm12, $0x0, v2  }
0x9e: {  	vm13 =	veq.s32 v53, $0x0;
	v36 =	vadd.f32 v60, v36  }
0x9f: {  	v35 =	vsel vm13, $0x0, v2  }
0xa0: {  	v59 =	vld.idx.msk [tilespmem:v41+s18+$0x0], $0xffff;
	vm14 =	veq.s32 v55, $0x0;
	v35 =	vadd.f32 v35, v36  }
0xa1: {  	v62 =	vsel vm14, $0x0, v2  }
0xa2: {  	v36 =	vadd.f32 v62, v35;
	v35 =	vld.idx.msk [tilespmem:v37+s18+$0x0], $0xffff;
	_ =	sdelay $0x1  }
0xa3: {  	s13 =	simm.s32 $0x340  }
0xa4: {  	v63 =	vadd.s32 s13, v3;
	v61 =	vadd.s32 s13, v0;
	vm15 =	veq.s32 v59, $0x0  }
0xa5: {  	s20 =	simm.s32 $0x4E0;
	v38 =	vand.u32 $0xFFF8, v61;
	v39 =	vsel vm15, $0x0, v2;
	v37 =	vand.u32 $0xFFF8, v63  }
.LBB2_25:
0xa6: {  	p2 =	sne.s32 s20, $0x6660;
	v38 =	vor.u32 v1, v38;
	v36 =	vadd.f32 v39, v36;
	vm0 =	veq.s32 v35, $0x0  }
0xa7: {  	v35 =	vor.u32 v4, v37;
	v37 =	vadd.s32 s13, v5;
	v39 =	vsel vm0, $0x0, v2  }
0xa8: {  	v37 =	vand.u32 $0xFFF8, v37;
	v36 =	vadd.f32 v39, v36  }
0xa9: {  	s4 =	sadd.s32 $0x10, s4;
	v37 =	vor.u32 v6, v37;
	v39 =	vadd.s32 s13, v7  }
0xaa: {  	v39 =	vand.u32 $0xFFF8, v39;
	[tilespmem:s4+$0x0] =	vst v36  }
0xab: {  	v36 =	vld.idx.msk [tilespmem:v38+s18+$0x0], $0xffff;
	v38 =	vor.u32 v8, v39;
	v39 =	vadd.s32 s13, v9  }
0xac: {  	v35 =	vld.idx.msk [tilespmem:v35+s18+$0x0], $0xffff;
	v39 =	vand.u32 $0xFFF8, v39  }
0xad: {  	v40 =	vadd.s32 s13, v11;
	v39 =	vor.u32 v10, v39  }
0xae: {  	v40 =	vand.u32 $0xFFF8, v40;
	v37 =	vld.idx.msk [tilespmem:v37+s18+$0x0], $0xffff  }
0xaf: {  	v41 =	vadd.s32 s13, v13;
	v40 =	vor.u32 v12, v40  }
0xb0: {  	v41 =	vand.u32 $0xFFF8, v41;
	v38 =	vld.idx.msk [tilespmem:v38+s18+$0x0], $0xffff  }
0xb1: {  	v42 =	vadd.s32 s13, v15;
	v43 =	vadd.s32 s13, v17;
	v41 =	vor.u32 v14, v41  }
0xb2: {  	vm0 =	veq.s32 v36, $0x0;
	v36 =	vand.u32 $0xFFF8, v42;
	vm1 =	veq.s32 v35, $0x0;
	v35 =	vld.idx.msk [tilespmem:v39+s18+$0x0], $0xffff  }
0xb3: {  	v36 =	vor.u32 v16, v36;
	v39 =	vsel vm0, $0x0, v2;
	v42 =	vsel vm1, $0x0, v2  }
0xb4: {  	v39 =	vadd.f32 v42, v39;
	vm0 =	veq.s32 v37, $0x0;
	v37 =	vld.idx.msk [tilespmem:v40+s18+$0x0], $0xffff;
	v40 =	vand.u32 $0xFFF8, v43  }
0xb5: {  	v42 =	vsel vm0, $0x0, v2;
	v43 =	vadd.s32 s13, v18;
	v40 =	vor.u32 v1, v40  }
0xb6: {  	v39 =	vadd.f32 v42, v39;
	vm0 =	veq.s32 v38, $0x0;
	v38 =	vld.idx.msk [tilespmem:v41+s18+$0x0], $0xffff;
	v41 =	vand.u32 $0xFFF8, v43  }
0xb7: {  	v42 =	vsel vm0, $0x0, v2;
	v43 =	vadd.s32 s13, v19;
	v41 =	vor.u32 v4, v41  }
0xb8: {  	v39 =	vadd.f32 v42, v39;
	vm0 =	veq.s32 v35, $0x0;
	v35 =	vld.idx.msk [tilespmem:v36+s18+$0x0], $0xffff;
	v36 =	vand.u32 $0xFFF8, v43  }
0xb9: {  	v42 =	vsel vm0, $0x0, v2;
	v43 =	vadd.s32 s13, v20;
	v36 =	vor.u32 v6, v36  }
0xba: {  	v39 =	vadd.f32 v42, v39;
	vm0 =	veq.s32 v37, $0x0;
	v37 =	vld.idx.msk [tilespmem:v40+s18+$0x0], $0xffff;
	v40 =	vand.u32 $0xFFF8, v43  }
0xbb: {  	v42 =	vsel vm0, $0x0, v2;
	v43 =	vadd.s32 s13, v21;
	v40 =	vor.u32 v8, v40  }
0xbc: {  	v39 =	vadd.f32 v42, v39;
	vm0 =	veq.s32 v38, $0x0;
	v38 =	vld.idx.msk [tilespmem:v41+s18+$0x0], $0xffff;
	v41 =	vand.u32 $0xFFF8, v43  }
0xbd: {  	v42 =	vsel vm0, $0x0, v2;
	v43 =	vadd.s32 s13, v22;
	v41 =	vor.u32 v10, v41  }
0xbe: {  	v39 =	vadd.f32 v42, v39;
	vm0 =	veq.s32 v35, $0x0;
	v35 =	vld.idx.msk [tilespmem:v36+s18+$0x0], $0xffff;
	v36 =	vand.u32 $0xFFF8, v43  }
0xbf: {  	v42 =	vsel vm0, $0x0, v2;
	v43 =	vadd.s32 s13, v23;
	v36 =	vor.u32 v12, v36  }
0xc0: {  	v39 =	vadd.f32 v42, v39;
	vm0 =	veq.s32 v37, $0x0;
	v37 =	vld.idx.msk [tilespmem:v40+s18+$0x0], $0xffff;
	v40 =	vand.u32 $0xFFF8, v43  }
0xc1: {  	v42 =	vsel vm0, $0x0, v2;
	v43 =	vadd.s32 s13, v24;
	v40 =	vor.u32 v14, v40  }
0xc2: {  	v39 =	vadd.f32 v42, v39;
	vm0 =	veq.s32 v38, $0x0;
	v38 =	vld.idx.msk [tilespmem:v41+s18+$0x0], $0xffff;
	v41 =	vand.u32 $0xFFF8, v43  }
0xc3: {  	v42 =	vsel vm0, $0x0, v2;
	v43 =	vadd.s32 s13, v25;
	v41 =	vor.u32 v16, v41  }
0xc4: {  	v39 =	vadd.f32 v42, v39;
	vm0 =	veq.s32 v35, $0x0;
	v35 =	vld.idx.msk [tilespmem:v36+s18+$0x0], $0xffff;
	v36 =	vand.u32 $0xFFF8, v43  }
0xc5: {  	v42 =	vsel vm0, $0x0, v2;
	v43 =	vadd.s32 s13, v26;
	v36 =	vor.u32 v1, v36  }
0xc6: {  	v39 =	vadd.f32 v42, v39;
	vm0 =	veq.s32 v37, $0x0;
	v37 =	vld.idx.msk [tilespmem:v40+s18+$0x0], $0xffff;
	v40 =	vand.u32 $0xFFF8, v43  }
0xc7: {  	v42 =	vsel vm0, $0x0, v2;
	v43 =	vadd.s32 s13, v27;
	v40 =	vor.u32 v4, v40  }
0xc8: {  	v39 =	vadd.f32 v42, v39;
	vm0 =	veq.s32 v38, $0x0;
	v38 =	vld.idx.msk [tilespmem:v41+s18+$0x0], $0xffff;
	v41 =	vand.u32 $0xFFF8, v43  }
0xc9: {  	v42 =	vsel vm0, $0x0, v2;
	v43 =	vadd.s32 s13, v28;
	v41 =	vor.u32 v6, v41  }
0xca: {  	v39 =	vadd.f32 v42, v39;
	vm0 =	veq.s32 v35, $0x0;
	v35 =	vld.idx.msk [tilespmem:v36+s18+$0x0], $0xffff;
	v36 =	vand.u32 $0xFFF8, v43  }
0xcb: {  	v42 =	vsel vm0, $0x0, v2;
	v43 =	vadd.s32 s13, v29;
	v36 =	vor.u32 v8, v36  }
0xcc: {  	v39 =	vadd.f32 v42, v39;
	vm0 =	veq.s32 v37, $0x0;
	v37 =	vld.idx.msk [tilespmem:v40+s18+$0x0], $0xffff;
	v40 =	vand.u32 $0xFFF8, v43  }
0xcd: {  	v42 =	vsel vm0, $0x0, v2;
	v43 =	vadd.s32 s13, v30;
	v40 =	vor.u32 v10, v40  }
0xce: {  	v39 =	vadd.f32 v42, v39;
	vm0 =	veq.s32 v38, $0x0;
	v38 =	vld.idx.msk [tilespmem:v41+s18+$0x0], $0xffff;
	v41 =	vand.u32 $0xFFF8, v43  }
0xcf: {  	v42 =	vsel vm0, $0x0, v2;
	v43 =	vadd.s32 s13, v31;
	v41 =	vor.u32 v12, v41  }
0xd0: {  	v39 =	vadd.f32 v42, v39;
	vm0 =	veq.s32 v35, $0x0;
	v35 =	vld.idx.msk [tilespmem:v36+s18+$0x0], $0xffff;
	v36 =	vand.u32 $0xFFF8, v43  }
0xd1: {  	v42 =	vsel vm0, $0x0, v2;
	v43 =	vadd.s32 s13, v32;
	v36 =	vor.u32 v14, v36  }
0xd2: {  	v39 =	vadd.f32 v42, v39;
	vm0 =	veq.s32 v37, $0x0;
	v37 =	vld.idx.msk [tilespmem:v40+s18+$0x0], $0xffff;
	v40 =	vand.u32 $0xFFF8, v43  }
0xd3: {  	v42 =	vsel vm0, $0x0, v2;
	v43 =	vadd.s32 s13, v33;
	v40 =	vor.u32 v16, v40  }
0xd4: {  	v39 =	vadd.f32 v42, v39;
	vm0 =	veq.s32 v38, $0x0;
	v38 =	vld.idx.msk [tilespmem:v41+s18+$0x0], $0xffff;
	v41 =	vand.u32 $0xFFF8, v43  }
0xd5: {  	v42 =	vsel vm0, $0x0, v2;
	v43 =	vadd.s32 s13, v34;
	s13 =	smov.u32 s20;
	v41 =	vor.u32 v1, v41  }
0xd6: {  	v39 =	vadd.f32 v42, v39;
	vm0 =	veq.s32 v35, $0x0;
	v35 =	vld.idx.msk [tilespmem:v36+s18+$0x0], $0xffff;
	v36 =	vand.u32 $0xFFF8, v43  }
0xd7: {  	v42 =	vsel vm0, $0x0, v2;
	v36 =	vor.u32 v4, v36  }
0xd8: {  	v39 =	vadd.f32 v42, v39;
	vm0 =	veq.s32 v37, $0x0;
	v37 =	vld.idx.msk [tilespmem:v40+s18+$0x0], $0xffff  }
0xd9: {  	v40 =	vsel vm0, $0x0, v2  }
0xda: {  	v39 =	vadd.f32 v40, v39;
	vm0 =	veq.s32 v38, $0x0;
	v38 =	vld.idx.msk [tilespmem:v41+s18+$0x0], $0xffff  }
0xdb: {  	v40 =	vsel vm0, $0x0, v2  }
0xdc: {  	v39 =	vadd.f32 v40, v39;
	vm0 =	veq.s32 v35, $0x0;
	v35 =	vld.idx.msk [tilespmem:v36+s18+$0x0], $0xffff  }
.Ltmp3:
0xdd: {  	v36 =	vsel vm0, $0x0, v2;
	(pc) =	sbr.rel @p2 .LBB2_25-.Ltmp3, $4  }
0xde: {  	v36 =	vadd.f32 v36, v39;
	vm0 =	veq.s32 v37, $0x0  }
0xdf: {  	v37 =	vadd.s32 s20, v0;
	v39 =	vsel vm0, $0x0, v2  }
0xe0: {  	v40 =	vadd.s32 s20, v3;
	v36 =	vadd.f32 v39, v36;
	vm0 =	veq.s32 v38, $0x0  }
0xe1: {  	s20 =	sadd.s32 $0x1A0, s20;
	v38 =	vand.u32 $0xFFF8, v37;
	v37 =	vand.u32 $0xFFF8, v40;
	v39 =	vsel vm0, $0x0, v2  }
0xe2: {  	v38 =	vor.u32 v1, v38;
	v36 =	vadd.f32 v39, v36;
	vm0 =	veq.s32 v35, $0x0  }
0xe3: {  	v50 =	vor.u32 v4, v37;
	v51 =	vadd.s32 s13, v5;
	v52 =	vsel vm0, $0x0, v2  }
0xe4: {  	v37 =	vand.u32 $0xFFF8, v51;
	v36 =	vadd.f32 v52, v36  }
0xe5: {  	v53 =	vadd.s32 s13, v7;
	s4 =	sadd.s32 $0x10, s4;
	v37 =	vor.u32 v6, v37  }
0xe6: {  	v39 =	vand.u32 $0xFFF8, v53;
	[tilespmem:s4+$0x0] =	vst v36  }
0xe7: {  	v55 =	vadd.s32 s13, v9;
	v54 =	vor.u32 v8, v39;
	v36 =	vld.idx.msk [tilespmem:v38+s18+$0x0], $0xffff  }
0xe8: {  	v39 =	vand.u32 $0xFFF8, v55;
	v35 =	vld.idx.msk [tilespmem:v50+s18+$0x0], $0xffff  }
0xe9: {  	v40 =	vadd.s32 s13, v11;
	v39 =	vor.u32 v10, v39  }
0xea: {  	v40 =	vand.u32 $0xFFF8, v40;
	v37 =	vld.idx.msk [tilespmem:v37+s18+$0x0], $0xffff  }
0xeb: {  	v41 =	vadd.s32 s13, v13;
	v42 =	vadd.s32 s13, v15;
	v40 =	vor.u32 v12, v40  }
0xec: {  	v43 =	vadd.s32 s13, v17;
	v62 =	vadd.s32 s13, v18;
	v41 =	vand.u32 $0xFFF8, v41;
	v38 =	vld.idx.msk [tilespmem:v54+s18+$0x0], $0xffff  }
0xed: {  	v41 =	vor.u32 v14, v41;
	vm15 =	veq.s32 v36, $0x0;
	vm1 =	veq.s32 v35, $0x0  }
0xee: {  	v56 =	vand.u32 $0xFFF8, v42;
	v57 =	vld.idx.msk [tilespmem:v39+s18+$0x0], $0xffff;
	v58 =	vsel vm15, $0x0, v2;
	v59 =	vsel vm1, $0x0, v2  }
0xef: {  	v35 =	vor.u32 v16, v56;
	v39 =	vadd.f32 v59, v58;
	vm4 =	veq.s32 v37, $0x0  }
0xf0: {  	v46 =	vadd.s32 s13, v19;
	v60 =	vand.u32 $0xFFF8, v43;
	v40 =	vld.idx.msk [tilespmem:v40+s18+$0x0], $0xffff;
	v61 =	vsel vm4, $0x0, v2  }
0xf1: {  	v37 =	vor.u32 v1, v60;
	vm5 =	veq.s32 v38, $0x0;
	v39 =	vadd.f32 v61, v39  }
0xf2: {  	v49 =	vadd.s32 s13, v20;
	v63 =	vand.u32 $0xFFF8, v62;
	v41 =	vld.idx.msk [tilespmem:v41+s18+$0x0], $0xffff;
	v45 =	vsel vm5, $0x0, v2  }
0xf3: {  	v38 =	vor.u32 v4, v63;
	vm6 =	veq.s32 v57, $0x0;
	v39 =	vadd.f32 v45, v39  }
0xf4: {  	v47 =	vand.u32 $0xFFF8, v46;
	v52 =	vadd.s32 s13, v21;
	v48 =	vsel vm6, $0x0, v2;
	v35 =	vld.idx.msk [tilespmem:v35+s18+$0x0], $0xffff  }
0xf5: {  	v36 =	vor.u32 v6, v47;
	vm7 =	veq.s32 v40, $0x0;
	v39 =	vadd.f32 v48, v39  }
0xf6: {  	v53 =	vand.u32 $0xFFF8, v52;
	v50 =	vand.u32 $0xFFF8, v49;
	v51 =	vsel vm7, $0x0, v2;
	v37 =	vld.idx.msk [tilespmem:v37+s18+$0x0], $0xffff  }
0xf7: {  	v40 =	vor.u32 v8, v50;
	vm8 =	veq.s32 v41, $0x0;
	v39 =	vadd.f32 v51, v39  }
0xf8: {  	v55 =	vadd.s32 s13, v22;
	v41 =	vor.u32 v10, v53;
	v54 =	vsel vm8, $0x0, v2;
	v38 =	vld.idx.msk [tilespmem:v38+s18+$0x0], $0xffff  }
0xf9: {  	v58 =	vadd.s32 s13, v23;
	vm9 =	veq.s32 v35, $0x0;
	v39 =	vadd.f32 v54, v39  }
0xfa: {  	v56 =	vand.u32 $0xFFF8, v55;
	v59 =	vand.u32 $0xFFF8, v58;
	v36 =	vld.idx.msk [tilespmem:v36+s18+$0x0], $0xffff;
	v57 =	vsel vm9, $0x0, v2  }
0xfb: {  	v35 =	vor.u32 v12, v56;
	vm10 =	veq.s32 v37, $0x0;
	v39 =	vadd.f32 v57, v39  }
0xfc: {  	v61 =	vadd.s32 s13, v24;
	v45 =	vadd.s32 s13, v25;
	v40 =	vld.idx.msk [tilespmem:v40+s18+$0x0], $0xffff;
	v60 =	vsel vm10, $0x0, v2  }
0xfd: {  	v37 =	vor.u32 v14, v59;
	vm11 =	veq.s32 v38, $0x0;
	v39 =	vadd.f32 v60, v39  }
0xfe: {  	v62 =	vand.u32 $0xFFF8, v61;
	v41 =	vld.idx.msk [tilespmem:v41+s18+$0x0], $0xffff;
	v46 =	vand.u32 $0xFFF8, v45;
	v63 =	vsel vm11, $0x0, v2  }
0xff: {  	vm12 =	veq.s32 v36, $0x0;
	v38 =	vor.u32 v16, v62;
	v39 =	vadd.f32 v63, v39  }
0x100: {  	v48 =	vadd.s32 s13, v26;
	v36 =	vor.u32 v1, v46;
	v47 =	vsel vm12, $0x0, v2;
	v35 =	vld.idx.msk [tilespmem:v35+s18+$0x0], $0xffff  }
0x101: {  	v51 =	vadd.s32 s13, v27;
	vm13 =	veq.s32 v40, $0x0;
	v39 =	vadd.f32 v47, v39  }
0x102: {  	v49 =	vand.u32 $0xFFF8, v48;
	v52 =	vand.u32 $0xFFF8, v51;
	v50 =	vsel vm13, $0x0, v2;
	v37 =	vld.idx.msk [tilespmem:v37+s18+$0x0], $0xffff  }
0x103: {  	v40 =	vor.u32 v4, v49;
	vm14 =	veq.s32 v41, $0x0;
	v39 =	vadd.f32 v50, v39  }
0x104: {  	v41 =	vor.u32 v6, v52;
	v54 =	vadd.s32 s13, v28;
	v53 =	vsel vm14, $0x0, v2;
	v38 =	vld.idx.msk [tilespmem:v38+s18+$0x0], $0xffff  }
0x105: {  	v57 =	vadd.s32 s13, v29;
	vm15 =	veq.s32 v35, $0x0;
	v39 =	vadd.f32 v53, v39  }
0x106: {  	v55 =	vand.u32 $0xFFF8, v54;
	v36 =	vld.idx.msk [tilespmem:v36+s18+$0x0], $0xffff;
	v58 =	vand.u32 $0xFFF8, v57;
	v56 =	vsel vm15, $0x0, v2  }
0x107: {  	v35 =	vor.u32 v8, v55;
	vm4 =	veq.s32 v37, $0x0;
	v39 =	vadd.f32 v56, v39  }
0x108: {  	v60 =	vadd.s32 s13, v30;
	v40 =	vld.idx.msk [tilespmem:v40+s18+$0x0], $0xffff;
	v63 =	vadd.s32 s13, v31;
	v59 =	vsel vm4, $0x0, v2  }
0x109: {  	v37 =	vor.u32 v10, v58;
	vm5 =	veq.s32 v38, $0x0;
	v39 =	vadd.f32 v59, v39  }
0x10a: {  	v61 =	vand.u32 $0xFFF8, v60;
	v41 =	vld.idx.msk [tilespmem:v41+s18+$0x0], $0xffff;
	v45 =	vand.u32 $0xFFF8, v63;
	v62 =	vsel vm5, $0x0, v2  }
0x10b: {  	vm6 =	veq.s32 v36, $0x0;
	v38 =	vor.u32 v12, v61;
	v39 =	vadd.f32 v62, v39  }
0x10c: {  	v36 =	vor.u32 v14, v45;
	v47 =	vadd.s32 s13, v32;
	v46 =	vsel vm6, $0x0, v2;
	v35 =	vld.idx.msk [tilespmem:v35+s18+$0x0], $0xffff  }
0x10d: {  	v48 =	vand.u32 $0xFFF8, v47;
	vm7 =	veq.s32 v40, $0x0;
	v39 =	vadd.f32 v46, v39  }
0x10e: {  	v40 =	vor.u32 v16, v48;
	v50 =	vadd.s32 s13, v33;
	v49 =	vsel vm7, $0x0, v2;
	v37 =	vld.idx.msk [tilespmem:v37+s18+$0x0], $0xffff  }
0x10f: {  	vm8 =	veq.s32 v41, $0x0;
	v51 =	vand.u32 $0xFFF8, v50;
	v39 =	vadd.f32 v49, v39  }
0x110: {  	v52 =	vsel vm8, $0x0, v2;
	v41 =	vor.u32 v1, v51;
	v38 =	vld.idx.msk [tilespmem:v38+s18+$0x0], $0xffff  }
0x111: {  	v53 =	vadd.s32 s13, v34;
	vm9 =	veq.s32 v35, $0x0;
	v39 =	vadd.f32 v52, v39  }
0x112: {  	v54 =	vld.idx.msk [tilespmem:v36+s18+$0x0], $0xffff;
	v55 =	vand.u32 $0xFFF8, v53;
	v56 =	vsel vm9, $0x0, v2  }
0x113: {  	v36 =	vor.u32 v4, v55;
	vm10 =	veq.s32 v37, $0x0;
	v39 =	vadd.f32 v56, v39  }
0x114: {  	v57 =	vld.idx.msk [tilespmem:v40+s18+$0x0], $0xffff;
	v58 =	vsel vm10, $0x0, v2  }
0x115: {  	vm11 =	veq.s32 v38, $0x0;
	v39 =	vadd.f32 v58, v39  }
0x116: {  	v59 =	vld.idx.msk [tilespmem:v41+s18+$0x0], $0xffff;
	v60 =	vsel vm11, $0x0, v2  }
0x117: {  	vm12 =	veq.s32 v54, $0x0;
	v39 =	vadd.f32 v60, v39  }
0x118: {  	v61 =	vld.idx.msk [tilespmem:v36+s18+$0x0], $0xffff;
	v62 =	vsel vm12, $0x0, v2  }
0x119: {  	vm13 =	veq.s32 v57, $0x0;
	v36 =	vadd.f32 v62, v39  }
0x11a: {  	v37 =	vsel vm13, $0x0, v2  }
0x11b: {  	vm14 =	veq.s32 v59, $0x0;
	v36 =	vadd.f32 v37, v36  }
0x11c: {  	v63 =	vsel vm14, $0x0, v2  }
0x11d: {  	vm15 =	veq.s32 v61, $0x0;
	v36 =	vadd.f32 v63, v36  }
0x11e: {  	v35 =	vsel vm15, $0x0, v2  }
0x11f: {  	v35 =	vadd.f32 v35, v36  }
0x120: {  	s4 =	sadd.s32 $0x10, s4  }
0x121: {  	s15 =	simm.s32 $0x17628;
	s13 =	rddreg [dreg:$0xe];
	[tilespmem:s4+$0x0] =	vst v35  }
0x122: {  	[hbm4b:s13+s14] =	stream.linear.scatter [tilespmem:s15], [sflag:$0xC], $0x400, $0x38;
	[tilespmem:$0x17A28] =	vst v63  }
0x123: {  	_ =	swait.ge [sflag:s21], $0x400  }
0x124: {  	[sflag:s21] =	ssyncset.done $0x0  }
0x125: {  	[sflag:s21] =	ssyncadd.s32 $0xFFFFFC00  }
0x126: {  	_ =	swait.ge [sflag:s22], $0x1E84  }
0x127: {  	[sflag:s22] =	ssyncset.done $0x0  }
0x128: {  	s4 =	simm.s32 @!p1 $0x3;
	[sflag:s22] =	ssyncadd.s32 $0xFFFFE17C  }
0x129: {  	_ =	swait.ge @!p1 [sflag:s4], $0x8  }
0x12a: {  	[sflag:s4] =	ssyncset.done @!p1 $0x0  }
0x12b: {  	[sflag:s4] =	ssyncadd.s32 @!p1 $0xFFFFFFF8  }
0x12c: {  	[bflag:$0x0] =	sbarrier.arrive $0xFFFF  }
0x12d: {  	[tilespmem:s24], [sflag:$0x4] =	stream.indirect.gather [spmem:s3], $0x1, s18, s23, $0xb8;
	[tilespmem:$0x17A28] =	vst v63  }
0x12e: {  	s16 =	simm.s32 $0xF768  }
0x12f: {  	[tilespmem:s26], [sflag:$0x5] =	stream.indirect.gather [spmem:s3], $0x1, s16, s23, $0xb8;
	[tilespmem:$0x17A28] =	vst v63  }
0x130: {  	s20 =	simm.s32 $0xFAA8  }
0x131: {  	[tilespmem:s29], [sflag:$0x6] =	stream.indirect.gather [spmem:s3], $0x1, s20, s23, $0xb8;
	[tilespmem:$0x17A28] =	vst v63  }
0x132: {  	s13 =	simm.s32 $0xFDE8  }
0x133: {  	[tilespmem:s31], [sflag:$0x7] =	stream.indirect.gather [spmem:s3], $0x1, s13, s23, $0xb8;
	[tilespmem:$0x17A28] =	vst v63  }
0x134: {  	s14 =	simm.s32 $0x10128  }
0x135: {  	[tilespmem:s1], [sflag:$0x8] =	stream.indirect.gather [spmem:s3], $0x1, s14, s23, $0xb8;
	[tilespmem:$0x17A28] =	vst v63  }
0x136: {  	s15 =	simm.s32 $0x10468  }
0x137: {  	[tilespmem:s25], [sflag:$0x9] =	stream.indirect.gather [spmem:s3], $0x1, s15, s23, $0xb8;
	[tilespmem:$0x17A28] =	vst v63  }
0x138: {  	s16 =	simm.s32 $0x107A8  }
0x139: {  	[tilespmem:s30], [sflag:$0xA] =	stream.indirect.gather [spmem:s3], $0x1, s16, s23, $0xb8;
	[tilespmem:$0x17A28] =	vst v63  }
0x13a: {  	s20 =	simm.s32 $0x10AE8;
	s13 =	simm.s32 $0x0  }
0x13b: {  	[tilespmem:s2], [sflag:$0xB] =	stream.indirect.gather [spmem:s3], $0x1, s20, s23, $0xb8;
	[tilespmem:$0x17A28] =	vst v63  }
.LBB2_27:
0x13c: {  	s4 =	sshll.u32 s13, $0x8  }
0x13d: {  	_ =	swait.ge [sflag:s28], $0x340;
	s20 =	sand.u32 $0x3FFFFF00, s4  }
0x13e: {  	[sflag:s28] =	ssyncset.done $0x0;
	s4 =	sadd.s32 $0x17628, s20  }
0x13f: {  	p2 =	por $0x1, $0x1;
	[sflag:s28] =	ssyncadd.s32 $0xFFFFFCC0;
	v35 =	vmov s4;
	s4 =	simm.s32 $0x0  }
.LBB2_28:
0x140: {  	s14 =	smul.u32 $0x1A0, s4;
	_ =	sdelay $0x1  }
0x141: {  	v36 =	vadd.s32 s14, v0  }
0x142: {  	v36 =	vand.u32 $0x3F8, v36  }
0x143: {  	v37 =	vadd.s32 s14, v3;
	v36 =	vor.u32 v1, v36  }
0x144: {  	v37 =	vand.u32 $0x3F8, v37  }
0x145: {  	v38 =	vadd.s32 s14, v5;
	v37 =	vor.u32 v4, v37  }
0x146: {  	v38 =	vand.u32 $0x3F8, v38  }
0x147: {  	v39 =	vadd.s32 s14, v7;
	v38 =	vor.u32 v6, v38  }
0x148: {  	v39 =	vand.u32 $0x3F8, v39;
	v36 =	vld.idx.msk [tilespmem:v36+s24+$0x0], $0xffff  }
0x149: {  	v40 =	vadd.s32 s14, v9;
	v39 =	vor.u32 v8, v39  }
0x14a: {  	v40 =	vand.u32 $0x3F8, v40;
	v37 =	vld.idx.msk [tilespmem:v37+s24+$0x0], $0xffff  }
0x14b: {  	v41 =	vadd.s32 s14, v11;
	v40 =	vor.u32 v10, v40  }
0x14c: {  	v41 =	vand.u32 $0x3F8, v41;
	v38 =	vld.idx.msk [tilespmem:v38+s24+$0x0], $0xffff  }
0x14d: {  	v42 =	vadd.s32 s14, v13;
	v41 =	vor.u32 v12, v41;
	v36 =	vadd.f32 $0.0e+00, v36  }
0x14e: {  	v42 =	vand.u32 $0x3F8, v42;
	v39 =	vld.idx.msk [tilespmem:v39+s24+$0x0], $0xffff  }
0x14f: {  	v62 =	vadd.s32 s14, v15;
	v61 =	vor.u32 v14, v42;
	v36 =	vadd.f32 v37, v36  }
0x150: {  	v42 =	vand.u32 $0x3F8, v62;
	v40 =	vld.idx.msk [tilespmem:v40+s24+$0x0], $0xffff  }
0x151: {  	v45 =	vadd.s32 s14, v17;
	v63 =	vor.u32 v16, v42;
	v36 =	vadd.f32 v38, v36  }
0x152: {  	v42 =	vand.u32 $0x3F8, v45;
	v41 =	vld.idx.msk [tilespmem:v41+s24+$0x0], $0xffff  }
0x153: {  	v47 =	vadd.s32 s14, v18;
	v46 =	vor.u32 v1, v42;
	v36 =	vadd.f32 v39, v36  }
0x154: {  	v42 =	vand.u32 $0x3F8, v47;
	v37 =	vld.idx.msk [tilespmem:v61+s24+$0x0], $0xffff  }
0x155: {  	v49 =	vadd.s32 s14, v19;
	v48 =	vor.u32 v4, v42;
	v36 =	vadd.f32 v40, v36  }
0x156: {  	v42 =	vand.u32 $0x3F8, v49;
	v38 =	vld.idx.msk [tilespmem:v63+s24+$0x0], $0xffff  }
0x157: {  	v51 =	vadd.s32 s14, v20;
	v50 =	vor.u32 v6, v42;
	v36 =	vadd.f32 v41, v36  }
0x158: {  	v42 =	vand.u32 $0x3F8, v51;
	v39 =	vld.idx.msk [tilespmem:v46+s24+$0x0], $0xffff  }
0x159: {  	v53 =	vadd.s32 s14, v21;
	v52 =	vor.u32 v8, v42;
	v36 =	vadd.f32 v37, v36  }
0x15a: {  	v42 =	vand.u32 $0x3F8, v53;
	v40 =	vld.idx.msk [tilespmem:v48+s24+$0x0], $0xffff  }
0x15b: {  	v55 =	vadd.s32 s14, v22;
	v54 =	vor.u32 v10, v42;
	v36 =	vadd.f32 v38, v36  }
0x15c: {  	v42 =	vand.u32 $0x3F8, v55;
	v41 =	vld.idx.msk [tilespmem:v50+s24+$0x0], $0xffff  }
0x15d: {  	v57 =	vadd.s32 s14, v23;
	v56 =	vor.u32 v12, v42;
	v36 =	vadd.f32 v39, v36  }
0x15e: {  	v42 =	vand.u32 $0x3F8, v57;
	v37 =	vld.idx.msk [tilespmem:v52+s24+$0x0], $0xffff  }
0x15f: {  	v59 =	vadd.s32 s14, v24;
	v58 =	vor.u32 v14, v42;
	v36 =	vadd.f32 v40, v36  }
0x160: {  	v42 =	vand.u32 $0x3F8, v59;
	v38 =	vld.idx.msk [tilespmem:v54+s24+$0x0], $0xffff  }
0x161: {  	v60 =	vor.u32 v16, v42;
	v61 =	vadd.s32 s14, v25;
	v36 =	vadd.f32 v41, v36  }
0x162: {  	v42 =	vand.u32 $0x3F8, v61;
	v39 =	vld.idx.msk [tilespmem:v56+s24+$0x0], $0xffff  }
0x163: {  	v62 =	vor.u32 v1, v42;
	v63 =	vadd.s32 s14, v26;
	v36 =	vadd.f32 v37, v36  }
0x164: {  	v42 =	vand.u32 $0x3F8, v63;
	v40 =	vld.idx.msk [tilespmem:v58+s24+$0x0], $0xffff  }
0x165: {  	v45 =	vor.u32 v4, v42;
	v46 =	vadd.s32 s14, v27;
	v36 =	vadd.f32 v38, v36  }
0x166: {  	v42 =	vand.u32 $0x3F8, v46;
	v41 =	vld.idx.msk [tilespmem:v60+s24+$0x0], $0xffff  }
0x167: {  	v47 =	vor.u32 v6, v42;
	v48 =	vadd.s32 s14, v28;
	v36 =	vadd.f32 v39, v36  }
0x168: {  	v42 =	vand.u32 $0x3F8, v48;
	v37 =	vld.idx.msk [tilespmem:v62+s24+$0x0], $0xffff  }
0x169: {  	v49 =	vor.u32 v8, v42;
	v50 =	vadd.s32 s14, v29;
	v36 =	vadd.f32 v40, v36  }
0x16a: {  	v42 =	vand.u32 $0x3F8, v50;
	v38 =	vld.idx.msk [tilespmem:v45+s24+$0x0], $0xffff  }
0x16b: {  	v51 =	vor.u32 v10, v42;
	v52 =	vadd.s32 s14, v30;
	v36 =	vadd.f32 v41, v36  }
0x16c: {  	v42 =	vand.u32 $0x3F8, v52;
	v39 =	vld.idx.msk [tilespmem:v47+s24+$0x0], $0xffff  }
0x16d: {  	v53 =	vor.u32 v12, v42;
	v54 =	vadd.s32 s14, v31;
	v36 =	vadd.f32 v37, v36  }
0x16e: {  	v42 =	vand.u32 $0x3F8, v54;
	v40 =	vld.idx.msk [tilespmem:v49+s24+$0x0], $0xffff  }
0x16f: {  	v55 =	vor.u32 v14, v42;
	v56 =	vadd.s32 s14, v32;
	v36 =	vadd.f32 v38, v36  }
0x170: {  	v42 =	vand.u32 $0x3F8, v56;
	v41 =	vld.idx.msk [tilespmem:v51+s24+$0x0], $0xffff  }
0x171: {  	v57 =	vor.u32 v16, v42;
	v58 =	vadd.s32 s14, v33;
	v36 =	vadd.f32 v39, v36  }
0x172: {  	v42 =	vand.u32 $0x3F8, v58;
	v37 =	vld.idx.msk [tilespmem:v53+s24+$0x0], $0xffff  }
0x173: {  	v59 =	vor.u32 v1, v42;
	v60 =	vadd.s32 s14, v34;
	v36 =	vadd.f32 v40, v36  }
0x174: {  	v42 =	vand.u32 $0x3F8, v60;
	v38 =	vld.idx.msk [tilespmem:v55+s24+$0x0], $0xffff  }
0x175: {  	v61 =	vor.u32 v4, v42;
	v36 =	vadd.f32 v41, v36  }
0x176: {  	v39 =	vld.idx.msk [tilespmem:v57+s24+$0x0], $0xffff  }
0x177: {  	v36 =	vadd.f32 v37, v36  }
0x178: {  	v62 =	vld.idx.msk [tilespmem:v59+s24+$0x0], $0xffff  }
0x179: {  	v36 =	vadd.f32 v38, v36  }
0x17a: {  	v63 =	vld.idx.msk [tilespmem:v61+s24+$0x0], $0xffff  }
0x17b: {  	v36 =	vadd.f32 v39, v36  }
0x17c: {  	p3 =	por p2, p2  }
.Ltmp4:
0x17d: {  	v36 =	vadd.f32 v62, v36;
	(pc) =	sbr.rel @p3 .LBB2_28-.Ltmp4, $4  }
0x17e: {  	_ = 	snop  }
0x17f: {  	s16 =	sshll.u32 s4, $0x4;
	v36 =	vadd.f32 v63, v36  }
0x180: {  	s4 =	sand.u32 $0x3FFFFFF0, s16  }
0x181: {  	p2 =	por $0x0, $0x0;
	[tilespmem:v35+s4+$0x0 ss:$0x1] =	vst.idx.msk $0xffff, v36;
	s4 =	simm.s32 $0x1  }
0x182: {  	p2 =	seq.s32 s13, $0x3  }
0x183: {  	s4 =	smul.u32 @!p2 $0x6800, s13;
	_ =	sdelay $0x1  }
0x184: {  	s4 =	sshra.s32 @!p2 s4, $0x2  }
0x185: {  	s15 =	simm.s32 @!p2 $0x340;
	s16 =	simm.s32 @!p2 $0x15C28;
	s14 =	sadd.s32 @!p2 $0x10E28, s4  }
0x186: {  	[tilespmem:s16], [sflag:$0x4] =	stream.indirect.gather @!p2 [spmem:s3], $0x1, s14, s15, $0xb8;
	[tilespmem:$0x17A28] =	vst v63  }
0x187: {  	_ =	swait.ge [sflag:s0], $0x340  }
0x188: {  	s16 =	sadd.s32 $0x17648, s20;
	[sflag:s0] =	ssyncset.done $0x0  }
0x189: {  	p3 =	por $0x1, $0x1;
	s14 =	simm.s32 $0x0;
	v35 =	vmov s16;
	[sflag:s0] =	ssyncadd.s32 $0xFFFFFCC0  }
.LBB2_30:
0x18a: {  	s15 =	smul.u32 $0x1A0, s14;
	_ =	sdelay $0x1  }
0x18b: {  	v36 =	vadd.s32 s15, v0  }
0x18c: {  	v36 =	vand.u32 $0x3F8, v36  }
0x18d: {  	v37 =	vadd.s32 s15, v3;
	v36 =	vor.u32 v1, v36  }
0x18e: {  	v37 =	vand.u32 $0x3F8, v37  }
0x18f: {  	v38 =	vadd.s32 s15, v5;
	v37 =	vor.u32 v4, v37  }
0x190: {  	v38 =	vand.u32 $0x3F8, v38  }
0x191: {  	v39 =	vadd.s32 s15, v7;
	v38 =	vor.u32 v6, v38  }
0x192: {  	v39 =	vand.u32 $0x3F8, v39;
	v36 =	vld.idx.msk [tilespmem:v36+s26+$0x0], $0xffff  }
0x193: {  	v40 =	vadd.s32 s15, v9;
	v39 =	vor.u32 v8, v39  }
0x194: {  	v40 =	vand.u32 $0x3F8, v40;
	v37 =	vld.idx.msk [tilespmem:v37+s26+$0x0], $0xffff  }
0x195: {  	v41 =	vadd.s32 s15, v11;
	v40 =	vor.u32 v10, v40  }
0x196: {  	v41 =	vand.u32 $0x3F8, v41;
	v38 =	vld.idx.msk [tilespmem:v38+s26+$0x0], $0xffff  }
0x197: {  	v42 =	vadd.s32 s15, v13;
	v41 =	vor.u32 v12, v41;
	v36 =	vadd.f32 $0.0e+00, v36  }
0x198: {  	v42 =	vand.u32 $0x3F8, v42;
	v39 =	vld.idx.msk [tilespmem:v39+s26+$0x0], $0xffff  }
0x199: {  	v62 =	vadd.s32 s15, v15;
	v61 =	vor.u32 v14, v42;
	v36 =	vadd.f32 v37, v36  }
0x19a: {  	v42 =	vand.u32 $0x3F8, v62;
	v40 =	vld.idx.msk [tilespmem:v40+s26+$0x0], $0xffff  }
0x19b: {  	v45 =	vadd.s32 s15, v17;
	v63 =	vor.u32 v16, v42;
	v36 =	vadd.f32 v38, v36  }
0x19c: {  	v42 =	vand.u32 $0x3F8, v45;
	v41 =	vld.idx.msk [tilespmem:v41+s26+$0x0], $0xffff  }
0x19d: {  	v47 =	vadd.s32 s15, v18;
	v46 =	vor.u32 v1, v42;
	v36 =	vadd.f32 v39, v36  }
0x19e: {  	v42 =	vand.u32 $0x3F8, v47;
	v37 =	vld.idx.msk [tilespmem:v61+s26+$0x0], $0xffff  }
0x19f: {  	v49 =	vadd.s32 s15, v19;
	v48 =	vor.u32 v4, v42;
	v36 =	vadd.f32 v40, v36  }
0x1a0: {  	v42 =	vand.u32 $0x3F8, v49;
	v38 =	vld.idx.msk [tilespmem:v63+s26+$0x0], $0xffff  }
0x1a1: {  	v51 =	vadd.s32 s15, v20;
	v50 =	vor.u32 v6, v42;
	v36 =	vadd.f32 v41, v36  }
0x1a2: {  	v42 =	vand.u32 $0x3F8, v51;
	v39 =	vld.idx.msk [tilespmem:v46+s26+$0x0], $0xffff  }
0x1a3: {  	v53 =	vadd.s32 s15, v21;
	v52 =	vor.u32 v8, v42;
	v36 =	vadd.f32 v37, v36  }
0x1a4: {  	v42 =	vand.u32 $0x3F8, v53;
	v40 =	vld.idx.msk [tilespmem:v48+s26+$0x0], $0xffff  }
0x1a5: {  	v55 =	vadd.s32 s15, v22;
	v54 =	vor.u32 v10, v42;
	v36 =	vadd.f32 v38, v36  }
0x1a6: {  	v42 =	vand.u32 $0x3F8, v55;
	v41 =	vld.idx.msk [tilespmem:v50+s26+$0x0], $0xffff  }
0x1a7: {  	v57 =	vadd.s32 s15, v23;
	v56 =	vor.u32 v12, v42;
	v36 =	vadd.f32 v39, v36  }
0x1a8: {  	v42 =	vand.u32 $0x3F8, v57;
	v37 =	vld.idx.msk [tilespmem:v52+s26+$0x0], $0xffff  }
0x1a9: {  	v59 =	vadd.s32 s15, v24;
	v58 =	vor.u32 v14, v42;
	v36 =	vadd.f32 v40, v36  }
0x1aa: {  	v42 =	vand.u32 $0x3F8, v59;
	v38 =	vld.idx.msk [tilespmem:v54+s26+$0x0], $0xffff  }
0x1ab: {  	v60 =	vor.u32 v16, v42;
	v61 =	vadd.s32 s15, v25;
	v36 =	vadd.f32 v41, v36  }
0x1ac: {  	v42 =	vand.u32 $0x3F8, v61;
	v39 =	vld.idx.msk [tilespmem:v56+s26+$0x0], $0xffff  }
0x1ad: {  	v62 =	vor.u32 v1, v42;
	v63 =	vadd.s32 s15, v26;
	v36 =	vadd.f32 v37, v36  }
0x1ae: {  	v42 =	vand.u32 $0x3F8, v63;
	v40 =	vld.idx.msk [tilespmem:v58+s26+$0x0], $0xffff  }
0x1af: {  	v45 =	vor.u32 v4, v42;
	v46 =	vadd.s32 s15, v27;
	v36 =	vadd.f32 v38, v36  }
0x1b0: {  	v42 =	vand.u32 $0x3F8, v46;
	v41 =	vld.idx.msk [tilespmem:v60+s26+$0x0], $0xffff  }
0x1b1: {  	v47 =	vor.u32 v6, v42;
	v48 =	vadd.s32 s15, v28;
	v36 =	vadd.f32 v39, v36  }
0x1b2: {  	v42 =	vand.u32 $0x3F8, v48;
	v37 =	vld.idx.msk [tilespmem:v62+s26+$0x0], $0xffff  }
0x1b3: {  	v49 =	vor.u32 v8, v42;
	v50 =	vadd.s32 s15, v29;
	v36 =	vadd.f32 v40, v36  }
0x1b4: {  	v42 =	vand.u32 $0x3F8, v50;
	v38 =	vld.idx.msk [tilespmem:v45+s26+$0x0], $0xffff  }
0x1b5: {  	v51 =	vor.u32 v10, v42;
	v52 =	vadd.s32 s15, v30;
	v36 =	vadd.f32 v41, v36  }
0x1b6: {  	v42 =	vand.u32 $0x3F8, v52;
	v39 =	vld.idx.msk [tilespmem:v47+s26+$0x0], $0xffff  }
0x1b7: {  	v53 =	vor.u32 v12, v42;
	v54 =	vadd.s32 s15, v31;
	v36 =	vadd.f32 v37, v36  }
0x1b8: {  	v42 =	vand.u32 $0x3F8, v54;
	v40 =	vld.idx.msk [tilespmem:v49+s26+$0x0], $0xffff  }
0x1b9: {  	v55 =	vor.u32 v14, v42;
	v56 =	vadd.s32 s15, v32;
	v36 =	vadd.f32 v38, v36  }
0x1ba: {  	v42 =	vand.u32 $0x3F8, v56;
	v41 =	vld.idx.msk [tilespmem:v51+s26+$0x0], $0xffff  }
0x1bb: {  	v57 =	vor.u32 v16, v42;
	v58 =	vadd.s32 s15, v33;
	v36 =	vadd.f32 v39, v36  }
0x1bc: {  	v42 =	vand.u32 $0x3F8, v58;
	v37 =	vld.idx.msk [tilespmem:v53+s26+$0x0], $0xffff  }
0x1bd: {  	v59 =	vor.u32 v1, v42;
	v60 =	vadd.s32 s15, v34;
	v36 =	vadd.f32 v40, v36  }
0x1be: {  	v42 =	vand.u32 $0x3F8, v60;
	v38 =	vld.idx.msk [tilespmem:v55+s26+$0x0], $0xffff  }
0x1bf: {  	v61 =	vor.u32 v4, v42;
	v36 =	vadd.f32 v41, v36  }
0x1c0: {  	v39 =	vld.idx.msk [tilespmem:v57+s26+$0x0], $0xffff  }
0x1c1: {  	v36 =	vadd.f32 v37, v36  }
0x1c2: {  	v62 =	vld.idx.msk [tilespmem:v59+s26+$0x0], $0xffff  }
0x1c3: {  	v36 =	vadd.f32 v38, v36  }
0x1c4: {  	v63 =	vld.idx.msk [tilespmem:v61+s26+$0x0], $0xffff  }
0x1c5: {  	v36 =	vadd.f32 v39, v36  }
0x1c6: {  	p4 =	por p3, p3  }
.Ltmp5:
0x1c7: {  	v36 =	vadd.f32 v62, v36;
	(pc) =	sbr.rel @p4 .LBB2_30-.Ltmp5, $4  }
0x1c8: {  	_ = 	snop  }
0x1c9: {  	s16 =	sshll.u32 s14, $0x4;
	v36 =	vadd.f32 v63, v36  }
0x1ca: {  	s14 =	sand.u32 $0x3FFFFFF0, s16  }
0x1cb: {  	p3 =	por $0x0, $0x0;
	[tilespmem:v35+s14+$0x0 ss:$0x1] =	vst.idx.msk $0xffff, v36;
	s14 =	simm.s32 $0x1  }
0x1cc: {  	s14 =	sadd.s32 @!p2 $0x11168, s4;
	s15 =	simm.s32 @!p2 $0x340;
	s16 =	simm.s32 @!p2 $0x15F68  }
0x1cd: {  	[tilespmem:s16], [sflag:$0x5] =	stream.indirect.gather @!p2 [spmem:s3], $0x1, s14, s15, $0xb8;
	[tilespmem:$0x17A28] =	vst v63  }
0x1ce: {  	_ =	swait.ge [sflag:s5], $0x340  }
0x1cf: {  	s16 =	sadd.s32 $0x17668, s20;
	[sflag:s5] =	ssyncset.done $0x0  }
0x1d0: {  	p3 =	por $0x1, $0x1;
	s14 =	simm.s32 $0x0;
	v35 =	vmov s16;
	[sflag:s5] =	ssyncadd.s32 $0xFFFFFCC0  }
.LBB2_32:
0x1d1: {  	s15 =	smul.u32 $0x1A0, s14;
	_ =	sdelay $0x1  }
0x1d2: {  	v36 =	vadd.s32 s15, v0  }
0x1d3: {  	v36 =	vand.u32 $0x3F8, v36  }
0x1d4: {  	v37 =	vadd.s32 s15, v3;
	v36 =	vor.u32 v1, v36  }
0x1d5: {  	v37 =	vand.u32 $0x3F8, v37  }
0x1d6: {  	v38 =	vadd.s32 s15, v5;
	v37 =	vor.u32 v4, v37  }
0x1d7: {  	v38 =	vand.u32 $0x3F8, v38  }
0x1d8: {  	v39 =	vadd.s32 s15, v7;
	v38 =	vor.u32 v6, v38  }
0x1d9: {  	v39 =	vand.u32 $0x3F8, v39;
	v36 =	vld.idx.msk [tilespmem:v36+s29+$0x0], $0xffff  }
0x1da: {  	v40 =	vadd.s32 s15, v9;
	v39 =	vor.u32 v8, v39  }
0x1db: {  	v40 =	vand.u32 $0x3F8, v40;
	v37 =	vld.idx.msk [tilespmem:v37+s29+$0x0], $0xffff  }
0x1dc: {  	v41 =	vadd.s32 s15, v11;
	v40 =	vor.u32 v10, v40  }
0x1dd: {  	v41 =	vand.u32 $0x3F8, v41;
	v38 =	vld.idx.msk [tilespmem:v38+s29+$0x0], $0xffff  }
0x1de: {  	v42 =	vadd.s32 s15, v13;
	v41 =	vor.u32 v12, v41;
	v36 =	vadd.f32 $0.0e+00, v36  }
0x1df: {  	v42 =	vand.u32 $0x3F8, v42;
	v39 =	vld.idx.msk [tilespmem:v39+s29+$0x0], $0xffff  }
0x1e0: {  	v62 =	vadd.s32 s15, v15;
	v61 =	vor.u32 v14, v42;
	v36 =	vadd.f32 v37, v36  }
0x1e1: {  	v42 =	vand.u32 $0x3F8, v62;
	v40 =	vld.idx.msk [tilespmem:v40+s29+$0x0], $0xffff  }
0x1e2: {  	v45 =	vadd.s32 s15, v17;
	v63 =	vor.u32 v16, v42;
	v36 =	vadd.f32 v38, v36  }
0x1e3: {  	v42 =	vand.u32 $0x3F8, v45;
	v41 =	vld.idx.msk [tilespmem:v41+s29+$0x0], $0xffff  }
0x1e4: {  	v47 =	vadd.s32 s15, v18;
	v46 =	vor.u32 v1, v42;
	v36 =	vadd.f32 v39, v36  }
0x1e5: {  	v42 =	vand.u32 $0x3F8, v47;
	v37 =	vld.idx.msk [tilespmem:v61+s29+$0x0], $0xffff  }
0x1e6: {  	v49 =	vadd.s32 s15, v19;
	v48 =	vor.u32 v4, v42;
	v36 =	vadd.f32 v40, v36  }
0x1e7: {  	v42 =	vand.u32 $0x3F8, v49;
	v38 =	vld.idx.msk [tilespmem:v63+s29+$0x0], $0xffff  }
0x1e8: {  	v51 =	vadd.s32 s15, v20;
	v50 =	vor.u32 v6, v42;
	v36 =	vadd.f32 v41, v36  }
0x1e9: {  	v42 =	vand.u32 $0x3F8, v51;
	v39 =	vld.idx.msk [tilespmem:v46+s29+$0x0], $0xffff  }
0x1ea: {  	v53 =	vadd.s32 s15, v21;
	v52 =	vor.u32 v8, v42;
	v36 =	vadd.f32 v37, v36  }
0x1eb: {  	v42 =	vand.u32 $0x3F8, v53;
	v40 =	vld.idx.msk [tilespmem:v48+s29+$0x0], $0xffff  }
0x1ec: {  	v55 =	vadd.s32 s15, v22;
	v54 =	vor.u32 v10, v42;
	v36 =	vadd.f32 v38, v36  }
0x1ed: {  	v42 =	vand.u32 $0x3F8, v55;
	v41 =	vld.idx.msk [tilespmem:v50+s29+$0x0], $0xffff  }
0x1ee: {  	v57 =	vadd.s32 s15, v23;
	v56 =	vor.u32 v12, v42;
	v36 =	vadd.f32 v39, v36  }
0x1ef: {  	v42 =	vand.u32 $0x3F8, v57;
	v37 =	vld.idx.msk [tilespmem:v52+s29+$0x0], $0xffff  }
0x1f0: {  	v59 =	vadd.s32 s15, v24;
	v58 =	vor.u32 v14, v42;
	v36 =	vadd.f32 v40, v36  }
0x1f1: {  	v42 =	vand.u32 $0x3F8, v59;
	v38 =	vld.idx.msk [tilespmem:v54+s29+$0x0], $0xffff  }
0x1f2: {  	v60 =	vor.u32 v16, v42;
	v61 =	vadd.s32 s15, v25;
	v36 =	vadd.f32 v41, v36  }
0x1f3: {  	v42 =	vand.u32 $0x3F8, v61;
	v39 =	vld.idx.msk [tilespmem:v56+s29+$0x0], $0xffff  }
0x1f4: {  	v62 =	vor.u32 v1, v42;
	v63 =	vadd.s32 s15, v26;
	v36 =	vadd.f32 v37, v36  }
0x1f5: {  	v42 =	vand.u32 $0x3F8, v63;
	v40 =	vld.idx.msk [tilespmem:v58+s29+$0x0], $0xffff  }
0x1f6: {  	v45 =	vor.u32 v4, v42;
	v46 =	vadd.s32 s15, v27;
	v36 =	vadd.f32 v38, v36  }
0x1f7: {  	v42 =	vand.u32 $0x3F8, v46;
	v41 =	vld.idx.msk [tilespmem:v60+s29+$0x0], $0xffff  }
0x1f8: {  	v47 =	vor.u32 v6, v42;
	v48 =	vadd.s32 s15, v28;
	v36 =	vadd.f32 v39, v36  }
0x1f9: {  	v42 =	vand.u32 $0x3F8, v48;
	v37 =	vld.idx.msk [tilespmem:v62+s29+$0x0], $0xffff  }
0x1fa: {  	v49 =	vor.u32 v8, v42;
	v50 =	vadd.s32 s15, v29;
	v36 =	vadd.f32 v40, v36  }
0x1fb: {  	v42 =	vand.u32 $0x3F8, v50;
	v38 =	vld.idx.msk [tilespmem:v45+s29+$0x0], $0xffff  }
0x1fc: {  	v51 =	vor.u32 v10, v42;
	v52 =	vadd.s32 s15, v30;
	v36 =	vadd.f32 v41, v36  }
0x1fd: {  	v42 =	vand.u32 $0x3F8, v52;
	v39 =	vld.idx.msk [tilespmem:v47+s29+$0x0], $0xffff  }
0x1fe: {  	v53 =	vor.u32 v12, v42;
	v54 =	vadd.s32 s15, v31;
	v36 =	vadd.f32 v37, v36  }
0x1ff: {  	v42 =	vand.u32 $0x3F8, v54;
	v40 =	vld.idx.msk [tilespmem:v49+s29+$0x0], $0xffff  }
0x200: {  	v55 =	vor.u32 v14, v42;
	v56 =	vadd.s32 s15, v32;
	v36 =	vadd.f32 v38, v36  }
0x201: {  	v42 =	vand.u32 $0x3F8, v56;
	v41 =	vld.idx.msk [tilespmem:v51+s29+$0x0], $0xffff  }
0x202: {  	v57 =	vor.u32 v16, v42;
	v58 =	vadd.s32 s15, v33;
	v36 =	vadd.f32 v39, v36  }
0x203: {  	v42 =	vand.u32 $0x3F8, v58;
	v37 =	vld.idx.msk [tilespmem:v53+s29+$0x0], $0xffff  }
0x204: {  	v59 =	vor.u32 v1, v42;
	v60 =	vadd.s32 s15, v34;
	v36 =	vadd.f32 v40, v36  }
0x205: {  	v42 =	vand.u32 $0x3F8, v60;
	v38 =	vld.idx.msk [tilespmem:v55+s29+$0x0], $0xffff  }
0x206: {  	v61 =	vor.u32 v4, v42;
	v36 =	vadd.f32 v41, v36  }
0x207: {  	v39 =	vld.idx.msk [tilespmem:v57+s29+$0x0], $0xffff  }
0x208: {  	v36 =	vadd.f32 v37, v36  }
0x209: {  	v62 =	vld.idx.msk [tilespmem:v59+s29+$0x0], $0xffff  }
0x20a: {  	v36 =	vadd.f32 v38, v36  }
0x20b: {  	v63 =	vld.idx.msk [tilespmem:v61+s29+$0x0], $0xffff  }
0x20c: {  	v36 =	vadd.f32 v39, v36  }
0x20d: {  	p4 =	por p3, p3  }
.Ltmp6:
0x20e: {  	v36 =	vadd.f32 v62, v36;
	(pc) =	sbr.rel @p4 .LBB2_32-.Ltmp6, $4  }
0x20f: {  	_ = 	snop  }
0x210: {  	s16 =	sshll.u32 s14, $0x4;
	v36 =	vadd.f32 v63, v36  }
0x211: {  	s14 =	sand.u32 $0x3FFFFFF0, s16  }
0x212: {  	p3 =	por $0x0, $0x0;
	[tilespmem:v35+s14+$0x0 ss:$0x1] =	vst.idx.msk $0xffff, v36;
	s14 =	simm.s32 $0x1  }
0x213: {  	s14 =	sadd.s32 @!p2 $0x114A8, s4;
	s15 =	simm.s32 @!p2 $0x340;
	s16 =	simm.s32 @!p2 $0x162A8  }
0x214: {  	[tilespmem:s16], [sflag:$0x6] =	stream.indirect.gather @!p2 [spmem:s3], $0x1, s14, s15, $0xb8;
	[tilespmem:$0x17A28] =	vst v63  }
0x215: {  	_ =	swait.ge [sflag:s6], $0x340  }
0x216: {  	s16 =	sadd.s32 $0x17688, s20;
	[sflag:s6] =	ssyncset.done $0x0  }
0x217: {  	p3 =	por $0x1, $0x1;
	s14 =	simm.s32 $0x0;
	v35 =	vmov s16;
	[sflag:s6] =	ssyncadd.s32 $0xFFFFFCC0  }
.LBB2_34:
0x218: {  	s15 =	smul.u32 $0x1A0, s14;
	_ =	sdelay $0x1  }
0x219: {  	v36 =	vadd.s32 s15, v0  }
0x21a: {  	v36 =	vand.u32 $0x3F8, v36  }
0x21b: {  	v37 =	vadd.s32 s15, v3;
	v36 =	vor.u32 v1, v36  }
0x21c: {  	v37 =	vand.u32 $0x3F8, v37  }
0x21d: {  	v38 =	vadd.s32 s15, v5;
	v37 =	vor.u32 v4, v37  }
0x21e: {  	v38 =	vand.u32 $0x3F8, v38  }
0x21f: {  	v39 =	vadd.s32 s15, v7;
	v38 =	vor.u32 v6, v38  }
0x220: {  	v39 =	vand.u32 $0x3F8, v39;
	v36 =	vld.idx.msk [tilespmem:v36+s31+$0x0], $0xffff  }
0x221: {  	v40 =	vadd.s32 s15, v9;
	v39 =	vor.u32 v8, v39  }
0x222: {  	v40 =	vand.u32 $0x3F8, v40;
	v37 =	vld.idx.msk [tilespmem:v37+s31+$0x0], $0xffff  }
0x223: {  	v41 =	vadd.s32 s15, v11;
	v40 =	vor.u32 v10, v40  }
0x224: {  	v41 =	vand.u32 $0x3F8, v41;
	v38 =	vld.idx.msk [tilespmem:v38+s31+$0x0], $0xffff  }
0x225: {  	v42 =	vadd.s32 s15, v13;
	v41 =	vor.u32 v12, v41;
	v36 =	vadd.f32 $0.0e+00, v36  }
0x226: {  	v42 =	vand.u32 $0x3F8, v42;
	v39 =	vld.idx.msk [tilespmem:v39+s31+$0x0], $0xffff  }
0x227: {  	v62 =	vadd.s32 s15, v15;
	v61 =	vor.u32 v14, v42;
	v36 =	vadd.f32 v37, v36  }
0x228: {  	v42 =	vand.u32 $0x3F8, v62;
	v40 =	vld.idx.msk [tilespmem:v40+s31+$0x0], $0xffff  }
0x229: {  	v45 =	vadd.s32 s15, v17;
	v63 =	vor.u32 v16, v42;
	v36 =	vadd.f32 v38, v36  }
0x22a: {  	v42 =	vand.u32 $0x3F8, v45;
	v41 =	vld.idx.msk [tilespmem:v41+s31+$0x0], $0xffff  }
0x22b: {  	v47 =	vadd.s32 s15, v18;
	v46 =	vor.u32 v1, v42;
	v36 =	vadd.f32 v39, v36  }
0x22c: {  	v42 =	vand.u32 $0x3F8, v47;
	v37 =	vld.idx.msk [tilespmem:v61+s31+$0x0], $0xffff  }
0x22d: {  	v49 =	vadd.s32 s15, v19;
	v48 =	vor.u32 v4, v42;
	v36 =	vadd.f32 v40, v36  }
0x22e: {  	v42 =	vand.u32 $0x3F8, v49;
	v38 =	vld.idx.msk [tilespmem:v63+s31+$0x0], $0xffff  }
0x22f: {  	v51 =	vadd.s32 s15, v20;
	v50 =	vor.u32 v6, v42;
	v36 =	vadd.f32 v41, v36  }
0x230: {  	v42 =	vand.u32 $0x3F8, v51;
	v39 =	vld.idx.msk [tilespmem:v46+s31+$0x0], $0xffff  }
0x231: {  	v53 =	vadd.s32 s15, v21;
	v52 =	vor.u32 v8, v42;
	v36 =	vadd.f32 v37, v36  }
0x232: {  	v42 =	vand.u32 $0x3F8, v53;
	v40 =	vld.idx.msk [tilespmem:v48+s31+$0x0], $0xffff  }
0x233: {  	v55 =	vadd.s32 s15, v22;
	v54 =	vor.u32 v10, v42;
	v36 =	vadd.f32 v38, v36  }
0x234: {  	v42 =	vand.u32 $0x3F8, v55;
	v41 =	vld.idx.msk [tilespmem:v50+s31+$0x0], $0xffff  }
0x235: {  	v57 =	vadd.s32 s15, v23;
	v56 =	vor.u32 v12, v42;
	v36 =	vadd.f32 v39, v36  }
0x236: {  	v42 =	vand.u32 $0x3F8, v57;
	v37 =	vld.idx.msk [tilespmem:v52+s31+$0x0], $0xffff  }
0x237: {  	v59 =	vadd.s32 s15, v24;
	v58 =	vor.u32 v14, v42;
	v36 =	vadd.f32 v40, v36  }
0x238: {  	v42 =	vand.u32 $0x3F8, v59;
	v38 =	vld.idx.msk [tilespmem:v54+s31+$0x0], $0xffff  }
0x239: {  	v60 =	vor.u32 v16, v42;
	v61 =	vadd.s32 s15, v25;
	v36 =	vadd.f32 v41, v36  }
0x23a: {  	v42 =	vand.u32 $0x3F8, v61;
	v39 =	vld.idx.msk [tilespmem:v56+s31+$0x0], $0xffff  }
0x23b: {  	v62 =	vor.u32 v1, v42;
	v63 =	vadd.s32 s15, v26;
	v36 =	vadd.f32 v37, v36  }
0x23c: {  	v42 =	vand.u32 $0x3F8, v63;
	v40 =	vld.idx.msk [tilespmem:v58+s31+$0x0], $0xffff  }
0x23d: {  	v45 =	vor.u32 v4, v42;
	v46 =	vadd.s32 s15, v27;
	v36 =	vadd.f32 v38, v36  }
0x23e: {  	v42 =	vand.u32 $0x3F8, v46;
	v41 =	vld.idx.msk [tilespmem:v60+s31+$0x0], $0xffff  }
0x23f: {  	v47 =	vor.u32 v6, v42;
	v48 =	vadd.s32 s15, v28;
	v36 =	vadd.f32 v39, v36  }
0x240: {  	v42 =	vand.u32 $0x3F8, v48;
	v37 =	vld.idx.msk [tilespmem:v62+s31+$0x0], $0xffff  }
0x241: {  	v49 =	vor.u32 v8, v42;
	v50 =	vadd.s32 s15, v29;
	v36 =	vadd.f32 v40, v36  }
0x242: {  	v42 =	vand.u32 $0x3F8, v50;
	v38 =	vld.idx.msk [tilespmem:v45+s31+$0x0], $0xffff  }
0x243: {  	v51 =	vor.u32 v10, v42;
	v52 =	vadd.s32 s15, v30;
	v36 =	vadd.f32 v41, v36  }
0x244: {  	v42 =	vand.u32 $0x3F8, v52;
	v39 =	vld.idx.msk [tilespmem:v47+s31+$0x0], $0xffff  }
0x245: {  	v53 =	vor.u32 v12, v42;
	v54 =	vadd.s32 s15, v31;
	v36 =	vadd.f32 v37, v36  }
0x246: {  	v42 =	vand.u32 $0x3F8, v54;
	v40 =	vld.idx.msk [tilespmem:v49+s31+$0x0], $0xffff  }
0x247: {  	v55 =	vor.u32 v14, v42;
	v56 =	vadd.s32 s15, v32;
	v36 =	vadd.f32 v38, v36  }
0x248: {  	v42 =	vand.u32 $0x3F8, v56;
	v41 =	vld.idx.msk [tilespmem:v51+s31+$0x0], $0xffff  }
0x249: {  	v57 =	vor.u32 v16, v42;
	v58 =	vadd.s32 s15, v33;
	v36 =	vadd.f32 v39, v36  }
0x24a: {  	v42 =	vand.u32 $0x3F8, v58;
	v37 =	vld.idx.msk [tilespmem:v53+s31+$0x0], $0xffff  }
0x24b: {  	v59 =	vor.u32 v1, v42;
	v60 =	vadd.s32 s15, v34;
	v36 =	vadd.f32 v40, v36  }
0x24c: {  	v42 =	vand.u32 $0x3F8, v60;
	v38 =	vld.idx.msk [tilespmem:v55+s31+$0x0], $0xffff  }
0x24d: {  	v61 =	vor.u32 v4, v42;
	v36 =	vadd.f32 v41, v36  }
0x24e: {  	v39 =	vld.idx.msk [tilespmem:v57+s31+$0x0], $0xffff  }
0x24f: {  	v36 =	vadd.f32 v37, v36  }
0x250: {  	v62 =	vld.idx.msk [tilespmem:v59+s31+$0x0], $0xffff  }
0x251: {  	v36 =	vadd.f32 v38, v36  }
0x252: {  	v63 =	vld.idx.msk [tilespmem:v61+s31+$0x0], $0xffff  }
0x253: {  	v36 =	vadd.f32 v39, v36  }
0x254: {  	p4 =	por p3, p3  }
.Ltmp7:
0x255: {  	v36 =	vadd.f32 v62, v36;
	(pc) =	sbr.rel @p4 .LBB2_34-.Ltmp7, $4  }
0x256: {  	_ = 	snop  }
0x257: {  	s16 =	sshll.u32 s14, $0x4;
	v36 =	vadd.f32 v63, v36  }
0x258: {  	s14 =	sand.u32 $0x3FFFFFF0, s16  }
0x259: {  	p3 =	por $0x0, $0x0;
	[tilespmem:v35+s14+$0x0 ss:$0x1] =	vst.idx.msk $0xffff, v36;
	s14 =	simm.s32 $0x1  }
0x25a: {  	s14 =	sadd.s32 @!p2 $0x117E8, s4;
	s15 =	simm.s32 @!p2 $0x340;
	s16 =	simm.s32 @!p2 $0x165E8  }
0x25b: {  	[tilespmem:s16], [sflag:$0x7] =	stream.indirect.gather @!p2 [spmem:s3], $0x1, s14, s15, $0xb8;
	[tilespmem:$0x17A28] =	vst v63  }
0x25c: {  	_ =	swait.ge [sflag:s8], $0x340  }
0x25d: {  	s16 =	sadd.s32 $0x176A8, s20;
	[sflag:s8] =	ssyncset.done $0x0  }
0x25e: {  	p3 =	por $0x1, $0x1;
	s14 =	simm.s32 $0x0;
	v35 =	vmov s16;
	[sflag:s8] =	ssyncadd.s32 $0xFFFFFCC0  }
.LBB2_36:
0x25f: {  	s15 =	smul.u32 $0x1A0, s14;
	_ =	sdelay $0x1  }
0x260: {  	v36 =	vadd.s32 s15, v0  }
0x261: {  	v36 =	vand.u32 $0x3F8, v36  }
0x262: {  	v37 =	vadd.s32 s15, v3;
	v36 =	vor.u32 v1, v36  }
0x263: {  	v37 =	vand.u32 $0x3F8, v37  }
0x264: {  	v38 =	vadd.s32 s15, v5;
	v37 =	vor.u32 v4, v37  }
0x265: {  	v38 =	vand.u32 $0x3F8, v38  }
0x266: {  	v39 =	vadd.s32 s15, v7;
	v38 =	vor.u32 v6, v38  }
0x267: {  	v39 =	vand.u32 $0x3F8, v39;
	v36 =	vld.idx.msk [tilespmem:v36+s1+$0x0], $0xffff  }
0x268: {  	v40 =	vadd.s32 s15, v9;
	v39 =	vor.u32 v8, v39  }
0x269: {  	v40 =	vand.u32 $0x3F8, v40;
	v37 =	vld.idx.msk [tilespmem:v37+s1+$0x0], $0xffff  }
0x26a: {  	v41 =	vadd.s32 s15, v11;
	v40 =	vor.u32 v10, v40  }
0x26b: {  	v41 =	vand.u32 $0x3F8, v41;
	v38 =	vld.idx.msk [tilespmem:v38+s1+$0x0], $0xffff  }
0x26c: {  	v42 =	vadd.s32 s15, v13;
	v41 =	vor.u32 v12, v41;
	v36 =	vadd.f32 $0.0e+00, v36  }
0x26d: {  	v42 =	vand.u32 $0x3F8, v42;
	v39 =	vld.idx.msk [tilespmem:v39+s1+$0x0], $0xffff  }
0x26e: {  	v62 =	vadd.s32 s15, v15;
	v61 =	vor.u32 v14, v42;
	v36 =	vadd.f32 v37, v36  }
0x26f: {  	v42 =	vand.u32 $0x3F8, v62;
	v40 =	vld.idx.msk [tilespmem:v40+s1+$0x0], $0xffff  }
0x270: {  	v45 =	vadd.s32 s15, v17;
	v63 =	vor.u32 v16, v42;
	v36 =	vadd.f32 v38, v36  }
0x271: {  	v42 =	vand.u32 $0x3F8, v45;
	v41 =	vld.idx.msk [tilespmem:v41+s1+$0x0], $0xffff  }
0x272: {  	v47 =	vadd.s32 s15, v18;
	v46 =	vor.u32 v1, v42;
	v36 =	vadd.f32 v39, v36  }
0x273: {  	v42 =	vand.u32 $0x3F8, v47;
	v37 =	vld.idx.msk [tilespmem:v61+s1+$0x0], $0xffff  }
0x274: {  	v49 =	vadd.s32 s15, v19;
	v48 =	vor.u32 v4, v42;
	v36 =	vadd.f32 v40, v36  }
0x275: {  	v42 =	vand.u32 $0x3F8, v49;
	v38 =	vld.idx.msk [tilespmem:v63+s1+$0x0], $0xffff  }
0x276: {  	v51 =	vadd.s32 s15, v20;
	v50 =	vor.u32 v6, v42;
	v36 =	vadd.f32 v41, v36  }
0x277: {  	v42 =	vand.u32 $0x3F8, v51;
	v39 =	vld.idx.msk [tilespmem:v46+s1+$0x0], $0xffff  }
0x278: {  	v53 =	vadd.s32 s15, v21;
	v52 =	vor.u32 v8, v42;
	v36 =	vadd.f32 v37, v36  }
0x279: {  	v42 =	vand.u32 $0x3F8, v53;
	v40 =	vld.idx.msk [tilespmem:v48+s1+$0x0], $0xffff  }
0x27a: {  	v55 =	vadd.s32 s15, v22;
	v54 =	vor.u32 v10, v42;
	v36 =	vadd.f32 v38, v36  }
0x27b: {  	v42 =	vand.u32 $0x3F8, v55;
	v41 =	vld.idx.msk [tilespmem:v50+s1+$0x0], $0xffff  }
0x27c: {  	v57 =	vadd.s32 s15, v23;
	v56 =	vor.u32 v12, v42;
	v36 =	vadd.f32 v39, v36  }
0x27d: {  	v42 =	vand.u32 $0x3F8, v57;
	v37 =	vld.idx.msk [tilespmem:v52+s1+$0x0], $0xffff  }
0x27e: {  	v59 =	vadd.s32 s15, v24;
	v58 =	vor.u32 v14, v42;
	v36 =	vadd.f32 v40, v36  }
0x27f: {  	v42 =	vand.u32 $0x3F8, v59;
	v38 =	vld.idx.msk [tilespmem:v54+s1+$0x0], $0xffff  }
0x280: {  	v60 =	vor.u32 v16, v42;
	v61 =	vadd.s32 s15, v25;
	v36 =	vadd.f32 v41, v36  }
0x281: {  	v42 =	vand.u32 $0x3F8, v61;
	v39 =	vld.idx.msk [tilespmem:v56+s1+$0x0], $0xffff  }
0x282: {  	v62 =	vor.u32 v1, v42;
	v63 =	vadd.s32 s15, v26;
	v36 =	vadd.f32 v37, v36  }
0x283: {  	v42 =	vand.u32 $0x3F8, v63;
	v40 =	vld.idx.msk [tilespmem:v58+s1+$0x0], $0xffff  }
0x284: {  	v45 =	vor.u32 v4, v42;
	v46 =	vadd.s32 s15, v27;
	v36 =	vadd.f32 v38, v36  }
0x285: {  	v42 =	vand.u32 $0x3F8, v46;
	v41 =	vld.idx.msk [tilespmem:v60+s1+$0x0], $0xffff  }
0x286: {  	v47 =	vor.u32 v6, v42;
	v48 =	vadd.s32 s15, v28;
	v36 =	vadd.f32 v39, v36  }
0x287: {  	v42 =	vand.u32 $0x3F8, v48;
	v37 =	vld.idx.msk [tilespmem:v62+s1+$0x0], $0xffff  }
0x288: {  	v49 =	vor.u32 v8, v42;
	v50 =	vadd.s32 s15, v29;
	v36 =	vadd.f32 v40, v36  }
0x289: {  	v42 =	vand.u32 $0x3F8, v50;
	v38 =	vld.idx.msk [tilespmem:v45+s1+$0x0], $0xffff  }
0x28a: {  	v51 =	vor.u32 v10, v42;
	v52 =	vadd.s32 s15, v30;
	v36 =	vadd.f32 v41, v36  }
0x28b: {  	v42 =	vand.u32 $0x3F8, v52;
	v39 =	vld.idx.msk [tilespmem:v47+s1+$0x0], $0xffff  }
0x28c: {  	v53 =	vor.u32 v12, v42;
	v54 =	vadd.s32 s15, v31;
	v36 =	vadd.f32 v37, v36  }
0x28d: {  	v42 =	vand.u32 $0x3F8, v54;
	v40 =	vld.idx.msk [tilespmem:v49+s1+$0x0], $0xffff  }
0x28e: {  	v55 =	vor.u32 v14, v42;
	v56 =	vadd.s32 s15, v32;
	v36 =	vadd.f32 v38, v36  }
0x28f: {  	v42 =	vand.u32 $0x3F8, v56;
	v41 =	vld.idx.msk [tilespmem:v51+s1+$0x0], $0xffff  }
0x290: {  	v57 =	vor.u32 v16, v42;
	v58 =	vadd.s32 s15, v33;
	v36 =	vadd.f32 v39, v36  }
0x291: {  	v42 =	vand.u32 $0x3F8, v58;
	v37 =	vld.idx.msk [tilespmem:v53+s1+$0x0], $0xffff  }
0x292: {  	v59 =	vor.u32 v1, v42;
	v60 =	vadd.s32 s15, v34;
	v36 =	vadd.f32 v40, v36  }
0x293: {  	v42 =	vand.u32 $0x3F8, v60;
	v38 =	vld.idx.msk [tilespmem:v55+s1+$0x0], $0xffff  }
0x294: {  	v61 =	vor.u32 v4, v42;
	v36 =	vadd.f32 v41, v36  }
0x295: {  	v39 =	vld.idx.msk [tilespmem:v57+s1+$0x0], $0xffff  }
0x296: {  	v36 =	vadd.f32 v37, v36  }
0x297: {  	v62 =	vld.idx.msk [tilespmem:v59+s1+$0x0], $0xffff  }
0x298: {  	v36 =	vadd.f32 v38, v36  }
0x299: {  	v63 =	vld.idx.msk [tilespmem:v61+s1+$0x0], $0xffff  }
0x29a: {  	v36 =	vadd.f32 v39, v36  }
0x29b: {  	p4 =	por p3, p3  }
.Ltmp8:
0x29c: {  	v36 =	vadd.f32 v62, v36;
	(pc) =	sbr.rel @p4 .LBB2_36-.Ltmp8, $4  }
0x29d: {  	_ = 	snop  }
0x29e: {  	s16 =	sshll.u32 s14, $0x4;
	v36 =	vadd.f32 v63, v36  }
0x29f: {  	s14 =	sand.u32 $0x3FFFFFF0, s16  }
0x2a0: {  	p3 =	por $0x0, $0x0;
	[tilespmem:v35+s14+$0x0 ss:$0x1] =	vst.idx.msk $0xffff, v36;
	s14 =	simm.s32 $0x1  }
0x2a1: {  	s14 =	sadd.s32 @!p2 $0x11B28, s4;
	s15 =	simm.s32 @!p2 $0x340;
	s16 =	simm.s32 @!p2 $0x16928  }
0x2a2: {  	[tilespmem:s16], [sflag:$0x8] =	stream.indirect.gather @!p2 [spmem:s3], $0x1, s14, s15, $0xb8;
	[tilespmem:$0x17A28] =	vst v63  }
0x2a3: {  	_ =	swait.ge [sflag:s9], $0x340  }
0x2a4: {  	s16 =	sadd.s32 $0x176C8, s20;
	[sflag:s9] =	ssyncset.done $0x0  }
0x2a5: {  	p3 =	por $0x1, $0x1;
	s14 =	simm.s32 $0x0;
	v35 =	vmov s16;
	[sflag:s9] =	ssyncadd.s32 $0xFFFFFCC0  }
.LBB2_38:
0x2a6: {  	s15 =	smul.u32 $0x1A0, s14;
	_ =	sdelay $0x1  }
0x2a7: {  	v36 =	vadd.s32 s15, v0  }
0x2a8: {  	v36 =	vand.u32 $0x3F8, v36  }
0x2a9: {  	v37 =	vadd.s32 s15, v3;
	v36 =	vor.u32 v1, v36  }
0x2aa: {  	v37 =	vand.u32 $0x3F8, v37  }
0x2ab: {  	v38 =	vadd.s32 s15, v5;
	v37 =	vor.u32 v4, v37  }
0x2ac: {  	v38 =	vand.u32 $0x3F8, v38  }
0x2ad: {  	v39 =	vadd.s32 s15, v7;
	v38 =	vor.u32 v6, v38  }
0x2ae: {  	v39 =	vand.u32 $0x3F8, v39;
	v36 =	vld.idx.msk [tilespmem:v36+s25+$0x0], $0xffff  }
0x2af: {  	v40 =	vadd.s32 s15, v9;
	v39 =	vor.u32 v8, v39  }
0x2b0: {  	v40 =	vand.u32 $0x3F8, v40;
	v37 =	vld.idx.msk [tilespmem:v37+s25+$0x0], $0xffff  }
0x2b1: {  	v41 =	vadd.s32 s15, v11;
	v40 =	vor.u32 v10, v40  }
0x2b2: {  	v41 =	vand.u32 $0x3F8, v41;
	v38 =	vld.idx.msk [tilespmem:v38+s25+$0x0], $0xffff  }
0x2b3: {  	v42 =	vadd.s32 s15, v13;
	v41 =	vor.u32 v12, v41;
	v36 =	vadd.f32 $0.0e+00, v36  }
0x2b4: {  	v42 =	vand.u32 $0x3F8, v42;
	v39 =	vld.idx.msk [tilespmem:v39+s25+$0x0], $0xffff  }
0x2b5: {  	v62 =	vadd.s32 s15, v15;
	v61 =	vor.u32 v14, v42;
	v36 =	vadd.f32 v37, v36  }
0x2b6: {  	v42 =	vand.u32 $0x3F8, v62;
	v40 =	vld.idx.msk [tilespmem:v40+s25+$0x0], $0xffff  }
0x2b7: {  	v45 =	vadd.s32 s15, v17;
	v63 =	vor.u32 v16, v42;
	v36 =	vadd.f32 v38, v36  }
0x2b8: {  	v42 =	vand.u32 $0x3F8, v45;
	v41 =	vld.idx.msk [tilespmem:v41+s25+$0x0], $0xffff  }
0x2b9: {  	v47 =	vadd.s32 s15, v18;
	v46 =	vor.u32 v1, v42;
	v36 =	vadd.f32 v39, v36  }
0x2ba: {  	v42 =	vand.u32 $0x3F8, v47;
	v37 =	vld.idx.msk [tilespmem:v61+s25+$0x0], $0xffff  }
0x2bb: {  	v49 =	vadd.s32 s15, v19;
	v48 =	vor.u32 v4, v42;
	v36 =	vadd.f32 v40, v36  }
0x2bc: {  	v42 =	vand.u32 $0x3F8, v49;
	v38 =	vld.idx.msk [tilespmem:v63+s25+$0x0], $0xffff  }
0x2bd: {  	v51 =	vadd.s32 s15, v20;
	v50 =	vor.u32 v6, v42;
	v36 =	vadd.f32 v41, v36  }
0x2be: {  	v42 =	vand.u32 $0x3F8, v51;
	v39 =	vld.idx.msk [tilespmem:v46+s25+$0x0], $0xffff  }
0x2bf: {  	v53 =	vadd.s32 s15, v21;
	v52 =	vor.u32 v8, v42;
	v36 =	vadd.f32 v37, v36  }
0x2c0: {  	v42 =	vand.u32 $0x3F8, v53;
	v40 =	vld.idx.msk [tilespmem:v48+s25+$0x0], $0xffff  }
0x2c1: {  	v55 =	vadd.s32 s15, v22;
	v54 =	vor.u32 v10, v42;
	v36 =	vadd.f32 v38, v36  }
0x2c2: {  	v42 =	vand.u32 $0x3F8, v55;
	v41 =	vld.idx.msk [tilespmem:v50+s25+$0x0], $0xffff  }
0x2c3: {  	v57 =	vadd.s32 s15, v23;
	v56 =	vor.u32 v12, v42;
	v36 =	vadd.f32 v39, v36  }
0x2c4: {  	v42 =	vand.u32 $0x3F8, v57;
	v37 =	vld.idx.msk [tilespmem:v52+s25+$0x0], $0xffff  }
0x2c5: {  	v59 =	vadd.s32 s15, v24;
	v58 =	vor.u32 v14, v42;
	v36 =	vadd.f32 v40, v36  }
0x2c6: {  	v42 =	vand.u32 $0x3F8, v59;
	v38 =	vld.idx.msk [tilespmem:v54+s25+$0x0], $0xffff  }
0x2c7: {  	v60 =	vor.u32 v16, v42;
	v61 =	vadd.s32 s15, v25;
	v36 =	vadd.f32 v41, v36  }
0x2c8: {  	v42 =	vand.u32 $0x3F8, v61;
	v39 =	vld.idx.msk [tilespmem:v56+s25+$0x0], $0xffff  }
0x2c9: {  	v62 =	vor.u32 v1, v42;
	v63 =	vadd.s32 s15, v26;
	v36 =	vadd.f32 v37, v36  }
0x2ca: {  	v42 =	vand.u32 $0x3F8, v63;
	v40 =	vld.idx.msk [tilespmem:v58+s25+$0x0], $0xffff  }
0x2cb: {  	v45 =	vor.u32 v4, v42;
	v46 =	vadd.s32 s15, v27;
	v36 =	vadd.f32 v38, v36  }
0x2cc: {  	v42 =	vand.u32 $0x3F8, v46;
	v41 =	vld.idx.msk [tilespmem:v60+s25+$0x0], $0xffff  }
0x2cd: {  	v47 =	vor.u32 v6, v42;
	v48 =	vadd.s32 s15, v28;
	v36 =	vadd.f32 v39, v36  }
0x2ce: {  	v42 =	vand.u32 $0x3F8, v48;
	v37 =	vld.idx.msk [tilespmem:v62+s25+$0x0], $0xffff  }
0x2cf: {  	v49 =	vor.u32 v8, v42;
	v50 =	vadd.s32 s15, v29;
	v36 =	vadd.f32 v40, v36  }
0x2d0: {  	v42 =	vand.u32 $0x3F8, v50;
	v38 =	vld.idx.msk [tilespmem:v45+s25+$0x0], $0xffff  }
0x2d1: {  	v51 =	vor.u32 v10, v42;
	v52 =	vadd.s32 s15, v30;
	v36 =	vadd.f32 v41, v36  }
0x2d2: {  	v42 =	vand.u32 $0x3F8, v52;
	v39 =	vld.idx.msk [tilespmem:v47+s25+$0x0], $0xffff  }
0x2d3: {  	v53 =	vor.u32 v12, v42;
	v54 =	vadd.s32 s15, v31;
	v36 =	vadd.f32 v37, v36  }
0x2d4: {  	v42 =	vand.u32 $0x3F8, v54;
	v40 =	vld.idx.msk [tilespmem:v49+s25+$0x0], $0xffff  }
0x2d5: {  	v55 =	vor.u32 v14, v42;
	v56 =	vadd.s32 s15, v32;
	v36 =	vadd.f32 v38, v36  }
0x2d6: {  	v42 =	vand.u32 $0x3F8, v56;
	v41 =	vld.idx.msk [tilespmem:v51+s25+$0x0], $0xffff  }
0x2d7: {  	v57 =	vor.u32 v16, v42;
	v58 =	vadd.s32 s15, v33;
	v36 =	vadd.f32 v39, v36  }
0x2d8: {  	v42 =	vand.u32 $0x3F8, v58;
	v37 =	vld.idx.msk [tilespmem:v53+s25+$0x0], $0xffff  }
0x2d9: {  	v59 =	vor.u32 v1, v42;
	v60 =	vadd.s32 s15, v34;
	v36 =	vadd.f32 v40, v36  }
0x2da: {  	v42 =	vand.u32 $0x3F8, v60;
	v38 =	vld.idx.msk [tilespmem:v55+s25+$0x0], $0xffff  }
0x2db: {  	v61 =	vor.u32 v4, v42;
	v36 =	vadd.f32 v41, v36  }
0x2dc: {  	v39 =	vld.idx.msk [tilespmem:v57+s25+$0x0], $0xffff  }
0x2dd: {  	v36 =	vadd.f32 v37, v36  }
0x2de: {  	v62 =	vld.idx.msk [tilespmem:v59+s25+$0x0], $0xffff  }
0x2df: {  	v36 =	vadd.f32 v38, v36  }
0x2e0: {  	v63 =	vld.idx.msk [tilespmem:v61+s25+$0x0], $0xffff  }
0x2e1: {  	v36 =	vadd.f32 v39, v36  }
0x2e2: {  	p4 =	por p3, p3  }
.Ltmp9:
0x2e3: {  	v36 =	vadd.f32 v62, v36;
	(pc) =	sbr.rel @p4 .LBB2_38-.Ltmp9, $4  }
0x2e4: {  	_ = 	snop  }
0x2e5: {  	s16 =	sshll.u32 s14, $0x4;
	v36 =	vadd.f32 v63, v36  }
0x2e6: {  	s14 =	sand.u32 $0x3FFFFFF0, s16  }
0x2e7: {  	p3 =	por $0x0, $0x0;
	[tilespmem:v35+s14+$0x0 ss:$0x1] =	vst.idx.msk $0xffff, v36;
	s14 =	simm.s32 $0x1  }
0x2e8: {  	s14 =	sadd.s32 @!p2 $0x11E68, s4;
	s15 =	simm.s32 @!p2 $0x340;
	s16 =	simm.s32 @!p2 $0x16C68  }
0x2e9: {  	[tilespmem:s16], [sflag:$0x9] =	stream.indirect.gather @!p2 [spmem:s3], $0x1, s14, s15, $0xb8;
	[tilespmem:$0x17A28] =	vst v63  }
0x2ea: {  	_ =	swait.ge [sflag:s10], $0x340  }
0x2eb: {  	s16 =	sadd.s32 $0x176E8, s20;
	[sflag:s10] =	ssyncset.done $0x0  }
0x2ec: {  	p3 =	por $0x1, $0x1;
	s14 =	simm.s32 $0x0;
	v35 =	vmov s16;
	[sflag:s10] =	ssyncadd.s32 $0xFFFFFCC0  }
.LBB2_40:
0x2ed: {  	s15 =	smul.u32 $0x1A0, s14;
	_ =	sdelay $0x1  }
0x2ee: {  	v36 =	vadd.s32 s15, v0  }
0x2ef: {  	v36 =	vand.u32 $0x3F8, v36  }
0x2f0: {  	v37 =	vadd.s32 s15, v3;
	v36 =	vor.u32 v1, v36  }
0x2f1: {  	v37 =	vand.u32 $0x3F8, v37  }
0x2f2: {  	v38 =	vadd.s32 s15, v5;
	v37 =	vor.u32 v4, v37  }
0x2f3: {  	v38 =	vand.u32 $0x3F8, v38  }
0x2f4: {  	v39 =	vadd.s32 s15, v7;
	v38 =	vor.u32 v6, v38  }
0x2f5: {  	v39 =	vand.u32 $0x3F8, v39;
	v36 =	vld.idx.msk [tilespmem:v36+s30+$0x0], $0xffff  }
0x2f6: {  	v40 =	vadd.s32 s15, v9;
	v39 =	vor.u32 v8, v39  }
0x2f7: {  	v40 =	vand.u32 $0x3F8, v40;
	v37 =	vld.idx.msk [tilespmem:v37+s30+$0x0], $0xffff  }
0x2f8: {  	v41 =	vadd.s32 s15, v11;
	v40 =	vor.u32 v10, v40  }
0x2f9: {  	v41 =	vand.u32 $0x3F8, v41;
	v38 =	vld.idx.msk [tilespmem:v38+s30+$0x0], $0xffff  }
0x2fa: {  	v42 =	vadd.s32 s15, v13;
	v41 =	vor.u32 v12, v41;
	v36 =	vadd.f32 $0.0e+00, v36  }
0x2fb: {  	v42 =	vand.u32 $0x3F8, v42;
	v39 =	vld.idx.msk [tilespmem:v39+s30+$0x0], $0xffff  }
0x2fc: {  	v62 =	vadd.s32 s15, v15;
	v61 =	vor.u32 v14, v42;
	v36 =	vadd.f32 v37, v36  }
0x2fd: {  	v42 =	vand.u32 $0x3F8, v62;
	v40 =	vld.idx.msk [tilespmem:v40+s30+$0x0], $0xffff  }
0x2fe: {  	v45 =	vadd.s32 s15, v17;
	v63 =	vor.u32 v16, v42;
	v36 =	vadd.f32 v38, v36  }
0x2ff: {  	v42 =	vand.u32 $0x3F8, v45;
	v41 =	vld.idx.msk [tilespmem:v41+s30+$0x0], $0xffff  }
0x300: {  	v47 =	vadd.s32 s15, v18;
	v46 =	vor.u32 v1, v42;
	v36 =	vadd.f32 v39, v36  }
0x301: {  	v42 =	vand.u32 $0x3F8, v47;
	v37 =	vld.idx.msk [tilespmem:v61+s30+$0x0], $0xffff  }
0x302: {  	v49 =	vadd.s32 s15, v19;
	v48 =	vor.u32 v4, v42;
	v36 =	vadd.f32 v40, v36  }
0x303: {  	v42 =	vand.u32 $0x3F8, v49;
	v38 =	vld.idx.msk [tilespmem:v63+s30+$0x0], $0xffff  }
0x304: {  	v51 =	vadd.s32 s15, v20;
	v50 =	vor.u32 v6, v42;
	v36 =	vadd.f32 v41, v36  }
0x305: {  	v42 =	vand.u32 $0x3F8, v51;
	v39 =	vld.idx.msk [tilespmem:v46+s30+$0x0], $0xffff  }
0x306: {  	v53 =	vadd.s32 s15, v21;
	v52 =	vor.u32 v8, v42;
	v36 =	vadd.f32 v37, v36  }
0x307: {  	v42 =	vand.u32 $0x3F8, v53;
	v40 =	vld.idx.msk [tilespmem:v48+s30+$0x0], $0xffff  }
0x308: {  	v55 =	vadd.s32 s15, v22;
	v54 =	vor.u32 v10, v42;
	v36 =	vadd.f32 v38, v36  }
0x309: {  	v42 =	vand.u32 $0x3F8, v55;
	v41 =	vld.idx.msk [tilespmem:v50+s30+$0x0], $0xffff  }
0x30a: {  	v57 =	vadd.s32 s15, v23;
	v56 =	vor.u32 v12, v42;
	v36 =	vadd.f32 v39, v36  }
0x30b: {  	v42 =	vand.u32 $0x3F8, v57;
	v37 =	vld.idx.msk [tilespmem:v52+s30+$0x0], $0xffff  }
0x30c: {  	v59 =	vadd.s32 s15, v24;
	v58 =	vor.u32 v14, v42;
	v36 =	vadd.f32 v40, v36  }
0x30d: {  	v42 =	vand.u32 $0x3F8, v59;
	v38 =	vld.idx.msk [tilespmem:v54+s30+$0x0], $0xffff  }
0x30e: {  	v60 =	vor.u32 v16, v42;
	v61 =	vadd.s32 s15, v25;
	v36 =	vadd.f32 v41, v36  }
0x30f: {  	v42 =	vand.u32 $0x3F8, v61;
	v39 =	vld.idx.msk [tilespmem:v56+s30+$0x0], $0xffff  }
0x310: {  	v62 =	vor.u32 v1, v42;
	v63 =	vadd.s32 s15, v26;
	v36 =	vadd.f32 v37, v36  }
0x311: {  	v42 =	vand.u32 $0x3F8, v63;
	v40 =	vld.idx.msk [tilespmem:v58+s30+$0x0], $0xffff  }
0x312: {  	v45 =	vor.u32 v4, v42;
	v46 =	vadd.s32 s15, v27;
	v36 =	vadd.f32 v38, v36  }
0x313: {  	v42 =	vand.u32 $0x3F8, v46;
	v41 =	vld.idx.msk [tilespmem:v60+s30+$0x0], $0xffff  }
0x314: {  	v47 =	vor.u32 v6, v42;
	v48 =	vadd.s32 s15, v28;
	v36 =	vadd.f32 v39, v36  }
0x315: {  	v42 =	vand.u32 $0x3F8, v48;
	v37 =	vld.idx.msk [tilespmem:v62+s30+$0x0], $0xffff  }
0x316: {  	v49 =	vor.u32 v8, v42;
	v50 =	vadd.s32 s15, v29;
	v36 =	vadd.f32 v40, v36  }
0x317: {  	v42 =	vand.u32 $0x3F8, v50;
	v38 =	vld.idx.msk [tilespmem:v45+s30+$0x0], $0xffff  }
0x318: {  	v51 =	vor.u32 v10, v42;
	v52 =	vadd.s32 s15, v30;
	v36 =	vadd.f32 v41, v36  }
0x319: {  	v42 =	vand.u32 $0x3F8, v52;
	v39 =	vld.idx.msk [tilespmem:v47+s30+$0x0], $0xffff  }
0x31a: {  	v53 =	vor.u32 v12, v42;
	v54 =	vadd.s32 s15, v31;
	v36 =	vadd.f32 v37, v36  }
0x31b: {  	v42 =	vand.u32 $0x3F8, v54;
	v40 =	vld.idx.msk [tilespmem:v49+s30+$0x0], $0xffff  }
0x31c: {  	v55 =	vor.u32 v14, v42;
	v56 =	vadd.s32 s15, v32;
	v36 =	vadd.f32 v38, v36  }
0x31d: {  	v42 =	vand.u32 $0x3F8, v56;
	v41 =	vld.idx.msk [tilespmem:v51+s30+$0x0], $0xffff  }
0x31e: {  	v57 =	vor.u32 v16, v42;
	v58 =	vadd.s32 s15, v33;
	v36 =	vadd.f32 v39, v36  }
0x31f: {  	v42 =	vand.u32 $0x3F8, v58;
	v37 =	vld.idx.msk [tilespmem:v53+s30+$0x0], $0xffff  }
0x320: {  	v59 =	vor.u32 v1, v42;
	v60 =	vadd.s32 s15, v34;
	v36 =	vadd.f32 v40, v36  }
0x321: {  	v42 =	vand.u32 $0x3F8, v60;
	v38 =	vld.idx.msk [tilespmem:v55+s30+$0x0], $0xffff  }
0x322: {  	v61 =	vor.u32 v4, v42;
	v36 =	vadd.f32 v41, v36  }
0x323: {  	v39 =	vld.idx.msk [tilespmem:v57+s30+$0x0], $0xffff  }
0x324: {  	v36 =	vadd.f32 v37, v36  }
0x325: {  	v62 =	vld.idx.msk [tilespmem:v59+s30+$0x0], $0xffff  }
0x326: {  	v36 =	vadd.f32 v38, v36  }
0x327: {  	v63 =	vld.idx.msk [tilespmem:v61+s30+$0x0], $0xffff  }
0x328: {  	v36 =	vadd.f32 v39, v36  }
0x329: {  	p4 =	por p3, p3  }
.Ltmp10:
0x32a: {  	v36 =	vadd.f32 v62, v36;
	(pc) =	sbr.rel @p4 .LBB2_40-.Ltmp10, $4  }
0x32b: {  	_ = 	snop  }
0x32c: {  	s16 =	sshll.u32 s14, $0x4;
	v36 =	vadd.f32 v63, v36  }
0x32d: {  	s14 =	sand.u32 $0x3FFFFFF0, s16  }
0x32e: {  	p3 =	por $0x0, $0x0;
	[tilespmem:v35+s14+$0x0 ss:$0x1] =	vst.idx.msk $0xffff, v36;
	s14 =	simm.s32 $0x1  }
0x32f: {  	s4 =	sadd.s32 @!p2 $0x121A8, s4;
	s14 =	simm.s32 @!p2 $0x340;
	s15 =	simm.s32 @!p2 $0x16FA8  }
0x330: {  	[tilespmem:s15], [sflag:$0xA] =	stream.indirect.gather @!p2 [spmem:s3], $0x1, s4, s14, $0xb8;
	[tilespmem:$0x17A28] =	vst v63  }
0x331: {  	_ =	swait.ge [sflag:s11], $0x340  }
0x332: {  	s20 =	sadd.s32 $0x17708, s20;
	[sflag:s11] =	ssyncset.done $0x0  }
0x333: {  	p3 =	por $0x1, $0x1;
	s4 =	simm.s32 $0x0;
	v35 =	vmov s20;
	[sflag:s11] =	ssyncadd.s32 $0xFFFFFCC0  }
.LBB2_42:
0x334: {  	s14 =	smul.u32 $0x1A0, s4;
	_ =	sdelay $0x1  }
0x335: {  	v36 =	vadd.s32 s14, v0  }
0x336: {  	v36 =	vand.u32 $0x3F8, v36  }
0x337: {  	v37 =	vadd.s32 s14, v3;
	v36 =	vor.u32 v1, v36  }
0x338: {  	v37 =	vand.u32 $0x3F8, v37  }
0x339: {  	v38 =	vadd.s32 s14, v5;
	v37 =	vor.u32 v4, v37  }
0x33a: {  	v38 =	vand.u32 $0x3F8, v38  }
0x33b: {  	v39 =	vadd.s32 s14, v7;
	v38 =	vor.u32 v6, v38  }
0x33c: {  	v39 =	vand.u32 $0x3F8, v39;
	v36 =	vld.idx.msk [tilespmem:v36+s2+$0x0], $0xffff  }
0x33d: {  	v40 =	vadd.s32 s14, v9;
	v39 =	vor.u32 v8, v39  }
0x33e: {  	v40 =	vand.u32 $0x3F8, v40;
	v37 =	vld.idx.msk [tilespmem:v37+s2+$0x0], $0xffff  }
0x33f: {  	v41 =	vadd.s32 s14, v11;
	v40 =	vor.u32 v10, v40  }
0x340: {  	v41 =	vand.u32 $0x3F8, v41;
	v38 =	vld.idx.msk [tilespmem:v38+s2+$0x0], $0xffff  }
0x341: {  	v42 =	vadd.s32 s14, v13;
	v41 =	vor.u32 v12, v41;
	v36 =	vadd.f32 $0.0e+00, v36  }
0x342: {  	v42 =	vand.u32 $0x3F8, v42;
	v39 =	vld.idx.msk [tilespmem:v39+s2+$0x0], $0xffff  }
0x343: {  	v62 =	vadd.s32 s14, v15;
	v61 =	vor.u32 v14, v42;
	v36 =	vadd.f32 v37, v36  }
0x344: {  	v42 =	vand.u32 $0x3F8, v62;
	v40 =	vld.idx.msk [tilespmem:v40+s2+$0x0], $0xffff  }
0x345: {  	v45 =	vadd.s32 s14, v17;
	v63 =	vor.u32 v16, v42;
	v36 =	vadd.f32 v38, v36  }
0x346: {  	v42 =	vand.u32 $0x3F8, v45;
	v41 =	vld.idx.msk [tilespmem:v41+s2+$0x0], $0xffff  }
0x347: {  	v47 =	vadd.s32 s14, v18;
	v46 =	vor.u32 v1, v42;
	v36 =	vadd.f32 v39, v36  }
0x348: {  	v42 =	vand.u32 $0x3F8, v47;
	v37 =	vld.idx.msk [tilespmem:v61+s2+$0x0], $0xffff  }
0x349: {  	v49 =	vadd.s32 s14, v19;
	v48 =	vor.u32 v4, v42;
	v36 =	vadd.f32 v40, v36  }
0x34a: {  	v42 =	vand.u32 $0x3F8, v49;
	v38 =	vld.idx.msk [tilespmem:v63+s2+$0x0], $0xffff  }
0x34b: {  	v51 =	vadd.s32 s14, v20;
	v50 =	vor.u32 v6, v42;
	v36 =	vadd.f32 v41, v36  }
0x34c: {  	v42 =	vand.u32 $0x3F8, v51;
	v39 =	vld.idx.msk [tilespmem:v46+s2+$0x0], $0xffff  }
0x34d: {  	v53 =	vadd.s32 s14, v21;
	v52 =	vor.u32 v8, v42;
	v36 =	vadd.f32 v37, v36  }
0x34e: {  	v42 =	vand.u32 $0x3F8, v53;
	v40 =	vld.idx.msk [tilespmem:v48+s2+$0x0], $0xffff  }
0x34f: {  	v55 =	vadd.s32 s14, v22;
	v54 =	vor.u32 v10, v42;
	v36 =	vadd.f32 v38, v36  }
0x350: {  	v42 =	vand.u32 $0x3F8, v55;
	v41 =	vld.idx.msk [tilespmem:v50+s2+$0x0], $0xffff  }
0x351: {  	v57 =	vadd.s32 s14, v23;
	v56 =	vor.u32 v12, v42;
	v36 =	vadd.f32 v39, v36  }
0x352: {  	v42 =	vand.u32 $0x3F8, v57;
	v37 =	vld.idx.msk [tilespmem:v52+s2+$0x0], $0xffff  }
0x353: {  	v59 =	vadd.s32 s14, v24;
	v58 =	vor.u32 v14, v42;
	v36 =	vadd.f32 v40, v36  }
0x354: {  	v42 =	vand.u32 $0x3F8, v59;
	v38 =	vld.idx.msk [tilespmem:v54+s2+$0x0], $0xffff  }
0x355: {  	v60 =	vor.u32 v16, v42;
	v61 =	vadd.s32 s14, v25;
	v36 =	vadd.f32 v41, v36  }
0x356: {  	v42 =	vand.u32 $0x3F8, v61;
	v39 =	vld.idx.msk [tilespmem:v56+s2+$0x0], $0xffff  }
0x357: {  	v62 =	vor.u32 v1, v42;
	v63 =	vadd.s32 s14, v26;
	v36 =	vadd.f32 v37, v36  }
0x358: {  	v42 =	vand.u32 $0x3F8, v63;
	v40 =	vld.idx.msk [tilespmem:v58+s2+$0x0], $0xffff  }
0x359: {  	v45 =	vor.u32 v4, v42;
	v46 =	vadd.s32 s14, v27;
	v36 =	vadd.f32 v38, v36  }
0x35a: {  	v42 =	vand.u32 $0x3F8, v46;
	v41 =	vld.idx.msk [tilespmem:v60+s2+$0x0], $0xffff  }
0x35b: {  	v47 =	vor.u32 v6, v42;
	v48 =	vadd.s32 s14, v28;
	v36 =	vadd.f32 v39, v36  }
0x35c: {  	v42 =	vand.u32 $0x3F8, v48;
	v37 =	vld.idx.msk [tilespmem:v62+s2+$0x0], $0xffff  }
0x35d: {  	v49 =	vor.u32 v8, v42;
	v50 =	vadd.s32 s14, v29;
	v36 =	vadd.f32 v40, v36  }
0x35e: {  	v42 =	vand.u32 $0x3F8, v50;
	v38 =	vld.idx.msk [tilespmem:v45+s2+$0x0], $0xffff  }
0x35f: {  	v51 =	vor.u32 v10, v42;
	v52 =	vadd.s32 s14, v30;
	v36 =	vadd.f32 v41, v36  }
0x360: {  	v42 =	vand.u32 $0x3F8, v52;
	v39 =	vld.idx.msk [tilespmem:v47+s2+$0x0], $0xffff  }
0x361: {  	v53 =	vor.u32 v12, v42;
	v54 =	vadd.s32 s14, v31;
	v36 =	vadd.f32 v37, v36  }
0x362: {  	v42 =	vand.u32 $0x3F8, v54;
	v40 =	vld.idx.msk [tilespmem:v49+s2+$0x0], $0xffff  }
0x363: {  	v55 =	vor.u32 v14, v42;
	v56 =	vadd.s32 s14, v32;
	v36 =	vadd.f32 v38, v36  }
0x364: {  	v42 =	vand.u32 $0x3F8, v56;
	v41 =	vld.idx.msk [tilespmem:v51+s2+$0x0], $0xffff  }
0x365: {  	v57 =	vor.u32 v16, v42;
	v58 =	vadd.s32 s14, v33;
	v36 =	vadd.f32 v39, v36  }
0x366: {  	v42 =	vand.u32 $0x3F8, v58;
	v37 =	vld.idx.msk [tilespmem:v53+s2+$0x0], $0xffff  }
0x367: {  	v59 =	vor.u32 v1, v42;
	v60 =	vadd.s32 s14, v34;
	v36 =	vadd.f32 v40, v36  }
0x368: {  	v42 =	vand.u32 $0x3F8, v60;
	v38 =	vld.idx.msk [tilespmem:v55+s2+$0x0], $0xffff  }
0x369: {  	v61 =	vor.u32 v4, v42;
	v36 =	vadd.f32 v41, v36  }
0x36a: {  	v39 =	vld.idx.msk [tilespmem:v57+s2+$0x0], $0xffff  }
0x36b: {  	v36 =	vadd.f32 v37, v36  }
0x36c: {  	v62 =	vld.idx.msk [tilespmem:v59+s2+$0x0], $0xffff  }
0x36d: {  	v36 =	vadd.f32 v38, v36  }
0x36e: {  	v63 =	vld.idx.msk [tilespmem:v61+s2+$0x0], $0xffff  }
0x36f: {  	v36 =	vadd.f32 v39, v36  }
0x370: {  	p4 =	por p3, p3  }
.Ltmp11:
0x371: {  	v36 =	vadd.f32 v62, v36;
	(pc) =	sbr.rel @p4 .LBB2_42-.Ltmp11, $4  }
0x372: {  	_ = 	snop  }
0x373: {  	s20 =	sshll.u32 s4, $0x4;
	v36 =	vadd.f32 v63, v36  }
0x374: {  	s4 =	sand.u32 $0x3FFFFFF0, s20  }
0x375: {  	p3 =	por $0x0, $0x0;
	[tilespmem:v35+s4+$0x0 ss:$0x1] =	vst.idx.msk $0xffff, v36;
	s4 =	simm.s32 $0x1  }
.Ltmp12:
0x376: {  	(pc) =	sbr.rel @p2 .LBB2_44-.Ltmp12, $1  }
0x377: {  	_ =	sdelay $0x3  }
0x378: {  	s4 =	smul.u32 $0x6800, s13  }
.Ltmp13:
0x379: {  	_ = 	snop;
	(pc) =	sbr.rel .LBB2_27-.Ltmp13, $4  }
0x37a: {  	_ = 	snop  }
0x37b: {  	s4 =	sshra.s32 s4, $0x2  }
0x37c: {  	s13 =	sadd.s32 $0x1, s13;
	s4 =	sadd.s32 $0x124E8, s4  }
0x37d: {  	[tilespmem:s2], [sflag:$0xB] =	stream.indirect.gather [spmem:s3], $0x1, s4, s23, $0xb8;
	[tilespmem:$0x17A28] =	vst v63  }
.LBB2_2:
0x37e: {  	s13 =	rddreg [dreg:$0x7]  }
0x37f: {  	s15 =	rddreg [dreg:$0x10]  }
0x380: {  	s16 =	rddreg [dreg:$0x11]  }
0x381: {  	[spmem:s16], [sflag:s15] =	dma.local [hbm:s13], $0x1E84  }
0x382: {  	v35 =	vadd.s32 s4, v0;
	s13 =	simm.s32 @!p1 $0x1C03;
	s15 =	rddreg [dreg:$0x8]  }
0x383: {  	v36 =	vadd.s32 s4, v3;
	v35 =	vand.u32 $0xFFF8, v35;
	[spmem:s17], [sflag:s13] =	dma.local @!p1 [hbm:s15], $0x8  }
0x384: {  	v36 =	vand.u32 $0xFFF8, v36;
	v35 =	vor.u32 v1, v35;
	s13 =	rddreg [dreg:$0x9]  }
0x385: {  	v37 =	vadd.s32 s4, v5;
	v36 =	vor.u32 v4, v36;
	[tilespmem:s18], [sflag:$0x1] =	stream.linear.gather [hbm4b:s13+s4], $0x6800, $0x38;
	[tilespmem:$0x17A28] =	vst v63  }
0x386: {  	v37 =	vand.u32 $0xFFF8, v37;
	_ =	swait.ge [sflag:s19], $0x6800  }
0x387: {  	v38 =	vadd.s32 s4, v7;
	v37 =	vor.u32 v6, v37;
	[sflag:s19] =	ssyncset.done $0x0  }
0x388: {  	v38 =	vand.u32 $0xFFF8, v38;
	[sflag:s19] =	ssyncadd.s32 $0xFFFF9800  }
0x389: {  	v39 =	vadd.s32 s4, v9;
	v38 =	vor.u32 v8, v38;
	v35 =	vld.idx.msk [tilespmem:v35+s18+$0x0], $0xffff  }
0x38a: {  	v39 =	vand.u32 $0xFFF8, v39;
	v36 =	vld.idx.msk [tilespmem:v36+s18+$0x0], $0xffff  }
0x38b: {  	v40 =	vadd.s32 s4, v11;
	v39 =	vor.u32 v10, v39  }
0x38c: {  	v40 =	vand.u32 $0xFFF8, v40;
	v37 =	vld.idx.msk [tilespmem:v37+s18+$0x0], $0xffff  }
0x38d: {  	v41 =	vadd.s32 s4, v13;
	v42 =	vadd.s32 s4, v15;
	v40 =	vor.u32 v12, v40  }
0x38e: {  	v43 =	vadd.s32 s4, v17;
	v60 =	vadd.s32 s4, v18;
	v41 =	vand.u32 $0xFFF8, v41;
	v38 =	vld.idx.msk [tilespmem:v38+s18+$0x0], $0xffff  }
0x38f: {  	v41 =	vor.u32 v14, v41;
	vm0 =	veq.s32 v35, $0x0;
	vm1 =	veq.s32 v36, $0x0  }
0x390: {  	v54 =	vand.u32 $0xFFF8, v42;
	v55 =	vld.idx.msk [tilespmem:v39+s18+$0x0], $0xffff;
	v56 =	vsel vm0, $0x0, v2;
	v57 =	vsel vm1, $0x0, v2  }
0x391: {  	v35 =	vor.u32 v16, v54;
	vm15 =	veq.s32 v37, $0x0;
	v39 =	vadd.f32 v57, v56  }
0x392: {  	v63 =	vadd.s32 s4, v19;
	v58 =	vand.u32 $0xFFF8, v43;
	v40 =	vld.idx.msk [tilespmem:v40+s18+$0x0], $0xffff;
	v59 =	vsel vm15, $0x0, v2  }
0x393: {  	v37 =	vor.u32 v1, v58;
	vm4 =	veq.s32 v38, $0x0;
	v39 =	vadd.f32 v59, v39  }
0x394: {  	v47 =	vadd.s32 s4, v20;
	v61 =	vand.u32 $0xFFF8, v60;
	v41 =	vld.idx.msk [tilespmem:v41+s18+$0x0], $0xffff;
	v62 =	vsel vm4, $0x0, v2  }
0x395: {  	v38 =	vor.u32 v4, v61;
	vm5 =	veq.s32 v55, $0x0;
	v39 =	vadd.f32 v62, v39  }
0x396: {  	v50 =	vadd.s32 s4, v21;
	v45 =	vand.u32 $0xFFF8, v63;
	v46 =	vsel vm5, $0x0, v2;
	v35 =	vld.idx.msk [tilespmem:v35+s18+$0x0], $0xffff  }
0x397: {  	v36 =	vor.u32 v6, v45;
	vm6 =	veq.s32 v40, $0x0;
	v39 =	vadd.f32 v46, v39  }
0x398: {  	v48 =	vand.u32 $0xFFF8, v47;
	v51 =	vand.u32 $0xFFF8, v50;
	v49 =	vsel vm6, $0x0, v2;
	v37 =	vld.idx.msk [tilespmem:v37+s18+$0x0], $0xffff  }
0x399: {  	v40 =	vor.u32 v8, v48;
	vm7 =	veq.s32 v41, $0x0;
	v39 =	vadd.f32 v49, v39  }
0x39a: {  	v53 =	vadd.s32 s4, v22;
	v41 =	vor.u32 v10, v51;
	v52 =	vsel vm7, $0x0, v2;
	v38 =	vld.idx.msk [tilespmem:v38+s18+$0x0], $0xffff  }
0x39b: {  	v54 =	vand.u32 $0xFFF8, v53;
	vm8 =	veq.s32 v35, $0x0;
	v39 =	vadd.f32 v52, v39  }
0x39c: {  	v56 =	vadd.s32 s4, v23;
	v59 =	vadd.s32 s4, v24;
	v36 =	vld.idx.msk [tilespmem:v36+s18+$0x0], $0xffff;
	v55 =	vsel vm8, $0x0, v2  }
0x39d: {  	v35 =	vor.u32 v12, v54;
	vm9 =	veq.s32 v37, $0x0;
	v39 =	vadd.f32 v55, v39  }
0x39e: {  	v57 =	vand.u32 $0xFFF8, v56;
	v40 =	vld.idx.msk [tilespmem:v40+s18+$0x0], $0xffff;
	v60 =	vand.u32 $0xFFF8, v59;
	v58 =	vsel vm9, $0x0, v2  }
0x39f: {  	v37 =	vor.u32 v14, v57;
	vm10 =	veq.s32 v38, $0x0;
	v39 =	vadd.f32 v58, v39  }
0x3a0: {  	v41 =	vld.idx.msk [tilespmem:v41+s18+$0x0], $0xffff;
	v62 =	vadd.s32 s4, v25;
	v46 =	vadd.s32 s4, v26;
	v61 =	vsel vm10, $0x0, v2  }
0x3a1: {  	v38 =	vor.u32 v16, v60;
	vm11 =	veq.s32 v36, $0x0;
	v39 =	vadd.f32 v61, v39  }
0x3a2: {  	v63 =	vand.u32 $0xFFF8, v62;
	v47 =	vand.u32 $0xFFF8, v46;
	v45 =	vsel vm11, $0x0, v2;
	v35 =	vld.idx.msk [tilespmem:v35+s18+$0x0], $0xffff  }
0x3a3: {  	v36 =	vor.u32 v1, v63;
	vm12 =	veq.s32 v40, $0x0;
	v39 =	vadd.f32 v45, v39  }
0x3a4: {  	v40 =	vor.u32 v4, v47;
	v49 =	vadd.s32 s4, v27;
	v48 =	vsel vm12, $0x0, v2;
	v37 =	vld.idx.msk [tilespmem:v37+s18+$0x0], $0xffff  }
0x3a5: {  	vm13 =	veq.s32 v41, $0x0;
	v50 =	vand.u32 $0xFFF8, v49;
	v39 =	vadd.f32 v48, v39  }
0x3a6: {  	v51 =	vsel vm13, $0x0, v2;
	v41 =	vor.u32 v6, v50;
	v52 =	vadd.s32 s4, v28;
	v38 =	vld.idx.msk [tilespmem:v38+s18+$0x0], $0xffff  }
0x3a7: {  	v55 =	vadd.s32 s4, v29;
	vm14 =	veq.s32 v35, $0x0;
	v39 =	vadd.f32 v51, v39  }
0x3a8: {  	v53 =	vand.u32 $0xFFF8, v52;
	v36 =	vld.idx.msk [tilespmem:v36+s18+$0x0], $0xffff;
	v56 =	vand.u32 $0xFFF8, v55;
	v54 =	vsel vm14, $0x0, v2  }
0x3a9: {  	v35 =	vor.u32 v8, v53;
	vm15 =	veq.s32 v37, $0x0;
	v39 =	vadd.f32 v54, v39  }
0x3aa: {  	v40 =	vld.idx.msk [tilespmem:v40+s18+$0x0], $0xffff;
	v58 =	vadd.s32 s4, v30;
	v61 =	vadd.s32 s4, v31;
	v57 =	vsel vm15, $0x0, v2  }
0x3ab: {  	v37 =	vor.u32 v10, v56;
	vm4 =	veq.s32 v38, $0x0;
	v39 =	vadd.f32 v57, v39  }
0x3ac: {  	v59 =	vand.u32 $0xFFF8, v58;
	v41 =	vld.idx.msk [tilespmem:v41+s18+$0x0], $0xffff;
	v62 =	vand.u32 $0xFFF8, v61;
	v60 =	vsel vm4, $0x0, v2  }
0x3ad: {  	v38 =	vor.u32 v12, v59;
	vm5 =	veq.s32 v36, $0x0;
	v39 =	vadd.f32 v60, v39  }
0x3ae: {  	v36 =	vor.u32 v14, v62;
	v45 =	vadd.s32 s4, v32;
	v63 =	vsel vm5, $0x0, v2;
	v35 =	vld.idx.msk [tilespmem:v35+s18+$0x0], $0xffff  }
0x3af: {  	vm6 =	veq.s32 v40, $0x0;
	v46 =	vand.u32 $0xFFF8, v45;
	v39 =	vadd.f32 v63, v39  }
0x3b0: {  	v47 =	vsel vm6, $0x0, v2;
	v40 =	vor.u32 v16, v46;
	v48 =	vadd.s32 s4, v33;
	v37 =	vld.idx.msk [tilespmem:v37+s18+$0x0], $0xffff  }
0x3b1: {  	vm7 =	veq.s32 v41, $0x0;
	v49 =	vand.u32 $0xFFF8, v48;
	v39 =	vadd.f32 v47, v39  }
0x3b2: {  	v50 =	vsel vm7, $0x0, v2;
	v41 =	vor.u32 v1, v49;
	v38 =	vld.idx.msk [tilespmem:v38+s18+$0x0], $0xffff  }
0x3b3: {  	v51 =	vadd.s32 s4, v34;
	vm8 =	veq.s32 v35, $0x0;
	v39 =	vadd.f32 v50, v39  }
0x3b4: {  	v52 =	vld.idx.msk [tilespmem:v36+s18+$0x0], $0xffff;
	v53 =	vand.u32 $0xFFF8, v51;
	v54 =	vsel vm8, $0x0, v2  }
0x3b5: {  	v36 =	vor.u32 v4, v53;
	vm9 =	veq.s32 v37, $0x0;
	v39 =	vadd.f32 v54, v39  }
0x3b6: {  	v55 =	vld.idx.msk [tilespmem:v40+s18+$0x0], $0xffff;
	v56 =	vsel vm9, $0x0, v2  }
0x3b7: {  	vm10 =	veq.s32 v38, $0x0;
	v39 =	vadd.f32 v56, v39  }
0x3b8: {  	v57 =	vld.idx.msk [tilespmem:v41+s18+$0x0], $0xffff;
	v58 =	vsel vm10, $0x0, v2  }
0x3b9: {  	vm11 =	veq.s32 v52, $0x0;
	v39 =	vadd.f32 v58, v39  }
0x3ba: {  	v59 =	vld.idx.msk [tilespmem:v36+s18+$0x0], $0xffff;
	v60 =	vsel vm11, $0x0, v2  }
0x3bb: {  	s20 =	simm.s32 $0x1A0;
	vm12 =	veq.s32 v55, $0x0;
	v36 =	vadd.f32 v60, v39  }
0x3bc: {  	v61 =	vadd.s32 s20, v0;
	v62 =	vsel vm12, $0x0, v2  }
0x3bd: {  	v37 =	vand.u32 $0xFFF8, v61;
	vm13 =	veq.s32 v57, $0x0;
	v36 =	vadd.f32 v62, v36  }
0x3be: {  	v37 =	vor.u32 v1, v37;
	v63 =	vadd.s32 s20, v3;
	v45 =	vsel vm13, $0x0, v2  }
0x3bf: {  	v44 =	vand.u32 $0xFFF8, v63;
	vm14 =	veq.s32 v59, $0x0;
	v36 =	vadd.f32 v45, v36  }
0x3c0: {  	v46 =	vor.u32 v4, v44;
	v47 =	vadd.s32 s20, v5;
	v48 =	vsel vm14, $0x0, v2  }
0x3c1: {  	v38 =	vand.u32 $0xFFF8, v47;
	v36 =	vadd.f32 v48, v36  }
0x3c2: {  	s4 =	simm.s32 $0x17628;
	v49 =	vadd.s32 s20, v7;
	v38 =	vor.u32 v6, v38  }
0x3c3: {  	v39 =	vand.u32 $0xFFF8, v49;
	[tilespmem:s4+$0x0] =	vst v36  }
0x3c4: {  	v51 =	vadd.s32 s20, v9;
	v50 =	vor.u32 v8, v39;
	v36 =	vld.idx.msk [tilespmem:v37+s18+$0x0], $0xffff  }
0x3c5: {  	v39 =	vand.u32 $0xFFF8, v51;
	v35 =	vld.idx.msk [tilespmem:v46+s18+$0x0], $0xffff  }
0x3c6: {  	v52 =	vadd.s32 s20, v11;
	v39 =	vor.u32 v10, v39  }
0x3c7: {  	v53 =	vadd.s32 s20, v13;
	v40 =	vand.u32 $0xFFF8, v52;
	v38 =	vld.idx.msk [tilespmem:v38+s18+$0x0], $0xffff  }
0x3c8: {  	v41 =	vand.u32 $0xFFF8, v53;
	v40 =	vor.u32 v12, v40  }
0x3c9: {  	v41 =	vor.u32 v14, v41;
	v52 =	vadd.s32 s20, v21;
	v55 =	vadd.s32 s20, v17;
	v37 =	vld.idx.msk [tilespmem:v50+s18+$0x0], $0xffff  }
0x3ca: {  	v54 =	vadd.s32 s20, v15;
	vm15 =	veq.s32 v36, $0x0;
	vm4 =	veq.s32 v35, $0x0  }
0x3cb: {  	v56 =	vand.u32 $0xFFF8, v54;
	v57 =	vld.idx.msk [tilespmem:v39+s18+$0x0], $0xffff;
	v58 =	vsel vm15, $0x0, v2;
	v59 =	vsel vm4, $0x0, v2  }
0x3cc: {  	v35 =	vor.u32 v16, v56;
	vm5 =	veq.s32 v38, $0x0;
	v39 =	vadd.f32 v59, v58  }
0x3cd: {  	v60 =	vand.u32 $0xFFF8, v55;
	v62 =	vadd.s32 s20, v18;
	v40 =	vld.idx.msk [tilespmem:v40+s18+$0x0], $0xffff;
	v61 =	vsel vm5, $0x0, v2  }
0x3ce: {  	v38 =	vor.u32 v1, v60;
	vm6 =	veq.s32 v37, $0x0;
	v39 =	vadd.f32 v61, v39  }
0x3cf: {  	v63 =	vand.u32 $0xFFF8, v62;
	v41 =	vld.idx.msk [tilespmem:v41+s18+$0x0], $0xffff;
	v46 =	vadd.s32 s20, v19;
	v45 =	vsel vm6, $0x0, v2  }
0x3d0: {  	v37 =	vor.u32 v4, v63;
	vm7 =	veq.s32 v57, $0x0;
	v39 =	vadd.f32 v45, v39  }
0x3d1: {  	v49 =	vadd.s32 s20, v20;
	v47 =	vand.u32 $0xFFF8, v46;
	v48 =	vsel vm7, $0x0, v2;
	v35 =	vld.idx.msk [tilespmem:v35+s18+$0x0], $0xffff  }
0x3d2: {  	v36 =	vor.u32 v6, v47;
	vm8 =	veq.s32 v40, $0x0;
	v39 =	vadd.f32 v48, v39  }
0x3d3: {  	v53 =	vand.u32 $0xFFF8, v52;
	v50 =	vand.u32 $0xFFF8, v49;
	v51 =	vsel vm8, $0x0, v2;
	v38 =	vld.idx.msk [tilespmem:v38+s18+$0x0], $0xffff  }
0x3d4: {  	v40 =	vor.u32 v8, v50;
	vm9 =	veq.s32 v41, $0x0;
	v39 =	vadd.f32 v51, v39  }
0x3d5: {  	v55 =	vadd.s32 s20, v22;
	v41 =	vor.u32 v10, v53;
	v54 =	vsel vm9, $0x0, v2;
	v37 =	vld.idx.msk [tilespmem:v37+s18+$0x0], $0xffff  }
0x3d6: {  	v56 =	vand.u32 $0xFFF8, v55;
	vm10 =	veq.s32 v35, $0x0;
	v39 =	vadd.f32 v54, v39  }
0x3d7: {  	v58 =	vadd.s32 s20, v23;
	v61 =	vadd.s32 s20, v24;
	v36 =	vld.idx.msk [tilespmem:v36+s18+$0x0], $0xffff;
	v57 =	vsel vm10, $0x0, v2  }
0x3d8: {  	v35 =	vor.u32 v12, v56;
	vm11 =	veq.s32 v38, $0x0;
	v39 =	vadd.f32 v57, v39  }
0x3d9: {  	v59 =	vand.u32 $0xFFF8, v58;
	v40 =	vld.idx.msk [tilespmem:v40+s18+$0x0], $0xffff;
	v62 =	vand.u32 $0xFFF8, v61;
	v60 =	vsel vm11, $0x0, v2  }
0x3da: {  	v38 =	vor.u32 v14, v59;
	vm12 =	veq.s32 v37, $0x0;
	v39 =	vadd.f32 v60, v39  }
0x3db: {  	v41 =	vld.idx.msk [tilespmem:v41+s18+$0x0], $0xffff;
	v45 =	vadd.s32 s20, v25;
	v48 =	vadd.s32 s20, v26;
	v63 =	vsel vm12, $0x0, v2  }
0x3dc: {  	v37 =	vor.u32 v16, v62;
	vm13 =	veq.s32 v36, $0x0;
	v39 =	vadd.f32 v63, v39  }
0x3dd: {  	v46 =	vand.u32 $0xFFF8, v45;
	v49 =	vand.u32 $0xFFF8, v48;
	v47 =	vsel vm13, $0x0, v2;
	v35 =	vld.idx.msk [tilespmem:v35+s18+$0x0], $0xffff  }
0x3de: {  	v36 =	vor.u32 v1, v46;
	vm14 =	veq.s32 v40, $0x0;
	v39 =	vadd.f32 v47, v39  }
0x3df: {  	v40 =	vor.u32 v4, v49;
	v51 =	vadd.s32 s20, v27;
	v50 =	vsel vm14, $0x0, v2;
	v38 =	vld.idx.msk [tilespmem:v38+s18+$0x0], $0xffff  }
0x3e0: {  	vm15 =	veq.s32 v41, $0x0;
	v52 =	vand.u32 $0xFFF8, v51;
	v39 =	vadd.f32 v50, v39  }
0x3e1: {  	v53 =	vsel vm15, $0x0, v2;
	v41 =	vor.u32 v6, v52;
	v54 =	vadd.s32 s20, v28;
	v37 =	vld.idx.msk [tilespmem:v37+s18+$0x0], $0xffff  }
0x3e2: {  	v57 =	vadd.s32 s20, v29;
	vm4 =	veq.s32 v35, $0x0;
	v39 =	vadd.f32 v53, v39  }
0x3e3: {  	v55 =	vand.u32 $0xFFF8, v54;
	v36 =	vld.idx.msk [tilespmem:v36+s18+$0x0], $0xffff;
	v58 =	vand.u32 $0xFFF8, v57;
	v56 =	vsel vm4, $0x0, v2  }
0x3e4: {  	v35 =	vor.u32 v8, v55;
	vm5 =	veq.s32 v38, $0x0;
	v39 =	vadd.f32 v56, v39  }
0x3e5: {  	v40 =	vld.idx.msk [tilespmem:v40+s18+$0x0], $0xffff;
	v60 =	vadd.s32 s20, v30;
	v63 =	vadd.s32 s20, v31;
	v59 =	vsel vm5, $0x0, v2  }
0x3e6: {  	v38 =	vor.u32 v10, v58;
	vm6 =	veq.s32 v37, $0x0;
	v39 =	vadd.f32 v59, v39  }
0x3e7: {  	v61 =	vand.u32 $0xFFF8, v60;
	v41 =	vld.idx.msk [tilespmem:v41+s18+$0x0], $0xffff;
	v45 =	vand.u32 $0xFFF8, v63;
	v62 =	vsel vm6, $0x0, v2  }
0x3e8: {  	v37 =	vor.u32 v12, v61;
	vm7 =	veq.s32 v36, $0x0;
	v39 =	vadd.f32 v62, v39  }
0x3e9: {  	v36 =	vor.u32 v14, v45;
	v46 =	vsel vm7, $0x0, v2;
	v35 =	vld.idx.msk [tilespmem:v35+s18+$0x0], $0xffff  }
0x3ea: {  	v47 =	vadd.s32 s20, v32;
	vm8 =	veq.s32 v40, $0x0;
	v39 =	vadd.f32 v46, v39  }
0x3eb: {  	v48 =	vand.u32 $0xFFF8, v47;
	v49 =	vsel vm8, $0x0, v2;
	v38 =	vld.idx.msk [tilespmem:v38+s18+$0x0], $0xffff  }
0x3ec: {  	v40 =	vor.u32 v16, v48;
	vm9 =	veq.s32 v41, $0x0;
	v39 =	vadd.f32 v49, v39  }
0x3ed: {  	v52 =	vsel vm9, $0x0, v2;
	v37 =	vld.idx.msk [tilespmem:v37+s18+$0x0], $0xffff  }
0x3ee: {  	vm10 =	veq.s32 v35, $0x0;
	v39 =	vadd.f32 v52, v39  }
0x3ef: {  	v50 =	vadd.s32 s20, v33;
	v53 =	vld.idx.msk [tilespmem:v36+s18+$0x0], $0xffff;
	v54 =	vsel vm10, $0x0, v2  }
0x3f0: {  	v51 =	vand.u32 $0xFFF8, v50;
	vm11 =	veq.s32 v38, $0x0;
	v36 =	vadd.f32 v54, v39  }
0x3f1: {  	v57 =	vadd.s32 s20, v34;
	v41 =	vor.u32 v1, v51;
	v55 =	vld.idx.msk [tilespmem:v40+s18+$0x0], $0xffff;
	v56 =	vsel vm11, $0x0, v2  }
0x3f2: {  	v58 =	vand.u32 $0xFFF8, v57;
	vm12 =	veq.s32 v37, $0x0;
	v36 =	vadd.f32 v56, v36  }
0x3f3: {  	v37 =	vor.u32 v4, v58;
	v60 =	vsel vm12, $0x0, v2  }
0x3f4: {  	vm13 =	veq.s32 v53, $0x0;
	v36 =	vadd.f32 v60, v36  }
0x3f5: {  	v35 =	vsel vm13, $0x0, v2  }
0x3f6: {  	v59 =	vld.idx.msk [tilespmem:v41+s18+$0x0], $0xffff;
	vm14 =	veq.s32 v55, $0x0;
	v35 =	vadd.f32 v35, v36  }
0x3f7: {  	v62 =	vsel vm14, $0x0, v2  }
0x3f8: {  	v36 =	vadd.f32 v62, v35;
	v35 =	vld.idx.msk [tilespmem:v37+s18+$0x0], $0xffff;
	_ =	sdelay $0x1  }
0x3f9: {  	s13 =	simm.s32 $0x340  }
0x3fa: {  	v63 =	vadd.s32 s13, v3;
	v61 =	vadd.s32 s13, v0;
	vm15 =	veq.s32 v59, $0x0  }
0x3fb: {  	s20 =	simm.s32 $0x4E0;
	v38 =	vand.u32 $0xFFF8, v61;
	v39 =	vsel vm15, $0x0, v2;
	v37 =	vand.u32 $0xFFF8, v63  }
.LBB2_3:
0x3fc: {  	p2 =	sne.s32 s20, $0x6660;
	v38 =	vor.u32 v1, v38;
	v36 =	vadd.f32 v39, v36;
	vm0 =	veq.s32 v35, $0x0  }
0x3fd: {  	v35 =	vor.u32 v4, v37;
	v37 =	vadd.s32 s13, v5;
	v39 =	vsel vm0, $0x0, v2  }
0x3fe: {  	v37 =	vand.u32 $0xFFF8, v37;
	v36 =	vadd.f32 v39, v36  }
0x3ff: {  	s4 =	sadd.s32 $0x10, s4;
	v37 =	vor.u32 v6, v37;
	v39 =	vadd.s32 s13, v7  }
0x400: {  	v39 =	vand.u32 $0xFFF8, v39;
	[tilespmem:s4+$0x0] =	vst v36  }
0x401: {  	v36 =	vld.idx.msk [tilespmem:v38+s18+$0x0], $0xffff;
	v38 =	vor.u32 v8, v39;
	v39 =	vadd.s32 s13, v9  }
0x402: {  	v35 =	vld.idx.msk [tilespmem:v35+s18+$0x0], $0xffff;
	v39 =	vand.u32 $0xFFF8, v39  }
0x403: {  	v40 =	vadd.s32 s13, v11;
	v39 =	vor.u32 v10, v39  }
0x404: {  	v40 =	vand.u32 $0xFFF8, v40;
	v37 =	vld.idx.msk [tilespmem:v37+s18+$0x0], $0xffff  }
0x405: {  	v41 =	vadd.s32 s13, v13;
	v40 =	vor.u32 v12, v40  }
0x406: {  	v41 =	vand.u32 $0xFFF8, v41;
	v38 =	vld.idx.msk [tilespmem:v38+s18+$0x0], $0xffff  }
0x407: {  	v42 =	vadd.s32 s13, v15;
	v43 =	vadd.s32 s13, v17;
	v41 =	vor.u32 v14, v41  }
0x408: {  	vm0 =	veq.s32 v36, $0x0;
	v36 =	vand.u32 $0xFFF8, v42;
	vm1 =	veq.s32 v35, $0x0;
	v35 =	vld.idx.msk [tilespmem:v39+s18+$0x0], $0xffff  }
0x409: {  	v36 =	vor.u32 v16, v36;
	v39 =	vsel vm0, $0x0, v2;
	v42 =	vsel vm1, $0x0, v2  }
0x40a: {  	v39 =	vadd.f32 v42, v39;
	vm0 =	veq.s32 v37, $0x0;
	v37 =	vld.idx.msk [tilespmem:v40+s18+$0x0], $0xffff;
	v40 =	vand.u32 $0xFFF8, v43  }
0x40b: {  	v42 =	vsel vm0, $0x0, v2;
	v43 =	vadd.s32 s13, v18;
	v40 =	vor.u32 v1, v40  }
0x40c: {  	v39 =	vadd.f32 v42, v39;
	vm0 =	veq.s32 v38, $0x0;
	v38 =	vld.idx.msk [tilespmem:v41+s18+$0x0], $0xffff;
	v41 =	vand.u32 $0xFFF8, v43  }
0x40d: {  	v42 =	vsel vm0, $0x0, v2;
	v43 =	vadd.s32 s13, v19;
	v41 =	vor.u32 v4, v41  }
0x40e: {  	v39 =	vadd.f32 v42, v39;
	vm0 =	veq.s32 v35, $0x0;
	v35 =	vld.idx.msk [tilespmem:v36+s18+$0x0], $0xffff;
	v36 =	vand.u32 $0xFFF8, v43  }
0x40f: {  	v42 =	vsel vm0, $0x0, v2;
	v43 =	vadd.s32 s13, v20;
	v36 =	vor.u32 v6, v36  }
0x410: {  	v39 =	vadd.f32 v42, v39;
	vm0 =	veq.s32 v37, $0x0;
	v37 =	vld.idx.msk [tilespmem:v40+s18+$0x0], $0xffff;
	v40 =	vand.u32 $0xFFF8, v43  }
0x411: {  	v42 =	vsel vm0, $0x0, v2;
	v43 =	vadd.s32 s13, v21;
	v40 =	vor.u32 v8, v40  }
0x412: {  	v39 =	vadd.f32 v42, v39;
	vm0 =	veq.s32 v38, $0x0;
	v38 =	vld.idx.msk [tilespmem:v41+s18+$0x0], $0xffff;
	v41 =	vand.u32 $0xFFF8, v43  }
0x413: {  	v42 =	vsel vm0, $0x0, v2;
	v43 =	vadd.s32 s13, v22;
	v41 =	vor.u32 v10, v41  }
0x414: {  	v39 =	vadd.f32 v42, v39;
	vm0 =	veq.s32 v35, $0x0;
	v35 =	vld.idx.msk [tilespmem:v36+s18+$0x0], $0xffff;
	v36 =	vand.u32 $0xFFF8, v43  }
0x415: {  	v42 =	vsel vm0, $0x0, v2;
	v43 =	vadd.s32 s13, v23;
	v36 =	vor.u32 v12, v36  }
0x416: {  	v39 =	vadd.f32 v42, v39;
	vm0 =	veq.s32 v37, $0x0;
	v37 =	vld.idx.msk [tilespmem:v40+s18+$0x0], $0xffff;
	v40 =	vand.u32 $0xFFF8, v43  }
0x417: {  	v42 =	vsel vm0, $0x0, v2;
	v43 =	vadd.s32 s13, v24;
	v40 =	vor.u32 v14, v40  }
0x418: {  	v39 =	vadd.f32 v42, v39;
	vm0 =	veq.s32 v38, $0x0;
	v38 =	vld.idx.msk [tilespmem:v41+s18+$0x0], $0xffff;
	v41 =	vand.u32 $0xFFF8, v43  }
0x419: {  	v42 =	vsel vm0, $0x0, v2;
	v43 =	vadd.s32 s13, v25;
	v41 =	vor.u32 v16, v41  }
0x41a: {  	v39 =	vadd.f32 v42, v39;
	vm0 =	veq.s32 v35, $0x0;
	v35 =	vld.idx.msk [tilespmem:v36+s18+$0x0], $0xffff;
	v36 =	vand.u32 $0xFFF8, v43  }
0x41b: {  	v42 =	vsel vm0, $0x0, v2;
	v43 =	vadd.s32 s13, v26;
	v36 =	vor.u32 v1, v36  }
0x41c: {  	v39 =	vadd.f32 v42, v39;
	vm0 =	veq.s32 v37, $0x0;
	v37 =	vld.idx.msk [tilespmem:v40+s18+$0x0], $0xffff;
	v40 =	vand.u32 $0xFFF8, v43  }
0x41d: {  	v42 =	vsel vm0, $0x0, v2;
	v43 =	vadd.s32 s13, v27;
	v40 =	vor.u32 v4, v40  }
0x41e: {  	v39 =	vadd.f32 v42, v39;
	vm0 =	veq.s32 v38, $0x0;
	v38 =	vld.idx.msk [tilespmem:v41+s18+$0x0], $0xffff;
	v41 =	vand.u32 $0xFFF8, v43  }
0x41f: {  	v42 =	vsel vm0, $0x0, v2;
	v43 =	vadd.s32 s13, v28;
	v41 =	vor.u32 v6, v41  }
0x420: {  	v39 =	vadd.f32 v42, v39;
	vm0 =	veq.s32 v35, $0x0;
	v35 =	vld.idx.msk [tilespmem:v36+s18+$0x0], $0xffff;
	v36 =	vand.u32 $0xFFF8, v43  }
0x421: {  	v42 =	vsel vm0, $0x0, v2;
	v43 =	vadd.s32 s13, v29;
	v36 =	vor.u32 v8, v36  }
0x422: {  	v39 =	vadd.f32 v42, v39;
	vm0 =	veq.s32 v37, $0x0;
	v37 =	vld.idx.msk [tilespmem:v40+s18+$0x0], $0xffff;
	v40 =	vand.u32 $0xFFF8, v43  }
0x423: {  	v42 =	vsel vm0, $0x0, v2;
	v43 =	vadd.s32 s13, v30;
	v40 =	vor.u32 v10, v40  }
0x424: {  	v39 =	vadd.f32 v42, v39;
	vm0 =	veq.s32 v38, $0x0;
	v38 =	vld.idx.msk [tilespmem:v41+s18+$0x0], $0xffff;
	v41 =	vand.u32 $0xFFF8, v43  }
0x425: {  	v42 =	vsel vm0, $0x0, v2;
	v43 =	vadd.s32 s13, v31;
	v41 =	vor.u32 v12, v41  }
0x426: {  	v39 =	vadd.f32 v42, v39;
	vm0 =	veq.s32 v35, $0x0;
	v35 =	vld.idx.msk [tilespmem:v36+s18+$0x0], $0xffff;
	v36 =	vand.u32 $0xFFF8, v43  }
0x427: {  	v42 =	vsel vm0, $0x0, v2;
	v43 =	vadd.s32 s13, v32;
	v36 =	vor.u32 v14, v36  }
0x428: {  	v39 =	vadd.f32 v42, v39;
	vm0 =	veq.s32 v37, $0x0;
	v37 =	vld.idx.msk [tilespmem:v40+s18+$0x0], $0xffff;
	v40 =	vand.u32 $0xFFF8, v43  }
0x429: {  	v42 =	vsel vm0, $0x0, v2;
	v43 =	vadd.s32 s13, v33;
	v40 =	vor.u32 v16, v40  }
0x42a: {  	v39 =	vadd.f32 v42, v39;
	vm0 =	veq.s32 v38, $0x0;
	v38 =	vld.idx.msk [tilespmem:v41+s18+$0x0], $0xffff;
	v41 =	vand.u32 $0xFFF8, v43  }
0x42b: {  	v42 =	vsel vm0, $0x0, v2;
	v43 =	vadd.s32 s13, v34;
	s13 =	smov.u32 s20;
	v41 =	vor.u32 v1, v41  }
0x42c: {  	v39 =	vadd.f32 v42, v39;
	vm0 =	veq.s32 v35, $0x0;
	v35 =	vld.idx.msk [tilespmem:v36+s18+$0x0], $0xffff;
	v36 =	vand.u32 $0xFFF8, v43  }
0x42d: {  	v42 =	vsel vm0, $0x0, v2;
	v36 =	vor.u32 v4, v36  }
0x42e: {  	v39 =	vadd.f32 v42, v39;
	vm0 =	veq.s32 v37, $0x0;
	v37 =	vld.idx.msk [tilespmem:v40+s18+$0x0], $0xffff  }
0x42f: {  	v40 =	vsel vm0, $0x0, v2  }
0x430: {  	v39 =	vadd.f32 v40, v39;
	vm0 =	veq.s32 v38, $0x0;
	v38 =	vld.idx.msk [tilespmem:v41+s18+$0x0], $0xffff  }
0x431: {  	v40 =	vsel vm0, $0x0, v2  }
0x432: {  	v39 =	vadd.f32 v40, v39;
	vm0 =	veq.s32 v35, $0x0;
	v35 =	vld.idx.msk [tilespmem:v36+s18+$0x0], $0xffff  }
.Ltmp14:
0x433: {  	v36 =	vsel vm0, $0x0, v2;
	(pc) =	sbr.rel @p2 .LBB2_3-.Ltmp14, $4  }
0x434: {  	v36 =	vadd.f32 v36, v39;
	vm0 =	veq.s32 v37, $0x0  }
0x435: {  	v37 =	vadd.s32 s20, v0;
	v39 =	vsel vm0, $0x0, v2  }
0x436: {  	v40 =	vadd.s32 s20, v3;
	v36 =	vadd.f32 v39, v36;
	vm0 =	veq.s32 v38, $0x0  }
0x437: {  	s20 =	sadd.s32 $0x1A0, s20;
	v38 =	vand.u32 $0xFFF8, v37;
	v37 =	vand.u32 $0xFFF8, v40;
	v39 =	vsel vm0, $0x0, v2  }
0x438: {  	v38 =	vor.u32 v1, v38;
	v36 =	vadd.f32 v39, v36;
	vm0 =	veq.s32 v35, $0x0  }
0x439: {  	v50 =	vor.u32 v4, v37;
	v51 =	vadd.s32 s13, v5;
	v52 =	vsel vm0, $0x0, v2  }
0x43a: {  	v37 =	vand.u32 $0xFFF8, v51;
	v36 =	vadd.f32 v52, v36  }
0x43b: {  	v53 =	vadd.s32 s13, v7;
	s4 =	sadd.s32 $0x10, s4;
	v37 =	vor.u32 v6, v37  }
0x43c: {  	v39 =	vand.u32 $0xFFF8, v53;
	[tilespmem:s4+$0x0] =	vst v36  }
0x43d: {  	v55 =	vadd.s32 s13, v9;
	v54 =	vor.u32 v8, v39;
	v36 =	vld.idx.msk [tilespmem:v38+s18+$0x0], $0xffff  }
0x43e: {  	v39 =	vand.u32 $0xFFF8, v55;
	v35 =	vld.idx.msk [tilespmem:v50+s18+$0x0], $0xffff  }
0x43f: {  	v40 =	vadd.s32 s13, v11;
	v39 =	vor.u32 v10, v39  }
0x440: {  	v40 =	vand.u32 $0xFFF8, v40;
	v37 =	vld.idx.msk [tilespmem:v37+s18+$0x0], $0xffff  }
0x441: {  	v41 =	vadd.s32 s13, v13;
	v42 =	vadd.s32 s13, v15;
	v40 =	vor.u32 v12, v40  }
0x442: {  	v43 =	vadd.s32 s13, v17;
	v62 =	vadd.s32 s13, v18;
	v41 =	vand.u32 $0xFFF8, v41;
	v38 =	vld.idx.msk [tilespmem:v54+s18+$0x0], $0xffff  }
0x443: {  	v41 =	vor.u32 v14, v41;
	vm15 =	veq.s32 v36, $0x0;
	vm1 =	veq.s32 v35, $0x0  }
0x444: {  	v56 =	vand.u32 $0xFFF8, v42;
	v57 =	vld.idx.msk [tilespmem:v39+s18+$0x0], $0xffff;
	v58 =	vsel vm15, $0x0, v2;
	v59 =	vsel vm1, $0x0, v2  }
0x445: {  	v35 =	vor.u32 v16, v56;
	v39 =	vadd.f32 v59, v58;
	vm4 =	veq.s32 v37, $0x0  }
0x446: {  	v46 =	vadd.s32 s13, v19;
	v60 =	vand.u32 $0xFFF8, v43;
	v40 =	vld.idx.msk [tilespmem:v40+s18+$0x0], $0xffff;
	v61 =	vsel vm4, $0x0, v2  }
0x447: {  	v37 =	vor.u32 v1, v60;
	vm5 =	veq.s32 v38, $0x0;
	v39 =	vadd.f32 v61, v39  }
0x448: {  	v49 =	vadd.s32 s13, v20;
	v63 =	vand.u32 $0xFFF8, v62;
	v41 =	vld.idx.msk [tilespmem:v41+s18+$0x0], $0xffff;
	v45 =	vsel vm5, $0x0, v2  }
0x449: {  	v38 =	vor.u32 v4, v63;
	vm6 =	veq.s32 v57, $0x0;
	v39 =	vadd.f32 v45, v39  }
0x44a: {  	v47 =	vand.u32 $0xFFF8, v46;
	v52 =	vadd.s32 s13, v21;
	v48 =	vsel vm6, $0x0, v2;
	v35 =	vld.idx.msk [tilespmem:v35+s18+$0x0], $0xffff  }
0x44b: {  	v36 =	vor.u32 v6, v47;
	vm7 =	veq.s32 v40, $0x0;
	v39 =	vadd.f32 v48, v39  }
0x44c: {  	v53 =	vand.u32 $0xFFF8, v52;
	v50 =	vand.u32 $0xFFF8, v49;
	v51 =	vsel vm7, $0x0, v2;
	v37 =	vld.idx.msk [tilespmem:v37+s18+$0x0], $0xffff  }
0x44d: {  	v40 =	vor.u32 v8, v50;
	vm8 =	veq.s32 v41, $0x0;
	v39 =	vadd.f32 v51, v39  }
0x44e: {  	v55 =	vadd.s32 s13, v22;
	v41 =	vor.u32 v10, v53;
	v54 =	vsel vm8, $0x0, v2;
	v38 =	vld.idx.msk [tilespmem:v38+s18+$0x0], $0xffff  }
0x44f: {  	v58 =	vadd.s32 s13, v23;
	vm9 =	veq.s32 v35, $0x0;
	v39 =	vadd.f32 v54, v39  }
0x450: {  	v56 =	vand.u32 $0xFFF8, v55;
	v59 =	vand.u32 $0xFFF8, v58;
	v36 =	vld.idx.msk [tilespmem:v36+s18+$0x0], $0xffff;
	v57 =	vsel vm9, $0x0, v2  }
0x451: {  	v35 =	vor.u32 v12, v56;
	vm10 =	veq.s32 v37, $0x0;
	v39 =	vadd.f32 v57, v39  }
0x452: {  	v61 =	vadd.s32 s13, v24;
	v45 =	vadd.s32 s13, v25;
	v40 =	vld.idx.msk [tilespmem:v40+s18+$0x0], $0xffff;
	v60 =	vsel vm10, $0x0, v2  }
0x453: {  	v37 =	vor.u32 v14, v59;
	vm11 =	veq.s32 v38, $0x0;
	v39 =	vadd.f32 v60, v39  }
0x454: {  	v62 =	vand.u32 $0xFFF8, v61;
	v41 =	vld.idx.msk [tilespmem:v41+s18+$0x0], $0xffff;
	v46 =	vand.u32 $0xFFF8, v45;
	v63 =	vsel vm11, $0x0, v2  }
0x455: {  	vm12 =	veq.s32 v36, $0x0;
	v38 =	vor.u32 v16, v62;
	v39 =	vadd.f32 v63, v39  }
0x456: {  	v48 =	vadd.s32 s13, v26;
	v36 =	vor.u32 v1, v46;
	v47 =	vsel vm12, $0x0, v2;
	v35 =	vld.idx.msk [tilespmem:v35+s18+$0x0], $0xffff  }
0x457: {  	v51 =	vadd.s32 s13, v27;
	vm13 =	veq.s32 v40, $0x0;
	v39 =	vadd.f32 v47, v39  }
0x458: {  	v49 =	vand.u32 $0xFFF8, v48;
	v52 =	vand.u32 $0xFFF8, v51;
	v50 =	vsel vm13, $0x0, v2;
	v37 =	vld.idx.msk [tilespmem:v37+s18+$0x0], $0xffff  }
0x459: {  	v40 =	vor.u32 v4, v49;
	vm14 =	veq.s32 v41, $0x0;
	v39 =	vadd.f32 v50, v39  }
0x45a: {  	v41 =	vor.u32 v6, v52;
	v54 =	vadd.s32 s13, v28;
	v53 =	vsel vm14, $0x0, v2;
	v38 =	vld.idx.msk [tilespmem:v38+s18+$0x0], $0xffff  }
0x45b: {  	v57 =	vadd.s32 s13, v29;
	vm15 =	veq.s32 v35, $0x0;
	v39 =	vadd.f32 v53, v39  }
0x45c: {  	v55 =	vand.u32 $0xFFF8, v54;
	v36 =	vld.idx.msk [tilespmem:v36+s18+$0x0], $0xffff;
	v58 =	vand.u32 $0xFFF8, v57;
	v56 =	vsel vm15, $0x0, v2  }
0x45d: {  	v35 =	vor.u32 v8, v55;
	vm4 =	veq.s32 v37, $0x0;
	v39 =	vadd.f32 v56, v39  }
0x45e: {  	v60 =	vadd.s32 s13, v30;
	v40 =	vld.idx.msk [tilespmem:v40+s18+$0x0], $0xffff;
	v63 =	vadd.s32 s13, v31;
	v59 =	vsel vm4, $0x0, v2  }
0x45f: {  	v37 =	vor.u32 v10, v58;
	vm5 =	veq.s32 v38, $0x0;
	v39 =	vadd.f32 v59, v39  }
0x460: {  	v61 =	vand.u32 $0xFFF8, v60;
	v41 =	vld.idx.msk [tilespmem:v41+s18+$0x0], $0xffff;
	v45 =	vand.u32 $0xFFF8, v63;
	v62 =	vsel vm5, $0x0, v2  }
0x461: {  	vm6 =	veq.s32 v36, $0x0;
	v38 =	vor.u32 v12, v61;
	v39 =	vadd.f32 v62, v39  }
0x462: {  	v36 =	vor.u32 v14, v45;
	v47 =	vadd.s32 s13, v32;
	v46 =	vsel vm6, $0x0, v2;
	v35 =	vld.idx.msk [tilespmem:v35+s18+$0x0], $0xffff  }
0x463: {  	v48 =	vand.u32 $0xFFF8, v47;
	vm7 =	veq.s32 v40, $0x0;
	v39 =	vadd.f32 v46, v39  }
0x464: {  	v40 =	vor.u32 v16, v48;
	v50 =	vadd.s32 s13, v33;
	v49 =	vsel vm7, $0x0, v2;
	v37 =	vld.idx.msk [tilespmem:v37+s18+$0x0], $0xffff  }
0x465: {  	vm8 =	veq.s32 v41, $0x0;
	v51 =	vand.u32 $0xFFF8, v50;
	v39 =	vadd.f32 v49, v39  }
0x466: {  	v52 =	vsel vm8, $0x0, v2;
	v41 =	vor.u32 v1, v51;
	v38 =	vld.idx.msk [tilespmem:v38+s18+$0x0], $0xffff  }
0x467: {  	v53 =	vadd.s32 s13, v34;
	vm9 =	veq.s32 v35, $0x0;
	v39 =	vadd.f32 v52, v39  }
0x468: {  	v54 =	vld.idx.msk [tilespmem:v36+s18+$0x0], $0xffff;
	v55 =	vand.u32 $0xFFF8, v53;
	v56 =	vsel vm9, $0x0, v2  }
0x469: {  	v36 =	vor.u32 v4, v55;
	vm10 =	veq.s32 v37, $0x0;
	v39 =	vadd.f32 v56, v39  }
0x46a: {  	v57 =	vld.idx.msk [tilespmem:v40+s18+$0x0], $0xffff;
	v58 =	vsel vm10, $0x0, v2  }
0x46b: {  	vm11 =	veq.s32 v38, $0x0;
	v39 =	vadd.f32 v58, v39  }
0x46c: {  	v59 =	vld.idx.msk [tilespmem:v41+s18+$0x0], $0xffff;
	v60 =	vsel vm11, $0x0, v2  }
0x46d: {  	vm12 =	veq.s32 v54, $0x0;
	v39 =	vadd.f32 v60, v39  }
0x46e: {  	v61 =	vld.idx.msk [tilespmem:v36+s18+$0x0], $0xffff;
	v62 =	vsel vm12, $0x0, v2  }
0x46f: {  	vm13 =	veq.s32 v57, $0x0;
	v36 =	vadd.f32 v62, v39  }
0x470: {  	v37 =	vsel vm13, $0x0, v2  }
0x471: {  	vm14 =	veq.s32 v59, $0x0;
	v36 =	vadd.f32 v37, v36  }
0x472: {  	v63 =	vsel vm14, $0x0, v2  }
0x473: {  	vm15 =	veq.s32 v61, $0x0;
	v36 =	vadd.f32 v63, v36  }
0x474: {  	v35 =	vsel vm15, $0x0, v2  }
0x475: {  	v35 =	vadd.f32 v35, v36  }
0x476: {  	s4 =	sadd.s32 $0x10, s4  }
0x477: {  	s15 =	simm.s32 $0x17628;
	s13 =	rddreg [dreg:$0xa];
	[tilespmem:s4+$0x0] =	vst v35  }
0x478: {  	[hbm4b:s13+s14] =	stream.linear.scatter [tilespmem:s15], [sflag:$0xC], $0x400, $0x38;
	[tilespmem:$0x17A28] =	vst v63  }
0x479: {  	_ =	swait.ge [sflag:s21], $0x400  }
0x47a: {  	[sflag:s21] =	ssyncset.done $0x0  }
0x47b: {  	[sflag:s21] =	ssyncadd.s32 $0xFFFFFC00  }
0x47c: {  	_ =	swait.ge [sflag:s22], $0x1E84  }
0x47d: {  	[sflag:s22] =	ssyncset.done $0x0  }
0x47e: {  	s4 =	simm.s32 @!p1 $0x3;
	[sflag:s22] =	ssyncadd.s32 $0xFFFFE17C  }
0x47f: {  	_ =	swait.ge @!p1 [sflag:s4], $0x8  }
0x480: {  	[sflag:s4] =	ssyncset.done @!p1 $0x0  }
0x481: {  	[sflag:s4] =	ssyncadd.s32 @!p1 $0xFFFFFFF8  }
0x482: {  	[bflag:$0x0] =	sbarrier.arrive $0xFFFF  }
0x483: {  	[tilespmem:s24], [sflag:$0x4] =	stream.indirect.gather [spmem:s3], $0x1, s18, s23, $0xb8;
	[tilespmem:$0x17A28] =	vst v63  }
0x484: {  	s16 =	simm.s32 $0xF768  }
0x485: {  	[tilespmem:s26], [sflag:$0x5] =	stream.indirect.gather [spmem:s3], $0x1, s16, s23, $0xb8;
	[tilespmem:$0x17A28] =	vst v63  }
0x486: {  	s20 =	simm.s32 $0xFAA8  }
0x487: {  	[tilespmem:s29], [sflag:$0x6] =	stream.indirect.gather [spmem:s3], $0x1, s20, s23, $0xb8;
	[tilespmem:$0x17A28] =	vst v63  }
0x488: {  	s13 =	simm.s32 $0xFDE8  }
0x489: {  	[tilespmem:s31], [sflag:$0x7] =	stream.indirect.gather [spmem:s3], $0x1, s13, s23, $0xb8;
	[tilespmem:$0x17A28] =	vst v63  }
0x48a: {  	s14 =	simm.s32 $0x10128  }
0x48b: {  	[tilespmem:s1], [sflag:$0x8] =	stream.indirect.gather [spmem:s3], $0x1, s14, s23, $0xb8;
	[tilespmem:$0x17A28] =	vst v63  }
0x48c: {  	s15 =	simm.s32 $0x10468  }
0x48d: {  	[tilespmem:s25], [sflag:$0x9] =	stream.indirect.gather [spmem:s3], $0x1, s15, s23, $0xb8;
	[tilespmem:$0x17A28] =	vst v63  }
0x48e: {  	s16 =	simm.s32 $0x107A8  }
0x48f: {  	[tilespmem:s30], [sflag:$0xA] =	stream.indirect.gather [spmem:s3], $0x1, s16, s23, $0xb8;
	[tilespmem:$0x17A28] =	vst v63  }
0x490: {  	s20 =	simm.s32 $0x10AE8;
	s13 =	simm.s32 $0x0  }
0x491: {  	[tilespmem:s2], [sflag:$0xB] =	stream.indirect.gather [spmem:s3], $0x1, s20, s23, $0xb8;
	[tilespmem:$0x17A28] =	vst v63  }
.LBB2_5:
0x492: {  	s4 =	sshll.u32 s13, $0x8  }
0x493: {  	_ =	swait.ge [sflag:s28], $0x340;
	s20 =	sand.u32 $0x3FFFFF00, s4  }
0x494: {  	[sflag:s28] =	ssyncset.done $0x0;
	s4 =	sadd.s32 $0x17628, s20  }
0x495: {  	p2 =	por $0x1, $0x1;
	[sflag:s28] =	ssyncadd.s32 $0xFFFFFCC0;
	v35 =	vmov s4;
	s4 =	simm.s32 $0x0  }
.LBB2_6:
0x496: {  	s14 =	smul.u32 $0x1A0, s4;
	_ =	sdelay $0x1  }
0x497: {  	v36 =	vadd.s32 s14, v0  }
0x498: {  	v36 =	vand.u32 $0x3F8, v36  }
0x499: {  	v37 =	vadd.s32 s14, v3;
	v36 =	vor.u32 v1, v36  }
0x49a: {  	v37 =	vand.u32 $0x3F8, v37  }
0x49b: {  	v38 =	vadd.s32 s14, v5;
	v37 =	vor.u32 v4, v37  }
0x49c: {  	v38 =	vand.u32 $0x3F8, v38  }
0x49d: {  	v39 =	vadd.s32 s14, v7;
	v38 =	vor.u32 v6, v38  }
0x49e: {  	v39 =	vand.u32 $0x3F8, v39;
	v36 =	vld.idx.msk [tilespmem:v36+s24+$0x0], $0xffff  }
0x49f: {  	v40 =	vadd.s32 s14, v9;
	v39 =	vor.u32 v8, v39  }
0x4a0: {  	v40 =	vand.u32 $0x3F8, v40;
	v37 =	vld.idx.msk [tilespmem:v37+s24+$0x0], $0xffff  }
0x4a1: {  	v41 =	vadd.s32 s14, v11;
	v40 =	vor.u32 v10, v40  }
0x4a2: {  	v41 =	vand.u32 $0x3F8, v41;
	v38 =	vld.idx.msk [tilespmem:v38+s24+$0x0], $0xffff  }
0x4a3: {  	v42 =	vadd.s32 s14, v13;
	v41 =	vor.u32 v12, v41;
	v36 =	vadd.f32 $0.0e+00, v36  }
0x4a4: {  	v42 =	vand.u32 $0x3F8, v42;
	v39 =	vld.idx.msk [tilespmem:v39+s24+$0x0], $0xffff  }
0x4a5: {  	v62 =	vadd.s32 s14, v15;
	v61 =	vor.u32 v14, v42;
	v36 =	vadd.f32 v37, v36  }
0x4a6: {  	v42 =	vand.u32 $0x3F8, v62;
	v40 =	vld.idx.msk [tilespmem:v40+s24+$0x0], $0xffff  }
0x4a7: {  	v45 =	vadd.s32 s14, v17;
	v63 =	vor.u32 v16, v42;
	v36 =	vadd.f32 v38, v36  }
0x4a8: {  	v42 =	vand.u32 $0x3F8, v45;
	v41 =	vld.idx.msk [tilespmem:v41+s24+$0x0], $0xffff  }
0x4a9: {  	v47 =	vadd.s32 s14, v18;
	v46 =	vor.u32 v1, v42;
	v36 =	vadd.f32 v39, v36  }
0x4aa: {  	v42 =	vand.u32 $0x3F8, v47;
	v37 =	vld.idx.msk [tilespmem:v61+s24+$0x0], $0xffff  }
0x4ab: {  	v49 =	vadd.s32 s14, v19;
	v48 =	vor.u32 v4, v42;
	v36 =	vadd.f32 v40, v36  }
0x4ac: {  	v42 =	vand.u32 $0x3F8, v49;
	v38 =	vld.idx.msk [tilespmem:v63+s24+$0x0], $0xffff  }
0x4ad: {  	v51 =	vadd.s32 s14, v20;
	v50 =	vor.u32 v6, v42;
	v36 =	vadd.f32 v41, v36  }
0x4ae: {  	v42 =	vand.u32 $0x3F8, v51;
	v39 =	vld.idx.msk [tilespmem:v46+s24+$0x0], $0xffff  }
0x4af: {  	v53 =	vadd.s32 s14, v21;
	v52 =	vor.u32 v8, v42;
	v36 =	vadd.f32 v37, v36  }
0x4b0: {  	v42 =	vand.u32 $0x3F8, v53;
	v40 =	vld.idx.msk [tilespmem:v48+s24+$0x0], $0xffff  }
0x4b1: {  	v55 =	vadd.s32 s14, v22;
	v54 =	vor.u32 v10, v42;
	v36 =	vadd.f32 v38, v36  }
0x4b2: {  	v42 =	vand.u32 $0x3F8, v55;
	v41 =	vld.idx.msk [tilespmem:v50+s24+$0x0], $0xffff  }
0x4b3: {  	v57 =	vadd.s32 s14, v23;
	v56 =	vor.u32 v12, v42;
	v36 =	vadd.f32 v39, v36  }
0x4b4: {  	v42 =	vand.u32 $0x3F8, v57;
	v37 =	vld.idx.msk [tilespmem:v52+s24+$0x0], $0xffff  }
0x4b5: {  	v59 =	vadd.s32 s14, v24;
	v58 =	vor.u32 v14, v42;
	v36 =	vadd.f32 v40, v36  }
0x4b6: {  	v42 =	vand.u32 $0x3F8, v59;
	v38 =	vld.idx.msk [tilespmem:v54+s24+$0x0], $0xffff  }
0x4b7: {  	v60 =	vor.u32 v16, v42;
	v61 =	vadd.s32 s14, v25;
	v36 =	vadd.f32 v41, v36  }
0x4b8: {  	v42 =	vand.u32 $0x3F8, v61;
	v39 =	vld.idx.msk [tilespmem:v56+s24+$0x0], $0xffff  }
0x4b9: {  	v62 =	vor.u32 v1, v42;
	v63 =	vadd.s32 s14, v26;
	v36 =	vadd.f32 v37, v36  }
0x4ba: {  	v42 =	vand.u32 $0x3F8, v63;
	v40 =	vld.idx.msk [tilespmem:v58+s24+$0x0], $0xffff  }
0x4bb: {  	v45 =	vor.u32 v4, v42;
	v46 =	vadd.s32 s14, v27;
	v36 =	vadd.f32 v38, v36  }
0x4bc: {  	v42 =	vand.u32 $0x3F8, v46;
	v41 =	vld.idx.msk [tilespmem:v60+s24+$0x0], $0xffff  }
0x4bd: {  	v47 =	vor.u32 v6, v42;
	v48 =	vadd.s32 s14, v28;
	v36 =	vadd.f32 v39, v36  }
0x4be: {  	v42 =	vand.u32 $0x3F8, v48;
	v37 =	vld.idx.msk [tilespmem:v62+s24+$0x0], $0xffff  }
0x4bf: {  	v49 =	vor.u32 v8, v42;
	v50 =	vadd.s32 s14, v29;
	v36 =	vadd.f32 v40, v36  }
0x4c0: {  	v42 =	vand.u32 $0x3F8, v50;
	v38 =	vld.idx.msk [tilespmem:v45+s24+$0x0], $0xffff  }
0x4c1: {  	v51 =	vor.u32 v10, v42;
	v52 =	vadd.s32 s14, v30;
	v36 =	vadd.f32 v41, v36  }
0x4c2: {  	v42 =	vand.u32 $0x3F8, v52;
	v39 =	vld.idx.msk [tilespmem:v47+s24+$0x0], $0xffff  }
0x4c3: {  	v53 =	vor.u32 v12, v42;
	v54 =	vadd.s32 s14, v31;
	v36 =	vadd.f32 v37, v36  }
0x4c4: {  	v42 =	vand.u32 $0x3F8, v54;
	v40 =	vld.idx.msk [tilespmem:v49+s24+$0x0], $0xffff  }
0x4c5: {  	v55 =	vor.u32 v14, v42;
	v56 =	vadd.s32 s14, v32;
	v36 =	vadd.f32 v38, v36  }
0x4c6: {  	v42 =	vand.u32 $0x3F8, v56;
	v41 =	vld.idx.msk [tilespmem:v51+s24+$0x0], $0xffff  }
0x4c7: {  	v57 =	vor.u32 v16, v42;
	v58 =	vadd.s32 s14, v33;
	v36 =	vadd.f32 v39, v36  }
0x4c8: {  	v42 =	vand.u32 $0x3F8, v58;
	v37 =	vld.idx.msk [tilespmem:v53+s24+$0x0], $0xffff  }
0x4c9: {  	v59 =	vor.u32 v1, v42;
	v60 =	vadd.s32 s14, v34;
	v36 =	vadd.f32 v40, v36  }
0x4ca: {  	v42 =	vand.u32 $0x3F8, v60;
	v38 =	vld.idx.msk [tilespmem:v55+s24+$0x0], $0xffff  }
0x4cb: {  	v61 =	vor.u32 v4, v42;
	v36 =	vadd.f32 v41, v36  }
0x4cc: {  	v39 =	vld.idx.msk [tilespmem:v57+s24+$0x0], $0xffff  }
0x4cd: {  	v36 =	vadd.f32 v37, v36  }
0x4ce: {  	v62 =	vld.idx.msk [tilespmem:v59+s24+$0x0], $0xffff  }
0x4cf: {  	v36 =	vadd.f32 v38, v36  }
0x4d0: {  	v63 =	vld.idx.msk [tilespmem:v61+s24+$0x0], $0xffff  }
0x4d1: {  	v36 =	vadd.f32 v39, v36  }
0x4d2: {  	p3 =	por p2, p2  }
.Ltmp15:
0x4d3: {  	v36 =	vadd.f32 v62, v36;
	(pc) =	sbr.rel @p3 .LBB2_6-.Ltmp15, $4  }
0x4d4: {  	_ = 	snop  }
0x4d5: {  	s16 =	sshll.u32 s4, $0x4;
	v36 =	vadd.f32 v63, v36  }
0x4d6: {  	s4 =	sand.u32 $0x3FFFFFF0, s16  }
0x4d7: {  	p2 =	por $0x0, $0x0;
	[tilespmem:v35+s4+$0x0 ss:$0x1] =	vst.idx.msk $0xffff, v36;
	s4 =	simm.s32 $0x1  }
0x4d8: {  	p2 =	seq.s32 s13, $0x3  }
0x4d9: {  	s4 =	smul.u32 @!p2 $0x6800, s13;
	_ =	sdelay $0x1  }
0x4da: {  	s4 =	sshra.s32 @!p2 s4, $0x2  }
0x4db: {  	s15 =	simm.s32 @!p2 $0x340;
	s16 =	simm.s32 @!p2 $0x15C28;
	s14 =	sadd.s32 @!p2 $0x10E28, s4  }
0x4dc: {  	[tilespmem:s16], [sflag:$0x4] =	stream.indirect.gather @!p2 [spmem:s3], $0x1, s14, s15, $0xb8;
	[tilespmem:$0x17A28] =	vst v63  }
0x4dd: {  	_ =	swait.ge [sflag:s0], $0x340  }
0x4de: {  	s16 =	sadd.s32 $0x17648, s20;
	[sflag:s0] =	ssyncset.done $0x0  }
0x4df: {  	p3 =	por $0x1, $0x1;
	s14 =	simm.s32 $0x0;
	v35 =	vmov s16;
	[sflag:s0] =	ssyncadd.s32 $0xFFFFFCC0  }
.LBB2_8:
0x4e0: {  	s15 =	smul.u32 $0x1A0, s14;
	_ =	sdelay $0x1  }
0x4e1: {  	v36 =	vadd.s32 s15, v0  }
0x4e2: {  	v36 =	vand.u32 $0x3F8, v36  }
0x4e3: {  	v37 =	vadd.s32 s15, v3;
	v36 =	vor.u32 v1, v36  }
0x4e4: {  	v37 =	vand.u32 $0x3F8, v37  }
0x4e5: {  	v38 =	vadd.s32 s15, v5;
	v37 =	vor.u32 v4, v37  }
0x4e6: {  	v38 =	vand.u32 $0x3F8, v38  }
0x4e7: {  	v39 =	vadd.s32 s15, v7;
	v38 =	vor.u32 v6, v38  }
0x4e8: {  	v39 =	vand.u32 $0x3F8, v39;
	v36 =	vld.idx.msk [tilespmem:v36+s26+$0x0], $0xffff  }
0x4e9: {  	v40 =	vadd.s32 s15, v9;
	v39 =	vor.u32 v8, v39  }
0x4ea: {  	v40 =	vand.u32 $0x3F8, v40;
	v37 =	vld.idx.msk [tilespmem:v37+s26+$0x0], $0xffff  }
0x4eb: {  	v41 =	vadd.s32 s15, v11;
	v40 =	vor.u32 v10, v40  }
0x4ec: {  	v41 =	vand.u32 $0x3F8, v41;
	v38 =	vld.idx.msk [tilespmem:v38+s26+$0x0], $0xffff  }
0x4ed: {  	v42 =	vadd.s32 s15, v13;
	v41 =	vor.u32 v12, v41;
	v36 =	vadd.f32 $0.0e+00, v36  }
0x4ee: {  	v42 =	vand.u32 $0x3F8, v42;
	v39 =	vld.idx.msk [tilespmem:v39+s26+$0x0], $0xffff  }
0x4ef: {  	v62 =	vadd.s32 s15, v15;
	v61 =	vor.u32 v14, v42;
	v36 =	vadd.f32 v37, v36  }
0x4f0: {  	v42 =	vand.u32 $0x3F8, v62;
	v40 =	vld.idx.msk [tilespmem:v40+s26+$0x0], $0xffff  }
0x4f1: {  	v45 =	vadd.s32 s15, v17;
	v63 =	vor.u32 v16, v42;
	v36 =	vadd.f32 v38, v36  }
0x4f2: {  	v42 =	vand.u32 $0x3F8, v45;
	v41 =	vld.idx.msk [tilespmem:v41+s26+$0x0], $0xffff  }
0x4f3: {  	v47 =	vadd.s32 s15, v18;
	v46 =	vor.u32 v1, v42;
	v36 =	vadd.f32 v39, v36  }
0x4f4: {  	v42 =	vand.u32 $0x3F8, v47;
	v37 =	vld.idx.msk [tilespmem:v61+s26+$0x0], $0xffff  }
0x4f5: {  	v49 =	vadd.s32 s15, v19;
	v48 =	vor.u32 v4, v42;
	v36 =	vadd.f32 v40, v36  }
0x4f6: {  	v42 =	vand.u32 $0x3F8, v49;
	v38 =	vld.idx.msk [tilespmem:v63+s26+$0x0], $0xffff  }
0x4f7: {  	v51 =	vadd.s32 s15, v20;
	v50 =	vor.u32 v6, v42;
	v36 =	vadd.f32 v41, v36  }
0x4f8: {  	v42 =	vand.u32 $0x3F8, v51;
	v39 =	vld.idx.msk [tilespmem:v46+s26+$0x0], $0xffff  }
0x4f9: {  	v53 =	vadd.s32 s15, v21;
	v52 =	vor.u32 v8, v42;
	v36 =	vadd.f32 v37, v36  }
0x4fa: {  	v42 =	vand.u32 $0x3F8, v53;
	v40 =	vld.idx.msk [tilespmem:v48+s26+$0x0], $0xffff  }
0x4fb: {  	v55 =	vadd.s32 s15, v22;
	v54 =	vor.u32 v10, v42;
	v36 =	vadd.f32 v38, v36  }
0x4fc: {  	v42 =	vand.u32 $0x3F8, v55;
	v41 =	vld.idx.msk [tilespmem:v50+s26+$0x0], $0xffff  }
0x4fd: {  	v57 =	vadd.s32 s15, v23;
	v56 =	vor.u32 v12, v42;
	v36 =	vadd.f32 v39, v36  }
0x4fe: {  	v42 =	vand.u32 $0x3F8, v57;
	v37 =	vld.idx.msk [tilespmem:v52+s26+$0x0], $0xffff  }
0x4ff: {  	v59 =	vadd.s32 s15, v24;
	v58 =	vor.u32 v14, v42;
	v36 =	vadd.f32 v40, v36  }
0x500: {  	v42 =	vand.u32 $0x3F8, v59;
	v38 =	vld.idx.msk [tilespmem:v54+s26+$0x0], $0xffff  }
0x501: {  	v60 =	vor.u32 v16, v42;
	v61 =	vadd.s32 s15, v25;
	v36 =	vadd.f32 v41, v36  }
0x502: {  	v42 =	vand.u32 $0x3F8, v61;
	v39 =	vld.idx.msk [tilespmem:v56+s26+$0x0], $0xffff  }
0x503: {  	v62 =	vor.u32 v1, v42;
	v63 =	vadd.s32 s15, v26;
	v36 =	vadd.f32 v37, v36  }
0x504: {  	v42 =	vand.u32 $0x3F8, v63;
	v40 =	vld.idx.msk [tilespmem:v58+s26+$0x0], $0xffff  }
0x505: {  	v45 =	vor.u32 v4, v42;
	v46 =	vadd.s32 s15, v27;
	v36 =	vadd.f32 v38, v36  }
0x506: {  	v42 =	vand.u32 $0x3F8, v46;
	v41 =	vld.idx.msk [tilespmem:v60+s26+$0x0], $0xffff  }
0x507: {  	v47 =	vor.u32 v6, v42;
	v48 =	vadd.s32 s15, v28;
	v36 =	vadd.f32 v39, v36  }
0x508: {  	v42 =	vand.u32 $0x3F8, v48;
	v37 =	vld.idx.msk [tilespmem:v62+s26+$0x0], $0xffff  }
0x509: {  	v49 =	vor.u32 v8, v42;
	v50 =	vadd.s32 s15, v29;
	v36 =	vadd.f32 v40, v36  }
0x50a: {  	v42 =	vand.u32 $0x3F8, v50;
	v38 =	vld.idx.msk [tilespmem:v45+s26+$0x0], $0xffff  }
0x50b: {  	v51 =	vor.u32 v10, v42;
	v52 =	vadd.s32 s15, v30;
	v36 =	vadd.f32 v41, v36  }
0x50c: {  	v42 =	vand.u32 $0x3F8, v52;
	v39 =	vld.idx.msk [tilespmem:v47+s26+$0x0], $0xffff  }
0x50d: {  	v53 =	vor.u32 v12, v42;
	v54 =	vadd.s32 s15, v31;
	v36 =	vadd.f32 v37, v36  }
0x50e: {  	v42 =	vand.u32 $0x3F8, v54;
	v40 =	vld.idx.msk [tilespmem:v49+s26+$0x0], $0xffff  }
0x50f: {  	v55 =	vor.u32 v14, v42;
	v56 =	vadd.s32 s15, v32;
	v36 =	vadd.f32 v38, v36  }
0x510: {  	v42 =	vand.u32 $0x3F8, v56;
	v41 =	vld.idx.msk [tilespmem:v51+s26+$0x0], $0xffff  }
0x511: {  	v57 =	vor.u32 v16, v42;
	v58 =	vadd.s32 s15, v33;
	v36 =	vadd.f32 v39, v36  }
0x512: {  	v42 =	vand.u32 $0x3F8, v58;
	v37 =	vld.idx.msk [tilespmem:v53+s26+$0x0], $0xffff  }
0x513: {  	v59 =	vor.u32 v1, v42;
	v60 =	vadd.s32 s15, v34;
	v36 =	vadd.f32 v40, v36  }
0x514: {  	v42 =	vand.u32 $0x3F8, v60;
	v38 =	vld.idx.msk [tilespmem:v55+s26+$0x0], $0xffff  }
0x515: {  	v61 =	vor.u32 v4, v42;
	v36 =	vadd.f32 v41, v36  }
0x516: {  	v39 =	vld.idx.msk [tilespmem:v57+s26+$0x0], $0xffff  }
0x517: {  	v36 =	vadd.f32 v37, v36  }
0x518: {  	v62 =	vld.idx.msk [tilespmem:v59+s26+$0x0], $0xffff  }
0x519: {  	v36 =	vadd.f32 v38, v36  }
0x51a: {  	v63 =	vld.idx.msk [tilespmem:v61+s26+$0x0], $0xffff  }
0x51b: {  	v36 =	vadd.f32 v39, v36  }
0x51c: {  	p4 =	por p3, p3  }
.Ltmp16:
0x51d: {  	v36 =	vadd.f32 v62, v36;
	(pc) =	sbr.rel @p4 .LBB2_8-.Ltmp16, $4  }
0x51e: {  	_ = 	snop  }
0x51f: {  	s16 =	sshll.u32 s14, $0x4;
	v36 =	vadd.f32 v63, v36  }
0x520: {  	s14 =	sand.u32 $0x3FFFFFF0, s16  }
0x521: {  	p3 =	por $0x0, $0x0;
	[tilespmem:v35+s14+$0x0 ss:$0x1] =	vst.idx.msk $0xffff, v36;
	s14 =	simm.s32 $0x1  }
0x522: {  	s14 =	sadd.s32 @!p2 $0x11168, s4;
	s15 =	simm.s32 @!p2 $0x340;
	s16 =	simm.s32 @!p2 $0x15F68  }
0x523: {  	[tilespmem:s16], [sflag:$0x5] =	stream.indirect.gather @!p2 [spmem:s3], $0x1, s14, s15, $0xb8;
	[tilespmem:$0x17A28] =	vst v63  }
0x524: {  	_ =	swait.ge [sflag:s5], $0x340  }
0x525: {  	s16 =	sadd.s32 $0x17668, s20;
	[sflag:s5] =	ssyncset.done $0x0  }
0x526: {  	p3 =	por $0x1, $0x1;
	s14 =	simm.s32 $0x0;
	v35 =	vmov s16;
	[sflag:s5] =	ssyncadd.s32 $0xFFFFFCC0  }
.LBB2_10:
0x527: {  	s15 =	smul.u32 $0x1A0, s14;
	_ =	sdelay $0x1  }
0x528: {  	v36 =	vadd.s32 s15, v0  }
0x529: {  	v36 =	vand.u32 $0x3F8, v36  }
0x52a: {  	v37 =	vadd.s32 s15, v3;
	v36 =	vor.u32 v1, v36  }
0x52b: {  	v37 =	vand.u32 $0x3F8, v37  }
0x52c: {  	v38 =	vadd.s32 s15, v5;
	v37 =	vor.u32 v4, v37  }
0x52d: {  	v38 =	vand.u32 $0x3F8, v38  }
0x52e: {  	v39 =	vadd.s32 s15, v7;
	v38 =	vor.u32 v6, v38  }
0x52f: {  	v39 =	vand.u32 $0x3F8, v39;
	v36 =	vld.idx.msk [tilespmem:v36+s29+$0x0], $0xffff  }
0x530: {  	v40 =	vadd.s32 s15, v9;
	v39 =	vor.u32 v8, v39  }
0x531: {  	v40 =	vand.u32 $0x3F8, v40;
	v37 =	vld.idx.msk [tilespmem:v37+s29+$0x0], $0xffff  }
0x532: {  	v41 =	vadd.s32 s15, v11;
	v40 =	vor.u32 v10, v40  }
0x533: {  	v41 =	vand.u32 $0x3F8, v41;
	v38 =	vld.idx.msk [tilespmem:v38+s29+$0x0], $0xffff  }
0x534: {  	v42 =	vadd.s32 s15, v13;
	v41 =	vor.u32 v12, v41;
	v36 =	vadd.f32 $0.0e+00, v36  }
0x535: {  	v42 =	vand.u32 $0x3F8, v42;
	v39 =	vld.idx.msk [tilespmem:v39+s29+$0x0], $0xffff  }
0x536: {  	v62 =	vadd.s32 s15, v15;
	v61 =	vor.u32 v14, v42;
	v36 =	vadd.f32 v37, v36  }
0x537: {  	v42 =	vand.u32 $0x3F8, v62;
	v40 =	vld.idx.msk [tilespmem:v40+s29+$0x0], $0xffff  }
0x538: {  	v45 =	vadd.s32 s15, v17;
	v63 =	vor.u32 v16, v42;
	v36 =	vadd.f32 v38, v36  }
0x539: {  	v42 =	vand.u32 $0x3F8, v45;
	v41 =	vld.idx.msk [tilespmem:v41+s29+$0x0], $0xffff  }
0x53a: {  	v47 =	vadd.s32 s15, v18;
	v46 =	vor.u32 v1, v42;
	v36 =	vadd.f32 v39, v36  }
0x53b: {  	v42 =	vand.u32 $0x3F8, v47;
	v37 =	vld.idx.msk [tilespmem:v61+s29+$0x0], $0xffff  }
0x53c: {  	v49 =	vadd.s32 s15, v19;
	v48 =	vor.u32 v4, v42;
	v36 =	vadd.f32 v40, v36  }
0x53d: {  	v42 =	vand.u32 $0x3F8, v49;
	v38 =	vld.idx.msk [tilespmem:v63+s29+$0x0], $0xffff  }
0x53e: {  	v51 =	vadd.s32 s15, v20;
	v50 =	vor.u32 v6, v42;
	v36 =	vadd.f32 v41, v36  }
0x53f: {  	v42 =	vand.u32 $0x3F8, v51;
	v39 =	vld.idx.msk [tilespmem:v46+s29+$0x0], $0xffff  }
0x540: {  	v53 =	vadd.s32 s15, v21;
	v52 =	vor.u32 v8, v42;
	v36 =	vadd.f32 v37, v36  }
0x541: {  	v42 =	vand.u32 $0x3F8, v53;
	v40 =	vld.idx.msk [tilespmem:v48+s29+$0x0], $0xffff  }
0x542: {  	v55 =	vadd.s32 s15, v22;
	v54 =	vor.u32 v10, v42;
	v36 =	vadd.f32 v38, v36  }
0x543: {  	v42 =	vand.u32 $0x3F8, v55;
	v41 =	vld.idx.msk [tilespmem:v50+s29+$0x0], $0xffff  }
0x544: {  	v57 =	vadd.s32 s15, v23;
	v56 =	vor.u32 v12, v42;
	v36 =	vadd.f32 v39, v36  }
0x545: {  	v42 =	vand.u32 $0x3F8, v57;
	v37 =	vld.idx.msk [tilespmem:v52+s29+$0x0], $0xffff  }
0x546: {  	v59 =	vadd.s32 s15, v24;
	v58 =	vor.u32 v14, v42;
	v36 =	vadd.f32 v40, v36  }
0x547: {  	v42 =	vand.u32 $0x3F8, v59;
	v38 =	vld.idx.msk [tilespmem:v54+s29+$0x0], $0xffff  }
0x548: {  	v60 =	vor.u32 v16, v42;
	v61 =	vadd.s32 s15, v25;
	v36 =	vadd.f32 v41, v36  }
0x549: {  	v42 =	vand.u32 $0x3F8, v61;
	v39 =	vld.idx.msk [tilespmem:v56+s29+$0x0], $0xffff  }
0x54a: {  	v62 =	vor.u32 v1, v42;
	v63 =	vadd.s32 s15, v26;
	v36 =	vadd.f32 v37, v36  }
0x54b: {  	v42 =	vand.u32 $0x3F8, v63;
	v40 =	vld.idx.msk [tilespmem:v58+s29+$0x0], $0xffff  }
0x54c: {  	v45 =	vor.u32 v4, v42;
	v46 =	vadd.s32 s15, v27;
	v36 =	vadd.f32 v38, v36  }
0x54d: {  	v42 =	vand.u32 $0x3F8, v46;
	v41 =	vld.idx.msk [tilespmem:v60+s29+$0x0], $0xffff  }
0x54e: {  	v47 =	vor.u32 v6, v42;
	v48 =	vadd.s32 s15, v28;
	v36 =	vadd.f32 v39, v36  }
0x54f: {  	v42 =	vand.u32 $0x3F8, v48;
	v37 =	vld.idx.msk [tilespmem:v62+s29+$0x0], $0xffff  }
0x550: {  	v49 =	vor.u32 v8, v42;
	v50 =	vadd.s32 s15, v29;
	v36 =	vadd.f32 v40, v36  }
0x551: {  	v42 =	vand.u32 $0x3F8, v50;
	v38 =	vld.idx.msk [tilespmem:v45+s29+$0x0], $0xffff  }
0x552: {  	v51 =	vor.u32 v10, v42;
	v52 =	vadd.s32 s15, v30;
	v36 =	vadd.f32 v41, v36  }
0x553: {  	v42 =	vand.u32 $0x3F8, v52;
	v39 =	vld.idx.msk [tilespmem:v47+s29+$0x0], $0xffff  }
0x554: {  	v53 =	vor.u32 v12, v42;
	v54 =	vadd.s32 s15, v31;
	v36 =	vadd.f32 v37, v36  }
0x555: {  	v42 =	vand.u32 $0x3F8, v54;
	v40 =	vld.idx.msk [tilespmem:v49+s29+$0x0], $0xffff  }
0x556: {  	v55 =	vor.u32 v14, v42;
	v56 =	vadd.s32 s15, v32;
	v36 =	vadd.f32 v38, v36  }
0x557: {  	v42 =	vand.u32 $0x3F8, v56;
	v41 =	vld.idx.msk [tilespmem:v51+s29+$0x0], $0xffff  }
0x558: {  	v57 =	vor.u32 v16, v42;
	v58 =	vadd.s32 s15, v33;
	v36 =	vadd.f32 v39, v36  }
0x559: {  	v42 =	vand.u32 $0x3F8, v58;
	v37 =	vld.idx.msk [tilespmem:v53+s29+$0x0], $0xffff  }
0x55a: {  	v59 =	vor.u32 v1, v42;
	v60 =	vadd.s32 s15, v34;
	v36 =	vadd.f32 v40, v36  }
0x55b: {  	v42 =	vand.u32 $0x3F8, v60;
	v38 =	vld.idx.msk [tilespmem:v55+s29+$0x0], $0xffff  }
0x55c: {  	v61 =	vor.u32 v4, v42;
	v36 =	vadd.f32 v41, v36  }
0x55d: {  	v39 =	vld.idx.msk [tilespmem:v57+s29+$0x0], $0xffff  }
0x55e: {  	v36 =	vadd.f32 v37, v36  }
0x55f: {  	v62 =	vld.idx.msk [tilespmem:v59+s29+$0x0], $0xffff  }
0x560: {  	v36 =	vadd.f32 v38, v36  }
0x561: {  	v63 =	vld.idx.msk [tilespmem:v61+s29+$0x0], $0xffff  }
0x562: {  	v36 =	vadd.f32 v39, v36  }
0x563: {  	p4 =	por p3, p3  }
.Ltmp17:
0x564: {  	v36 =	vadd.f32 v62, v36;
	(pc) =	sbr.rel @p4 .LBB2_10-.Ltmp17, $4  }
0x565: {  	_ = 	snop  }
0x566: {  	s16 =	sshll.u32 s14, $0x4;
	v36 =	vadd.f32 v63, v36  }
0x567: {  	s14 =	sand.u32 $0x3FFFFFF0, s16  }
0x568: {  	p3 =	por $0x0, $0x0;
	[tilespmem:v35+s14+$0x0 ss:$0x1] =	vst.idx.msk $0xffff, v36;
	s14 =	simm.s32 $0x1  }
0x569: {  	s14 =	sadd.s32 @!p2 $0x114A8, s4;
	s15 =	simm.s32 @!p2 $0x340;
	s16 =	simm.s32 @!p2 $0x162A8  }
0x56a: {  	[tilespmem:s16], [sflag:$0x6] =	stream.indirect.gather @!p2 [spmem:s3], $0x1, s14, s15, $0xb8;
	[tilespmem:$0x17A28] =	vst v63  }
0x56b: {  	_ =	swait.ge [sflag:s6], $0x340  }
0x56c: {  	s16 =	sadd.s32 $0x17688, s20;
	[sflag:s6] =	ssyncset.done $0x0  }
0x56d: {  	p3 =	por $0x1, $0x1;
	s14 =	simm.s32 $0x0;
	v35 =	vmov s16;
	[sflag:s6] =	ssyncadd.s32 $0xFFFFFCC0  }
.LBB2_12:
0x56e: {  	s15 =	smul.u32 $0x1A0, s14;
	_ =	sdelay $0x1  }
0x56f: {  	v36 =	vadd.s32 s15, v0  }
0x570: {  	v36 =	vand.u32 $0x3F8, v36  }
0x571: {  	v37 =	vadd.s32 s15, v3;
	v36 =	vor.u32 v1, v36  }
0x572: {  	v37 =	vand.u32 $0x3F8, v37  }
0x573: {  	v38 =	vadd.s32 s15, v5;
	v37 =	vor.u32 v4, v37  }
0x574: {  	v38 =	vand.u32 $0x3F8, v38  }
0x575: {  	v39 =	vadd.s32 s15, v7;
	v38 =	vor.u32 v6, v38  }
0x576: {  	v39 =	vand.u32 $0x3F8, v39;
	v36 =	vld.idx.msk [tilespmem:v36+s31+$0x0], $0xffff  }
0x577: {  	v40 =	vadd.s32 s15, v9;
	v39 =	vor.u32 v8, v39  }
0x578: {  	v40 =	vand.u32 $0x3F8, v40;
	v37 =	vld.idx.msk [tilespmem:v37+s31+$0x0], $0xffff  }
0x579: {  	v41 =	vadd.s32 s15, v11;
	v40 =	vor.u32 v10, v40  }
0x57a: {  	v41 =	vand.u32 $0x3F8, v41;
	v38 =	vld.idx.msk [tilespmem:v38+s31+$0x0], $0xffff  }
0x57b: {  	v42 =	vadd.s32 s15, v13;
	v41 =	vor.u32 v12, v41;
	v36 =	vadd.f32 $0.0e+00, v36  }
0x57c: {  	v42 =	vand.u32 $0x3F8, v42;
	v39 =	vld.idx.msk [tilespmem:v39+s31+$0x0], $0xffff  }
0x57d: {  	v62 =	vadd.s32 s15, v15;
	v61 =	vor.u32 v14, v42;
	v36 =	vadd.f32 v37, v36  }
0x57e: {  	v42 =	vand.u32 $0x3F8, v62;
	v40 =	vld.idx.msk [tilespmem:v40+s31+$0x0], $0xffff  }
0x57f: {  	v45 =	vadd.s32 s15, v17;
	v63 =	vor.u32 v16, v42;
	v36 =	vadd.f32 v38, v36  }
0x580: {  	v42 =	vand.u32 $0x3F8, v45;
	v41 =	vld.idx.msk [tilespmem:v41+s31+$0x0], $0xffff  }
0x581: {  	v47 =	vadd.s32 s15, v18;
	v46 =	vor.u32 v1, v42;
	v36 =	vadd.f32 v39, v36  }
0x582: {  	v42 =	vand.u32 $0x3F8, v47;
	v37 =	vld.idx.msk [tilespmem:v61+s31+$0x0], $0xffff  }
0x583: {  	v49 =	vadd.s32 s15, v19;
	v48 =	vor.u32 v4, v42;
	v36 =	vadd.f32 v40, v36  }
0x584: {  	v42 =	vand.u32 $0x3F8, v49;
	v38 =	vld.idx.msk [tilespmem:v63+s31+$0x0], $0xffff  }
0x585: {  	v51 =	vadd.s32 s15, v20;
	v50 =	vor.u32 v6, v42;
	v36 =	vadd.f32 v41, v36  }
0x586: {  	v42 =	vand.u32 $0x3F8, v51;
	v39 =	vld.idx.msk [tilespmem:v46+s31+$0x0], $0xffff  }
0x587: {  	v53 =	vadd.s32 s15, v21;
	v52 =	vor.u32 v8, v42;
	v36 =	vadd.f32 v37, v36  }
0x588: {  	v42 =	vand.u32 $0x3F8, v53;
	v40 =	vld.idx.msk [tilespmem:v48+s31+$0x0], $0xffff  }
0x589: {  	v55 =	vadd.s32 s15, v22;
	v54 =	vor.u32 v10, v42;
	v36 =	vadd.f32 v38, v36  }
0x58a: {  	v42 =	vand.u32 $0x3F8, v55;
	v41 =	vld.idx.msk [tilespmem:v50+s31+$0x0], $0xffff  }
0x58b: {  	v57 =	vadd.s32 s15, v23;
	v56 =	vor.u32 v12, v42;
	v36 =	vadd.f32 v39, v36  }
0x58c: {  	v42 =	vand.u32 $0x3F8, v57;
	v37 =	vld.idx.msk [tilespmem:v52+s31+$0x0], $0xffff  }
0x58d: {  	v59 =	vadd.s32 s15, v24;
	v58 =	vor.u32 v14, v42;
	v36 =	vadd.f32 v40, v36  }
0x58e: {  	v42 =	vand.u32 $0x3F8, v59;
	v38 =	vld.idx.msk [tilespmem:v54+s31+$0x0], $0xffff  }
0x58f: {  	v60 =	vor.u32 v16, v42;
	v61 =	vadd.s32 s15, v25;
	v36 =	vadd.f32 v41, v36  }
0x590: {  	v42 =	vand.u32 $0x3F8, v61;
	v39 =	vld.idx.msk [tilespmem:v56+s31+$0x0], $0xffff  }
0x591: {  	v62 =	vor.u32 v1, v42;
	v63 =	vadd.s32 s15, v26;
	v36 =	vadd.f32 v37, v36  }
0x592: {  	v42 =	vand.u32 $0x3F8, v63;
	v40 =	vld.idx.msk [tilespmem:v58+s31+$0x0], $0xffff  }
0x593: {  	v45 =	vor.u32 v4, v42;
	v46 =	vadd.s32 s15, v27;
	v36 =	vadd.f32 v38, v36  }
0x594: {  	v42 =	vand.u32 $0x3F8, v46;
	v41 =	vld.idx.msk [tilespmem:v60+s31+$0x0], $0xffff  }
0x595: {  	v47 =	vor.u32 v6, v42;
	v48 =	vadd.s32 s15, v28;
	v36 =	vadd.f32 v39, v36  }
0x596: {  	v42 =	vand.u32 $0x3F8, v48;
	v37 =	vld.idx.msk [tilespmem:v62+s31+$0x0], $0xffff  }
0x597: {  	v49 =	vor.u32 v8, v42;
	v50 =	vadd.s32 s15, v29;
	v36 =	vadd.f32 v40, v36  }
0x598: {  	v42 =	vand.u32 $0x3F8, v50;
	v38 =	vld.idx.msk [tilespmem:v45+s31+$0x0], $0xffff  }
0x599: {  	v51 =	vor.u32 v10, v42;
	v52 =	vadd.s32 s15, v30;
	v36 =	vadd.f32 v41, v36  }
0x59a: {  	v42 =	vand.u32 $0x3F8, v52;
	v39 =	vld.idx.msk [tilespmem:v47+s31+$0x0], $0xffff  }
0x59b: {  	v53 =	vor.u32 v12, v42;
	v54 =	vadd.s32 s15, v31;
	v36 =	vadd.f32 v37, v36  }
0x59c: {  	v42 =	vand.u32 $0x3F8, v54;
	v40 =	vld.idx.msk [tilespmem:v49+s31+$0x0], $0xffff  }
0x59d: {  	v55 =	vor.u32 v14, v42;
	v56 =	vadd.s32 s15, v32;
	v36 =	vadd.f32 v38, v36  }
0x59e: {  	v42 =	vand.u32 $0x3F8, v56;
	v41 =	vld.idx.msk [tilespmem:v51+s31+$0x0], $0xffff  }
0x59f: {  	v57 =	vor.u32 v16, v42;
	v58 =	vadd.s32 s15, v33;
	v36 =	vadd.f32 v39, v36  }
0x5a0: {  	v42 =	vand.u32 $0x3F8, v58;
	v37 =	vld.idx.msk [tilespmem:v53+s31+$0x0], $0xffff  }
0x5a1: {  	v59 =	vor.u32 v1, v42;
	v60 =	vadd.s32 s15, v34;
	v36 =	vadd.f32 v40, v36  }
0x5a2: {  	v42 =	vand.u32 $0x3F8, v60;
	v38 =	vld.idx.msk [tilespmem:v55+s31+$0x0], $0xffff  }
0x5a3: {  	v61 =	vor.u32 v4, v42;
	v36 =	vadd.f32 v41, v36  }
0x5a4: {  	v39 =	vld.idx.msk [tilespmem:v57+s31+$0x0], $0xffff  }
0x5a5: {  	v36 =	vadd.f32 v37, v36  }
0x5a6: {  	v62 =	vld.idx.msk [tilespmem:v59+s31+$0x0], $0xffff  }
0x5a7: {  	v36 =	vadd.f32 v38, v36  }
0x5a8: {  	v63 =	vld.idx.msk [tilespmem:v61+s31+$0x0], $0xffff  }
0x5a9: {  	v36 =	vadd.f32 v39, v36  }
0x5aa: {  	p4 =	por p3, p3  }
.Ltmp18:
0x5ab: {  	v36 =	vadd.f32 v62, v36;
	(pc) =	sbr.rel @p4 .LBB2_12-.Ltmp18, $4  }
0x5ac: {  	_ = 	snop  }
0x5ad: {  	s16 =	sshll.u32 s14, $0x4;
	v36 =	vadd.f32 v63, v36  }
0x5ae: {  	s14 =	sand.u32 $0x3FFFFFF0, s16  }
0x5af: {  	p3 =	por $0x0, $0x0;
	[tilespmem:v35+s14+$0x0 ss:$0x1] =	vst.idx.msk $0xffff, v36;
	s14 =	simm.s32 $0x1  }
0x5b0: {  	s14 =	sadd.s32 @!p2 $0x117E8, s4;
	s15 =	simm.s32 @!p2 $0x340;
	s16 =	simm.s32 @!p2 $0x165E8  }
0x5b1: {  	[tilespmem:s16], [sflag:$0x7] =	stream.indirect.gather @!p2 [spmem:s3], $0x1, s14, s15, $0xb8;
	[tilespmem:$0x17A28] =	vst v63  }
0x5b2: {  	_ =	swait.ge [sflag:s8], $0x340  }
0x5b3: {  	s16 =	sadd.s32 $0x176A8, s20;
	[sflag:s8] =	ssyncset.done $0x0  }
0x5b4: {  	p3 =	por $0x1, $0x1;
	s14 =	simm.s32 $0x0;
	v35 =	vmov s16;
	[sflag:s8] =	ssyncadd.s32 $0xFFFFFCC0  }
.LBB2_14:
0x5b5: {  	s15 =	smul.u32 $0x1A0, s14;
	_ =	sdelay $0x1  }
0x5b6: {  	v36 =	vadd.s32 s15, v0  }
0x5b7: {  	v36 =	vand.u32 $0x3F8, v36  }
0x5b8: {  	v37 =	vadd.s32 s15, v3;
	v36 =	vor.u32 v1, v36  }
0x5b9: {  	v37 =	vand.u32 $0x3F8, v37  }
0x5ba: {  	v38 =	vadd.s32 s15, v5;
	v37 =	vor.u32 v4, v37  }
0x5bb: {  	v38 =	vand.u32 $0x3F8, v38  }
0x5bc: {  	v39 =	vadd.s32 s15, v7;
	v38 =	vor.u32 v6, v38  }
0x5bd: {  	v39 =	vand.u32 $0x3F8, v39;
	v36 =	vld.idx.msk [tilespmem:v36+s1+$0x0], $0xffff  }
0x5be: {  	v40 =	vadd.s32 s15, v9;
	v39 =	vor.u32 v8, v39  }
0x5bf: {  	v40 =	vand.u32 $0x3F8, v40;
	v37 =	vld.idx.msk [tilespmem:v37+s1+$0x0], $0xffff  }
0x5c0: {  	v41 =	vadd.s32 s15, v11;
	v40 =	vor.u32 v10, v40  }
0x5c1: {  	v41 =	vand.u32 $0x3F8, v41;
	v38 =	vld.idx.msk [tilespmem:v38+s1+$0x0], $0xffff  }
0x5c2: {  	v42 =	vadd.s32 s15, v13;
	v41 =	vor.u32 v12, v41;
	v36 =	vadd.f32 $0.0e+00, v36  }
0x5c3: {  	v42 =	vand.u32 $0x3F8, v42;
	v39 =	vld.idx.msk [tilespmem:v39+s1+$0x0], $0xffff  }
0x5c4: {  	v62 =	vadd.s32 s15, v15;
	v61 =	vor.u32 v14, v42;
	v36 =	vadd.f32 v37, v36  }
0x5c5: {  	v42 =	vand.u32 $0x3F8, v62;
	v40 =	vld.idx.msk [tilespmem:v40+s1+$0x0], $0xffff  }
0x5c6: {  	v45 =	vadd.s32 s15, v17;
	v63 =	vor.u32 v16, v42;
	v36 =	vadd.f32 v38, v36  }
0x5c7: {  	v42 =	vand.u32 $0x3F8, v45;
	v41 =	vld.idx.msk [tilespmem:v41+s1+$0x0], $0xffff  }
0x5c8: {  	v47 =	vadd.s32 s15, v18;
	v46 =	vor.u32 v1, v42;
	v36 =	vadd.f32 v39, v36  }
0x5c9: {  	v42 =	vand.u32 $0x3F8, v47;
	v37 =	vld.idx.msk [tilespmem:v61+s1+$0x0], $0xffff  }
0x5ca: {  	v49 =	vadd.s32 s15, v19;
	v48 =	vor.u32 v4, v42;
	v36 =	vadd.f32 v40, v36  }
0x5cb: {  	v42 =	vand.u32 $0x3F8, v49;
	v38 =	vld.idx.msk [tilespmem:v63+s1+$0x0], $0xffff  }
0x5cc: {  	v51 =	vadd.s32 s15, v20;
	v50 =	vor.u32 v6, v42;
	v36 =	vadd.f32 v41, v36  }
0x5cd: {  	v42 =	vand.u32 $0x3F8, v51;
	v39 =	vld.idx.msk [tilespmem:v46+s1+$0x0], $0xffff  }
0x5ce: {  	v53 =	vadd.s32 s15, v21;
	v52 =	vor.u32 v8, v42;
	v36 =	vadd.f32 v37, v36  }
0x5cf: {  	v42 =	vand.u32 $0x3F8, v53;
	v40 =	vld.idx.msk [tilespmem:v48+s1+$0x0], $0xffff  }
0x5d0: {  	v55 =	vadd.s32 s15, v22;
	v54 =	vor.u32 v10, v42;
	v36 =	vadd.f32 v38, v36  }
0x5d1: {  	v42 =	vand.u32 $0x3F8, v55;
	v41 =	vld.idx.msk [tilespmem:v50+s1+$0x0], $0xffff  }
0x5d2: {  	v57 =	vadd.s32 s15, v23;
	v56 =	vor.u32 v12, v42;
	v36 =	vadd.f32 v39, v36  }
0x5d3: {  	v42 =	vand.u32 $0x3F8, v57;
	v37 =	vld.idx.msk [tilespmem:v52+s1+$0x0], $0xffff  }
0x5d4: {  	v59 =	vadd.s32 s15, v24;
	v58 =	vor.u32 v14, v42;
	v36 =	vadd.f32 v40, v36  }
0x5d5: {  	v42 =	vand.u32 $0x3F8, v59;
	v38 =	vld.idx.msk [tilespmem:v54+s1+$0x0], $0xffff  }
0x5d6: {  	v60 =	vor.u32 v16, v42;
	v61 =	vadd.s32 s15, v25;
	v36 =	vadd.f32 v41, v36  }
0x5d7: {  	v42 =	vand.u32 $0x3F8, v61;
	v39 =	vld.idx.msk [tilespmem:v56+s1+$0x0], $0xffff  }
0x5d8: {  	v62 =	vor.u32 v1, v42;
	v63 =	vadd.s32 s15, v26;
	v36 =	vadd.f32 v37, v36  }
0x5d9: {  	v42 =	vand.u32 $0x3F8, v63;
	v40 =	vld.idx.msk [tilespmem:v58+s1+$0x0], $0xffff  }
0x5da: {  	v45 =	vor.u32 v4, v42;
	v46 =	vadd.s32 s15, v27;
	v36 =	vadd.f32 v38, v36  }
0x5db: {  	v42 =	vand.u32 $0x3F8, v46;
	v41 =	vld.idx.msk [tilespmem:v60+s1+$0x0], $0xffff  }
0x5dc: {  	v47 =	vor.u32 v6, v42;
	v48 =	vadd.s32 s15, v28;
	v36 =	vadd.f32 v39, v36  }
0x5dd: {  	v42 =	vand.u32 $0x3F8, v48;
	v37 =	vld.idx.msk [tilespmem:v62+s1+$0x0], $0xffff  }
0x5de: {  	v49 =	vor.u32 v8, v42;
	v50 =	vadd.s32 s15, v29;
	v36 =	vadd.f32 v40, v36  }
0x5df: {  	v42 =	vand.u32 $0x3F8, v50;
	v38 =	vld.idx.msk [tilespmem:v45+s1+$0x0], $0xffff  }
0x5e0: {  	v51 =	vor.u32 v10, v42;
	v52 =	vadd.s32 s15, v30;
	v36 =	vadd.f32 v41, v36  }
0x5e1: {  	v42 =	vand.u32 $0x3F8, v52;
	v39 =	vld.idx.msk [tilespmem:v47+s1+$0x0], $0xffff  }
0x5e2: {  	v53 =	vor.u32 v12, v42;
	v54 =	vadd.s32 s15, v31;
	v36 =	vadd.f32 v37, v36  }
0x5e3: {  	v42 =	vand.u32 $0x3F8, v54;
	v40 =	vld.idx.msk [tilespmem:v49+s1+$0x0], $0xffff  }
0x5e4: {  	v55 =	vor.u32 v14, v42;
	v56 =	vadd.s32 s15, v32;
	v36 =	vadd.f32 v38, v36  }
0x5e5: {  	v42 =	vand.u32 $0x3F8, v56;
	v41 =	vld.idx.msk [tilespmem:v51+s1+$0x0], $0xffff  }
0x5e6: {  	v57 =	vor.u32 v16, v42;
	v58 =	vadd.s32 s15, v33;
	v36 =	vadd.f32 v39, v36  }
0x5e7: {  	v42 =	vand.u32 $0x3F8, v58;
	v37 =	vld.idx.msk [tilespmem:v53+s1+$0x0], $0xffff  }
0x5e8: {  	v59 =	vor.u32 v1, v42;
	v60 =	vadd.s32 s15, v34;
	v36 =	vadd.f32 v40, v36  }
0x5e9: {  	v42 =	vand.u32 $0x3F8, v60;
	v38 =	vld.idx.msk [tilespmem:v55+s1+$0x0], $0xffff  }
0x5ea: {  	v61 =	vor.u32 v4, v42;
	v36 =	vadd.f32 v41, v36  }
0x5eb: {  	v39 =	vld.idx.msk [tilespmem:v57+s1+$0x0], $0xffff  }
0x5ec: {  	v36 =	vadd.f32 v37, v36  }
0x5ed: {  	v62 =	vld.idx.msk [tilespmem:v59+s1+$0x0], $0xffff  }
0x5ee: {  	v36 =	vadd.f32 v38, v36  }
0x5ef: {  	v63 =	vld.idx.msk [tilespmem:v61+s1+$0x0], $0xffff  }
0x5f0: {  	v36 =	vadd.f32 v39, v36  }
0x5f1: {  	p4 =	por p3, p3  }
.Ltmp19:
0x5f2: {  	v36 =	vadd.f32 v62, v36;
	(pc) =	sbr.rel @p4 .LBB2_14-.Ltmp19, $4  }
0x5f3: {  	_ = 	snop  }
0x5f4: {  	s16 =	sshll.u32 s14, $0x4;
	v36 =	vadd.f32 v63, v36  }
0x5f5: {  	s14 =	sand.u32 $0x3FFFFFF0, s16  }
0x5f6: {  	p3 =	por $0x0, $0x0;
	[tilespmem:v35+s14+$0x0 ss:$0x1] =	vst.idx.msk $0xffff, v36;
	s14 =	simm.s32 $0x1  }
0x5f7: {  	s14 =	sadd.s32 @!p2 $0x11B28, s4;
	s15 =	simm.s32 @!p2 $0x340;
	s16 =	simm.s32 @!p2 $0x16928  }
0x5f8: {  	[tilespmem:s16], [sflag:$0x8] =	stream.indirect.gather @!p2 [spmem:s3], $0x1, s14, s15, $0xb8;
	[tilespmem:$0x17A28] =	vst v63  }
0x5f9: {  	_ =	swait.ge [sflag:s9], $0x340  }
0x5fa: {  	s16 =	sadd.s32 $0x176C8, s20;
	[sflag:s9] =	ssyncset.done $0x0  }
0x5fb: {  	p3 =	por $0x1, $0x1;
	s14 =	simm.s32 $0x0;
	v35 =	vmov s16;
	[sflag:s9] =	ssyncadd.s32 $0xFFFFFCC0  }
.LBB2_16:
0x5fc: {  	s15 =	smul.u32 $0x1A0, s14;
	_ =	sdelay $0x1  }
0x5fd: {  	v36 =	vadd.s32 s15, v0  }
0x5fe: {  	v36 =	vand.u32 $0x3F8, v36  }
0x5ff: {  	v37 =	vadd.s32 s15, v3;
	v36 =	vor.u32 v1, v36  }
0x600: {  	v37 =	vand.u32 $0x3F8, v37  }
0x601: {  	v38 =	vadd.s32 s15, v5;
	v37 =	vor.u32 v4, v37  }
0x602: {  	v38 =	vand.u32 $0x3F8, v38  }
0x603: {  	v39 =	vadd.s32 s15, v7;
	v38 =	vor.u32 v6, v38  }
0x604: {  	v39 =	vand.u32 $0x3F8, v39;
	v36 =	vld.idx.msk [tilespmem:v36+s25+$0x0], $0xffff  }
0x605: {  	v40 =	vadd.s32 s15, v9;
	v39 =	vor.u32 v8, v39  }
0x606: {  	v40 =	vand.u32 $0x3F8, v40;
	v37 =	vld.idx.msk [tilespmem:v37+s25+$0x0], $0xffff  }
0x607: {  	v41 =	vadd.s32 s15, v11;
	v40 =	vor.u32 v10, v40  }
0x608: {  	v41 =	vand.u32 $0x3F8, v41;
	v38 =	vld.idx.msk [tilespmem:v38+s25+$0x0], $0xffff  }
0x609: {  	v42 =	vadd.s32 s15, v13;
	v41 =	vor.u32 v12, v41;
	v36 =	vadd.f32 $0.0e+00, v36  }
0x60a: {  	v42 =	vand.u32 $0x3F8, v42;
	v39 =	vld.idx.msk [tilespmem:v39+s25+$0x0], $0xffff  }
0x60b: {  	v62 =	vadd.s32 s15, v15;
	v61 =	vor.u32 v14, v42;
	v36 =	vadd.f32 v37, v36  }
0x60c: {  	v42 =	vand.u32 $0x3F8, v62;
	v40 =	vld.idx.msk [tilespmem:v40+s25+$0x0], $0xffff  }
0x60d: {  	v45 =	vadd.s32 s15, v17;
	v63 =	vor.u32 v16, v42;
	v36 =	vadd.f32 v38, v36  }
0x60e: {  	v42 =	vand.u32 $0x3F8, v45;
	v41 =	vld.idx.msk [tilespmem:v41+s25+$0x0], $0xffff  }
0x60f: {  	v47 =	vadd.s32 s15, v18;
	v46 =	vor.u32 v1, v42;
	v36 =	vadd.f32 v39, v36  }
0x610: {  	v42 =	vand.u32 $0x3F8, v47;
	v37 =	vld.idx.msk [tilespmem:v61+s25+$0x0], $0xffff  }
0x611: {  	v49 =	vadd.s32 s15, v19;
	v48 =	vor.u32 v4, v42;
	v36 =	vadd.f32 v40, v36  }
0x612: {  	v42 =	vand.u32 $0x3F8, v49;
	v38 =	vld.idx.msk [tilespmem:v63+s25+$0x0], $0xffff  }
0x613: {  	v51 =	vadd.s32 s15, v20;
	v50 =	vor.u32 v6, v42;
	v36 =	vadd.f32 v41, v36  }
0x614: {  	v42 =	vand.u32 $0x3F8, v51;
	v39 =	vld.idx.msk [tilespmem:v46+s25+$0x0], $0xffff  }
0x615: {  	v53 =	vadd.s32 s15, v21;
	v52 =	vor.u32 v8, v42;
	v36 =	vadd.f32 v37, v36  }
0x616: {  	v42 =	vand.u32 $0x3F8, v53;
	v40 =	vld.idx.msk [tilespmem:v48+s25+$0x0], $0xffff  }
0x617: {  	v55 =	vadd.s32 s15, v22;
	v54 =	vor.u32 v10, v42;
	v36 =	vadd.f32 v38, v36  }
0x618: {  	v42 =	vand.u32 $0x3F8, v55;
	v41 =	vld.idx.msk [tilespmem:v50+s25+$0x0], $0xffff  }
0x619: {  	v57 =	vadd.s32 s15, v23;
	v56 =	vor.u32 v12, v42;
	v36 =	vadd.f32 v39, v36  }
0x61a: {  	v42 =	vand.u32 $0x3F8, v57;
	v37 =	vld.idx.msk [tilespmem:v52+s25+$0x0], $0xffff  }
0x61b: {  	v59 =	vadd.s32 s15, v24;
	v58 =	vor.u32 v14, v42;
	v36 =	vadd.f32 v40, v36  }
0x61c: {  	v42 =	vand.u32 $0x3F8, v59;
	v38 =	vld.idx.msk [tilespmem:v54+s25+$0x0], $0xffff  }
0x61d: {  	v60 =	vor.u32 v16, v42;
	v61 =	vadd.s32 s15, v25;
	v36 =	vadd.f32 v41, v36  }
0x61e: {  	v42 =	vand.u32 $0x3F8, v61;
	v39 =	vld.idx.msk [tilespmem:v56+s25+$0x0], $0xffff  }
0x61f: {  	v62 =	vor.u32 v1, v42;
	v63 =	vadd.s32 s15, v26;
	v36 =	vadd.f32 v37, v36  }
0x620: {  	v42 =	vand.u32 $0x3F8, v63;
	v40 =	vld.idx.msk [tilespmem:v58+s25+$0x0], $0xffff  }
0x621: {  	v45 =	vor.u32 v4, v42;
	v46 =	vadd.s32 s15, v27;
	v36 =	vadd.f32 v38, v36  }
0x622: {  	v42 =	vand.u32 $0x3F8, v46;
	v41 =	vld.idx.msk [tilespmem:v60+s25+$0x0], $0xffff  }
0x623: {  	v47 =	vor.u32 v6, v42;
	v48 =	vadd.s32 s15, v28;
	v36 =	vadd.f32 v39, v36  }
0x624: {  	v42 =	vand.u32 $0x3F8, v48;
	v37 =	vld.idx.msk [tilespmem:v62+s25+$0x0], $0xffff  }
0x625: {  	v49 =	vor.u32 v8, v42;
	v50 =	vadd.s32 s15, v29;
	v36 =	vadd.f32 v40, v36  }
0x626: {  	v42 =	vand.u32 $0x3F8, v50;
	v38 =	vld.idx.msk [tilespmem:v45+s25+$0x0], $0xffff  }
0x627: {  	v51 =	vor.u32 v10, v42;
	v52 =	vadd.s32 s15, v30;
	v36 =	vadd.f32 v41, v36  }
0x628: {  	v42 =	vand.u32 $0x3F8, v52;
	v39 =	vld.idx.msk [tilespmem:v47+s25+$0x0], $0xffff  }
0x629: {  	v53 =	vor.u32 v12, v42;
	v54 =	vadd.s32 s15, v31;
	v36 =	vadd.f32 v37, v36  }
0x62a: {  	v42 =	vand.u32 $0x3F8, v54;
	v40 =	vld.idx.msk [tilespmem:v49+s25+$0x0], $0xffff  }
0x62b: {  	v55 =	vor.u32 v14, v42;
	v56 =	vadd.s32 s15, v32;
	v36 =	vadd.f32 v38, v36  }
0x62c: {  	v42 =	vand.u32 $0x3F8, v56;
	v41 =	vld.idx.msk [tilespmem:v51+s25+$0x0], $0xffff  }
0x62d: {  	v57 =	vor.u32 v16, v42;
	v58 =	vadd.s32 s15, v33;
	v36 =	vadd.f32 v39, v36  }
0x62e: {  	v42 =	vand.u32 $0x3F8, v58;
	v37 =	vld.idx.msk [tilespmem:v53+s25+$0x0], $0xffff  }
0x62f: {  	v59 =	vor.u32 v1, v42;
	v60 =	vadd.s32 s15, v34;
	v36 =	vadd.f32 v40, v36  }
0x630: {  	v42 =	vand.u32 $0x3F8, v60;
	v38 =	vld.idx.msk [tilespmem:v55+s25+$0x0], $0xffff  }
0x631: {  	v61 =	vor.u32 v4, v42;
	v36 =	vadd.f32 v41, v36  }
0x632: {  	v39 =	vld.idx.msk [tilespmem:v57+s25+$0x0], $0xffff  }
0x633: {  	v36 =	vadd.f32 v37, v36  }
0x634: {  	v62 =	vld.idx.msk [tilespmem:v59+s25+$0x0], $0xffff  }
0x635: {  	v36 =	vadd.f32 v38, v36  }
0x636: {  	v63 =	vld.idx.msk [tilespmem:v61+s25+$0x0], $0xffff  }
0x637: {  	v36 =	vadd.f32 v39, v36  }
0x638: {  	p4 =	por p3, p3  }
.Ltmp20:
0x639: {  	v36 =	vadd.f32 v62, v36;
	(pc) =	sbr.rel @p4 .LBB2_16-.Ltmp20, $4  }
0x63a: {  	_ = 	snop  }
0x63b: {  	s16 =	sshll.u32 s14, $0x4;
	v36 =	vadd.f32 v63, v36  }
0x63c: {  	s14 =	sand.u32 $0x3FFFFFF0, s16  }
0x63d: {  	p3 =	por $0x0, $0x0;
	[tilespmem:v35+s14+$0x0 ss:$0x1] =	vst.idx.msk $0xffff, v36;
	s14 =	simm.s32 $0x1  }
0x63e: {  	s14 =	sadd.s32 @!p2 $0x11E68, s4;
	s15 =	simm.s32 @!p2 $0x340;
	s16 =	simm.s32 @!p2 $0x16C68  }
0x63f: {  	[tilespmem:s16], [sflag:$0x9] =	stream.indirect.gather @!p2 [spmem:s3], $0x1, s14, s15, $0xb8;
	[tilespmem:$0x17A28] =	vst v63  }
0x640: {  	_ =	swait.ge [sflag:s10], $0x340  }
0x641: {  	s16 =	sadd.s32 $0x176E8, s20;
	[sflag:s10] =	ssyncset.done $0x0  }
0x642: {  	p3 =	por $0x1, $0x1;
	s14 =	simm.s32 $0x0;
	v35 =	vmov s16;
	[sflag:s10] =	ssyncadd.s32 $0xFFFFFCC0  }
.LBB2_18:
0x643: {  	s15 =	smul.u32 $0x1A0, s14;
	_ =	sdelay $0x1  }
0x644: {  	v36 =	vadd.s32 s15, v0  }
0x645: {  	v36 =	vand.u32 $0x3F8, v36  }
0x646: {  	v37 =	vadd.s32 s15, v3;
	v36 =	vor.u32 v1, v36  }
0x647: {  	v37 =	vand.u32 $0x3F8, v37  }
0x648: {  	v38 =	vadd.s32 s15, v5;
	v37 =	vor.u32 v4, v37  }
0x649: {  	v38 =	vand.u32 $0x3F8, v38  }
0x64a: {  	v39 =	vadd.s32 s15, v7;
	v38 =	vor.u32 v6, v38  }
0x64b: {  	v39 =	vand.u32 $0x3F8, v39;
	v36 =	vld.idx.msk [tilespmem:v36+s30+$0x0], $0xffff  }
0x64c: {  	v40 =	vadd.s32 s15, v9;
	v39 =	vor.u32 v8, v39  }
0x64d: {  	v40 =	vand.u32 $0x3F8, v40;
	v37 =	vld.idx.msk [tilespmem:v37+s30+$0x0], $0xffff  }
0x64e: {  	v41 =	vadd.s32 s15, v11;
	v40 =	vor.u32 v10, v40  }
0x64f: {  	v41 =	vand.u32 $0x3F8, v41;
	v38 =	vld.idx.msk [tilespmem:v38+s30+$0x0], $0xffff  }
0x650: {  	v42 =	vadd.s32 s15, v13;
	v41 =	vor.u32 v12, v41;
	v36 =	vadd.f32 $0.0e+00, v36  }
0x651: {  	v42 =	vand.u32 $0x3F8, v42;
	v39 =	vld.idx.msk [tilespmem:v39+s30+$0x0], $0xffff  }
0x652: {  	v62 =	vadd.s32 s15, v15;
	v61 =	vor.u32 v14, v42;
	v36 =	vadd.f32 v37, v36  }
0x653: {  	v42 =	vand.u32 $0x3F8, v62;
	v40 =	vld.idx.msk [tilespmem:v40+s30+$0x0], $0xffff  }
0x654: {  	v45 =	vadd.s32 s15, v17;
	v63 =	vor.u32 v16, v42;
	v36 =	vadd.f32 v38, v36  }
0x655: {  	v42 =	vand.u32 $0x3F8, v45;
	v41 =	vld.idx.msk [tilespmem:v41+s30+$0x0], $0xffff  }
0x656: {  	v47 =	vadd.s32 s15, v18;
	v46 =	vor.u32 v1, v42;
	v36 =	vadd.f32 v39, v36  }
0x657: {  	v42 =	vand.u32 $0x3F8, v47;
	v37 =	vld.idx.msk [tilespmem:v61+s30+$0x0], $0xffff  }
0x658: {  	v49 =	vadd.s32 s15, v19;
	v48 =	vor.u32 v4, v42;
	v36 =	vadd.f32 v40, v36  }
0x659: {  	v42 =	vand.u32 $0x3F8, v49;
	v38 =	vld.idx.msk [tilespmem:v63+s30+$0x0], $0xffff  }
0x65a: {  	v51 =	vadd.s32 s15, v20;
	v50 =	vor.u32 v6, v42;
	v36 =	vadd.f32 v41, v36  }
0x65b: {  	v42 =	vand.u32 $0x3F8, v51;
	v39 =	vld.idx.msk [tilespmem:v46+s30+$0x0], $0xffff  }
0x65c: {  	v53 =	vadd.s32 s15, v21;
	v52 =	vor.u32 v8, v42;
	v36 =	vadd.f32 v37, v36  }
0x65d: {  	v42 =	vand.u32 $0x3F8, v53;
	v40 =	vld.idx.msk [tilespmem:v48+s30+$0x0], $0xffff  }
0x65e: {  	v55 =	vadd.s32 s15, v22;
	v54 =	vor.u32 v10, v42;
	v36 =	vadd.f32 v38, v36  }
0x65f: {  	v42 =	vand.u32 $0x3F8, v55;
	v41 =	vld.idx.msk [tilespmem:v50+s30+$0x0], $0xffff  }
0x660: {  	v57 =	vadd.s32 s15, v23;
	v56 =	vor.u32 v12, v42;
	v36 =	vadd.f32 v39, v36  }
0x661: {  	v42 =	vand.u32 $0x3F8, v57;
	v37 =	vld.idx.msk [tilespmem:v52+s30+$0x0], $0xffff  }
0x662: {  	v59 =	vadd.s32 s15, v24;
	v58 =	vor.u32 v14, v42;
	v36 =	vadd.f32 v40, v36  }
0x663: {  	v42 =	vand.u32 $0x3F8, v59;
	v38 =	vld.idx.msk [tilespmem:v54+s30+$0x0], $0xffff  }
0x664: {  	v60 =	vor.u32 v16, v42;
	v61 =	vadd.s32 s15, v25;
	v36 =	vadd.f32 v41, v36  }
0x665: {  	v42 =	vand.u32 $0x3F8, v61;
	v39 =	vld.idx.msk [tilespmem:v56+s30+$0x0], $0xffff  }
0x666: {  	v62 =	vor.u32 v1, v42;
	v63 =	vadd.s32 s15, v26;
	v36 =	vadd.f32 v37, v36  }
0x667: {  	v42 =	vand.u32 $0x3F8, v63;
	v40 =	vld.idx.msk [tilespmem:v58+s30+$0x0], $0xffff  }
0x668: {  	v45 =	vor.u32 v4, v42;
	v46 =	vadd.s32 s15, v27;
	v36 =	vadd.f32 v38, v36  }
0x669: {  	v42 =	vand.u32 $0x3F8, v46;
	v41 =	vld.idx.msk [tilespmem:v60+s30+$0x0], $0xffff  }
0x66a: {  	v47 =	vor.u32 v6, v42;
	v48 =	vadd.s32 s15, v28;
	v36 =	vadd.f32 v39, v36  }
0x66b: {  	v42 =	vand.u32 $0x3F8, v48;
	v37 =	vld.idx.msk [tilespmem:v62+s30+$0x0], $0xffff  }
0x66c: {  	v49 =	vor.u32 v8, v42;
	v50 =	vadd.s32 s15, v29;
	v36 =	vadd.f32 v40, v36  }
0x66d: {  	v42 =	vand.u32 $0x3F8, v50;
	v38 =	vld.idx.msk [tilespmem:v45+s30+$0x0], $0xffff  }
0x66e: {  	v51 =	vor.u32 v10, v42;
	v52 =	vadd.s32 s15, v30;
	v36 =	vadd.f32 v41, v36  }
0x66f: {  	v42 =	vand.u32 $0x3F8, v52;
	v39 =	vld.idx.msk [tilespmem:v47+s30+$0x0], $0xffff  }
0x670: {  	v53 =	vor.u32 v12, v42;
	v54 =	vadd.s32 s15, v31;
	v36 =	vadd.f32 v37, v36  }
0x671: {  	v42 =	vand.u32 $0x3F8, v54;
	v40 =	vld.idx.msk [tilespmem:v49+s30+$0x0], $0xffff  }
0x672: {  	v55 =	vor.u32 v14, v42;
	v56 =	vadd.s32 s15, v32;
	v36 =	vadd.f32 v38, v36  }
0x673: {  	v42 =	vand.u32 $0x3F8, v56;
	v41 =	vld.idx.msk [tilespmem:v51+s30+$0x0], $0xffff  }
0x674: {  	v57 =	vor.u32 v16, v42;
	v58 =	vadd.s32 s15, v33;
	v36 =	vadd.f32 v39, v36  }
0x675: {  	v42 =	vand.u32 $0x3F8, v58;
	v37 =	vld.idx.msk [tilespmem:v53+s30+$0x0], $0xffff  }
0x676: {  	v59 =	vor.u32 v1, v42;
	v60 =	vadd.s32 s15, v34;
	v36 =	vadd.f32 v40, v36  }
0x677: {  	v42 =	vand.u32 $0x3F8, v60;
	v38 =	vld.idx.msk [tilespmem:v55+s30+$0x0], $0xffff  }
0x678: {  	v61 =	vor.u32 v4, v42;
	v36 =	vadd.f32 v41, v36  }
0x679: {  	v39 =	vld.idx.msk [tilespmem:v57+s30+$0x0], $0xffff  }
0x67a: {  	v36 =	vadd.f32 v37, v36  }
0x67b: {  	v62 =	vld.idx.msk [tilespmem:v59+s30+$0x0], $0xffff  }
0x67c: {  	v36 =	vadd.f32 v38, v36  }
0x67d: {  	v63 =	vld.idx.msk [tilespmem:v61+s30+$0x0], $0xffff  }
0x67e: {  	v36 =	vadd.f32 v39, v36  }
0x67f: {  	p4 =	por p3, p3  }
.Ltmp21:
0x680: {  	v36 =	vadd.f32 v62, v36;
	(pc) =	sbr.rel @p4 .LBB2_18-.Ltmp21, $4  }
0x681: {  	_ = 	snop  }
0x682: {  	s16 =	sshll.u32 s14, $0x4;
	v36 =	vadd.f32 v63, v36  }
0x683: {  	s14 =	sand.u32 $0x3FFFFFF0, s16  }
0x684: {  	p3 =	por $0x0, $0x0;
	[tilespmem:v35+s14+$0x0 ss:$0x1] =	vst.idx.msk $0xffff, v36;
	s14 =	simm.s32 $0x1  }
0x685: {  	s4 =	sadd.s32 @!p2 $0x121A8, s4;
	s14 =	simm.s32 @!p2 $0x340;
	s15 =	simm.s32 @!p2 $0x16FA8  }
0x686: {  	[tilespmem:s15], [sflag:$0xA] =	stream.indirect.gather @!p2 [spmem:s3], $0x1, s4, s14, $0xb8;
	[tilespmem:$0x17A28] =	vst v63  }
0x687: {  	_ =	swait.ge [sflag:s11], $0x340  }
0x688: {  	s20 =	sadd.s32 $0x17708, s20;
	[sflag:s11] =	ssyncset.done $0x0  }
0x689: {  	p3 =	por $0x1, $0x1;
	s4 =	simm.s32 $0x0;
	v35 =	vmov s20;
	[sflag:s11] =	ssyncadd.s32 $0xFFFFFCC0  }
.LBB2_20:
0x68a: {  	s14 =	smul.u32 $0x1A0, s4;
	_ =	sdelay $0x1  }
0x68b: {  	v36 =	vadd.s32 s14, v0  }
0x68c: {  	v36 =	vand.u32 $0x3F8, v36  }
0x68d: {  	v37 =	vadd.s32 s14, v3;
	v36 =	vor.u32 v1, v36  }
0x68e: {  	v37 =	vand.u32 $0x3F8, v37  }
0x68f: {  	v38 =	vadd.s32 s14, v5;
	v37 =	vor.u32 v4, v37  }
0x690: {  	v38 =	vand.u32 $0x3F8, v38  }
0x691: {  	v39 =	vadd.s32 s14, v7;
	v38 =	vor.u32 v6, v38  }
0x692: {  	v39 =	vand.u32 $0x3F8, v39;
	v36 =	vld.idx.msk [tilespmem:v36+s2+$0x0], $0xffff  }
0x693: {  	v40 =	vadd.s32 s14, v9;
	v39 =	vor.u32 v8, v39  }
0x694: {  	v40 =	vand.u32 $0x3F8, v40;
	v37 =	vld.idx.msk [tilespmem:v37+s2+$0x0], $0xffff  }
0x695: {  	v41 =	vadd.s32 s14, v11;
	v40 =	vor.u32 v10, v40  }
0x696: {  	v41 =	vand.u32 $0x3F8, v41;
	v38 =	vld.idx.msk [tilespmem:v38+s2+$0x0], $0xffff  }
0x697: {  	v42 =	vadd.s32 s14, v13;
	v41 =	vor.u32 v12, v41;
	v36 =	vadd.f32 $0.0e+00, v36  }
0x698: {  	v42 =	vand.u32 $0x3F8, v42;
	v39 =	vld.idx.msk [tilespmem:v39+s2+$0x0], $0xffff  }
0x699: {  	v62 =	vadd.s32 s14, v15;
	v61 =	vor.u32 v14, v42;
	v36 =	vadd.f32 v37, v36  }
0x69a: {  	v42 =	vand.u32 $0x3F8, v62;
	v40 =	vld.idx.msk [tilespmem:v40+s2+$0x0], $0xffff  }
0x69b: {  	v45 =	vadd.s32 s14, v17;
	v63 =	vor.u32 v16, v42;
	v36 =	vadd.f32 v38, v36  }
0x69c: {  	v42 =	vand.u32 $0x3F8, v45;
	v41 =	vld.idx.msk [tilespmem:v41+s2+$0x0], $0xffff  }
0x69d: {  	v47 =	vadd.s32 s14, v18;
	v46 =	vor.u32 v1, v42;
	v36 =	vadd.f32 v39, v36  }
0x69e: {  	v42 =	vand.u32 $0x3F8, v47;
	v37 =	vld.idx.msk [tilespmem:v61+s2+$0x0], $0xffff  }
0x69f: {  	v49 =	vadd.s32 s14, v19;
	v48 =	vor.u32 v4, v42;
	v36 =	vadd.f32 v40, v36  }
0x6a0: {  	v42 =	vand.u32 $0x3F8, v49;
	v38 =	vld.idx.msk [tilespmem:v63+s2+$0x0], $0xffff  }
0x6a1: {  	v51 =	vadd.s32 s14, v20;
	v50 =	vor.u32 v6, v42;
	v36 =	vadd.f32 v41, v36  }
0x6a2: {  	v42 =	vand.u32 $0x3F8, v51;
	v39 =	vld.idx.msk [tilespmem:v46+s2+$0x0], $0xffff  }
0x6a3: {  	v53 =	vadd.s32 s14, v21;
	v52 =	vor.u32 v8, v42;
	v36 =	vadd.f32 v37, v36  }
0x6a4: {  	v42 =	vand.u32 $0x3F8, v53;
	v40 =	vld.idx.msk [tilespmem:v48+s2+$0x0], $0xffff  }
0x6a5: {  	v55 =	vadd.s32 s14, v22;
	v54 =	vor.u32 v10, v42;
	v36 =	vadd.f32 v38, v36  }
0x6a6: {  	v42 =	vand.u32 $0x3F8, v55;
	v41 =	vld.idx.msk [tilespmem:v50+s2+$0x0], $0xffff  }
0x6a7: {  	v57 =	vadd.s32 s14, v23;
	v56 =	vor.u32 v12, v42;
	v36 =	vadd.f32 v39, v36  }
0x6a8: {  	v42 =	vand.u32 $0x3F8, v57;
	v37 =	vld.idx.msk [tilespmem:v52+s2+$0x0], $0xffff  }
0x6a9: {  	v59 =	vadd.s32 s14, v24;
	v58 =	vor.u32 v14, v42;
	v36 =	vadd.f32 v40, v36  }
0x6aa: {  	v42 =	vand.u32 $0x3F8, v59;
	v38 =	vld.idx.msk [tilespmem:v54+s2+$0x0], $0xffff  }
0x6ab: {  	v60 =	vor.u32 v16, v42;
	v61 =	vadd.s32 s14, v25;
	v36 =	vadd.f32 v41, v36  }
0x6ac: {  	v42 =	vand.u32 $0x3F8, v61;
	v39 =	vld.idx.msk [tilespmem:v56+s2+$0x0], $0xffff  }
0x6ad: {  	v62 =	vor.u32 v1, v42;
	v63 =	vadd.s32 s14, v26;
	v36 =	vadd.f32 v37, v36  }
0x6ae: {  	v42 =	vand.u32 $0x3F8, v63;
	v40 =	vld.idx.msk [tilespmem:v58+s2+$0x0], $0xffff  }
0x6af: {  	v45 =	vor.u32 v4, v42;
	v46 =	vadd.s32 s14, v27;
	v36 =	vadd.f32 v38, v36  }
0x6b0: {  	v42 =	vand.u32 $0x3F8, v46;
	v41 =	vld.idx.msk [tilespmem:v60+s2+$0x0], $0xffff  }
0x6b1: {  	v47 =	vor.u32 v6, v42;
	v48 =	vadd.s32 s14, v28;
	v36 =	vadd.f32 v39, v36  }
0x6b2: {  	v42 =	vand.u32 $0x3F8, v48;
	v37 =	vld.idx.msk [tilespmem:v62+s2+$0x0], $0xffff  }
0x6b3: {  	v49 =	vor.u32 v8, v42;
	v50 =	vadd.s32 s14, v29;
	v36 =	vadd.f32 v40, v36  }
0x6b4: {  	v42 =	vand.u32 $0x3F8, v50;
	v38 =	vld.idx.msk [tilespmem:v45+s2+$0x0], $0xffff  }
0x6b5: {  	v51 =	vor.u32 v10, v42;
	v52 =	vadd.s32 s14, v30;
	v36 =	vadd.f32 v41, v36  }
0x6b6: {  	v42 =	vand.u32 $0x3F8, v52;
	v39 =	vld.idx.msk [tilespmem:v47+s2+$0x0], $0xffff  }
0x6b7: {  	v53 =	vor.u32 v12, v42;
	v54 =	vadd.s32 s14, v31;
	v36 =	vadd.f32 v37, v36  }
0x6b8: {  	v42 =	vand.u32 $0x3F8, v54;
	v40 =	vld.idx.msk [tilespmem:v49+s2+$0x0], $0xffff  }
0x6b9: {  	v55 =	vor.u32 v14, v42;
	v56 =	vadd.s32 s14, v32;
	v36 =	vadd.f32 v38, v36  }
0x6ba: {  	v42 =	vand.u32 $0x3F8, v56;
	v41 =	vld.idx.msk [tilespmem:v51+s2+$0x0], $0xffff  }
0x6bb: {  	v57 =	vor.u32 v16, v42;
	v58 =	vadd.s32 s14, v33;
	v36 =	vadd.f32 v39, v36  }
0x6bc: {  	v42 =	vand.u32 $0x3F8, v58;
	v37 =	vld.idx.msk [tilespmem:v53+s2+$0x0], $0xffff  }
0x6bd: {  	v59 =	vor.u32 v1, v42;
	v60 =	vadd.s32 s14, v34;
	v36 =	vadd.f32 v40, v36  }
0x6be: {  	v42 =	vand.u32 $0x3F8, v60;
	v38 =	vld.idx.msk [tilespmem:v55+s2+$0x0], $0xffff  }
0x6bf: {  	v61 =	vor.u32 v4, v42;
	v36 =	vadd.f32 v41, v36  }
0x6c0: {  	v39 =	vld.idx.msk [tilespmem:v57+s2+$0x0], $0xffff  }
0x6c1: {  	v36 =	vadd.f32 v37, v36  }
0x6c2: {  	v62 =	vld.idx.msk [tilespmem:v59+s2+$0x0], $0xffff  }
0x6c3: {  	v36 =	vadd.f32 v38, v36  }
0x6c4: {  	v63 =	vld.idx.msk [tilespmem:v61+s2+$0x0], $0xffff  }
0x6c5: {  	v36 =	vadd.f32 v39, v36  }
0x6c6: {  	p4 =	por p3, p3  }
.Ltmp22:
0x6c7: {  	v36 =	vadd.f32 v62, v36;
	(pc) =	sbr.rel @p4 .LBB2_20-.Ltmp22, $4  }
0x6c8: {  	_ = 	snop  }
0x6c9: {  	s20 =	sshll.u32 s4, $0x4;
	v36 =	vadd.f32 v63, v36  }
0x6ca: {  	s4 =	sand.u32 $0x3FFFFFF0, s20  }
0x6cb: {  	p3 =	por $0x0, $0x0;
	[tilespmem:v35+s4+$0x0 ss:$0x1] =	vst.idx.msk $0xffff, v36;
	s4 =	simm.s32 $0x1  }
.Ltmp23:
0x6cc: {  	(pc) =	sbr.rel @p2 .LBB2_22-.Ltmp23, $1  }
0x6cd: {  	_ =	sdelay $0x3  }
0x6ce: {  	s4 =	smul.u32 $0x6800, s13  }
.Ltmp24:
0x6cf: {  	_ = 	snop;
	(pc) =	sbr.rel .LBB2_5-.Ltmp24, $4  }
0x6d0: {  	_ = 	snop  }
0x6d1: {  	s4 =	sshra.s32 s4, $0x2  }
0x6d2: {  	s13 =	sadd.s32 $0x1, s13;
	s4 =	sadd.s32 $0x124E8, s4  }
0x6d3: {  	[tilespmem:s2], [sflag:$0xB] =	stream.indirect.gather [spmem:s3], $0x1, s4, s23, $0xb8;
	[tilespmem:$0x17A28] =	vst v63  }
.LBB2_22:
.Ltmp25:
0x6d4: {  	(pc) =	sbr.rel .LBB2_45-.Ltmp25, $2  }
0x6d5: {  	_ =	sdelay $0x2  }
0x6d6: {  	s4 =	rddreg [dreg:$0x1]  }
.LBB2_46:
0x6d7: {  	_ =	sfence.sel $0x180000  }
0x6d8: {  	[bflag:$0x0] =	sbarrier.arrive $0xFFFF  }
0x6d9: {  	_ =	strace $0x90000047  }
0x6da: {  	[bflag:$0x2] =	sbarrier.arrive $0xFFFF  }
0x6db: {  	s0 =	rddreg [dreg:$0x6]  }
0x6dc: {  	s0 =	sadd.s32 @!p1 $0x100000, s0  }
0x6dd: {  	[sflag:s0] =	ssyncadd.tile.s32 @!p1 $0x1;
	_ =	shalt  }
.Lfunc_end2:
_tile_overlayer_lowered:
.L_overlay_start_2:
0x6de: {  	(tag) =	ssettag $0x2  }
0x6df: {  	s0 =	rddreg [dreg:$0x0];
	s2 =	stileid.u32  }
0x6e0: {  	s1 =	rddreg [dreg:$0x1];
	p0 =	sne.s32 s2, $0x0  }
0x6e1: {  	s3 =	rddreg [dreg:$0x2];
	[bflag:$0x3] =	sbarrier.arrive $0xFFFF;
	s2 =	simm.s32 @!p0 $0x1C0C  }
0x6e2: {  	[timem:s3], [sflag:s2] =	dma.local @!p0 [hbm:s0], s1  }
0x6e3: {  	s0 =	simm.s32 @!p0 $0xC  }
0x6e4: {  	_ =	swait.ge @!p0 [sflag:s0], s1  }
0x6e5: {  	s1 =	ssub.s32 @!p0 $0x0, s1;
	[sflag:s0] =	ssyncset.done @!p0 $0x0  }
0x6e6: {  	[sflag:s0] =	ssyncadd.s32 @!p0 s1  }
0x6e7: {  	[bflag:$0x3] =	sbarrier.arrive $0xFFFF  }
0x6e8: {  	_ =	shalt  }

</sc_bundles>
